<compile_context>
chip_gen: v7x
topology: tpu7x:2x2x1
jax: 0.10.2.dev20260603
libtpu: 0.0.44.dev20260713+nightly
codegen_flags: <defaults>
</compile_context>

<pallas_src>
import jax
import jax.numpy as jnp
from jax import lax
from jax.experimental import pallas as pl
from jax.experimental.pallas import tpu as pltpu
from jax.experimental.pallas import tpu_sc as plsc

N_LIG = 25000
D = 128
H = 128
E = 400000

NC = 2
NS = 16
NW = NC * NS

XW = 16
CHUNK = 128
EPAD = 401408
CHW = EPAD // NW
NCH_G = CHW // CHUNK
CHS = EPAD // NS
SCH = 112
NCH_S = CHS // SCH
ACC_N = 25088
CWH = D // NC
CWX = XW // NC
RPS = ACC_N // NS

BE = 512
BN = 512


def _silu(x):
    return x / (1.0 + jnp.exp(-x))


def _sc_gather_body(chw, th_s, th_d, tx_s, tx_d, src, dst,
                    ohp, oxs, oxd,
                    idx_s0, idx_d0, bhs0, bhd0, bxs0, bxd0,
                    idx_s1, idx_d1, bhs1, bhd1, bxs1, bxd1,
                    semi, semg, semw):
    c = lax.axis_index("c")
    s = lax.axis_index("s")
    wid = s * NC + c
    bufs = ((idx_s0, idx_d0, bhs0, bhd0, bxs0, bxd0),
            (idx_s1, idx_d1, bhs1, bhd1, bxs1, bxd1))

    def load_idx(e0, b):
        idx_s, idx_d = bufs[b][0], bufs[b][1]
        c1 = pltpu.async_copy(src.at[pl.ds(e0, CHUNK)], idx_s, semi)
        c2 = pltpu.async_copy(dst.at[pl.ds(e0, CHUNK)], idx_d, semi)
        c1.wait()
        c2.wait()

    def fire_gathers(b):
        idx_s, idx_d, bhs, bhd, bxs, bxd = bufs[b]
        return (pltpu.async_copy(th_s.at[idx_s], bhs, semg),
                pltpu.async_copy(th_d.at[idx_d], bhd, semg),
                pltpu.async_copy(tx_s.at[idx_s], bxs, semg),
                pltpu.async_copy(tx_d.at[idx_d], bxd, semg))

    def fire_writes(e0, b):
        _, _, bhs, bhd, bxs, bxd = bufs[b]
        return (pltpu.async_copy(bhs, ohp.at[pl.ds(e0, CHUNK),
                                             pl.ds(0, D // 2)], semw),
                pltpu.async_copy(bhd, ohp.at[pl.ds(e0, CHUNK),
                                             pl.ds(D // 2, D // 2)], semw),
                pltpu.async_copy(bxs, oxs.at[pl.ds(e0, CHUNK)], semw),
                pltpu.async_copy(bxd, oxd.at[pl.ds(e0, CHUNK)], semw))

    def body(i, _):
        e0 = wid * chw + 2 * i * CHUNK
        e1 = e0 + CHUNK
        load_idx(e0, 0)
        g0 = fire_gathers(0)
        load_idx(e1, 1)
        g1 = fire_gathers(1)
        for cp in g0:
            cp.wait()
        w0 = fire_writes(e0, 0)
        for cp in g1:
            cp.wait()
        w1 = fire_writes(e1, 1)
        for cp in w0 + w1:
            cp.wait()
        return 0

    lax.fori_loop(0, chw // (2 * CHUNK), body, 0)


def _sc_gather(th_s, th_d, tx_s, tx_d, src, dst, ne):
    import functools as _ft
    f32 = jnp.float32
    i32 = jnp.int32
    bufset = [
        pltpu.VMEM((CHUNK,), jnp.int32),
        pltpu.VMEM((CHUNK,), jnp.int32),
        pltpu.VMEM((CHUNK, D // 2), i32),
        pltpu.VMEM((CHUNK, D // 2), i32),
        pltpu.VMEM((CHUNK, XW), f32),
        pltpu.VMEM((CHUNK, XW), f32),
    ]
    return pl.kernel(
        _ft.partial(_sc_gather_body, ne // NW),
        out_type=[
            jax.ShapeDtypeStruct((ne, D), i32),
            jax.ShapeDtypeStruct((ne, XW), f32),
            jax.ShapeDtypeStruct((ne, XW), f32),
        ],
        mesh=plsc.VectorSubcoreMesh(core_axis_name="c", subcore_axis_name="s"),
        scratch_types=bufset + bufset + [
            pltpu.SemaphoreType.DMA,
            pltpu.SemaphoreType.DMA,
            pltpu.SemaphoreType.DMA,
        ],
        compiler_params=pltpu.CompilerParams(use_tc_tiling_on_sc=False),
    )(th_s, th_d, tx_s, tx_d, src, dst)


def _sc_scatter_body(chs, mh, mx, dst, init_h, init_x, out_h, out_x,
                     idx, valh, valx, idx1, valh1, valx1,
                     acc_h, acc_x, seml, sema):
    c = lax.axis_index("c")
    s = lax.axis_index("s")
    r0 = s * RPS
    pltpu.sync_copy(init_h.at[pl.ds(r0, RPS), pl.ds(c * CWH, CWH)],
                    acc_h.at[pl.ds(r0, RPS)])
    pltpu.sync_copy(init_x.at[pl.ds(r0, RPS), pl.ds(c * CWX, CWX)],
                    acc_x.at[pl.ds(r0, RPS)])
    plsc.subcore_barrier()

    bufs = ((idx, valh, valx), (idx1, valh1, valx1))

    def load(e0, b):
        bi, bh, bx = bufs[b]
        return (pltpu.async_copy(dst.at[pl.ds(e0, SCH)], bi, seml),
                pltpu.async_copy(mh.at[pl.ds(e0, SCH),
                                       pl.ds(c * CWH, CWH)], bh, seml),
                pltpu.async_copy(mx.at[pl.ds(e0, SCH),
                                       pl.ds(c * CWX, CWX)], bx, seml))

    def fire_adds(b):
        bi, bh, bx = bufs[b]
        return (pltpu.async_copy(bh, acc_h.at[bi], sema, add=True),
                pltpu.async_copy(bx, acc_x.at[bi], sema, add=True))

    def body(i, _):
        e0 = s * chs + 2 * i * SCH
        e1 = e0 + SCH
        l0 = load(e0, 0)
        l1 = load(e1, 1)
        for cp in l0:
            cp.wait()
        a0 = fire_adds(0)
        for cp in l1:
            cp.wait()
        for cp in a0:
            cp.wait()
        a1 = fire_adds(1)
        for cp in a1:
            cp.wait()
        return 0

    lax.fori_loop(0, chs // (2 * SCH), body, 0)
    plsc.subcore_barrier()
    pltpu.sync_copy(acc_h.at[pl.ds(r0, RPS)],
                    out_h.at[pl.ds(r0, RPS), pl.ds(c * CWH, CWH)])
    pltpu.sync_copy(acc_x.at[pl.ds(r0, RPS)],
                    out_x.at[pl.ds(r0, RPS), pl.ds(c * CWX, CWX)])


def _sc_scatter(mh, mx, dst, init_h, init_x, ne):
    import functools as _ft
    f32 = jnp.float32
    return pl.kernel(
        _ft.partial(_sc_scatter_body, ne // NS),
        out_type=[
            jax.ShapeDtypeStruct((ACC_N, D), f32),
            jax.ShapeDtypeStruct((ACC_N, XW), f32),
        ],
        mesh=plsc.VectorSubcoreMesh(core_axis_name="c", subcore_axis_name="s"),
        scratch_types=[
            pltpu.VMEM((SCH,), jnp.int32),
            pltpu.VMEM((SCH, CWH), f32),
            pltpu.VMEM((SCH, CWX), f32),
            pltpu.VMEM((SCH,), jnp.int32),
            pltpu.VMEM((SCH, CWH), f32),
            pltpu.VMEM((SCH, CWX), f32),
            pltpu.VMEM_SHARED((ACC_N, CWH), f32),
            pltpu.VMEM_SHARED((ACC_N, CWX), f32),
            pltpu.SemaphoreType.DMA,
            pltpu.SemaphoreType.DMA,
        ],
        compiler_params=pltpu.CompilerParams(use_tc_tiling_on_sc=False),
    )(mh, mx, dst, init_h, init_x)


def _unpack_pair(w):
    lo = jax.lax.bitcast_convert_type(w << 16, jnp.float32)
    hi = jax.lax.bitcast_convert_type(w & jnp.int32(-65536), jnp.float32)
    return lo, hi


def _tc_edge_body(hpk, xs, xdst, w1ae, w1ao, w1be, w1bo, w1d, bcat,
                  ew2, eb2, cw2, cb2, cw3r, omh, omx):
    f32 = jnp.float32
    bf16 = jnp.bfloat16
    xd = xs[:, 0:3] - xdst[:, 0:3]
    d2 = jnp.sum(xd * xd, axis=1, keepdims=True)
    dij = jnp.sqrt(d2)
    xdn = xd / (dij + 1e-9)
    hse, hso = _unpack_pair(hpk[:, 0:D // 2])
    hde, hdo = _unpack_pair(hpk[:, D // 2:D])
    pre1 = (jnp.dot(hse, w1ae[...], preferred_element_type=f32)
            + jnp.dot(hso, w1ao[...], preferred_element_type=f32)
            + jnp.dot(hde, w1be[...], preferred_element_type=f32)
            + jnp.dot(hdo, w1bo[...], preferred_element_type=f32)
            + dij * w1d[...] + bcat[...])
    a = _silu(pre1)
    msg = _silu(jnp.dot(a[:, 0:H], ew2[...],
                        preferred_element_type=f32) + eb2[...])
    t = _silu(jnp.dot(a[:, H:2 * H], cw2[...],
                      preferred_element_type=f32) + cb2[...])
    cc = jnp.sum(t * cw3r[...], axis=1, keepdims=True)
    omh[...] = msg
    omx[...] = jnp.concatenate(
        [cc * xdn, jnp.zeros((xs.shape[0], XW - 3), jnp.float32)], axis=1)


def _tc_edge(hpk, xs, xdst, w1ae, w1ao, w1be, w1bo, w1d, bcat,
             ew2, eb2, cw2, cb2, cw3r):
    ne = hpk.shape[0]
    f32 = jnp.float32
    full = lambda r, c: pl.BlockSpec((r, c), lambda i: (0, 0))
    return pl.pallas_call(
        _tc_edge_body,
        grid=(ne // BE,),
        in_specs=[
            pl.BlockSpec((BE, D), lambda i: (i, 0)),
            pl.BlockSpec((BE, XW), lambda i: (i, 0)),
            pl.BlockSpec((BE, XW), lambda i: (i, 0)),
            full(D // 2, 2 * H), full(D // 2, 2 * H),
            full(D // 2, 2 * H), full(D // 2, 2 * H),
            full(1, 2 * H), full(1, 2 * H),
            full(H, H), full(1, H), full(H, H), full(1, H), full(1, H),
        ],
        out_specs=[
            pl.BlockSpec((BE, D), lambda i: (i, 0)),
            pl.BlockSpec((BE, XW), lambda i: (i, 0)),
        ],
        out_shape=[
            jax.ShapeDtypeStruct((ne, D), f32),
            jax.ShapeDtypeStruct((ne, XW), f32),
        ],
    )(hpk, xs, xdst, w1ae, w1ao, w1be, w1bo, w1d, bcat,
      ew2, eb2, cw2, cb2, cw3r)


def _tc_node_body(ah, ax, hl, xl, nw1a, nw1b, nb1, nw2, nb2, oh, ox):
    pre = (jnp.dot(hl[...], nw1a[...], preferred_element_type=jnp.float32)
           + jnp.dot(ah[...], nw1b[...], preferred_element_type=jnp.float32)
           + nb1[...])
    h2 = jnp.dot(_silu(pre), nw2[...], preferred_element_type=jnp.float32) + nb2[...]
    oh[...] = hl[...] + h2
    ox[...] = xl[...] + ax[...]


def _tc_node(ah, ax, hl, xl, nw1a, nw1b, nb1, nw2, nb2):
    f32 = jnp.float32
    full = lambda r, c: pl.BlockSpec((r, c), lambda i: (0, 0))
    return pl.pallas_call(
        _tc_node_body,
        grid=(ACC_N // BN,),
        in_specs=[
            pl.BlockSpec((BN, D), lambda i: (i, 0)),
            pl.BlockSpec((BN, XW), lambda i: (i, 0)),
            pl.BlockSpec((BN, D), lambda i: (i, 0)),
            pl.BlockSpec((BN, XW), lambda i: (i, 0)),
            full(D, H), full(H, H), full(1, H), full(H, D), full(1, D),
        ],
        out_specs=[
            pl.BlockSpec((BN, D), lambda i: (i, 0)),
            pl.BlockSpec((BN, XW), lambda i: (i, 0)),
        ],
        out_shape=[
            jax.ShapeDtypeStruct((ACC_N, D), f32),
            jax.ShapeDtypeStruct((ACC_N, XW), f32),
        ],
    )(ah, ax, hl, xl, nw1a, nw1b, nb1, nw2, nb2)


def kernel(h_lig, h_rec, x_lig, x_rec,
           ew1_ll, eb1_ll, ew2_ll, eb2_ll, cw1_ll, cb1_ll, cw2_ll, cb2_ll, cw3_ll,
           ew1_rl, eb1_rl, ew2_rl, eb2_rl, cw1_rl, cb1_rl, cw2_rl, cb2_rl, cw3_rl,
           nw1, nb1, nw2, nb2, edge_ll, edge_rl):
    f32 = jnp.float32
    i32 = jnp.int32

    def xtab(x):
        return jnp.concatenate(
            [x, jnp.zeros((x.shape[0], XW - 3), f32)], axis=1)

    tx_lig = xtab(x_lig)
    tx_rec = xtab(x_rec)

    def htab(h):
        hb = h.astype(jnp.bfloat16).reshape(h.shape[0], D // 2, 2)
        return jax.lax.bitcast_convert_type(hb, i32)

    th_lig = htab(h_lig)
    th_rec = htab(h_rec)

    npad = EPAD - E
    pad0 = jnp.zeros((npad,), i32)
    padn = jnp.full((npad,), N_LIG, i32)
    sll = jnp.concatenate([edge_ll[0], pad0])
    dll_g = jnp.concatenate([edge_ll[1], pad0])
    dll_s = jnp.concatenate([edge_ll[1], padn])
    srl = jnp.concatenate([edge_rl[0], pad0])
    drl_g = jnp.concatenate([edge_rl[1], pad0])
    drl_s = jnp.concatenate([edge_rl[1], padn])

    def prep(ew1, eb1, cw1, cb1, cw3):
        w1 = jnp.concatenate([ew1, cw1], axis=1)
        return (w1[0:D:2], w1[1:D:2], w1[D:2 * D:2], w1[D + 1:2 * D:2],
                w1[2 * D:2 * D + 1],
                jnp.concatenate([eb1, cb1])[None, :], cw3.T)

    p_ll = prep(ew1_ll, eb1_ll, cw1_ll, cb1_ll, cw3_ll)
    p_rl = prep(ew1_rl, eb1_rl, cw1_rl, cb1_rl, cw3_rl)

    SPLIT = 172032
    sizes = (SPLIT, EPAD - SPLIT)

    def sl(a, k):
        return lax.slice_in_dim(a, k * SPLIT if k else 0,
                                SPLIT if not k else EPAD, axis=0)

    gath = []
    for k in (0, 1):
        gath.append(_sc_gather(th_lig, th_lig, tx_lig, tx_lig,
                               sl(sll, k), sl(dll_g, k), sizes[k]))
    for k in (0, 1):
        gath.append(_sc_gather(th_rec, th_lig, tx_rec, tx_lig,
                               sl(srl, k), sl(drl_g, k), sizes[k]))

    msgs = []
    for k in (0, 1):
        msgs.append(_tc_edge(*gath[k], *p_ll[:6],
                             ew2_ll, eb2_ll[None, :],
                             cw2_ll, cb2_ll[None, :], p_ll[6]))
    for k in (0, 1):
        msgs.append(_tc_edge(*gath[2 + k], *p_rl[:6],
                             ew2_rl, eb2_rl[None, :],
                             cw2_rl, cb2_rl[None, :], p_rl[6]))

    zh = jnp.zeros((ACC_N, D), f32)
    zx = jnp.zeros((ACC_N, XW), f32)
    dsts = (sl(dll_s, 0), sl(dll_s, 1), sl(drl_s, 0), sl(drl_s, 1))
    ah, ax = zh, zx
    for k in range(4):
        mh_k, mx_k = msgs[k]
        ah, ax = _sc_scatter(mh_k, mx_k, dsts[k], ah, ax,
                             sizes[k % 2])

    hlp = jnp.concatenate([h_lig, jnp.zeros((ACC_N - N_LIG, D), f32)], 0)
    xlp = jnp.concatenate([tx_lig, jnp.zeros((ACC_N - N_LIG, XW), f32)], 0)
    oh, ox = _tc_node(ah, ax, hlp, xlp, nw1[0:D], nw1[D:D + H],
                      nb1[None, :], nw2, nb2[None, :])

    return (oh[:N_LIG], h_rec, ox[:N_LIG, 0:3], x_rec)

# --- scband reference (transcript-rebuilt; emitter-appended) ---
"""Pipeline reference for scband-lig-rec-conv-73031623901835 (READ-ONLY COPY).

The authoritative reference and input builder live on the scoring server;
editing this copy changes nothing except your own understanding.
"""

import jax, jax.numpy as jnp
import numpy as np

N_LIG = 25000
N_REC = 25000
E = 400000
D = 128
H = 128
MSG_NORM = 1.0

def _silu(x):
    return x * jax.nn.sigmoid(x)

def _forward(h_lig, h_rec, x_lig, x_rec, params, edge_ll, edge_rl):
    def etype_msgs(h_src, h_dst, x_src, x_dst, edge, p):
        ew1, eb1, ew2, eb2, cw1, cb1, cw2, cb2, cw3 = p
        src, dst = edge[0], edge[1]
        xd = x_src[src] - x_dst[dst]
        dij = jnp.linalg.norm(xd, axis=1, keepdims=True)
        xd = xd / (dij + 1e-9)
        f = jnp.concatenate([h_src[src], h_dst[dst], dij], axis=-1)
        msg_h = _silu(_silu(f @ ew1 + eb1) @ ew2 + eb2)
        c = _silu(_silu(f @ cw1 + cb1) @ cw2 + cb2) @ cw3
        msg_x = c * xd
        return msg_h, msg_x, dst
    p_ll = params[0:9]
    p_rl = params[9:18]
    nw1, nb1, nw2, nb2 = params[18:22]
    mh_ll, mx_ll, d_ll = etype_msgs(h_lig, h_lig, x_lig, x_lig, edge_ll, p_ll)
    mh_rl, mx_rl, d_rl = etype_msgs(h_rec, h_lig, x_rec, x_lig, edge_rl, p_rl)
    h_neigh = (jax.ops.segment_sum(mh_ll, d_ll, num_segments=N_LIG) + jax.ops.segment_sum(mh_rl, d_rl, num_segments=N_LIG)) / MSG_NORM
    x_neigh = (jax.ops.segment_sum(mx_ll, d_ll, num_segments=N_LIG) + jax.ops.segment_sum(mx_rl, d_rl, num_segments=N_LIG)) / MSG_NORM
    node_in = jnp.concatenate([h_lig, h_neigh], axis=-1)
    h_out_lig = h_lig + (_silu(node_in @ nw1 + nb1) @ nw2 + nb2)
    x_out_lig = x_lig + x_neigh
    return (h_out_lig, h_rec, x_out_lig, x_rec)

def setup_inputs(seed: int = 0):
    key = jax.random.key(seed)
    ks = iter(jax.random.split(key, 64))
    def nrm(shape, scale=None):
        s = scale if scale is not None else 1.0 / np.sqrt(shape[0])
        return jax.random.normal(next(ks), shape, jnp.float32) * s
    inp = {}
    inp["h_lig"] = jax.random.normal(next(ks), (N_LIG, D), jnp.float32)
    inp["h_rec"] = jax.random.normal(next(ks), (N_REC, D), jnp.float32)
    inp["x_lig"] = jax.random.normal(next(ks), (N_LIG, 3), jnp.float32)
    inp["x_rec"] = jax.random.normal(next(ks), (N_REC, 3), jnp.float32)
    din = 2 * D + 1
    for et in ("ll", "rl"):
        inp["ew1_" + et] = nrm((din, H)); inp["eb1_" + et] = jnp.zeros((H,), jnp.float32)
        inp["ew2_" + et] = nrm((H, H)); inp["eb2_" + et] = jnp.zeros((H,), jnp.float32)
        inp["cw1_" + et] = nrm((din, H)); inp["cb1_" + et] = jnp.zeros((H,), jnp.float32)
        inp["cw2_" + et] = nrm((H, H)); inp["cb2_" + et] = jnp.zeros((H,), jnp.float32)
        inp["cw3_" + et] = nrm((H, 1), 0.001)
    inp["nw1"] = nrm((D + H, H)); inp["nb1"] = jnp.zeros((H,), jnp.float32)
    inp["nw2"] = nrm((H, D)); inp["nb2"] = jnp.zeros((D,), jnp.float32)
    inp["edge_ll"] = jax.random.randint(next(ks), (2, E), 0, N_LIG, dtype=jnp.int32)
    src_rl = jax.random.randint(next(ks), (E,), 0, N_REC, dtype=jnp.int32)
    dst_rl = jax.random.randint(next(ks), (E,), 0, N_LIG, dtype=jnp.int32)
    inp["edge_rl"] = jnp.stack([src_rl, dst_rl], axis=0)
    return inp

def reference(h_lig, h_rec, x_lig, x_rec, ew1_ll, eb1_ll, ew2_ll, eb2_ll, cw1_ll, cb1_ll, cw2_ll, cb2_ll, cw3_ll, ew1_rl, eb1_rl, ew2_rl, eb2_rl, cw1_rl, cb1_rl, cw2_rl, cb2_rl, cw3_rl, nw1, nb1, nw2, nb2, edge_ll, edge_rl):
    params = (ew1_ll, eb1_ll, ew2_ll, eb2_ll, cw1_ll, cb1_ll, cw2_ll, cb2_ll, cw3_ll, ew1_rl, eb1_rl, ew2_rl, eb2_rl, cw1_rl, cb1_rl, cw2_rl, cb2_rl, cw3_rl, nw1, nb1, nw2, nb2)
    return _forward(h_lig, h_rec, x_lig, x_rec, params, edge_ll, edge_rl)

if __name__ == "__main__":
    import jax
    _d = setup_inputs()
    print(jax.jit(kernel)(*tuple(_d.values())))

</pallas_src>

<mosaic_0001>
#map = affine_map<(d0, d1) -> (0, 0)>
#map1 = affine_map<(d0, d1) -> (0)>
module attributes {stable_mosaic.version = 14 : i64} {
  func.func @_sc_scatter_body(%arg0: i32, %arg1: i32, %arg2: memref<172032x128xf32, #tpu.memory_space<hbm>>, %arg3: memref<172032x16xf32, #tpu.memory_space<hbm>>, %arg4: memref<172032xi32, #tpu.memory_space<hbm>>, %arg5: memref<25088x128xf32, #tpu.memory_space<hbm>>, %arg6: memref<25088x16xf32, #tpu.memory_space<hbm>>, %arg7: memref<25088x128xf32, #tpu.memory_space<hbm>>, %arg8: memref<25088x16xf32, #tpu.memory_space<hbm>>, %arg9: memref<112xi32, #tpu.memory_space<vmem>>, %arg10: memref<112x64xf32, #tpu.memory_space<vmem>>, %arg11: memref<112x8xf32, #tpu.memory_space<vmem>>, %arg12: memref<112xi32, #tpu.memory_space<vmem>>, %arg13: memref<112x64xf32, #tpu.memory_space<vmem>>, %arg14: memref<112x8xf32, #tpu.memory_space<vmem>>, %arg15: memref<25088x64xf32, #tpu.memory_space<vmem_shared>>, %arg16: memref<25088x8xf32, #tpu.memory_space<vmem_shared>>, %arg17: memref<!tpu.dma_semaphore, #tpu.memory_space<semaphore_mem>>, %arg18: memref<!tpu.dma_semaphore, #tpu.memory_space<semaphore_mem>>) attributes {dimension_semantics = [#tpu.dimension_semantics<core_parallel>, #tpu.dimension_semantics<subcore_parallel>], iteration_bounds = array<i64: 2, 16>, scalar_prefetch = 0 : i64, scratch_operands = 10 : i64, tpu.core_type = #tpu.core_type<sc_vector_subcore>, window_params = [{transform_indices = #map}, {transform_indices = #map}, {transform_indices = #map1}, {transform_indices = #map}, {transform_indices = #map}, {transform_indices = #map}, {transform_indices = #map}]} {
    %mul3A = arith.constant 1568 : i32
    %mul3A_0 = arith.muli %arg1, %mul3A : i32
    %mul3A_1 = arith.constant 64 : i32
    %mul3A_2 = arith.muli %arg0, %mul3A_1 : i32
    "tpu.region"() ({
      %run_scoped3A = tpu.sem_alloc : memref<!tpu.dma_semaphore, #tpu.memory_space<semaphore_mem>>
      %dma_start3A = arith.constant 0 : i32
      %dma_start3A_16 = tpu.memref_slice %arg15[%mul3A_0, %dma_start3A] : memref<25088x64xf32, #tpu.memory_space<vmem_shared>> -> memref<1568x64xf32, #tpu.memory_space<vmem_shared>>
      %dma_start3A_17 = tpu.memref_slice %arg5[%mul3A_0, %mul3A_2] : memref<25088x128xf32, #tpu.memory_space<hbm>> -> memref<1568x64xf32, #tpu.memory_space<hbm>>
      tpu.enqueue_dma source(%dma_start3A_17 : memref<1568x64xf32, #tpu.memory_space<hbm>>) target(%dma_start3A_16 : memref<1568x64xf32, #tpu.memory_space<vmem_shared>>) target_semaphore(%run_scoped3A : memref<!tpu.dma_semaphore, #tpu.memory_space<semaphore_mem>>)
      %dma_wait3A = arith.constant 0 : i32
      %dma_wait3A_18 = tpu.memref_slice %arg15[%mul3A_0, %dma_wait3A] : memref<25088x64xf32, #tpu.memory_space<vmem_shared>> -> memref<1568x64xf32, #tpu.memory_space<vmem_shared>>
      %dma_wait3A_19 = tpu.memref_slice %arg5[%mul3A_0, %mul3A_2] : memref<25088x128xf32, #tpu.memory_space<hbm>> -> memref<1568x64xf32, #tpu.memory_space<hbm>>
      tpu.wait_dma2 semaphore(%run_scoped3A : memref<!tpu.dma_semaphore, #tpu.memory_space<semaphore_mem>>) src(%dma_wait3A_19 : memref<1568x64xf32, #tpu.memory_space<hbm>>) dst(%dma_wait3A_18 : memref<1568x64xf32, #tpu.memory_space<vmem_shared>>)
      tpu.yield
    }) : () -> ()
    %mul3A_3 = arith.constant 8 : i32
    %mul3A_4 = arith.muli %arg0, %mul3A_3 : i32
    "tpu.region"() ({
      %run_scoped3A = tpu.sem_alloc : memref<!tpu.dma_semaphore, #tpu.memory_space<semaphore_mem>>
      %dma_start3A = arith.constant 0 : i32
      %dma_start3A_16 = tpu.memref_slice %arg16[%mul3A_0, %dma_start3A] : memref<25088x8xf32, #tpu.memory_space<vmem_shared>> -> memref<1568x8xf32, #tpu.memory_space<vmem_shared>>
      %dma_start3A_17 = tpu.memref_slice %arg6[%mul3A_0, %mul3A_4] : memref<25088x16xf32, #tpu.memory_space<hbm>> -> memref<1568x8xf32, #tpu.memory_space<hbm>>
      tpu.enqueue_dma source(%dma_start3A_17 : memref<1568x8xf32, #tpu.memory_space<hbm>>) target(%dma_start3A_16 : memref<1568x8xf32, #tpu.memory_space<vmem_shared>>) target_semaphore(%run_scoped3A : memref<!tpu.dma_semaphore, #tpu.memory_space<semaphore_mem>>)
      %dma_wait3A = arith.constant 0 : i32
      %dma_wait3A_18 = tpu.memref_slice %arg16[%mul3A_0, %dma_wait3A] : memref<25088x8xf32, #tpu.memory_space<vmem_shared>> -> memref<1568x8xf32, #tpu.memory_space<vmem_shared>>
      %dma_wait3A_19 = tpu.memref_slice %arg6[%mul3A_0, %mul3A_4] : memref<25088x16xf32, #tpu.memory_space<hbm>> -> memref<1568x8xf32, #tpu.memory_space<hbm>>
      tpu.wait_dma2 semaphore(%run_scoped3A : memref<!tpu.dma_semaphore, #tpu.memory_space<semaphore_mem>>) src(%dma_wait3A_19 : memref<1568x8xf32, #tpu.memory_space<hbm>>) dst(%dma_wait3A_18 : memref<1568x8xf32, #tpu.memory_space<vmem_shared>>)
      tpu.yield
    }) : () -> ()
    %barrier3A = arith.constant 0 : index
    tpu.barrier barrier_id(%barrier3A)
    %scan3A = arith.constant 0 : i32
    %scan3A_5 = arith.constant 0 : i32
    %scan3A_6 = arith.constant 48 : i32
    %scan3A_7 = arith.addi %scan3A_5, %scan3A_6 : i32
    %scan3A_8 = arith.constant 1 : i32
    %scan3A_9 = scf.for %scan3A_16 = %scan3A_5 to %scan3A_7 step %scan3A_8 iter_args(%scan3A_17 = %scan3A) -> (i32)  : i32 {
      %mul3A_18 = arith.constant 10752 : i32
      %mul3A_19 = arith.muli %arg1, %mul3A_18 : i32
      %mul3A_20 = arith.constant 2 : i32
      %mul3A_21 = arith.muli %mul3A_20, %scan3A_16 : i32
      %mul3A_22 = arith.constant 112 : i32
      %mul3A_23 = arith.muli %mul3A_21, %mul3A_22 : i32
      %add3A = arith.addi %mul3A_19, %mul3A_23 : i32
      %add3A_24 = arith.constant 112 : i32
      %add3A_25 = arith.addi %add3A, %add3A_24 : i32
      %dma_start3A = tpu.memref_slice %arg4[%add3A] : memref<172032xi32, #tpu.memory_space<hbm>> -> memref<112xi32, #tpu.memory_space<hbm>>
      %dma_start3A_26 = tpu.memref_slice %arg4[%add3A] : memref<172032xi32, #tpu.memory_space<hbm>> -> memref<112xi32, #tpu.memory_space<hbm>>
      tpu.enqueue_dma source(%dma_start3A_26 : memref<112xi32, #tpu.memory_space<hbm>>) target(%arg9 : memref<112xi32, #tpu.memory_space<vmem>>) target_semaphore(%arg17 : memref<!tpu.dma_semaphore, #tpu.memory_space<semaphore_mem>>)
      %mul3A_27 = arith.constant 64 : i32
      %mul3A_28 = arith.muli %arg0, %mul3A_27 : i32
      %dma_start3A_29 = tpu.memref_slice %arg2[%add3A, %mul3A_28] : memref<172032x128xf32, #tpu.memory_space<hbm>> -> memref<112x64xf32, #tpu.memory_space<hbm>>
      %dma_start3A_30 = tpu.memref_slice %arg2[%add3A, %mul3A_28] : memref<172032x128xf32, #tpu.memory_space<hbm>> -> memref<112x64xf32, #tpu.memory_space<hbm>>
      tpu.enqueue_dma source(%dma_start3A_30 : memref<112x64xf32, #tpu.memory_space<hbm>>) target(%arg10 : memref<112x64xf32, #tpu.memory_space<vmem>>) target_semaphore(%arg17 : memref<!tpu.dma_semaphore, #tpu.memory_space<semaphore_mem>>)
      %mul3A_31 = arith.constant 8 : i32
      %mul3A_32 = arith.muli %arg0, %mul3A_31 : i32
      %dma_start3A_33 = tpu.memref_slice %arg3[%add3A, %mul3A_32] : memref<172032x16xf32, #tpu.memory_space<hbm>> -> memref<112x8xf32, #tpu.memory_space<hbm>>
      %dma_start3A_34 = tpu.memref_slice %arg3[%add3A, %mul3A_32] : memref<172032x16xf32, #tpu.memory_space<hbm>> -> memref<112x8xf32, #tpu.memory_space<hbm>>
      tpu.enqueue_dma source(%dma_start3A_34 : memref<112x8xf32, #tpu.memory_space<hbm>>) target(%arg11 : memref<112x8xf32, #tpu.memory_space<vmem>>) target_semaphore(%arg17 : memref<!tpu.dma_semaphore, #tpu.memory_space<semaphore_mem>>)
      %dma_start3A_35 = tpu.memref_slice %arg4[%add3A_25] : memref<172032xi32, #tpu.memory_space<hbm>> -> memref<112xi32, #tpu.memory_space<hbm>>
      %dma_start3A_36 = tpu.memref_slice %arg4[%add3A_25] : memref<172032xi32, #tpu.memory_space<hbm>> -> memref<112xi32, #tpu.memory_space<hbm>>
      tpu.enqueue_dma source(%dma_start3A_36 : memref<112xi32, #tpu.memory_space<hbm>>) target(%arg12 : memref<112xi32, #tpu.memory_space<vmem>>) target_semaphore(%arg17 : memref<!tpu.dma_semaphore, #tpu.memory_space<semaphore_mem>>)
      %mul3A_37 = arith.constant 64 : i32
      %mul3A_38 = arith.muli %arg0, %mul3A_37 : i32
      %dma_start3A_39 = tpu.memref_slice %arg2[%add3A_25, %mul3A_38] : memref<172032x128xf32, #tpu.memory_space<hbm>> -> memref<112x64xf32, #tpu.memory_space<hbm>>
      %dma_start3A_40 = tpu.memref_slice %arg2[%add3A_25, %mul3A_38] : memref<172032x128xf32, #tpu.memory_space<hbm>> -> memref<112x64xf32, #tpu.memory_space<hbm>>
      tpu.enqueue_dma source(%dma_start3A_40 : memref<112x64xf32, #tpu.memory_space<hbm>>) target(%arg13 : memref<112x64xf32, #tpu.memory_space<vmem>>) target_semaphore(%arg17 : memref<!tpu.dma_semaphore, #tpu.memory_space<semaphore_mem>>)
      %mul3A_41 = arith.constant 8 : i32
      %mul3A_42 = arith.muli %arg0, %mul3A_41 : i32
      %dma_start3A_43 = tpu.memref_slice %arg3[%add3A_25, %mul3A_42] : memref<172032x16xf32, #tpu.memory_space<hbm>> -> memref<112x8xf32, #tpu.memory_space<hbm>>
      %dma_start3A_44 = tpu.memref_slice %arg3[%add3A_25, %mul3A_42] : memref<172032x16xf32, #tpu.memory_space<hbm>> -> memref<112x8xf32, #tpu.memory_space<hbm>>
      tpu.enqueue_dma source(%dma_start3A_44 : memref<112x8xf32, #tpu.memory_space<hbm>>) target(%arg14 : memref<112x8xf32, #tpu.memory_space<vmem>>) target_semaphore(%arg17 : memref<!tpu.dma_semaphore, #tpu.memory_space<semaphore_mem>>)
      %dma_wait3A = tpu.memref_slice %arg4[%add3A] : memref<172032xi32, #tpu.memory_space<hbm>> -> memref<112xi32, #tpu.memory_space<hbm>>
      %dma_wait3A_45 = tpu.memref_slice %arg4[%add3A] : memref<172032xi32, #tpu.memory_space<hbm>> -> memref<112xi32, #tpu.memory_space<hbm>>
      tpu.wait_dma2 semaphore(%arg17 : memref<!tpu.dma_semaphore, #tpu.memory_space<semaphore_mem>>) src(%dma_wait3A_45 : memref<112xi32, #tpu.memory_space<hbm>>) dst(%arg9 : memref<112xi32, #tpu.memory_space<vmem>>)
      %dma_wait3A_46 = tpu.memref_slice %arg2[%add3A, %mul3A_28] : memref<172032x128xf32, #tpu.memory_space<hbm>> -> memref<112x64xf32, #tpu.memory_space<hbm>>
      %dma_wait3A_47 = tpu.memref_slice %arg2[%add3A, %mul3A_28] : memref<172032x128xf32, #tpu.memory_space<hbm>> -> memref<112x64xf32, #tpu.memory_space<hbm>>
      tpu.wait_dma2 semaphore(%arg17 : memref<!tpu.dma_semaphore, #tpu.memory_space<semaphore_mem>>) src(%dma_wait3A_47 : memref<112x64xf32, #tpu.memory_space<hbm>>) dst(%arg10 : memref<112x64xf32, #tpu.memory_space<vmem>>)
      %dma_wait3A_48 = tpu.memref_slice %arg3[%add3A, %mul3A_32] : memref<172032x16xf32, #tpu.memory_space<hbm>> -> memref<112x8xf32, #tpu.memory_space<hbm>>
      %dma_wait3A_49 = tpu.memref_slice %arg3[%add3A, %mul3A_32] : memref<172032x16xf32, #tpu.memory_space<hbm>> -> memref<112x8xf32, #tpu.memory_space<hbm>>
      tpu.wait_dma2 semaphore(%arg17 : memref<!tpu.dma_semaphore, #tpu.memory_space<semaphore_mem>>) src(%dma_wait3A_49 : memref<112x8xf32, #tpu.memory_space<hbm>>) dst(%arg11 : memref<112x8xf32, #tpu.memory_space<vmem>>)
      %dma_start3A_50 = arith.constant 0 : i32
      %dma_start3A_51 = arith.constant 0 : i32
      %dma_start3A_52 = tpu.memref_slice %arg15[%dma_start3A_50, %dma_start3A_51] : memref<25088x64xf32, #tpu.memory_space<vmem_shared>> -> memref<25088x64xf32, #tpu.memory_space<vmem_shared>>
      tpu.enqueue_indirect_dma source(%arg10 : memref<112x64xf32, #tpu.memory_space<vmem>>) target(%dma_start3A_52 : memref<25088x64xf32, #tpu.memory_space<vmem_shared>>) offsets(%arg9 : memref<112xi32, #tpu.memory_space<vmem>>) semaphore(%arg18 : memref<!tpu.dma_semaphore, #tpu.memory_space<semaphore_mem>>) {add = true}
      %dma_start3A_53 = arith.constant 0 : i32
      %dma_start3A_54 = arith.constant 0 : i32
      %dma_start3A_55 = tpu.memref_slice %arg16[%dma_start3A_53, %dma_start3A_54] : memref<25088x8xf32, #tpu.memory_space<vmem_shared>> -> memref<25088x8xf32, #tpu.memory_space<vmem_shared>>
      tpu.enqueue_indirect_dma source(%arg11 : memref<112x8xf32, #tpu.memory_space<vmem>>) target(%dma_start3A_55 : memref<25088x8xf32, #tpu.memory_space<vmem_shared>>) offsets(%arg9 : memref<112xi32, #tpu.memory_space<vmem>>) semaphore(%arg18 : memref<!tpu.dma_semaphore, #tpu.memory_space<semaphore_mem>>) {add = true}
      %dma_wait3A_56 = tpu.memref_slice %arg4[%add3A_25] : memref<172032xi32, #tpu.memory_space<hbm>> -> memref<112xi32, #tpu.memory_space<hbm>>
      %dma_wait3A_57 = tpu.memref_slice %arg4[%add3A_25] : memref<172032xi32, #tpu.memory_space<hbm>> -> memref<112xi32, #tpu.memory_space<hbm>>
      tpu.wait_dma2 semaphore(%arg17 : memref<!tpu.dma_semaphore, #tpu.memory_space<semaphore_mem>>) src(%dma_wait3A_57 : memref<112xi32, #tpu.memory_space<hbm>>) dst(%arg12 : memref<112xi32, #tpu.memory_space<vmem>>)
      %dma_wait3A_58 = tpu.memref_slice %arg2[%add3A_25, %mul3A_38] : memref<172032x128xf32, #tpu.memory_space<hbm>> -> memref<112x64xf32, #tpu.memory_space<hbm>>
      %dma_wait3A_59 = tpu.memref_slice %arg2[%add3A_25, %mul3A_38] : memref<172032x128xf32, #tpu.memory_space<hbm>> -> memref<112x64xf32, #tpu.memory_space<hbm>>
      tpu.wait_dma2 semaphore(%arg17 : memref<!tpu.dma_semaphore, #tpu.memory_space<semaphore_mem>>) src(%dma_wait3A_59 : memref<112x64xf32, #tpu.memory_space<hbm>>) dst(%arg13 : memref<112x64xf32, #tpu.memory_space<vmem>>)
      %dma_wait3A_60 = tpu.memref_slice %arg3[%add3A_25, %mul3A_42] : memref<172032x16xf32, #tpu.memory_space<hbm>> -> memref<112x8xf32, #tpu.memory_space<hbm>>
      %dma_wait3A_61 = tpu.memref_slice %arg3[%add3A_25, %mul3A_42] : memref<172032x16xf32, #tpu.memory_space<hbm>> -> memref<112x8xf32, #tpu.memory_space<hbm>>
      tpu.wait_dma2 semaphore(%arg17 : memref<!tpu.dma_semaphore, #tpu.memory_space<semaphore_mem>>) src(%dma_wait3A_61 : memref<112x8xf32, #tpu.memory_space<hbm>>) dst(%arg14 : memref<112x8xf32, #tpu.memory_space<vmem>>)
      %dma_wait3A_62 = arith.constant 0 : i32
      %dma_wait3A_63 = arith.constant 0 : i32
      %dma_wait3A_64 = tpu.memref_slice %arg15[%dma_wait3A_62, %dma_wait3A_63] : memref<25088x64xf32, #tpu.memory_space<vmem_shared>> -> memref<25088x64xf32, #tpu.memory_space<vmem_shared>>
      tpu.wait_indirect_dma semaphore(%arg18 : memref<!tpu.dma_semaphore, #tpu.memory_space<semaphore_mem>>) src(%arg10 : memref<112x64xf32, #tpu.memory_space<vmem>>) dst(%dma_wait3A_64 : memref<25088x64xf32, #tpu.memory_space<vmem_shared>>)
      %dma_wait3A_65 = arith.constant 0 : i32
      %dma_wait3A_66 = arith.constant 0 : i32
      %dma_wait3A_67 = tpu.memref_slice %arg16[%dma_wait3A_65, %dma_wait3A_66] : memref<25088x8xf32, #tpu.memory_space<vmem_shared>> -> memref<25088x8xf32, #tpu.memory_space<vmem_shared>>
      tpu.wait_indirect_dma semaphore(%arg18 : memref<!tpu.dma_semaphore, #tpu.memory_space<semaphore_mem>>) src(%arg11 : memref<112x8xf32, #tpu.memory_space<vmem>>) dst(%dma_wait3A_67 : memref<25088x8xf32, #tpu.memory_space<vmem_shared>>)
      %dma_start3A_68 = arith.constant 0 : i32
      %dma_start3A_69 = arith.constant 0 : i32
      %dma_start3A_70 = tpu.memref_slice %arg15[%dma_start3A_68, %dma_start3A_69] : memref<25088x64xf32, #tpu.memory_space<vmem_shared>> -> memref<25088x64xf32, #tpu.memory_space<vmem_shared>>
      tpu.enqueue_indirect_dma source(%arg13 : memref<112x64xf32, #tpu.memory_space<vmem>>) target(%dma_start3A_70 : memref<25088x64xf32, #tpu.memory_space<vmem_shared>>) offsets(%arg12 : memref<112xi32, #tpu.memory_space<vmem>>) semaphore(%arg18 : memref<!tpu.dma_semaphore, #tpu.memory_space<semaphore_mem>>) {add = true}
      %dma_start3A_71 = arith.constant 0 : i32
      %dma_start3A_72 = arith.constant 0 : i32
      %dma_start3A_73 = tpu.memref_slice %arg16[%dma_start3A_71, %dma_start3A_72] : memref<25088x8xf32, #tpu.memory_space<vmem_shared>> -> memref<25088x8xf32, #tpu.memory_space<vmem_shared>>
      tpu.enqueue_indirect_dma source(%arg14 : memref<112x8xf32, #tpu.memory_space<vmem>>) target(%dma_start3A_73 : memref<25088x8xf32, #tpu.memory_space<vmem_shared>>) offsets(%arg12 : memref<112xi32, #tpu.memory_space<vmem>>) semaphore(%arg18 : memref<!tpu.dma_semaphore, #tpu.memory_space<semaphore_mem>>) {add = true}
      %dma_wait3A_74 = arith.constant 0 : i32
      %dma_wait3A_75 = arith.constant 0 : i32
      %dma_wait3A_76 = tpu.memref_slice %arg15[%dma_wait3A_74, %dma_wait3A_75] : memref<25088x64xf32, #tpu.memory_space<vmem_shared>> -> memref<25088x64xf32, #tpu.memory_space<vmem_shared>>
      tpu.wait_indirect_dma semaphore(%arg18 : memref<!tpu.dma_semaphore, #tpu.memory_space<semaphore_mem>>) src(%arg13 : memref<112x64xf32, #tpu.memory_space<vmem>>) dst(%dma_wait3A_76 : memref<25088x64xf32, #tpu.memory_space<vmem_shared>>)
      %dma_wait3A_77 = arith.constant 0 : i32
      %dma_wait3A_78 = arith.constant 0 : i32
      %dma_wait3A_79 = tpu.memref_slice %arg16[%dma_wait3A_77, %dma_wait3A_78] : memref<25088x8xf32, #tpu.memory_space<vmem_shared>> -> memref<25088x8xf32, #tpu.memory_space<vmem_shared>>
      tpu.wait_indirect_dma semaphore(%arg18 : memref<!tpu.dma_semaphore, #tpu.memory_space<semaphore_mem>>) src(%arg14 : memref<112x8xf32, #tpu.memory_space<vmem>>) dst(%dma_wait3A_79 : memref<25088x8xf32, #tpu.memory_space<vmem_shared>>)
      %scan3A_80 = arith.constant 0 : i32
      scf.yield %scan3A_80 : i32
    }
    %scan3A_10 = arith.constant 48 : i32
    %barrier3A_11 = arith.constant 0 : index
    tpu.barrier barrier_id(%barrier3A_11)
    %mul3A_12 = arith.constant 64 : i32
    %mul3A_13 = arith.muli %arg0, %mul3A_12 : i32
    "tpu.region"() ({
      %run_scoped3A = tpu.sem_alloc : memref<!tpu.dma_semaphore, #tpu.memory_space<semaphore_mem>>
      %dma_start3A = tpu.memref_slice %arg7[%mul3A_0, %mul3A_13] : memref<25088x128xf32, #tpu.memory_space<hbm>> -> memref<1568x64xf32, #tpu.memory_space<hbm>>
      %dma_start3A_16 = arith.constant 0 : i32
      %dma_start3A_17 = tpu.memref_slice %arg15[%mul3A_0, %dma_start3A_16] : memref<25088x64xf32, #tpu.memory_space<vmem_shared>> -> memref<1568x64xf32, #tpu.memory_space<vmem_shared>>
      tpu.enqueue_dma source(%dma_start3A_17 : memref<1568x64xf32, #tpu.memory_space<vmem_shared>>) target(%dma_start3A : memref<1568x64xf32, #tpu.memory_space<hbm>>) target_semaphore(%run_scoped3A : memref<!tpu.dma_semaphore, #tpu.memory_space<semaphore_mem>>)
      %dma_wait3A = tpu.memref_slice %arg7[%mul3A_0, %mul3A_13] : memref<25088x128xf32, #tpu.memory_space<hbm>> -> memref<1568x64xf32, #tpu.memory_space<hbm>>
      %dma_wait3A_18 = arith.constant 0 : i32
      %dma_wait3A_19 = tpu.memref_slice %arg15[%mul3A_0, %dma_wait3A_18] : memref<25088x64xf32, #tpu.memory_space<vmem_shared>> -> memref<1568x64xf32, #tpu.memory_space<vmem_shared>>
      tpu.wait_dma2 semaphore(%run_scoped3A : memref<!tpu.dma_semaphore, #tpu.memory_space<semaphore_mem>>) src(%dma_wait3A_19 : memref<1568x64xf32, #tpu.memory_space<vmem_shared>>) dst(%dma_wait3A : memref<1568x64xf32, #tpu.memory_space<hbm>>)
      tpu.yield
    }) : () -> ()
    %mul3A_14 = arith.constant 8 : i32
    %mul3A_15 = arith.muli %arg0, %mul3A_14 : i32
    "tpu.region"() ({
      %run_scoped3A = tpu.sem_alloc : memref<!tpu.dma_semaphore, #tpu.memory_space<semaphore_mem>>
      %dma_start3A = tpu.memref_slice %arg8[%mul3A_0, %mul3A_15] : memref<25088x16xf32, #tpu.memory_space<hbm>> -> memref<1568x8xf32, #tpu.memory_space<hbm>>
      %dma_start3A_16 = arith.constant 0 : i32
      %dma_start3A_17 = tpu.memref_slice %arg16[%mul3A_0, %dma_start3A_16] : memref<25088x8xf32, #tpu.memory_space<vmem_shared>> -> memref<1568x8xf32, #tpu.memory_space<vmem_shared>>
      tpu.enqueue_dma source(%dma_start3A_17 : memref<1568x8xf32, #tpu.memory_space<vmem_shared>>) target(%dma_start3A : memref<1568x8xf32, #tpu.memory_space<hbm>>) target_semaphore(%run_scoped3A : memref<!tpu.dma_semaphore, #tpu.memory_space<semaphore_mem>>)
      %dma_wait3A = tpu.memref_slice %arg8[%mul3A_0, %mul3A_15] : memref<25088x16xf32, #tpu.memory_space<hbm>> -> memref<1568x8xf32, #tpu.memory_space<hbm>>
      %dma_wait3A_18 = arith.constant 0 : i32
      %dma_wait3A_19 = tpu.memref_slice %arg16[%mul3A_0, %dma_wait3A_18] : memref<25088x8xf32, #tpu.memory_space<vmem_shared>> -> memref<1568x8xf32, #tpu.memory_space<vmem_shared>>
      tpu.wait_dma2 semaphore(%run_scoped3A : memref<!tpu.dma_semaphore, #tpu.memory_space<semaphore_mem>>) src(%dma_wait3A_19 : memref<1568x8xf32, #tpu.memory_space<vmem_shared>>) dst(%dma_wait3A : memref<1568x8xf32, #tpu.memory_space<hbm>>)
      tpu.yield
    }) : () -> ()
    return
  }
}

#map = affine_map<(d0, d1) -> (0, 0)>
#map1 = affine_map<(d0, d1) -> (0)>
module attributes {stable_mosaic.version = 14 : i64} {
  func.func @_sc_gather_body(%arg0: i32, %arg1: i32, %arg2: memref<25000x64xi32, #tpu.memory_space<hbm>>, %arg3: memref<25000x64xi32, #tpu.memory_space<hbm>>, %arg4: memref<25000x16xf32, #tpu.memory_space<hbm>>, %arg5: memref<25000x16xf32, #tpu.memory_space<hbm>>, %arg6: memref<172032xi32, #tpu.memory_space<hbm>>, %arg7: memref<172032xi32, #tpu.memory_space<hbm>>, %arg8: memref<172032x128xi32, #tpu.memory_space<hbm>>, %arg9: memref<172032x16xf32, #tpu.memory_space<hbm>>, %arg10: memref<172032x16xf32, #tpu.memory_space<hbm>>, %arg11: memref<128xi32, #tpu.memory_space<vmem>>, %arg12: memref<128xi32, #tpu.memory_space<vmem>>, %arg13: memref<128x64xi32, #tpu.memory_space<vmem>>, %arg14: memref<128x64xi32, #tpu.memory_space<vmem>>, %arg15: memref<128x16xf32, #tpu.memory_space<vmem>>, %arg16: memref<128x16xf32, #tpu.memory_space<vmem>>, %arg17: memref<128xi32, #tpu.memory_space<vmem>>, %arg18: memref<128xi32, #tpu.memory_space<vmem>>, %arg19: memref<128x64xi32, #tpu.memory_space<vmem>>, %arg20: memref<128x64xi32, #tpu.memory_space<vmem>>, %arg21: memref<128x16xf32, #tpu.memory_space<vmem>>, %arg22: memref<128x16xf32, #tpu.memory_space<vmem>>, %arg23: memref<!tpu.dma_semaphore, #tpu.memory_space<semaphore_mem>>, %arg24: memref<!tpu.dma_semaphore, #tpu.memory_space<semaphore_mem>>, %arg25: memref<!tpu.dma_semaphore, #tpu.memory_space<semaphore_mem>>) attributes {dimension_semantics = [#tpu.dimension_semantics<core_parallel>, #tpu.dimension_semantics<subcore_parallel>], iteration_bounds = array<i64: 2, 16>, scalar_prefetch = 0 : i64, scratch_operands = 15 : i64, tpu.core_type = #tpu.core_type<sc_vector_subcore>, window_params = [{transform_indices = #map}, {transform_indices = #map}, {transform_indices = #map}, {transform_indices = #map}, {transform_indices = #map1}, {transform_indices = #map1}, {transform_indices = #map}, {transform_indices = #map}, {transform_indices = #map}]} {
    %mul3A = arith.constant 2 : i32
    %mul3A_0 = arith.muli %arg1, %mul3A : i32
    %add3A = arith.addi %mul3A_0, %arg0 : i32
    %scan3A = arith.constant 0 : i32
    %scan3A_1 = arith.constant 0 : i32
    %scan3A_2 = arith.constant 21 : i32
    %scan3A_3 = arith.addi %scan3A_1, %scan3A_2 : i32
    %scan3A_4 = arith.constant 1 : i32
    %scan3A_5 = scf.for %scan3A_7 = %scan3A_1 to %scan3A_3 step %scan3A_4 iter_args(%scan3A_8 = %scan3A) -> (i32)  : i32 {
      %mul3A_9 = arith.constant 5376 : i32
      %mul3A_10 = arith.muli %add3A, %mul3A_9 : i32
      %mul3A_11 = arith.constant 2 : i32
      %mul3A_12 = arith.muli %mul3A_11, %scan3A_7 : i32
      %mul3A_13 = arith.constant 128 : i32
      %mul3A_14 = arith.muli %mul3A_12, %mul3A_13 : i32
      %add3A_15 = arith.addi %mul3A_10, %mul3A_14 : i32
      %add3A_16 = arith.constant 128 : i32
      %add3A_17 = arith.addi %add3A_15, %add3A_16 : i32
      %dma_start3A = tpu.memref_slice %arg6[%add3A_15] : memref<172032xi32, #tpu.memory_space<hbm>> -> memref<128xi32, #tpu.memory_space<hbm>>
      %dma_start3A_18 = tpu.memref_slice %arg6[%add3A_15] : memref<172032xi32, #tpu.memory_space<hbm>> -> memref<128xi32, #tpu.memory_space<hbm>>
      tpu.enqueue_dma source(%dma_start3A_18 : memref<128xi32, #tpu.memory_space<hbm>>) target(%arg11 : memref<128xi32, #tpu.memory_space<vmem>>) target_semaphore(%arg23 : memref<!tpu.dma_semaphore, #tpu.memory_space<semaphore_mem>>)
      %dma_start3A_19 = tpu.memref_slice %arg7[%add3A_15] : memref<172032xi32, #tpu.memory_space<hbm>> -> memref<128xi32, #tpu.memory_space<hbm>>
      %dma_start3A_20 = tpu.memref_slice %arg7[%add3A_15] : memref<172032xi32, #tpu.memory_space<hbm>> -> memref<128xi32, #tpu.memory_space<hbm>>
      tpu.enqueue_dma source(%dma_start3A_20 : memref<128xi32, #tpu.memory_space<hbm>>) target(%arg12 : memref<128xi32, #tpu.memory_space<vmem>>) target_semaphore(%arg23 : memref<!tpu.dma_semaphore, #tpu.memory_space<semaphore_mem>>)
      %dma_wait3A = tpu.memref_slice %arg6[%add3A_15] : memref<172032xi32, #tpu.memory_space<hbm>> -> memref<128xi32, #tpu.memory_space<hbm>>
      %dma_wait3A_21 = tpu.memref_slice %arg6[%add3A_15] : memref<172032xi32, #tpu.memory_space<hbm>> -> memref<128xi32, #tpu.memory_space<hbm>>
      tpu.wait_dma2 semaphore(%arg23 : memref<!tpu.dma_semaphore, #tpu.memory_space<semaphore_mem>>) src(%dma_wait3A_21 : memref<128xi32, #tpu.memory_space<hbm>>) dst(%arg11 : memref<128xi32, #tpu.memory_space<vmem>>)
      %dma_wait3A_22 = tpu.memref_slice %arg7[%add3A_15] : memref<172032xi32, #tpu.memory_space<hbm>> -> memref<128xi32, #tpu.memory_space<hbm>>
      %dma_wait3A_23 = tpu.memref_slice %arg7[%add3A_15] : memref<172032xi32, #tpu.memory_space<hbm>> -> memref<128xi32, #tpu.memory_space<hbm>>
      tpu.wait_dma2 semaphore(%arg23 : memref<!tpu.dma_semaphore, #tpu.memory_space<semaphore_mem>>) src(%dma_wait3A_23 : memref<128xi32, #tpu.memory_space<hbm>>) dst(%arg12 : memref<128xi32, #tpu.memory_space<vmem>>)
      %dma_start3A_24 = arith.constant 0 : i32
      %dma_start3A_25 = arith.constant 0 : i32
      %dma_start3A_26 = tpu.memref_slice %arg2[%dma_start3A_24, %dma_start3A_25] : memref<25000x64xi32, #tpu.memory_space<hbm>> -> memref<25000x64xi32, #tpu.memory_space<hbm>>
      tpu.enqueue_indirect_dma source(%dma_start3A_26 : memref<25000x64xi32, #tpu.memory_space<hbm>>) target(%arg13 : memref<128x64xi32, #tpu.memory_space<vmem>>) offsets(%arg11 : memref<128xi32, #tpu.memory_space<vmem>>) semaphore(%arg24 : memref<!tpu.dma_semaphore, #tpu.memory_space<semaphore_mem>>)
      %dma_start3A_27 = arith.constant 0 : i32
      %dma_start3A_28 = arith.constant 0 : i32
      %dma_start3A_29 = tpu.memref_slice %arg3[%dma_start3A_27, %dma_start3A_28] : memref<25000x64xi32, #tpu.memory_space<hbm>> -> memref<25000x64xi32, #tpu.memory_space<hbm>>
      tpu.enqueue_indirect_dma source(%dma_start3A_29 : memref<25000x64xi32, #tpu.memory_space<hbm>>) target(%arg14 : memref<128x64xi32, #tpu.memory_space<vmem>>) offsets(%arg12 : memref<128xi32, #tpu.memory_space<vmem>>) semaphore(%arg24 : memref<!tpu.dma_semaphore, #tpu.memory_space<semaphore_mem>>)
      %dma_start3A_30 = arith.constant 0 : i32
      %dma_start3A_31 = arith.constant 0 : i32
      %dma_start3A_32 = tpu.memref_slice %arg4[%dma_start3A_30, %dma_start3A_31] : memref<25000x16xf32, #tpu.memory_space<hbm>> -> memref<25000x16xf32, #tpu.memory_space<hbm>>
      tpu.enqueue_indirect_dma source(%dma_start3A_32 : memref<25000x16xf32, #tpu.memory_space<hbm>>) target(%arg15 : memref<128x16xf32, #tpu.memory_space<vmem>>) offsets(%arg11 : memref<128xi32, #tpu.memory_space<vmem>>) semaphore(%arg24 : memref<!tpu.dma_semaphore, #tpu.memory_space<semaphore_mem>>)
      %dma_start3A_33 = arith.constant 0 : i32
      %dma_start3A_34 = arith.constant 0 : i32
      %dma_start3A_35 = tpu.memref_slice %arg5[%dma_start3A_33, %dma_start3A_34] : memref<25000x16xf32, #tpu.memory_space<hbm>> -> memref<25000x16xf32, #tpu.memory_space<hbm>>
      tpu.enqueue_indirect_dma source(%dma_start3A_35 : memref<25000x16xf32, #tpu.memory_space<hbm>>) target(%arg16 : memref<128x16xf32, #tpu.memory_space<vmem>>) offsets(%arg12 : memref<128xi32, #tpu.memory_space<vmem>>) semaphore(%arg24 : memref<!tpu.dma_semaphore, #tpu.memory_space<semaphore_mem>>)
      %dma_start3A_36 = tpu.memref_slice %arg6[%add3A_17] : memref<172032xi32, #tpu.memory_space<hbm>> -> memref<128xi32, #tpu.memory_space<hbm>>
      %dma_start3A_37 = tpu.memref_slice %arg6[%add3A_17] : memref<172032xi32, #tpu.memory_space<hbm>> -> memref<128xi32, #tpu.memory_space<hbm>>
      tpu.enqueue_dma source(%dma_start3A_37 : memref<128xi32, #tpu.memory_space<hbm>>) target(%arg17 : memref<128xi32, #tpu.memory_space<vmem>>) target_semaphore(%arg23 : memref<!tpu.dma_semaphore, #tpu.memory_space<semaphore_mem>>)
      %dma_start3A_38 = tpu.memref_slice %arg7[%add3A_17] : memref<172032xi32, #tpu.memory_space<hbm>> -> memref<128xi32, #tpu.memory_space<hbm>>
      %dma_start3A_39 = tpu.memref_slice %arg7[%add3A_17] : memref<172032xi32, #tpu.memory_space<hbm>> -> memref<128xi32, #tpu.memory_space<hbm>>
      tpu.enqueue_dma source(%dma_start3A_39 : memref<128xi32, #tpu.memory_space<hbm>>) target(%arg18 : memref<128xi32, #tpu.memory_space<vmem>>) target_semaphore(%arg23 : memref<!tpu.dma_semaphore, #tpu.memory_space<semaphore_mem>>)
      %dma_wait3A_40 = tpu.memref_slice %arg6[%add3A_17] : memref<172032xi32, #tpu.memory_space<hbm>> -> memref<128xi32, #tpu.memory_space<hbm>>
      %dma_wait3A_41 = tpu.memref_slice %arg6[%add3A_17] : memref<172032xi32, #tpu.memory_space<hbm>> -> memref<128xi32, #tpu.memory_space<hbm>>
      tpu.wait_dma2 semaphore(%arg23 : memref<!tpu.dma_semaphore, #tpu.memory_space<semaphore_mem>>) src(%dma_wait3A_41 : memref<128xi32, #tpu.memory_space<hbm>>) dst(%arg17 : memref<128xi32, #tpu.memory_space<vmem>>)
      %dma_wait3A_42 = tpu.memref_slice %arg7[%add3A_17] : memref<172032xi32, #tpu.memory_space<hbm>> -> memref<128xi32, #tpu.memory_space<hbm>>
      %dma_wait3A_43 = tpu.memref_slice %arg7[%add3A_17] : memref<172032xi32, #tpu.memory_space<hbm>> -> memref<128xi32, #tpu.memory_space<hbm>>
      tpu.wait_dma2 semaphore(%arg23 : memref<!tpu.dma_semaphore, #tpu.memory_space<semaphore_mem>>) src(%dma_wait3A_43 : memref<128xi32, #tpu.memory_space<hbm>>) dst(%arg18 : memref<128xi32, #tpu.memory_space<vmem>>)
      %dma_start3A_44 = arith.constant 0 : i32
      %dma_start3A_45 = arith.constant 0 : i32
      %dma_start3A_46 = tpu.memref_slice %arg2[%dma_start3A_44, %dma_start3A_45] : memref<25000x64xi32, #tpu.memory_space<hbm>> -> memref<25000x64xi32, #tpu.memory_space<hbm>>
      tpu.enqueue_indirect_dma source(%dma_start3A_46 : memref<25000x64xi32, #tpu.memory_space<hbm>>) target(%arg19 : memref<128x64xi32, #tpu.memory_space<vmem>>) offsets(%arg17 : memref<128xi32, #tpu.memory_space<vmem>>) semaphore(%arg24 : memref<!tpu.dma_semaphore, #tpu.memory_space<semaphore_mem>>)
      %dma_start3A_47 = arith.constant 0 : i32
      %dma_start3A_48 = arith.constant 0 : i32
      %dma_start3A_49 = tpu.memref_slice %arg3[%dma_start3A_47, %dma_start3A_48] : memref<25000x64xi32, #tpu.memory_space<hbm>> -> memref<25000x64xi32, #tpu.memory_space<hbm>>
      tpu.enqueue_indirect_dma source(%dma_start3A_49 : memref<25000x64xi32, #tpu.memory_space<hbm>>) target(%arg20 : memref<128x64xi32, #tpu.memory_space<vmem>>) offsets(%arg18 : memref<128xi32, #tpu.memory_space<vmem>>) semaphore(%arg24 : memref<!tpu.dma_semaphore, #tpu.memory_space<semaphore_mem>>)
      %dma_start3A_50 = arith.constant 0 : i32
      %dma_start3A_51 = arith.constant 0 : i32
      %dma_start3A_52 = tpu.memref_slice %arg4[%dma_start3A_50, %dma_start3A_51] : memref<25000x16xf32, #tpu.memory_space<hbm>> -> memref<25000x16xf32, #tpu.memory_space<hbm>>
      tpu.enqueue_indirect_dma source(%dma_start3A_52 : memref<25000x16xf32, #tpu.memory_space<hbm>>) target(%arg21 : memref<128x16xf32, #tpu.memory_space<vmem>>) offsets(%arg17 : memref<128xi32, #tpu.memory_space<vmem>>) semaphore(%arg24 : memref<!tpu.dma_semaphore, #tpu.memory_space<semaphore_mem>>)
      %dma_start3A_53 = arith.constant 0 : i32
      %dma_start3A_54 = arith.constant 0 : i32
      %dma_start3A_55 = tpu.memref_slice %arg5[%dma_start3A_53, %dma_start3A_54] : memref<25000x16xf32, #tpu.memory_space<hbm>> -> memref<25000x16xf32, #tpu.memory_space<hbm>>
      tpu.enqueue_indirect_dma source(%dma_start3A_55 : memref<25000x16xf32, #tpu.memory_space<hbm>>) target(%arg22 : memref<128x16xf32, #tpu.memory_space<vmem>>) offsets(%arg18 : memref<128xi32, #tpu.memory_space<vmem>>) semaphore(%arg24 : memref<!tpu.dma_semaphore, #tpu.memory_space<semaphore_mem>>)
      %dma_wait3A_56 = arith.constant 0 : i32
      %dma_wait3A_57 = arith.constant 0 : i32
      %dma_wait3A_58 = tpu.memref_slice %arg2[%dma_wait3A_56, %dma_wait3A_57] : memref<25000x64xi32, #tpu.memory_space<hbm>> -> memref<25000x64xi32, #tpu.memory_space<hbm>>
      tpu.wait_indirect_dma semaphore(%arg24 : memref<!tpu.dma_semaphore, #tpu.memory_space<semaphore_mem>>) src(%dma_wait3A_58 : memref<25000x64xi32, #tpu.memory_space<hbm>>) dst(%arg13 : memref<128x64xi32, #tpu.memory_space<vmem>>)
      %dma_wait3A_59 = arith.constant 0 : i32
      %dma_wait3A_60 = arith.constant 0 : i32
      %dma_wait3A_61 = tpu.memref_slice %arg3[%dma_wait3A_59, %dma_wait3A_60] : memref<25000x64xi32, #tpu.memory_space<hbm>> -> memref<25000x64xi32, #tpu.memory_space<hbm>>
      tpu.wait_indirect_dma semaphore(%arg24 : memref<!tpu.dma_semaphore, #tpu.memory_space<semaphore_mem>>) src(%dma_wait3A_61 : memref<25000x64xi32, #tpu.memory_space<hbm>>) dst(%arg14 : memref<128x64xi32, #tpu.memory_space<vmem>>)
      %dma_wait3A_62 = arith.constant 0 : i32
      %dma_wait3A_63 = arith.constant 0 : i32
      %dma_wait3A_64 = tpu.memref_slice %arg4[%dma_wait3A_62, %dma_wait3A_63] : memref<25000x16xf32, #tpu.memory_space<hbm>> -> memref<25000x16xf32, #tpu.memory_space<hbm>>
      tpu.wait_indirect_dma semaphore(%arg24 : memref<!tpu.dma_semaphore, #tpu.memory_space<semaphore_mem>>) src(%dma_wait3A_64 : memref<25000x16xf32, #tpu.memory_space<hbm>>) dst(%arg15 : memref<128x16xf32, #tpu.memory_space<vmem>>)
      %dma_wait3A_65 = arith.constant 0 : i32
      %dma_wait3A_66 = arith.constant 0 : i32
      %dma_wait3A_67 = tpu.memref_slice %arg5[%dma_wait3A_65, %dma_wait3A_66] : memref<25000x16xf32, #tpu.memory_space<hbm>> -> memref<25000x16xf32, #tpu.memory_space<hbm>>
      tpu.wait_indirect_dma semaphore(%arg24 : memref<!tpu.dma_semaphore, #tpu.memory_space<semaphore_mem>>) src(%dma_wait3A_67 : memref<25000x16xf32, #tpu.memory_space<hbm>>) dst(%arg16 : memref<128x16xf32, #tpu.memory_space<vmem>>)
      %dma_start3A_68 = arith.constant 0 : i32
      %dma_start3A_69 = tpu.memref_slice %arg8[%add3A_15, %dma_start3A_68] : memref<172032x128xi32, #tpu.memory_space<hbm>> -> memref<128x64xi32, #tpu.memory_space<hbm>>
      %dma_start3A_70 = arith.constant 0 : i32
      %dma_start3A_71 = tpu.memref_slice %arg8[%add3A_15, %dma_start3A_70] : memref<172032x128xi32, #tpu.memory_space<hbm>> -> memref<128x64xi32, #tpu.memory_space<hbm>>
      tpu.enqueue_dma source(%arg13 : memref<128x64xi32, #tpu.memory_space<vmem>>) target(%dma_start3A_71 : memref<128x64xi32, #tpu.memory_space<hbm>>) target_semaphore(%arg25 : memref<!tpu.dma_semaphore, #tpu.memory_space<semaphore_mem>>)
      %dma_start3A_72 = arith.constant 64 : i32
      %dma_start3A_73 = tpu.memref_slice %arg8[%add3A_15, %dma_start3A_72] : memref<172032x128xi32, #tpu.memory_space<hbm>> -> memref<128x64xi32, #tpu.memory_space<hbm>>
      %dma_start3A_74 = arith.constant 64 : i32
      %dma_start3A_75 = tpu.memref_slice %arg8[%add3A_15, %dma_start3A_74] : memref<172032x128xi32, #tpu.memory_space<hbm>> -> memref<128x64xi32, #tpu.memory_space<hbm>>
      tpu.enqueue_dma source(%arg14 : memref<128x64xi32, #tpu.memory_space<vmem>>) target(%dma_start3A_75 : memref<128x64xi32, #tpu.memory_space<hbm>>) target_semaphore(%arg25 : memref<!tpu.dma_semaphore, #tpu.memory_space<semaphore_mem>>)
      %dma_start3A_76 = arith.constant 0 : i32
      %dma_start3A_77 = tpu.memref_slice %arg9[%add3A_15, %dma_start3A_76] : memref<172032x16xf32, #tpu.memory_space<hbm>> -> memref<128x16xf32, #tpu.memory_space<hbm>>
      %dma_start3A_78 = arith.constant 0 : i32
      %dma_start3A_79 = tpu.memref_slice %arg9[%add3A_15, %dma_start3A_78] : memref<172032x16xf32, #tpu.memory_space<hbm>> -> memref<128x16xf32, #tpu.memory_space<hbm>>
      tpu.enqueue_dma source(%arg15 : memref<128x16xf32, #tpu.memory_space<vmem>>) target(%dma_start3A_79 : memref<128x16xf32, #tpu.memory_space<hbm>>) target_semaphore(%arg25 : memref<!tpu.dma_semaphore, #tpu.memory_space<semaphore_mem>>)
      %dma_start3A_80 = arith.constant 0 : i32
      %dma_start3A_81 = tpu.memref_slice %arg10[%add3A_15, %dma_start3A_80] : memref<172032x16xf32, #tpu.memory_space<hbm>> -> memref<128x16xf32, #tpu.memory_space<hbm>>
      %dma_start3A_82 = arith.constant 0 : i32
      %dma_start3A_83 = tpu.memref_slice %arg10[%add3A_15, %dma_start3A_82] : memref<172032x16xf32, #tpu.memory_space<hbm>> -> memref<128x16xf32, #tpu.memory_space<hbm>>
      tpu.enqueue_dma source(%arg16 : memref<128x16xf32, #tpu.memory_space<vmem>>) target(%dma_start3A_83 : memref<128x16xf32, #tpu.memory_space<hbm>>) target_semaphore(%arg25 : memref<!tpu.dma_semaphore, #tpu.memory_space<semaphore_mem>>)
      %dma_wait3A_84 = arith.constant 0 : i32
      %dma_wait3A_85 = arith.constant 0 : i32
      %dma_wait3A_86 = tpu.memref_slice %arg2[%dma_wait3A_84, %dma_wait3A_85] : memref<25000x64xi32, #tpu.memory_space<hbm>> -> memref<25000x64xi32, #tpu.memory_space<hbm>>
      tpu.wait_indirect_dma semaphore(%arg24 : memref<!tpu.dma_semaphore, #tpu.memory_space<semaphore_mem>>) src(%dma_wait3A_86 : memref<25000x64xi32, #tpu.memory_space<hbm>>) dst(%arg19 : memref<128x64xi32, #tpu.memory_space<vmem>>)
      %dma_wait3A_87 = arith.constant 0 : i32
      %dma_wait3A_88 = arith.constant 0 : i32
      %dma_wait3A_89 = tpu.memref_slice %arg3[%dma_wait3A_87, %dma_wait3A_88] : memref<25000x64xi32, #tpu.memory_space<hbm>> -> memref<25000x64xi32, #tpu.memory_space<hbm>>
      tpu.wait_indirect_dma semaphore(%arg24 : memref<!tpu.dma_semaphore, #tpu.memory_space<semaphore_mem>>) src(%dma_wait3A_89 : memref<25000x64xi32, #tpu.memory_space<hbm>>) dst(%arg20 : memref<128x64xi32, #tpu.memory_space<vmem>>)
      %dma_wait3A_90 = arith.constant 0 : i32
      %dma_wait3A_91 = arith.constant 0 : i32
      %dma_wait3A_92 = tpu.memref_slice %arg4[%dma_wait3A_90, %dma_wait3A_91] : memref<25000x16xf32, #tpu.memory_space<hbm>> -> memref<25000x16xf32, #tpu.memory_space<hbm>>
      tpu.wait_indirect_dma semaphore(%arg24 : memref<!tpu.dma_semaphore, #tpu.memory_space<semaphore_mem>>) src(%dma_wait3A_92 : memref<25000x16xf32, #tpu.memory_space<hbm>>) dst(%arg21 : memref<128x16xf32, #tpu.memory_space<vmem>>)
      %dma_wait3A_93 = arith.constant 0 : i32
      %dma_wait3A_94 = arith.constant 0 : i32
      %dma_wait3A_95 = tpu.memref_slice %arg5[%dma_wait3A_93, %dma_wait3A_94] : memref<25000x16xf32, #tpu.memory_space<hbm>> -> memref<25000x16xf32, #tpu.memory_space<hbm>>
      tpu.wait_indirect_dma semaphore(%arg24 : memref<!tpu.dma_semaphore, #tpu.memory_space<semaphore_mem>>) src(%dma_wait3A_95 : memref<25000x16xf32, #tpu.memory_space<hbm>>) dst(%arg22 : memref<128x16xf32, #tpu.memory_space<vmem>>)
      %dma_start3A_96 = arith.constant 0 : i32
      %dma_start3A_97 = tpu.memref_slice %arg8[%add3A_17, %dma_start3A_96] : memref<172032x128xi32, #tpu.memory_space<hbm>> -> memref<128x64xi32, #tpu.memory_space<hbm>>
      %dma_start3A_98 = arith.constant 0 : i32
      %dma_start3A_99 = tpu.memref_slice %arg8[%add3A_17, %dma_start3A_98] : memref<172032x128xi32, #tpu.memory_space<hbm>> -> memref<128x64xi32, #tpu.memory_space<hbm>>
      tpu.enqueue_dma source(%arg19 : memref<128x64xi32, #tpu.memory_space<vmem>>) target(%dma_start3A_99 : memref<128x64xi32, #tpu.memory_space<hbm>>) target_semaphore(%arg25 : memref<!tpu.dma_semaphore, #tpu.memory_space<semaphore_mem>>)
      %dma_start3A_100 = arith.constant 64 : i32
      %dma_start3A_101 = tpu.memref_slice %arg8[%add3A_17, %dma_start3A_100] : memref<172032x128xi32, #tpu.memory_space<hbm>> -> memref<128x64xi32, #tpu.memory_space<hbm>>
      %dma_start3A_102 = arith.constant 64 : i32
      %dma_start3A_103 = tpu.memref_slice %arg8[%add3A_17, %dma_start3A_102] : memref<172032x128xi32, #tpu.memory_space<hbm>> -> memref<128x64xi32, #tpu.memory_space<hbm>>
      tpu.enqueue_dma source(%arg20 : memref<128x64xi32, #tpu.memory_space<vmem>>) target(%dma_start3A_103 : memref<128x64xi32, #tpu.memory_space<hbm>>) target_semaphore(%arg25 : memref<!tpu.dma_semaphore, #tpu.memory_space<semaphore_mem>>)
      %dma_start3A_104 = arith.constant 0 : i32
      %dma_start3A_105 = tpu.memref_slice %arg9[%add3A_17, %dma_start3A_104] : memref<172032x16xf32, #tpu.memory_space<hbm>> -> memref<128x16xf32, #tpu.memory_space<hbm>>
      %dma_start3A_106 = arith.constant 0 : i32
      %dma_start3A_107 = tpu.memref_slice %arg9[%add3A_17, %dma_start3A_106] : memref<172032x16xf32, #tpu.memory_space<hbm>> -> memref<128x16xf32, #tpu.memory_space<hbm>>
      tpu.enqueue_dma source(%arg21 : memref<128x16xf32, #tpu.memory_space<vmem>>) target(%dma_start3A_107 : memref<128x16xf32, #tpu.memory_space<hbm>>) target_semaphore(%arg25 : memref<!tpu.dma_semaphore, #tpu.memory_space<semaphore_mem>>)
      %dma_start3A_108 = arith.constant 0 : i32
      %dma_start3A_109 = tpu.memref_slice %arg10[%add3A_17, %dma_start3A_108] : memref<172032x16xf32, #tpu.memory_space<hbm>> -> memref<128x16xf32, #tpu.memory_space<hbm>>
      %dma_start3A_110 = arith.constant 0 : i32
      %dma_start3A_111 = tpu.memref_slice %arg10[%add3A_17, %dma_start3A_110] : memref<172032x16xf32, #tpu.memory_space<hbm>> -> memref<128x16xf32, #tpu.memory_space<hbm>>
      tpu.enqueue_dma source(%arg22 : memref<128x16xf32, #tpu.memory_space<vmem>>) target(%dma_start3A_111 : memref<128x16xf32, #tpu.memory_space<hbm>>) target_semaphore(%arg25 : memref<!tpu.dma_semaphore, #tpu.memory_space<semaphore_mem>>)
      %dma_wait3A_112 = arith.constant 0 : i32
      %dma_wait3A_113 = tpu.memref_slice %arg8[%add3A_15, %dma_wait3A_112] : memref<172032x128xi32, #tpu.memory_space<hbm>> -> memref<128x64xi32, #tpu.memory_space<hbm>>
      %dma_wait3A_114 = arith.constant 0 : i32
      %dma_wait3A_115 = tpu.memref_slice %arg8[%add3A_15, %dma_wait3A_114] : memref<172032x128xi32, #tpu.memory_space<hbm>> -> memref<128x64xi32, #tpu.memory_space<hbm>>
      tpu.wait_dma2 semaphore(%arg25 : memref<!tpu.dma_semaphore, #tpu.memory_space<semaphore_mem>>) src(%arg13 : memref<128x64xi32, #tpu.memory_space<vmem>>) dst(%dma_wait3A_115 : memref<128x64xi32, #tpu.memory_space<hbm>>)
      %dma_wait3A_116 = arith.constant 64 : i32
      %dma_wait3A_117 = tpu.memref_slice %arg8[%add3A_15, %dma_wait3A_116] : memref<172032x128xi32, #tpu.memory_space<hbm>> -> memref<128x64xi32, #tpu.memory_space<hbm>>
      %dma_wait3A_118 = arith.constant 64 : i32
      %dma_wait3A_119 = tpu.memref_slice %arg8[%add3A_15, %dma_wait3A_118] : memref<172032x128xi32, #tpu.memory_space<hbm>> -> memref<128x64xi32, #tpu.memory_space<hbm>>
      tpu.wait_dma2 semaphore(%arg25 : memref<!tpu.dma_semaphore, #tpu.memory_space<semaphore_mem>>) src(%arg14 : memref<128x64xi32, #tpu.memory_space<vmem>>) dst(%dma_wait3A_119 : memref<128x64xi32, #tpu.memory_space<hbm>>)
      %dma_wait3A_120 = arith.constant 0 : i32
      %dma_wait3A_121 = tpu.memref_slice %arg9[%add3A_15, %dma_wait3A_120] : memref<172032x16xf32, #tpu.memory_space<hbm>> -> memref<128x16xf32, #tpu.memory_space<hbm>>
      %dma_wait3A_122 = arith.constant 0 : i32
      %dma_wait3A_123 = tpu.memref_slice %arg9[%add3A_15, %dma_wait3A_122] : memref<172032x16xf32, #tpu.memory_space<hbm>> -> memref<128x16xf32, #tpu.memory_space<hbm>>
      tpu.wait_dma2 semaphore(%arg25 : memref<!tpu.dma_semaphore, #tpu.memory_space<semaphore_mem>>) src(%arg15 : memref<128x16xf32, #tpu.memory_space<vmem>>) dst(%dma_wait3A_123 : memref<128x16xf32, #tpu.memory_space<hbm>>)
      %dma_wait3A_124 = arith.constant 0 : i32
      %dma_wait3A_125 = tpu.memref_slice %arg10[%add3A_15, %dma_wait3A_124] : memref<172032x16xf32, #tpu.memory_space<hbm>> -> memref<128x16xf32, #tpu.memory_space<hbm>>
      %dma_wait3A_126 = arith.constant 0 : i32
      %dma_wait3A_127 = tpu.memref_slice %arg10[%add3A_15, %dma_wait3A_126] : memref<172032x16xf32, #tpu.memory_space<hbm>> -> memref<128x16xf32, #tpu.memory_space<hbm>>
      tpu.wait_dma2 semaphore(%arg25 : memref<!tpu.dma_semaphore, #tpu.memory_space<semaphore_mem>>) src(%arg16 : memref<128x16xf32, #tpu.memory_space<vmem>>) dst(%dma_wait3A_127 : memref<128x16xf32, #tpu.memory_space<hbm>>)
      %dma_wait3A_128 = arith.constant 0 : i32
      %dma_wait3A_129 = tpu.memref_slice %arg8[%add3A_17, %dma_wait3A_128] : memref<172032x128xi32, #tpu.memory_space<hbm>> -> memref<128x64xi32, #tpu.memory_space<hbm>>
      %dma_wait3A_130 = arith.constant 0 : i32
      %dma_wait3A_131 = tpu.memref_slice %arg8[%add3A_17, %dma_wait3A_130] : memref<172032x128xi32, #tpu.memory_space<hbm>> -> memref<128x64xi32, #tpu.memory_space<hbm>>
      tpu.wait_dma2 semaphore(%arg25 : memref<!tpu.dma_semaphore, #tpu.memory_space<semaphore_mem>>) src(%arg19 : memref<128x64xi32, #tpu.memory_space<vmem>>) dst(%dma_wait3A_131 : memref<128x64xi32, #tpu.memory_space<hbm>>)
      %dma_wait3A_132 = arith.constant 64 : i32
      %dma_wait3A_133 = tpu.memref_slice %arg8[%add3A_17, %dma_wait3A_132] : memref<172032x128xi32, #tpu.memory_space<hbm>> -> memref<128x64xi32, #tpu.memory_space<hbm>>
      %dma_wait3A_134 = arith.constant 64 : i32
      %dma_wait3A_135 = tpu.memref_slice %arg8[%add3A_17, %dma_wait3A_134] : memref<172032x128xi32, #tpu.memory_space<hbm>> -> memref<128x64xi32, #tpu.memory_space<hbm>>
      tpu.wait_dma2 semaphore(%arg25 : memref<!tpu.dma_semaphore, #tpu.memory_space<semaphore_mem>>) src(%arg20 : memref<128x64xi32, #tpu.memory_space<vmem>>) dst(%dma_wait3A_135 : memref<128x64xi32, #tpu.memory_space<hbm>>)
      %dma_wait3A_136 = arith.constant 0 : i32
      %dma_wait3A_137 = tpu.memref_slice %arg9[%add3A_17, %dma_wait3A_136] : memref<172032x16xf32, #tpu.memory_space<hbm>> -> memref<128x16xf32, #tpu.memory_space<hbm>>
      %dma_wait3A_138 = arith.constant 0 : i32
      %dma_wait3A_139 = tpu.memref_slice %arg9[%add3A_17, %dma_wait3A_138] : memref<172032x16xf32, #tpu.memory_space<hbm>> -> memref<128x16xf32, #tpu.memory_space<hbm>>
      tpu.wait_dma2 semaphore(%arg25 : memref<!tpu.dma_semaphore, #tpu.memory_space<semaphore_mem>>) src(%arg21 : memref<128x16xf32, #tpu.memory_space<vmem>>) dst(%dma_wait3A_139 : memref<128x16xf32, #tpu.memory_space<hbm>>)
      %dma_wait3A_140 = arith.constant 0 : i32
      %dma_wait3A_141 = tpu.memref_slice %arg10[%add3A_17, %dma_wait3A_140] : memref<172032x16xf32, #tpu.memory_space<hbm>> -> memref<128x16xf32, #tpu.memory_space<hbm>>
      %dma_wait3A_142 = arith.constant 0 : i32
      %dma_wait3A_143 = tpu.memref_slice %arg10[%add3A_17, %dma_wait3A_142] : memref<172032x16xf32, #tpu.memory_space<hbm>> -> memref<128x16xf32, #tpu.memory_space<hbm>>
      tpu.wait_dma2 semaphore(%arg25 : memref<!tpu.dma_semaphore, #tpu.memory_space<semaphore_mem>>) src(%arg22 : memref<128x16xf32, #tpu.memory_space<vmem>>) dst(%dma_wait3A_143 : memref<128x16xf32, #tpu.memory_space<hbm>>)
      %scan3A_144 = arith.constant 0 : i32
      scf.yield %scan3A_144 : i32
    }
    %scan3A_6 = arith.constant 21 : i32
    return
  }
}

#map = affine_map<(d0, d1) -> (0, 0)>
#map1 = affine_map<(d0, d1) -> (0)>
module attributes {stable_mosaic.version = 14 : i64} {
  func.func @_sc_gather_body(%arg0: i32, %arg1: i32, %arg2: memref<25000x64xi32, #tpu.memory_space<hbm>>, %arg3: memref<25000x64xi32, #tpu.memory_space<hbm>>, %arg4: memref<25000x16xf32, #tpu.memory_space<hbm>>, %arg5: memref<25000x16xf32, #tpu.memory_space<hbm>>, %arg6: memref<229376xi32, #tpu.memory_space<hbm>>, %arg7: memref<229376xi32, #tpu.memory_space<hbm>>, %arg8: memref<229376x128xi32, #tpu.memory_space<hbm>>, %arg9: memref<229376x16xf32, #tpu.memory_space<hbm>>, %arg10: memref<229376x16xf32, #tpu.memory_space<hbm>>, %arg11: memref<128xi32, #tpu.memory_space<vmem>>, %arg12: memref<128xi32, #tpu.memory_space<vmem>>, %arg13: memref<128x64xi32, #tpu.memory_space<vmem>>, %arg14: memref<128x64xi32, #tpu.memory_space<vmem>>, %arg15: memref<128x16xf32, #tpu.memory_space<vmem>>, %arg16: memref<128x16xf32, #tpu.memory_space<vmem>>, %arg17: memref<128xi32, #tpu.memory_space<vmem>>, %arg18: memref<128xi32, #tpu.memory_space<vmem>>, %arg19: memref<128x64xi32, #tpu.memory_space<vmem>>, %arg20: memref<128x64xi32, #tpu.memory_space<vmem>>, %arg21: memref<128x16xf32, #tpu.memory_space<vmem>>, %arg22: memref<128x16xf32, #tpu.memory_space<vmem>>, %arg23: memref<!tpu.dma_semaphore, #tpu.memory_space<semaphore_mem>>, %arg24: memref<!tpu.dma_semaphore, #tpu.memory_space<semaphore_mem>>, %arg25: memref<!tpu.dma_semaphore, #tpu.memory_space<semaphore_mem>>) attributes {dimension_semantics = [#tpu.dimension_semantics<core_parallel>, #tpu.dimension_semantics<subcore_parallel>], iteration_bounds = array<i64: 2, 16>, scalar_prefetch = 0 : i64, scratch_operands = 15 : i64, tpu.core_type = #tpu.core_type<sc_vector_subcore>, window_params = [{transform_indices = #map}, {transform_indices = #map}, {transform_indices = #map}, {transform_indices = #map}, {transform_indices = #map1}, {transform_indices = #map1}, {transform_indices = #map}, {transform_indices = #map}, {transform_indices = #map}]} {
    %mul3A = arith.constant 2 : i32
    %mul3A_0 = arith.muli %arg1, %mul3A : i32
    %add3A = arith.addi %mul3A_0, %arg0 : i32
    %scan3A = arith.constant 0 : i32
    %scan3A_1 = arith.constant 0 : i32
    %scan3A_2 = arith.constant 28 : i32
    %scan3A_3 = arith.addi %scan3A_1, %scan3A_2 : i32
    %scan3A_4 = arith.constant 1 : i32
    %scan3A_5 = scf.for %scan3A_7 = %scan3A_1 to %scan3A_3 step %scan3A_4 iter_args(%scan3A_8 = %scan3A) -> (i32)  : i32 {
      %mul3A_9 = arith.constant 7168 : i32
      %mul3A_10 = arith.muli %add3A, %mul3A_9 : i32
      %mul3A_11 = arith.constant 2 : i32
      %mul3A_12 = arith.muli %mul3A_11, %scan3A_7 : i32
      %mul3A_13 = arith.constant 128 : i32
      %mul3A_14 = arith.muli %mul3A_12, %mul3A_13 : i32
      %add3A_15 = arith.addi %mul3A_10, %mul3A_14 : i32
      %add3A_16 = arith.constant 128 : i32
      %add3A_17 = arith.addi %add3A_15, %add3A_16 : i32
      %dma_start3A = tpu.memref_slice %arg6[%add3A_15] : memref<229376xi32, #tpu.memory_space<hbm>> -> memref<128xi32, #tpu.memory_space<hbm>>
      %dma_start3A_18 = tpu.memref_slice %arg6[%add3A_15] : memref<229376xi32, #tpu.memory_space<hbm>> -> memref<128xi32, #tpu.memory_space<hbm>>
      tpu.enqueue_dma source(%dma_start3A_18 : memref<128xi32, #tpu.memory_space<hbm>>) target(%arg11 : memref<128xi32, #tpu.memory_space<vmem>>) target_semaphore(%arg23 : memref<!tpu.dma_semaphore, #tpu.memory_space<semaphore_mem>>)
      %dma_start3A_19 = tpu.memref_slice %arg7[%add3A_15] : memref<229376xi32, #tpu.memory_space<hbm>> -> memref<128xi32, #tpu.memory_space<hbm>>
      %dma_start3A_20 = tpu.memref_slice %arg7[%add3A_15] : memref<229376xi32, #tpu.memory_space<hbm>> -> memref<128xi32, #tpu.memory_space<hbm>>
      tpu.enqueue_dma source(%dma_start3A_20 : memref<128xi32, #tpu.memory_space<hbm>>) target(%arg12 : memref<128xi32, #tpu.memory_space<vmem>>) target_semaphore(%arg23 : memref<!tpu.dma_semaphore, #tpu.memory_space<semaphore_mem>>)
      %dma_wait3A = tpu.memref_slice %arg6[%add3A_15] : memref<229376xi32, #tpu.memory_space<hbm>> -> memref<128xi32, #tpu.memory_space<hbm>>
      %dma_wait3A_21 = tpu.memref_slice %arg6[%add3A_15] : memref<229376xi32, #tpu.memory_space<hbm>> -> memref<128xi32, #tpu.memory_space<hbm>>
      tpu.wait_dma2 semaphore(%arg23 : memref<!tpu.dma_semaphore, #tpu.memory_space<semaphore_mem>>) src(%dma_wait3A_21 : memref<128xi32, #tpu.memory_space<hbm>>) dst(%arg11 : memref<128xi32, #tpu.memory_space<vmem>>)
      %dma_wait3A_22 = tpu.memref_slice %arg7[%add3A_15] : memref<229376xi32, #tpu.memory_space<hbm>> -> memref<128xi32, #tpu.memory_space<hbm>>
      %dma_wait3A_23 = tpu.memref_slice %arg7[%add3A_15] : memref<229376xi32, #tpu.memory_space<hbm>> -> memref<128xi32, #tpu.memory_space<hbm>>
      tpu.wait_dma2 semaphore(%arg23 : memref<!tpu.dma_semaphore, #tpu.memory_space<semaphore_mem>>) src(%dma_wait3A_23 : memref<128xi32, #tpu.memory_space<hbm>>) dst(%arg12 : memref<128xi32, #tpu.memory_space<vmem>>)
      %dma_start3A_24 = arith.constant 0 : i32
      %dma_start3A_25 = arith.constant 0 : i32
      %dma_start3A_26 = tpu.memref_slice %arg2[%dma_start3A_24, %dma_start3A_25] : memref<25000x64xi32, #tpu.memory_space<hbm>> -> memref<25000x64xi32, #tpu.memory_space<hbm>>
      tpu.enqueue_indirect_dma source(%dma_start3A_26 : memref<25000x64xi32, #tpu.memory_space<hbm>>) target(%arg13 : memref<128x64xi32, #tpu.memory_space<vmem>>) offsets(%arg11 : memref<128xi32, #tpu.memory_space<vmem>>) semaphore(%arg24 : memref<!tpu.dma_semaphore, #tpu.memory_space<semaphore_mem>>)
      %dma_start3A_27 = arith.constant 0 : i32
      %dma_start3A_28 = arith.constant 0 : i32
      %dma_start3A_29 = tpu.memref_slice %arg3[%dma_start3A_27, %dma_start3A_28] : memref<25000x64xi32, #tpu.memory_space<hbm>> -> memref<25000x64xi32, #tpu.memory_space<hbm>>
      tpu.enqueue_indirect_dma source(%dma_start3A_29 : memref<25000x64xi32, #tpu.memory_space<hbm>>) target(%arg14 : memref<128x64xi32, #tpu.memory_space<vmem>>) offsets(%arg12 : memref<128xi32, #tpu.memory_space<vmem>>) semaphore(%arg24 : memref<!tpu.dma_semaphore, #tpu.memory_space<semaphore_mem>>)
      %dma_start3A_30 = arith.constant 0 : i32
      %dma_start3A_31 = arith.constant 0 : i32
      %dma_start3A_32 = tpu.memref_slice %arg4[%dma_start3A_30, %dma_start3A_31] : memref<25000x16xf32, #tpu.memory_space<hbm>> -> memref<25000x16xf32, #tpu.memory_space<hbm>>
      tpu.enqueue_indirect_dma source(%dma_start3A_32 : memref<25000x16xf32, #tpu.memory_space<hbm>>) target(%arg15 : memref<128x16xf32, #tpu.memory_space<vmem>>) offsets(%arg11 : memref<128xi32, #tpu.memory_space<vmem>>) semaphore(%arg24 : memref<!tpu.dma_semaphore, #tpu.memory_space<semaphore_mem>>)
      %dma_start3A_33 = arith.constant 0 : i32
      %dma_start3A_34 = arith.constant 0 : i32
      %dma_start3A_35 = tpu.memref_slice %arg5[%dma_start3A_33, %dma_start3A_34] : memref<25000x16xf32, #tpu.memory_space<hbm>> -> memref<25000x16xf32, #tpu.memory_space<hbm>>
      tpu.enqueue_indirect_dma source(%dma_start3A_35 : memref<25000x16xf32, #tpu.memory_space<hbm>>) target(%arg16 : memref<128x16xf32, #tpu.memory_space<vmem>>) offsets(%arg12 : memref<128xi32, #tpu.memory_space<vmem>>) semaphore(%arg24 : memref<!tpu.dma_semaphore, #tpu.memory_space<semaphore_mem>>)
      %dma_start3A_36 = tpu.memref_slice %arg6[%add3A_17] : memref<229376xi32, #tpu.memory_space<hbm>> -> memref<128xi32, #tpu.memory_space<hbm>>
      %dma_start3A_37 = tpu.memref_slice %arg6[%add3A_17] : memref<229376xi32, #tpu.memory_space<hbm>> -> memref<128xi32, #tpu.memory_space<hbm>>
      tpu.enqueue_dma source(%dma_start3A_37 : memref<128xi32, #tpu.memory_space<hbm>>) target(%arg17 : memref<128xi32, #tpu.memory_space<vmem>>) target_semaphore(%arg23 : memref<!tpu.dma_semaphore, #tpu.memory_space<semaphore_mem>>)
      %dma_start3A_38 = tpu.memref_slice %arg7[%add3A_17] : memref<229376xi32, #tpu.memory_space<hbm>> -> memref<128xi32, #tpu.memory_space<hbm>>
      %dma_start3A_39 = tpu.memref_slice %arg7[%add3A_17] : memref<229376xi32, #tpu.memory_space<hbm>> -> memref<128xi32, #tpu.memory_space<hbm>>
      tpu.enqueue_dma source(%dma_start3A_39 : memref<128xi32, #tpu.memory_space<hbm>>) target(%arg18 : memref<128xi32, #tpu.memory_space<vmem>>) target_semaphore(%arg23 : memref<!tpu.dma_semaphore, #tpu.memory_space<semaphore_mem>>)
      %dma_wait3A_40 = tpu.memref_slice %arg6[%add3A_17] : memref<229376xi32, #tpu.memory_space<hbm>> -> memref<128xi32, #tpu.memory_space<hbm>>
      %dma_wait3A_41 = tpu.memref_slice %arg6[%add3A_17] : memref<229376xi32, #tpu.memory_space<hbm>> -> memref<128xi32, #tpu.memory_space<hbm>>
      tpu.wait_dma2 semaphore(%arg23 : memref<!tpu.dma_semaphore, #tpu.memory_space<semaphore_mem>>) src(%dma_wait3A_41 : memref<128xi32, #tpu.memory_space<hbm>>) dst(%arg17 : memref<128xi32, #tpu.memory_space<vmem>>)
      %dma_wait3A_42 = tpu.memref_slice %arg7[%add3A_17] : memref<229376xi32, #tpu.memory_space<hbm>> -> memref<128xi32, #tpu.memory_space<hbm>>
      %dma_wait3A_43 = tpu.memref_slice %arg7[%add3A_17] : memref<229376xi32, #tpu.memory_space<hbm>> -> memref<128xi32, #tpu.memory_space<hbm>>
      tpu.wait_dma2 semaphore(%arg23 : memref<!tpu.dma_semaphore, #tpu.memory_space<semaphore_mem>>) src(%dma_wait3A_43 : memref<128xi32, #tpu.memory_space<hbm>>) dst(%arg18 : memref<128xi32, #tpu.memory_space<vmem>>)
      %dma_start3A_44 = arith.constant 0 : i32
      %dma_start3A_45 = arith.constant 0 : i32
      %dma_start3A_46 = tpu.memref_slice %arg2[%dma_start3A_44, %dma_start3A_45] : memref<25000x64xi32, #tpu.memory_space<hbm>> -> memref<25000x64xi32, #tpu.memory_space<hbm>>
      tpu.enqueue_indirect_dma source(%dma_start3A_46 : memref<25000x64xi32, #tpu.memory_space<hbm>>) target(%arg19 : memref<128x64xi32, #tpu.memory_space<vmem>>) offsets(%arg17 : memref<128xi32, #tpu.memory_space<vmem>>) semaphore(%arg24 : memref<!tpu.dma_semaphore, #tpu.memory_space<semaphore_mem>>)
      %dma_start3A_47 = arith.constant 0 : i32
      %dma_start3A_48 = arith.constant 0 : i32
      %dma_start3A_49 = tpu.memref_slice %arg3[%dma_start3A_47, %dma_start3A_48] : memref<25000x64xi32, #tpu.memory_space<hbm>> -> memref<25000x64xi32, #tpu.memory_space<hbm>>
      tpu.enqueue_indirect_dma source(%dma_start3A_49 : memref<25000x64xi32, #tpu.memory_space<hbm>>) target(%arg20 : memref<128x64xi32, #tpu.memory_space<vmem>>) offsets(%arg18 : memref<128xi32, #tpu.memory_space<vmem>>) semaphore(%arg24 : memref<!tpu.dma_semaphore, #tpu.memory_space<semaphore_mem>>)
      %dma_start3A_50 = arith.constant 0 : i32
      %dma_start3A_51 = arith.constant 0 : i32
      %dma_start3A_52 = tpu.memref_slice %arg4[%dma_start3A_50, %dma_start3A_51] : memref<25000x16xf32, #tpu.memory_space<hbm>> -> memref<25000x16xf32, #tpu.memory_space<hbm>>
      tpu.enqueue_indirect_dma source(%dma_start3A_52 : memref<25000x16xf32, #tpu.memory_space<hbm>>) target(%arg21 : memref<128x16xf32, #tpu.memory_space<vmem>>) offsets(%arg17 : memref<128xi32, #tpu.memory_space<vmem>>) semaphore(%arg24 : memref<!tpu.dma_semaphore, #tpu.memory_space<semaphore_mem>>)
      %dma_start3A_53 = arith.constant 0 : i32
      %dma_start3A_54 = arith.constant 0 : i32
      %dma_start3A_55 = tpu.memref_slice %arg5[%dma_start3A_53, %dma_start3A_54] : memref<25000x16xf32, #tpu.memory_space<hbm>> -> memref<25000x16xf32, #tpu.memory_space<hbm>>
      tpu.enqueue_indirect_dma source(%dma_start3A_55 : memref<25000x16xf32, #tpu.memory_space<hbm>>) target(%arg22 : memref<128x16xf32, #tpu.memory_space<vmem>>) offsets(%arg18 : memref<128xi32, #tpu.memory_space<vmem>>) semaphore(%arg24 : memref<!tpu.dma_semaphore, #tpu.memory_space<semaphore_mem>>)
      %dma_wait3A_56 = arith.constant 0 : i32
      %dma_wait3A_57 = arith.constant 0 : i32
      %dma_wait3A_58 = tpu.memref_slice %arg2[%dma_wait3A_56, %dma_wait3A_57] : memref<25000x64xi32, #tpu.memory_space<hbm>> -> memref<25000x64xi32, #tpu.memory_space<hbm>>
      tpu.wait_indirect_dma semaphore(%arg24 : memref<!tpu.dma_semaphore, #tpu.memory_space<semaphore_mem>>) src(%dma_wait3A_58 : memref<25000x64xi32, #tpu.memory_space<hbm>>) dst(%arg13 : memref<128x64xi32, #tpu.memory_space<vmem>>)
      %dma_wait3A_59 = arith.constant 0 : i32
      %dma_wait3A_60 = arith.constant 0 : i32
      %dma_wait3A_61 = tpu.memref_slice %arg3[%dma_wait3A_59, %dma_wait3A_60] : memref<25000x64xi32, #tpu.memory_space<hbm>> -> memref<25000x64xi32, #tpu.memory_space<hbm>>
      tpu.wait_indirect_dma semaphore(%arg24 : memref<!tpu.dma_semaphore, #tpu.memory_space<semaphore_mem>>) src(%dma_wait3A_61 : memref<25000x64xi32, #tpu.memory_space<hbm>>) dst(%arg14 : memref<128x64xi32, #tpu.memory_space<vmem>>)
      %dma_wait3A_62 = arith.constant 0 : i32
      %dma_wait3A_63 = arith.constant 0 : i32
      %dma_wait3A_64 = tpu.memref_slice %arg4[%dma_wait3A_62, %dma_wait3A_63] : memref<25000x16xf32, #tpu.memory_space<hbm>> -> memref<25000x16xf32, #tpu.memory_space<hbm>>
      tpu.wait_indirect_dma semaphore(%arg24 : memref<!tpu.dma_semaphore, #tpu.memory_space<semaphore_mem>>) src(%dma_wait3A_64 : memref<25000x16xf32, #tpu.memory_space<hbm>>) dst(%arg15 : memref<128x16xf32, #tpu.memory_space<vmem>>)
      %dma_wait3A_65 = arith.constant 0 : i32
      %dma_wait3A_66 = arith.constant 0 : i32
      %dma_wait3A_67 = tpu.memref_slice %arg5[%dma_wait3A_65, %dma_wait3A_66] : memref<25000x16xf32, #tpu.memory_space<hbm>> -> memref<25000x16xf32, #tpu.memory_space<hbm>>
      tpu.wait_indirect_dma semaphore(%arg24 : memref<!tpu.dma_semaphore, #tpu.memory_space<semaphore_mem>>) src(%dma_wait3A_67 : memref<25000x16xf32, #tpu.memory_space<hbm>>) dst(%arg16 : memref<128x16xf32, #tpu.memory_space<vmem>>)
      %dma_start3A_68 = arith.constant 0 : i32
      %dma_start3A_69 = tpu.memref_slice %arg8[%add3A_15, %dma_start3A_68] : memref<229376x128xi32, #tpu.memory_space<hbm>> -> memref<128x64xi32, #tpu.memory_space<hbm>>
      %dma_start3A_70 = arith.constant 0 : i32
      %dma_start3A_71 = tpu.memref_slice %arg8[%add3A_15, %dma_start3A_70] : memref<229376x128xi32, #tpu.memory_space<hbm>> -> memref<128x64xi32, #tpu.memory_space<hbm>>
      tpu.enqueue_dma source(%arg13 : memref<128x64xi32, #tpu.memory_space<vmem>>) target(%dma_start3A_71 : memref<128x64xi32, #tpu.memory_space<hbm>>) target_semaphore(%arg25 : memref<!tpu.dma_semaphore, #tpu.memory_space<semaphore_mem>>)
      %dma_start3A_72 = arith.constant 64 : i32
      %dma_start3A_73 = tpu.memref_slice %arg8[%add3A_15, %dma_start3A_72] : memref<229376x128xi32, #tpu.memory_space<hbm>> -> memref<128x64xi32, #tpu.memory_space<hbm>>
      %dma_start3A_74 = arith.constant 64 : i32
      %dma_start3A_75 = tpu.memref_slice %arg8[%add3A_15, %dma_start3A_74] : memref<229376x128xi32, #tpu.memory_space<hbm>> -> memref<128x64xi32, #tpu.memory_space<hbm>>
      tpu.enqueue_dma source(%arg14 : memref<128x64xi32, #tpu.memory_space<vmem>>) target(%dma_start3A_75 : memref<128x64xi32, #tpu.memory_space<hbm>>) target_semaphore(%arg25 : memref<!tpu.dma_semaphore, #tpu.memory_space<semaphore_mem>>)
      %dma_start3A_76 = arith.constant 0 : i32
      %dma_start3A_77 = tpu.memref_slice %arg9[%add3A_15, %dma_start3A_76] : memref<229376x16xf32, #tpu.memory_space<hbm>> -> memref<128x16xf32, #tpu.memory_space<hbm>>
      %dma_start3A_78 = arith.constant 0 : i32
      %dma_start3A_79 = tpu.memref_slice %arg9[%add3A_15, %dma_start3A_78] : memref<229376x16xf32, #tpu.memory_space<hbm>> -> memref<128x16xf32, #tpu.memory_space<hbm>>
      tpu.enqueue_dma source(%arg15 : memref<128x16xf32, #tpu.memory_space<vmem>>) target(%dma_start3A_79 : memref<128x16xf32, #tpu.memory_space<hbm>>) target_semaphore(%arg25 : memref<!tpu.dma_semaphore, #tpu.memory_space<semaphore_mem>>)
      %dma_start3A_80 = arith.constant 0 : i32
      %dma_start3A_81 = tpu.memref_slice %arg10[%add3A_15, %dma_start3A_80] : memref<229376x16xf32, #tpu.memory_space<hbm>> -> memref<128x16xf32, #tpu.memory_space<hbm>>
      %dma_start3A_82 = arith.constant 0 : i32
      %dma_start3A_83 = tpu.memref_slice %arg10[%add3A_15, %dma_start3A_82] : memref<229376x16xf32, #tpu.memory_space<hbm>> -> memref<128x16xf32, #tpu.memory_space<hbm>>
      tpu.enqueue_dma source(%arg16 : memref<128x16xf32, #tpu.memory_space<vmem>>) target(%dma_start3A_83 : memref<128x16xf32, #tpu.memory_space<hbm>>) target_semaphore(%arg25 : memref<!tpu.dma_semaphore, #tpu.memory_space<semaphore_mem>>)
      %dma_wait3A_84 = arith.constant 0 : i32
      %dma_wait3A_85 = arith.constant 0 : i32
      %dma_wait3A_86 = tpu.memref_slice %arg2[%dma_wait3A_84, %dma_wait3A_85] : memref<25000x64xi32, #tpu.memory_space<hbm>> -> memref<25000x64xi32, #tpu.memory_space<hbm>>
      tpu.wait_indirect_dma semaphore(%arg24 : memref<!tpu.dma_semaphore, #tpu.memory_space<semaphore_mem>>) src(%dma_wait3A_86 : memref<25000x64xi32, #tpu.memory_space<hbm>>) dst(%arg19 : memref<128x64xi32, #tpu.memory_space<vmem>>)
      %dma_wait3A_87 = arith.constant 0 : i32
      %dma_wait3A_88 = arith.constant 0 : i32
      %dma_wait3A_89 = tpu.memref_slice %arg3[%dma_wait3A_87, %dma_wait3A_88] : memref<25000x64xi32, #tpu.memory_space<hbm>> -> memref<25000x64xi32, #tpu.memory_space<hbm>>
      tpu.wait_indirect_dma semaphore(%arg24 : memref<!tpu.dma_semaphore, #tpu.memory_space<semaphore_mem>>) src(%dma_wait3A_89 : memref<25000x64xi32, #tpu.memory_space<hbm>>) dst(%arg20 : memref<128x64xi32, #tpu.memory_space<vmem>>)
      %dma_wait3A_90 = arith.constant 0 : i32
      %dma_wait3A_91 = arith.constant 0 : i32
      %dma_wait3A_92 = tpu.memref_slice %arg4[%dma_wait3A_90, %dma_wait3A_91] : memref<25000x16xf32, #tpu.memory_space<hbm>> -> memref<25000x16xf32, #tpu.memory_space<hbm>>
      tpu.wait_indirect_dma semaphore(%arg24 : memref<!tpu.dma_semaphore, #tpu.memory_space<semaphore_mem>>) src(%dma_wait3A_92 : memref<25000x16xf32, #tpu.memory_space<hbm>>) dst(%arg21 : memref<128x16xf32, #tpu.memory_space<vmem>>)
      %dma_wait3A_93 = arith.constant 0 : i32
      %dma_wait3A_94 = arith.constant 0 : i32
      %dma_wait3A_95 = tpu.memref_slice %arg5[%dma_wait3A_93, %dma_wait3A_94] : memref<25000x16xf32, #tpu.memory_space<hbm>> -> memref<25000x16xf32, #tpu.memory_space<hbm>>
      tpu.wait_indirect_dma semaphore(%arg24 : memref<!tpu.dma_semaphore, #tpu.memory_space<semaphore_mem>>) src(%dma_wait3A_95 : memref<25000x16xf32, #tpu.memory_space<hbm>>) dst(%arg22 : memref<128x16xf32, #tpu.memory_space<vmem>>)
      %dma_start3A_96 = arith.constant 0 : i32
      %dma_start3A_97 = tpu.memref_slice %arg8[%add3A_17, %dma_start3A_96] : memref<229376x128xi32, #tpu.memory_space<hbm>> -> memref<128x64xi32, #tpu.memory_space<hbm>>
      %dma_start3A_98 = arith.constant 0 : i32
      %dma_start3A_99 = tpu.memref_slice %arg8[%add3A_17, %dma_start3A_98] : memref<229376x128xi32, #tpu.memory_space<hbm>> -> memref<128x64xi32, #tpu.memory_space<hbm>>
      tpu.enqueue_dma source(%arg19 : memref<128x64xi32, #tpu.memory_space<vmem>>) target(%dma_start3A_99 : memref<128x64xi32, #tpu.memory_space<hbm>>) target_semaphore(%arg25 : memref<!tpu.dma_semaphore, #tpu.memory_space<semaphore_mem>>)
      %dma_start3A_100 = arith.constant 64 : i32
      %dma_start3A_101 = tpu.memref_slice %arg8[%add3A_17, %dma_start3A_100] : memref<229376x128xi32, #tpu.memory_space<hbm>> -> memref<128x64xi32, #tpu.memory_space<hbm>>
      %dma_start3A_102 = arith.constant 64 : i32
      %dma_start3A_103 = tpu.memref_slice %arg8[%add3A_17, %dma_start3A_102] : memref<229376x128xi32, #tpu.memory_space<hbm>> -> memref<128x64xi32, #tpu.memory_space<hbm>>
      tpu.enqueue_dma source(%arg20 : memref<128x64xi32, #tpu.memory_space<vmem>>) target(%dma_start3A_103 : memref<128x64xi32, #tpu.memory_space<hbm>>) target_semaphore(%arg25 : memref<!tpu.dma_semaphore, #tpu.memory_space<semaphore_mem>>)
      %dma_start3A_104 = arith.constant 0 : i32
      %dma_start3A_105 = tpu.memref_slice %arg9[%add3A_17, %dma_start3A_104] : memref<229376x16xf32, #tpu.memory_space<hbm>> -> memref<128x16xf32, #tpu.memory_space<hbm>>
      %dma_start3A_106 = arith.constant 0 : i32
      %dma_start3A_107 = tpu.memref_slice %arg9[%add3A_17, %dma_start3A_106] : memref<229376x16xf32, #tpu.memory_space<hbm>> -> memref<128x16xf32, #tpu.memory_space<hbm>>
      tpu.enqueue_dma source(%arg21 : memref<128x16xf32, #tpu.memory_space<vmem>>) target(%dma_start3A_107 : memref<128x16xf32, #tpu.memory_space<hbm>>) target_semaphore(%arg25 : memref<!tpu.dma_semaphore, #tpu.memory_space<semaphore_mem>>)
      %dma_start3A_108 = arith.constant 0 : i32
      %dma_start3A_109 = tpu.memref_slice %arg10[%add3A_17, %dma_start3A_108] : memref<229376x16xf32, #tpu.memory_space<hbm>> -> memref<128x16xf32, #tpu.memory_space<hbm>>
      %dma_start3A_110 = arith.constant 0 : i32
      %dma_start3A_111 = tpu.memref_slice %arg10[%add3A_17, %dma_start3A_110] : memref<229376x16xf32, #tpu.memory_space<hbm>> -> memref<128x16xf32, #tpu.memory_space<hbm>>
      tpu.enqueue_dma source(%arg22 : memref<128x16xf32, #tpu.memory_space<vmem>>) target(%dma_start3A_111 : memref<128x16xf32, #tpu.memory_space<hbm>>) target_semaphore(%arg25 : memref<!tpu.dma_semaphore, #tpu.memory_space<semaphore_mem>>)
      %dma_wait3A_112 = arith.constant 0 : i32
      %dma_wait3A_113 = tpu.memref_slice %arg8[%add3A_15, %dma_wait3A_112] : memref<229376x128xi32, #tpu.memory_space<hbm>> -> memref<128x64xi32, #tpu.memory_space<hbm>>
      %dma_wait3A_114 = arith.constant 0 : i32
      %dma_wait3A_115 = tpu.memref_slice %arg8[%add3A_15, %dma_wait3A_114] : memref<229376x128xi32, #tpu.memory_space<hbm>> -> memref<128x64xi32, #tpu.memory_space<hbm>>
      tpu.wait_dma2 semaphore(%arg25 : memref<!tpu.dma_semaphore, #tpu.memory_space<semaphore_mem>>) src(%arg13 : memref<128x64xi32, #tpu.memory_space<vmem>>) dst(%dma_wait3A_115 : memref<128x64xi32, #tpu.memory_space<hbm>>)
      %dma_wait3A_116 = arith.constant 64 : i32
      %dma_wait3A_117 = tpu.memref_slice %arg8[%add3A_15, %dma_wait3A_116] : memref<229376x128xi32, #tpu.memory_space<hbm>> -> memref<128x64xi32, #tpu.memory_space<hbm>>
      %dma_wait3A_118 = arith.constant 64 : i32
      %dma_wait3A_119 = tpu.memref_slice %arg8[%add3A_15, %dma_wait3A_118] : memref<229376x128xi32, #tpu.memory_space<hbm>> -> memref<128x64xi32, #tpu.memory_space<hbm>>
      tpu.wait_dma2 semaphore(%arg25 : memref<!tpu.dma_semaphore, #tpu.memory_space<semaphore_mem>>) src(%arg14 : memref<128x64xi32, #tpu.memory_space<vmem>>) dst(%dma_wait3A_119 : memref<128x64xi32, #tpu.memory_space<hbm>>)
      %dma_wait3A_120 = arith.constant 0 : i32
      %dma_wait3A_121 = tpu.memref_slice %arg9[%add3A_15, %dma_wait3A_120] : memref<229376x16xf32, #tpu.memory_space<hbm>> -> memref<128x16xf32, #tpu.memory_space<hbm>>
      %dma_wait3A_122 = arith.constant 0 : i32
      %dma_wait3A_123 = tpu.memref_slice %arg9[%add3A_15, %dma_wait3A_122] : memref<229376x16xf32, #tpu.memory_space<hbm>> -> memref<128x16xf32, #tpu.memory_space<hbm>>
      tpu.wait_dma2 semaphore(%arg25 : memref<!tpu.dma_semaphore, #tpu.memory_space<semaphore_mem>>) src(%arg15 : memref<128x16xf32, #tpu.memory_space<vmem>>) dst(%dma_wait3A_123 : memref<128x16xf32, #tpu.memory_space<hbm>>)
      %dma_wait3A_124 = arith.constant 0 : i32
      %dma_wait3A_125 = tpu.memref_slice %arg10[%add3A_15, %dma_wait3A_124] : memref<229376x16xf32, #tpu.memory_space<hbm>> -> memref<128x16xf32, #tpu.memory_space<hbm>>
      %dma_wait3A_126 = arith.constant 0 : i32
      %dma_wait3A_127 = tpu.memref_slice %arg10[%add3A_15, %dma_wait3A_126] : memref<229376x16xf32, #tpu.memory_space<hbm>> -> memref<128x16xf32, #tpu.memory_space<hbm>>
      tpu.wait_dma2 semaphore(%arg25 : memref<!tpu.dma_semaphore, #tpu.memory_space<semaphore_mem>>) src(%arg16 : memref<128x16xf32, #tpu.memory_space<vmem>>) dst(%dma_wait3A_127 : memref<128x16xf32, #tpu.memory_space<hbm>>)
      %dma_wait3A_128 = arith.constant 0 : i32
      %dma_wait3A_129 = tpu.memref_slice %arg8[%add3A_17, %dma_wait3A_128] : memref<229376x128xi32, #tpu.memory_space<hbm>> -> memref<128x64xi32, #tpu.memory_space<hbm>>
      %dma_wait3A_130 = arith.constant 0 : i32
      %dma_wait3A_131 = tpu.memref_slice %arg8[%add3A_17, %dma_wait3A_130] : memref<229376x128xi32, #tpu.memory_space<hbm>> -> memref<128x64xi32, #tpu.memory_space<hbm>>
      tpu.wait_dma2 semaphore(%arg25 : memref<!tpu.dma_semaphore, #tpu.memory_space<semaphore_mem>>) src(%arg19 : memref<128x64xi32, #tpu.memory_space<vmem>>) dst(%dma_wait3A_131 : memref<128x64xi32, #tpu.memory_space<hbm>>)
      %dma_wait3A_132 = arith.constant 64 : i32
      %dma_wait3A_133 = tpu.memref_slice %arg8[%add3A_17, %dma_wait3A_132] : memref<229376x128xi32, #tpu.memory_space<hbm>> -> memref<128x64xi32, #tpu.memory_space<hbm>>
      %dma_wait3A_134 = arith.constant 64 : i32
      %dma_wait3A_135 = tpu.memref_slice %arg8[%add3A_17, %dma_wait3A_134] : memref<229376x128xi32, #tpu.memory_space<hbm>> -> memref<128x64xi32, #tpu.memory_space<hbm>>
      tpu.wait_dma2 semaphore(%arg25 : memref<!tpu.dma_semaphore, #tpu.memory_space<semaphore_mem>>) src(%arg20 : memref<128x64xi32, #tpu.memory_space<vmem>>) dst(%dma_wait3A_135 : memref<128x64xi32, #tpu.memory_space<hbm>>)
      %dma_wait3A_136 = arith.constant 0 : i32
      %dma_wait3A_137 = tpu.memref_slice %arg9[%add3A_17, %dma_wait3A_136] : memref<229376x16xf32, #tpu.memory_space<hbm>> -> memref<128x16xf32, #tpu.memory_space<hbm>>
      %dma_wait3A_138 = arith.constant 0 : i32
      %dma_wait3A_139 = tpu.memref_slice %arg9[%add3A_17, %dma_wait3A_138] : memref<229376x16xf32, #tpu.memory_space<hbm>> -> memref<128x16xf32, #tpu.memory_space<hbm>>
      tpu.wait_dma2 semaphore(%arg25 : memref<!tpu.dma_semaphore, #tpu.memory_space<semaphore_mem>>) src(%arg21 : memref<128x16xf32, #tpu.memory_space<vmem>>) dst(%dma_wait3A_139 : memref<128x16xf32, #tpu.memory_space<hbm>>)
      %dma_wait3A_140 = arith.constant 0 : i32
      %dma_wait3A_141 = tpu.memref_slice %arg10[%add3A_17, %dma_wait3A_140] : memref<229376x16xf32, #tpu.memory_space<hbm>> -> memref<128x16xf32, #tpu.memory_space<hbm>>
      %dma_wait3A_142 = arith.constant 0 : i32
      %dma_wait3A_143 = tpu.memref_slice %arg10[%add3A_17, %dma_wait3A_142] : memref<229376x16xf32, #tpu.memory_space<hbm>> -> memref<128x16xf32, #tpu.memory_space<hbm>>
      tpu.wait_dma2 semaphore(%arg25 : memref<!tpu.dma_semaphore, #tpu.memory_space<semaphore_mem>>) src(%arg22 : memref<128x16xf32, #tpu.memory_space<vmem>>) dst(%dma_wait3A_143 : memref<128x16xf32, #tpu.memory_space<hbm>>)
      %scan3A_144 = arith.constant 0 : i32
      scf.yield %scan3A_144 : i32
    }
    %scan3A_6 = arith.constant 28 : i32
    return
  }
}

#map = affine_map<(d0, d1) -> (0, 0)>
#map1 = affine_map<(d0, d1) -> (0)>
module attributes {stable_mosaic.version = 14 : i64} {
  func.func @_sc_gather_body(%arg0: i32, %arg1: i32, %arg2: memref<25000x64xi32, #tpu.memory_space<hbm>>, %arg3: memref<25000x64xi32, #tpu.memory_space<hbm>>, %arg4: memref<25000x16xf32, #tpu.memory_space<hbm>>, %arg5: memref<25000x16xf32, #tpu.memory_space<hbm>>, %arg6: memref<172032xi32, #tpu.memory_space<hbm>>, %arg7: memref<172032xi32, #tpu.memory_space<hbm>>, %arg8: memref<172032x128xi32, #tpu.memory_space<hbm>>, %arg9: memref<172032x16xf32, #tpu.memory_space<hbm>>, %arg10: memref<172032x16xf32, #tpu.memory_space<hbm>>, %arg11: memref<128xi32, #tpu.memory_space<vmem>>, %arg12: memref<128xi32, #tpu.memory_space<vmem>>, %arg13: memref<128x64xi32, #tpu.memory_space<vmem>>, %arg14: memref<128x64xi32, #tpu.memory_space<vmem>>, %arg15: memref<128x16xf32, #tpu.memory_space<vmem>>, %arg16: memref<128x16xf32, #tpu.memory_space<vmem>>, %arg17: memref<128xi32, #tpu.memory_space<vmem>>, %arg18: memref<128xi32, #tpu.memory_space<vmem>>, %arg19: memref<128x64xi32, #tpu.memory_space<vmem>>, %arg20: memref<128x64xi32, #tpu.memory_space<vmem>>, %arg21: memref<128x16xf32, #tpu.memory_space<vmem>>, %arg22: memref<128x16xf32, #tpu.memory_space<vmem>>, %arg23: memref<!tpu.dma_semaphore, #tpu.memory_space<semaphore_mem>>, %arg24: memref<!tpu.dma_semaphore, #tpu.memory_space<semaphore_mem>>, %arg25: memref<!tpu.dma_semaphore, #tpu.memory_space<semaphore_mem>>) attributes {dimension_semantics = [#tpu.dimension_semantics<core_parallel>, #tpu.dimension_semantics<subcore_parallel>], iteration_bounds = array<i64: 2, 16>, scalar_prefetch = 0 : i64, scratch_operands = 15 : i64, tpu.core_type = #tpu.core_type<sc_vector_subcore>, window_params = [{transform_indices = #map}, {transform_indices = #map}, {transform_indices = #map}, {transform_indices = #map}, {transform_indices = #map1}, {transform_indices = #map1}, {transform_indices = #map}, {transform_indices = #map}, {transform_indices = #map}]} {
    %mul3A = arith.constant 2 : i32
    %mul3A_0 = arith.muli %arg1, %mul3A : i32
    %add3A = arith.addi %mul3A_0, %arg0 : i32
    %scan3A = arith.constant 0 : i32
    %scan3A_1 = arith.constant 0 : i32
    %scan3A_2 = arith.constant 21 : i32
    %scan3A_3 = arith.addi %scan3A_1, %scan3A_2 : i32
    %scan3A_4 = arith.constant 1 : i32
    %scan3A_5 = scf.for %scan3A_7 = %scan3A_1 to %scan3A_3 step %scan3A_4 iter_args(%scan3A_8 = %scan3A) -> (i32)  : i32 {
      %mul3A_9 = arith.constant 5376 : i32
      %mul3A_10 = arith.muli %add3A, %mul3A_9 : i32
      %mul3A_11 = arith.constant 2 : i32
      %mul3A_12 = arith.muli %mul3A_11, %scan3A_7 : i32
      %mul3A_13 = arith.constant 128 : i32
      %mul3A_14 = arith.muli %mul3A_12, %mul3A_13 : i32
      %add3A_15 = arith.addi %mul3A_10, %mul3A_14 : i32
      %add3A_16 = arith.constant 128 : i32
      %add3A_17 = arith.addi %add3A_15, %add3A_16 : i32
      %dma_start3A = tpu.memref_slice %arg6[%add3A_15] : memref<172032xi32, #tpu.memory_space<hbm>> -> memref<128xi32, #tpu.memory_space<hbm>>
      %dma_start3A_18 = tpu.memref_slice %arg6[%add3A_15] : memref<172032xi32, #tpu.memory_space<hbm>> -> memref<128xi32, #tpu.memory_space<hbm>>
      tpu.enqueue_dma source(%dma_start3A_18 : memref<128xi32, #tpu.memory_space<hbm>>) target(%arg11 : memref<128xi32, #tpu.memory_space<vmem>>) target_semaphore(%arg23 : memref<!tpu.dma_semaphore, #tpu.memory_space<semaphore_mem>>)
      %dma_start3A_19 = tpu.memref_slice %arg7[%add3A_15] : memref<172032xi32, #tpu.memory_space<hbm>> -> memref<128xi32, #tpu.memory_space<hbm>>
      %dma_start3A_20 = tpu.memref_slice %arg7[%add3A_15] : memref<172032xi32, #tpu.memory_space<hbm>> -> memref<128xi32, #tpu.memory_space<hbm>>
      tpu.enqueue_dma source(%dma_start3A_20 : memref<128xi32, #tpu.memory_space<hbm>>) target(%arg12 : memref<128xi32, #tpu.memory_space<vmem>>) target_semaphore(%arg23 : memref<!tpu.dma_semaphore, #tpu.memory_space<semaphore_mem>>)
      %dma_wait3A = tpu.memref_slice %arg6[%add3A_15] : memref<172032xi32, #tpu.memory_space<hbm>> -> memref<128xi32, #tpu.memory_space<hbm>>
      %dma_wait3A_21 = tpu.memref_slice %arg6[%add3A_15] : memref<172032xi32, #tpu.memory_space<hbm>> -> memref<128xi32, #tpu.memory_space<hbm>>
      tpu.wait_dma2 semaphore(%arg23 : memref<!tpu.dma_semaphore, #tpu.memory_space<semaphore_mem>>) src(%dma_wait3A_21 : memref<128xi32, #tpu.memory_space<hbm>>) dst(%arg11 : memref<128xi32, #tpu.memory_space<vmem>>)
      %dma_wait3A_22 = tpu.memref_slice %arg7[%add3A_15] : memref<172032xi32, #tpu.memory_space<hbm>> -> memref<128xi32, #tpu.memory_space<hbm>>
      %dma_wait3A_23 = tpu.memref_slice %arg7[%add3A_15] : memref<172032xi32, #tpu.memory_space<hbm>> -> memref<128xi32, #tpu.memory_space<hbm>>
      tpu.wait_dma2 semaphore(%arg23 : memref<!tpu.dma_semaphore, #tpu.memory_space<semaphore_mem>>) src(%dma_wait3A_23 : memref<128xi32, #tpu.memory_space<hbm>>) dst(%arg12 : memref<128xi32, #tpu.memory_space<vmem>>)
      %dma_start3A_24 = arith.constant 0 : i32
      %dma_start3A_25 = arith.constant 0 : i32
      %dma_start3A_26 = tpu.memref_slice %arg2[%dma_start3A_24, %dma_start3A_25] : memref<25000x64xi32, #tpu.memory_space<hbm>> -> memref<25000x64xi32, #tpu.memory_space<hbm>>
      tpu.enqueue_indirect_dma source(%dma_start3A_26 : memref<25000x64xi32, #tpu.memory_space<hbm>>) target(%arg13 : memref<128x64xi32, #tpu.memory_space<vmem>>) offsets(%arg11 : memref<128xi32, #tpu.memory_space<vmem>>) semaphore(%arg24 : memref<!tpu.dma_semaphore, #tpu.memory_space<semaphore_mem>>)
      %dma_start3A_27 = arith.constant 0 : i32
      %dma_start3A_28 = arith.constant 0 : i32
      %dma_start3A_29 = tpu.memref_slice %arg3[%dma_start3A_27, %dma_start3A_28] : memref<25000x64xi32, #tpu.memory_space<hbm>> -> memref<25000x64xi32, #tpu.memory_space<hbm>>
      tpu.enqueue_indirect_dma source(%dma_start3A_29 : memref<25000x64xi32, #tpu.memory_space<hbm>>) target(%arg14 : memref<128x64xi32, #tpu.memory_space<vmem>>) offsets(%arg12 : memref<128xi32, #tpu.memory_space<vmem>>) semaphore(%arg24 : memref<!tpu.dma_semaphore, #tpu.memory_space<semaphore_mem>>)
      %dma_start3A_30 = arith.constant 0 : i32
      %dma_start3A_31 = arith.constant 0 : i32
      %dma_start3A_32 = tpu.memref_slice %arg4[%dma_start3A_30, %dma_start3A_31] : memref<25000x16xf32, #tpu.memory_space<hbm>> -> memref<25000x16xf32, #tpu.memory_space<hbm>>
      tpu.enqueue_indirect_dma source(%dma_start3A_32 : memref<25000x16xf32, #tpu.memory_space<hbm>>) target(%arg15 : memref<128x16xf32, #tpu.memory_space<vmem>>) offsets(%arg11 : memref<128xi32, #tpu.memory_space<vmem>>) semaphore(%arg24 : memref<!tpu.dma_semaphore, #tpu.memory_space<semaphore_mem>>)
      %dma_start3A_33 = arith.constant 0 : i32
      %dma_start3A_34 = arith.constant 0 : i32
      %dma_start3A_35 = tpu.memref_slice %arg5[%dma_start3A_33, %dma_start3A_34] : memref<25000x16xf32, #tpu.memory_space<hbm>> -> memref<25000x16xf32, #tpu.memory_space<hbm>>
      tpu.enqueue_indirect_dma source(%dma_start3A_35 : memref<25000x16xf32, #tpu.memory_space<hbm>>) target(%arg16 : memref<128x16xf32, #tpu.memory_space<vmem>>) offsets(%arg12 : memref<128xi32, #tpu.memory_space<vmem>>) semaphore(%arg24 : memref<!tpu.dma_semaphore, #tpu.memory_space<semaphore_mem>>)
      %dma_start3A_36 = tpu.memref_slice %arg6[%add3A_17] : memref<172032xi32, #tpu.memory_space<hbm>> -> memref<128xi32, #tpu.memory_space<hbm>>
      %dma_start3A_37 = tpu.memref_slice %arg6[%add3A_17] : memref<172032xi32, #tpu.memory_space<hbm>> -> memref<128xi32, #tpu.memory_space<hbm>>
      tpu.enqueue_dma source(%dma_start3A_37 : memref<128xi32, #tpu.memory_space<hbm>>) target(%arg17 : memref<128xi32, #tpu.memory_space<vmem>>) target_semaphore(%arg23 : memref<!tpu.dma_semaphore, #tpu.memory_space<semaphore_mem>>)
      %dma_start3A_38 = tpu.memref_slice %arg7[%add3A_17] : memref<172032xi32, #tpu.memory_space<hbm>> -> memref<128xi32, #tpu.memory_space<hbm>>
      %dma_start3A_39 = tpu.memref_slice %arg7[%add3A_17] : memref<172032xi32, #tpu.memory_space<hbm>> -> memref<128xi32, #tpu.memory_space<hbm>>
      tpu.enqueue_dma source(%dma_start3A_39 : memref<128xi32, #tpu.memory_space<hbm>>) target(%arg18 : memref<128xi32, #tpu.memory_space<vmem>>) target_semaphore(%arg23 : memref<!tpu.dma_semaphore, #tpu.memory_space<semaphore_mem>>)
      %dma_wait3A_40 = tpu.memref_slice %arg6[%add3A_17] : memref<172032xi32, #tpu.memory_space<hbm>> -> memref<128xi32, #tpu.memory_space<hbm>>
      %dma_wait3A_41 = tpu.memref_slice %arg6[%add3A_17] : memref<172032xi32, #tpu.memory_space<hbm>> -> memref<128xi32, #tpu.memory_space<hbm>>
      tpu.wait_dma2 semaphore(%arg23 : memref<!tpu.dma_semaphore, #tpu.memory_space<semaphore_mem>>) src(%dma_wait3A_41 : memref<128xi32, #tpu.memory_space<hbm>>) dst(%arg17 : memref<128xi32, #tpu.memory_space<vmem>>)
      %dma_wait3A_42 = tpu.memref_slice %arg7[%add3A_17] : memref<172032xi32, #tpu.memory_space<hbm>> -> memref<128xi32, #tpu.memory_space<hbm>>
      %dma_wait3A_43 = tpu.memref_slice %arg7[%add3A_17] : memref<172032xi32, #tpu.memory_space<hbm>> -> memref<128xi32, #tpu.memory_space<hbm>>
      tpu.wait_dma2 semaphore(%arg23 : memref<!tpu.dma_semaphore, #tpu.memory_space<semaphore_mem>>) src(%dma_wait3A_43 : memref<128xi32, #tpu.memory_space<hbm>>) dst(%arg18 : memref<128xi32, #tpu.memory_space<vmem>>)
      %dma_start3A_44 = arith.constant 0 : i32
      %dma_start3A_45 = arith.constant 0 : i32
      %dma_start3A_46 = tpu.memref_slice %arg2[%dma_start3A_44, %dma_start3A_45] : memref<25000x64xi32, #tpu.memory_space<hbm>> -> memref<25000x64xi32, #tpu.memory_space<hbm>>
      tpu.enqueue_indirect_dma source(%dma_start3A_46 : memref<25000x64xi32, #tpu.memory_space<hbm>>) target(%arg19 : memref<128x64xi32, #tpu.memory_space<vmem>>) offsets(%arg17 : memref<128xi32, #tpu.memory_space<vmem>>) semaphore(%arg24 : memref<!tpu.dma_semaphore, #tpu.memory_space<semaphore_mem>>)
      %dma_start3A_47 = arith.constant 0 : i32
      %dma_start3A_48 = arith.constant 0 : i32
      %dma_start3A_49 = tpu.memref_slice %arg3[%dma_start3A_47, %dma_start3A_48] : memref<25000x64xi32, #tpu.memory_space<hbm>> -> memref<25000x64xi32, #tpu.memory_space<hbm>>
      tpu.enqueue_indirect_dma source(%dma_start3A_49 : memref<25000x64xi32, #tpu.memory_space<hbm>>) target(%arg20 : memref<128x64xi32, #tpu.memory_space<vmem>>) offsets(%arg18 : memref<128xi32, #tpu.memory_space<vmem>>) semaphore(%arg24 : memref<!tpu.dma_semaphore, #tpu.memory_space<semaphore_mem>>)
      %dma_start3A_50 = arith.constant 0 : i32
      %dma_start3A_51 = arith.constant 0 : i32
      %dma_start3A_52 = tpu.memref_slice %arg4[%dma_start3A_50, %dma_start3A_51] : memref<25000x16xf32, #tpu.memory_space<hbm>> -> memref<25000x16xf32, #tpu.memory_space<hbm>>
      tpu.enqueue_indirect_dma source(%dma_start3A_52 : memref<25000x16xf32, #tpu.memory_space<hbm>>) target(%arg21 : memref<128x16xf32, #tpu.memory_space<vmem>>) offsets(%arg17 : memref<128xi32, #tpu.memory_space<vmem>>) semaphore(%arg24 : memref<!tpu.dma_semaphore, #tpu.memory_space<semaphore_mem>>)
      %dma_start3A_53 = arith.constant 0 : i32
      %dma_start3A_54 = arith.constant 0 : i32
      %dma_start3A_55 = tpu.memref_slice %arg5[%dma_start3A_53, %dma_start3A_54] : memref<25000x16xf32, #tpu.memory_space<hbm>> -> memref<25000x16xf32, #tpu.memory_space<hbm>>
      tpu.enqueue_indirect_dma source(%dma_start3A_55 : memref<25000x16xf32, #tpu.memory_space<hbm>>) target(%arg22 : memref<128x16xf32, #tpu.memory_space<vmem>>) offsets(%arg18 : memref<128xi32, #tpu.memory_space<vmem>>) semaphore(%arg24 : memref<!tpu.dma_semaphore, #tpu.memory_space<semaphore_mem>>)
      %dma_wait3A_56 = arith.constant 0 : i32
      %dma_wait3A_57 = arith.constant 0 : i32
      %dma_wait3A_58 = tpu.memref_slice %arg2[%dma_wait3A_56, %dma_wait3A_57] : memref<25000x64xi32, #tpu.memory_space<hbm>> -> memref<25000x64xi32, #tpu.memory_space<hbm>>
      tpu.wait_indirect_dma semaphore(%arg24 : memref<!tpu.dma_semaphore, #tpu.memory_space<semaphore_mem>>) src(%dma_wait3A_58 : memref<25000x64xi32, #tpu.memory_space<hbm>>) dst(%arg13 : memref<128x64xi32, #tpu.memory_space<vmem>>)
      %dma_wait3A_59 = arith.constant 0 : i32
      %dma_wait3A_60 = arith.constant 0 : i32
      %dma_wait3A_61 = tpu.memref_slice %arg3[%dma_wait3A_59, %dma_wait3A_60] : memref<25000x64xi32, #tpu.memory_space<hbm>> -> memref<25000x64xi32, #tpu.memory_space<hbm>>
      tpu.wait_indirect_dma semaphore(%arg24 : memref<!tpu.dma_semaphore, #tpu.memory_space<semaphore_mem>>) src(%dma_wait3A_61 : memref<25000x64xi32, #tpu.memory_space<hbm>>) dst(%arg14 : memref<128x64xi32, #tpu.memory_space<vmem>>)
      %dma_wait3A_62 = arith.constant 0 : i32
      %dma_wait3A_63 = arith.constant 0 : i32
      %dma_wait3A_64 = tpu.memref_slice %arg4[%dma_wait3A_62, %dma_wait3A_63] : memref<25000x16xf32, #tpu.memory_space<hbm>> -> memref<25000x16xf32, #tpu.memory_space<hbm>>
      tpu.wait_indirect_dma semaphore(%arg24 : memref<!tpu.dma_semaphore, #tpu.memory_space<semaphore_mem>>) src(%dma_wait3A_64 : memref<25000x16xf32, #tpu.memory_space<hbm>>) dst(%arg15 : memref<128x16xf32, #tpu.memory_space<vmem>>)
      %dma_wait3A_65 = arith.constant 0 : i32
      %dma_wait3A_66 = arith.constant 0 : i32
      %dma_wait3A_67 = tpu.memref_slice %arg5[%dma_wait3A_65, %dma_wait3A_66] : memref<25000x16xf32, #tpu.memory_space<hbm>> -> memref<25000x16xf32, #tpu.memory_space<hbm>>
      tpu.wait_indirect_dma semaphore(%arg24 : memref<!tpu.dma_semaphore, #tpu.memory_space<semaphore_mem>>) src(%dma_wait3A_67 : memref<25000x16xf32, #tpu.memory_space<hbm>>) dst(%arg16 : memref<128x16xf32, #tpu.memory_space<vmem>>)
      %dma_start3A_68 = arith.constant 0 : i32
      %dma_start3A_69 = tpu.memref_slice %arg8[%add3A_15, %dma_start3A_68] : memref<172032x128xi32, #tpu.memory_space<hbm>> -> memref<128x64xi32, #tpu.memory_space<hbm>>
      %dma_start3A_70 = arith.constant 0 : i32
      %dma_start3A_71 = tpu.memref_slice %arg8[%add3A_15, %dma_start3A_70] : memref<172032x128xi32, #tpu.memory_space<hbm>> -> memref<128x64xi32, #tpu.memory_space<hbm>>
      tpu.enqueue_dma source(%arg13 : memref<128x64xi32, #tpu.memory_space<vmem>>) target(%dma_start3A_71 : memref<128x64xi32, #tpu.memory_space<hbm>>) target_semaphore(%arg25 : memref<!tpu.dma_semaphore, #tpu.memory_space<semaphore_mem>>)
      %dma_start3A_72 = arith.constant 64 : i32
      %dma_start3A_73 = tpu.memref_slice %arg8[%add3A_15, %dma_start3A_72] : memref<172032x128xi32, #tpu.memory_space<hbm>> -> memref<128x64xi32, #tpu.memory_space<hbm>>
      %dma_start3A_74 = arith.constant 64 : i32
      %dma_start3A_75 = tpu.memref_slice %arg8[%add3A_15, %dma_start3A_74] : memref<172032x128xi32, #tpu.memory_space<hbm>> -> memref<128x64xi32, #tpu.memory_space<hbm>>
      tpu.enqueue_dma source(%arg14 : memref<128x64xi32, #tpu.memory_space<vmem>>) target(%dma_start3A_75 : memref<128x64xi32, #tpu.memory_space<hbm>>) target_semaphore(%arg25 : memref<!tpu.dma_semaphore, #tpu.memory_space<semaphore_mem>>)
      %dma_start3A_76 = arith.constant 0 : i32
      %dma_start3A_77 = tpu.memref_slice %arg9[%add3A_15, %dma_start3A_76] : memref<172032x16xf32, #tpu.memory_space<hbm>> -> memref<128x16xf32, #tpu.memory_space<hbm>>
      %dma_start3A_78 = arith.constant 0 : i32
      %dma_start3A_79 = tpu.memref_slice %arg9[%add3A_15, %dma_start3A_78] : memref<172032x16xf32, #tpu.memory_space<hbm>> -> memref<128x16xf32, #tpu.memory_space<hbm>>
      tpu.enqueue_dma source(%arg15 : memref<128x16xf32, #tpu.memory_space<vmem>>) target(%dma_start3A_79 : memref<128x16xf32, #tpu.memory_space<hbm>>) target_semaphore(%arg25 : memref<!tpu.dma_semaphore, #tpu.memory_space<semaphore_mem>>)
      %dma_start3A_80 = arith.constant 0 : i32
      %dma_start3A_81 = tpu.memref_slice %arg10[%add3A_15, %dma_start3A_80] : memref<172032x16xf32, #tpu.memory_space<hbm>> -> memref<128x16xf32, #tpu.memory_space<hbm>>
      %dma_start3A_82 = arith.constant 0 : i32
      %dma_start3A_83 = tpu.memref_slice %arg10[%add3A_15, %dma_start3A_82] : memref<172032x16xf32, #tpu.memory_space<hbm>> -> memref<128x16xf32, #tpu.memory_space<hbm>>
      tpu.enqueue_dma source(%arg16 : memref<128x16xf32, #tpu.memory_space<vmem>>) target(%dma_start3A_83 : memref<128x16xf32, #tpu.memory_space<hbm>>) target_semaphore(%arg25 : memref<!tpu.dma_semaphore, #tpu.memory_space<semaphore_mem>>)
      %dma_wait3A_84 = arith.constant 0 : i32
      %dma_wait3A_85 = arith.constant 0 : i32
      %dma_wait3A_86 = tpu.memref_slice %arg2[%dma_wait3A_84, %dma_wait3A_85] : memref<25000x64xi32, #tpu.memory_space<hbm>> -> memref<25000x64xi32, #tpu.memory_space<hbm>>
      tpu.wait_indirect_dma semaphore(%arg24 : memref<!tpu.dma_semaphore, #tpu.memory_space<semaphore_mem>>) src(%dma_wait3A_86 : memref<25000x64xi32, #tpu.memory_space<hbm>>) dst(%arg19 : memref<128x64xi32, #tpu.memory_space<vmem>>)
      %dma_wait3A_87 = arith.constant 0 : i32
      %dma_wait3A_88 = arith.constant 0 : i32
      %dma_wait3A_89 = tpu.memref_slice %arg3[%dma_wait3A_87, %dma_wait3A_88] : memref<25000x64xi32, #tpu.memory_space<hbm>> -> memref<25000x64xi32, #tpu.memory_space<hbm>>
      tpu.wait_indirect_dma semaphore(%arg24 : memref<!tpu.dma_semaphore, #tpu.memory_space<semaphore_mem>>) src(%dma_wait3A_89 : memref<25000x64xi32, #tpu.memory_space<hbm>>) dst(%arg20 : memref<128x64xi32, #tpu.memory_space<vmem>>)
      %dma_wait3A_90 = arith.constant 0 : i32
      %dma_wait3A_91 = arith.constant 0 : i32
      %dma_wait3A_92 = tpu.memref_slice %arg4[%dma_wait3A_90, %dma_wait3A_91] : memref<25000x16xf32, #tpu.memory_space<hbm>> -> memref<25000x16xf32, #tpu.memory_space<hbm>>
      tpu.wait_indirect_dma semaphore(%arg24 : memref<!tpu.dma_semaphore, #tpu.memory_space<semaphore_mem>>) src(%dma_wait3A_92 : memref<25000x16xf32, #tpu.memory_space<hbm>>) dst(%arg21 : memref<128x16xf32, #tpu.memory_space<vmem>>)
      %dma_wait3A_93 = arith.constant 0 : i32
      %dma_wait3A_94 = arith.constant 0 : i32
      %dma_wait3A_95 = tpu.memref_slice %arg5[%dma_wait3A_93, %dma_wait3A_94] : memref<25000x16xf32, #tpu.memory_space<hbm>> -> memref<25000x16xf32, #tpu.memory_space<hbm>>
      tpu.wait_indirect_dma semaphore(%arg24 : memref<!tpu.dma_semaphore, #tpu.memory_space<semaphore_mem>>) src(%dma_wait3A_95 : memref<25000x16xf32, #tpu.memory_space<hbm>>) dst(%arg22 : memref<128x16xf32, #tpu.memory_space<vmem>>)
      %dma_start3A_96 = arith.constant 0 : i32
      %dma_start3A_97 = tpu.memref_slice %arg8[%add3A_17, %dma_start3A_96] : memref<172032x128xi32, #tpu.memory_space<hbm>> -> memref<128x64xi32, #tpu.memory_space<hbm>>
      %dma_start3A_98 = arith.constant 0 : i32
      %dma_start3A_99 = tpu.memref_slice %arg8[%add3A_17, %dma_start3A_98] : memref<172032x128xi32, #tpu.memory_space<hbm>> -> memref<128x64xi32, #tpu.memory_space<hbm>>
      tpu.enqueue_dma source(%arg19 : memref<128x64xi32, #tpu.memory_space<vmem>>) target(%dma_start3A_99 : memref<128x64xi32, #tpu.memory_space<hbm>>) target_semaphore(%arg25 : memref<!tpu.dma_semaphore, #tpu.memory_space<semaphore_mem>>)
      %dma_start3A_100 = arith.constant 64 : i32
      %dma_start3A_101 = tpu.memref_slice %arg8[%add3A_17, %dma_start3A_100] : memref<172032x128xi32, #tpu.memory_space<hbm>> -> memref<128x64xi32, #tpu.memory_space<hbm>>
      %dma_start3A_102 = arith.constant 64 : i32
      %dma_start3A_103 = tpu.memref_slice %arg8[%add3A_17, %dma_start3A_102] : memref<172032x128xi32, #tpu.memory_space<hbm>> -> memref<128x64xi32, #tpu.memory_space<hbm>>
      tpu.enqueue_dma source(%arg20 : memref<128x64xi32, #tpu.memory_space<vmem>>) target(%dma_start3A_103 : memref<128x64xi32, #tpu.memory_space<hbm>>) target_semaphore(%arg25 : memref<!tpu.dma_semaphore, #tpu.memory_space<semaphore_mem>>)
      %dma_start3A_104 = arith.constant 0 : i32
      %dma_start3A_105 = tpu.memref_slice %arg9[%add3A_17, %dma_start3A_104] : memref<172032x16xf32, #tpu.memory_space<hbm>> -> memref<128x16xf32, #tpu.memory_space<hbm>>
      %dma_start3A_106 = arith.constant 0 : i32
      %dma_start3A_107 = tpu.memref_slice %arg9[%add3A_17, %dma_start3A_106] : memref<172032x16xf32, #tpu.memory_space<hbm>> -> memref<128x16xf32, #tpu.memory_space<hbm>>
      tpu.enqueue_dma source(%arg21 : memref<128x16xf32, #tpu.memory_space<vmem>>) target(%dma_start3A_107 : memref<128x16xf32, #tpu.memory_space<hbm>>) target_semaphore(%arg25 : memref<!tpu.dma_semaphore, #tpu.memory_space<semaphore_mem>>)
      %dma_start3A_108 = arith.constant 0 : i32
      %dma_start3A_109 = tpu.memref_slice %arg10[%add3A_17, %dma_start3A_108] : memref<172032x16xf32, #tpu.memory_space<hbm>> -> memref<128x16xf32, #tpu.memory_space<hbm>>
      %dma_start3A_110 = arith.constant 0 : i32
      %dma_start3A_111 = tpu.memref_slice %arg10[%add3A_17, %dma_start3A_110] : memref<172032x16xf32, #tpu.memory_space<hbm>> -> memref<128x16xf32, #tpu.memory_space<hbm>>
      tpu.enqueue_dma source(%arg22 : memref<128x16xf32, #tpu.memory_space<vmem>>) target(%dma_start3A_111 : memref<128x16xf32, #tpu.memory_space<hbm>>) target_semaphore(%arg25 : memref<!tpu.dma_semaphore, #tpu.memory_space<semaphore_mem>>)
      %dma_wait3A_112 = arith.constant 0 : i32
      %dma_wait3A_113 = tpu.memref_slice %arg8[%add3A_15, %dma_wait3A_112] : memref<172032x128xi32, #tpu.memory_space<hbm>> -> memref<128x64xi32, #tpu.memory_space<hbm>>
      %dma_wait3A_114 = arith.constant 0 : i32
      %dma_wait3A_115 = tpu.memref_slice %arg8[%add3A_15, %dma_wait3A_114] : memref<172032x128xi32, #tpu.memory_space<hbm>> -> memref<128x64xi32, #tpu.memory_space<hbm>>
      tpu.wait_dma2 semaphore(%arg25 : memref<!tpu.dma_semaphore, #tpu.memory_space<semaphore_mem>>) src(%arg13 : memref<128x64xi32, #tpu.memory_space<vmem>>) dst(%dma_wait3A_115 : memref<128x64xi32, #tpu.memory_space<hbm>>)
      %dma_wait3A_116 = arith.constant 64 : i32
      %dma_wait3A_117 = tpu.memref_slice %arg8[%add3A_15, %dma_wait3A_116] : memref<172032x128xi32, #tpu.memory_space<hbm>> -> memref<128x64xi32, #tpu.memory_space<hbm>>
      %dma_wait3A_118 = arith.constant 64 : i32
      %dma_wait3A_119 = tpu.memref_slice %arg8[%add3A_15, %dma_wait3A_118] : memref<172032x128xi32, #tpu.memory_space<hbm>> -> memref<128x64xi32, #tpu.memory_space<hbm>>
      tpu.wait_dma2 semaphore(%arg25 : memref<!tpu.dma_semaphore, #tpu.memory_space<semaphore_mem>>) src(%arg14 : memref<128x64xi32, #tpu.memory_space<vmem>>) dst(%dma_wait3A_119 : memref<128x64xi32, #tpu.memory_space<hbm>>)
      %dma_wait3A_120 = arith.constant 0 : i32
      %dma_wait3A_121 = tpu.memref_slice %arg9[%add3A_15, %dma_wait3A_120] : memref<172032x16xf32, #tpu.memory_space<hbm>> -> memref<128x16xf32, #tpu.memory_space<hbm>>
      %dma_wait3A_122 = arith.constant 0 : i32
      %dma_wait3A_123 = tpu.memref_slice %arg9[%add3A_15, %dma_wait3A_122] : memref<172032x16xf32, #tpu.memory_space<hbm>> -> memref<128x16xf32, #tpu.memory_space<hbm>>
      tpu.wait_dma2 semaphore(%arg25 : memref<!tpu.dma_semaphore, #tpu.memory_space<semaphore_mem>>) src(%arg15 : memref<128x16xf32, #tpu.memory_space<vmem>>) dst(%dma_wait3A_123 : memref<128x16xf32, #tpu.memory_space<hbm>>)
      %dma_wait3A_124 = arith.constant 0 : i32
      %dma_wait3A_125 = tpu.memref_slice %arg10[%add3A_15, %dma_wait3A_124] : memref<172032x16xf32, #tpu.memory_space<hbm>> -> memref<128x16xf32, #tpu.memory_space<hbm>>
      %dma_wait3A_126 = arith.constant 0 : i32
      %dma_wait3A_127 = tpu.memref_slice %arg10[%add3A_15, %dma_wait3A_126] : memref<172032x16xf32, #tpu.memory_space<hbm>> -> memref<128x16xf32, #tpu.memory_space<hbm>>
      tpu.wait_dma2 semaphore(%arg25 : memref<!tpu.dma_semaphore, #tpu.memory_space<semaphore_mem>>) src(%arg16 : memref<128x16xf32, #tpu.memory_space<vmem>>) dst(%dma_wait3A_127 : memref<128x16xf32, #tpu.memory_space<hbm>>)
      %dma_wait3A_128 = arith.constant 0 : i32
      %dma_wait3A_129 = tpu.memref_slice %arg8[%add3A_17, %dma_wait3A_128] : memref<172032x128xi32, #tpu.memory_space<hbm>> -> memref<128x64xi32, #tpu.memory_space<hbm>>
      %dma_wait3A_130 = arith.constant 0 : i32
      %dma_wait3A_131 = tpu.memref_slice %arg8[%add3A_17, %dma_wait3A_130] : memref<172032x128xi32, #tpu.memory_space<hbm>> -> memref<128x64xi32, #tpu.memory_space<hbm>>
      tpu.wait_dma2 semaphore(%arg25 : memref<!tpu.dma_semaphore, #tpu.memory_space<semaphore_mem>>) src(%arg19 : memref<128x64xi32, #tpu.memory_space<vmem>>) dst(%dma_wait3A_131 : memref<128x64xi32, #tpu.memory_space<hbm>>)
      %dma_wait3A_132 = arith.constant 64 : i32
      %dma_wait3A_133 = tpu.memref_slice %arg8[%add3A_17, %dma_wait3A_132] : memref<172032x128xi32, #tpu.memory_space<hbm>> -> memref<128x64xi32, #tpu.memory_space<hbm>>
      %dma_wait3A_134 = arith.constant 64 : i32
      %dma_wait3A_135 = tpu.memref_slice %arg8[%add3A_17, %dma_wait3A_134] : memref<172032x128xi32, #tpu.memory_space<hbm>> -> memref<128x64xi32, #tpu.memory_space<hbm>>
      tpu.wait_dma2 semaphore(%arg25 : memref<!tpu.dma_semaphore, #tpu.memory_space<semaphore_mem>>) src(%arg20 : memref<128x64xi32, #tpu.memory_space<vmem>>) dst(%dma_wait3A_135 : memref<128x64xi32, #tpu.memory_space<hbm>>)
      %dma_wait3A_136 = arith.constant 0 : i32
      %dma_wait3A_137 = tpu.memref_slice %arg9[%add3A_17, %dma_wait3A_136] : memref<172032x16xf32, #tpu.memory_space<hbm>> -> memref<128x16xf32, #tpu.memory_space<hbm>>
      %dma_wait3A_138 = arith.constant 0 : i32
      %dma_wait3A_139 = tpu.memref_slice %arg9[%add3A_17, %dma_wait3A_138] : memref<172032x16xf32, #tpu.memory_space<hbm>> -> memref<128x16xf32, #tpu.memory_space<hbm>>
      tpu.wait_dma2 semaphore(%arg25 : memref<!tpu.dma_semaphore, #tpu.memory_space<semaphore_mem>>) src(%arg21 : memref<128x16xf32, #tpu.memory_space<vmem>>) dst(%dma_wait3A_139 : memref<128x16xf32, #tpu.memory_space<hbm>>)
      %dma_wait3A_140 = arith.constant 0 : i32
      %dma_wait3A_141 = tpu.memref_slice %arg10[%add3A_17, %dma_wait3A_140] : memref<172032x16xf32, #tpu.memory_space<hbm>> -> memref<128x16xf32, #tpu.memory_space<hbm>>
      %dma_wait3A_142 = arith.constant 0 : i32
      %dma_wait3A_143 = tpu.memref_slice %arg10[%add3A_17, %dma_wait3A_142] : memref<172032x16xf32, #tpu.memory_space<hbm>> -> memref<128x16xf32, #tpu.memory_space<hbm>>
      tpu.wait_dma2 semaphore(%arg25 : memref<!tpu.dma_semaphore, #tpu.memory_space<semaphore_mem>>) src(%arg22 : memref<128x16xf32, #tpu.memory_space<vmem>>) dst(%dma_wait3A_143 : memref<128x16xf32, #tpu.memory_space<hbm>>)
      %scan3A_144 = arith.constant 0 : i32
      scf.yield %scan3A_144 : i32
    }
    %scan3A_6 = arith.constant 21 : i32
    return
  }
}

#map = affine_map<(d0, d1) -> (0, 0)>
#map1 = affine_map<(d0, d1) -> (0)>
module attributes {stable_mosaic.version = 14 : i64} {
  func.func @_sc_scatter_body(%arg0: i32, %arg1: i32, %arg2: memref<229376x128xf32, #tpu.memory_space<hbm>>, %arg3: memref<229376x16xf32, #tpu.memory_space<hbm>>, %arg4: memref<229376xi32, #tpu.memory_space<hbm>>, %arg5: memref<25088x128xf32, #tpu.memory_space<hbm>>, %arg6: memref<25088x16xf32, #tpu.memory_space<hbm>>, %arg7: memref<25088x128xf32, #tpu.memory_space<hbm>>, %arg8: memref<25088x16xf32, #tpu.memory_space<hbm>>, %arg9: memref<112xi32, #tpu.memory_space<vmem>>, %arg10: memref<112x64xf32, #tpu.memory_space<vmem>>, %arg11: memref<112x8xf32, #tpu.memory_space<vmem>>, %arg12: memref<112xi32, #tpu.memory_space<vmem>>, %arg13: memref<112x64xf32, #tpu.memory_space<vmem>>, %arg14: memref<112x8xf32, #tpu.memory_space<vmem>>, %arg15: memref<25088x64xf32, #tpu.memory_space<vmem_shared>>, %arg16: memref<25088x8xf32, #tpu.memory_space<vmem_shared>>, %arg17: memref<!tpu.dma_semaphore, #tpu.memory_space<semaphore_mem>>, %arg18: memref<!tpu.dma_semaphore, #tpu.memory_space<semaphore_mem>>) attributes {dimension_semantics = [#tpu.dimension_semantics<core_parallel>, #tpu.dimension_semantics<subcore_parallel>], iteration_bounds = array<i64: 2, 16>, scalar_prefetch = 0 : i64, scratch_operands = 10 : i64, tpu.core_type = #tpu.core_type<sc_vector_subcore>, window_params = [{transform_indices = #map}, {transform_indices = #map}, {transform_indices = #map1}, {transform_indices = #map}, {transform_indices = #map}, {transform_indices = #map}, {transform_indices = #map}]} {
    %mul3A = arith.constant 1568 : i32
    %mul3A_0 = arith.muli %arg1, %mul3A : i32
    %mul3A_1 = arith.constant 64 : i32
    %mul3A_2 = arith.muli %arg0, %mul3A_1 : i32
    "tpu.region"() ({
      %run_scoped3A = tpu.sem_alloc : memref<!tpu.dma_semaphore, #tpu.memory_space<semaphore_mem>>
      %dma_start3A = arith.constant 0 : i32
      %dma_start3A_16 = tpu.memref_slice %arg15[%mul3A_0, %dma_start3A] : memref<25088x64xf32, #tpu.memory_space<vmem_shared>> -> memref<1568x64xf32, #tpu.memory_space<vmem_shared>>
      %dma_start3A_17 = tpu.memref_slice %arg5[%mul3A_0, %mul3A_2] : memref<25088x128xf32, #tpu.memory_space<hbm>> -> memref<1568x64xf32, #tpu.memory_space<hbm>>
      tpu.enqueue_dma source(%dma_start3A_17 : memref<1568x64xf32, #tpu.memory_space<hbm>>) target(%dma_start3A_16 : memref<1568x64xf32, #tpu.memory_space<vmem_shared>>) target_semaphore(%run_scoped3A : memref<!tpu.dma_semaphore, #tpu.memory_space<semaphore_mem>>)
      %dma_wait3A = arith.constant 0 : i32
      %dma_wait3A_18 = tpu.memref_slice %arg15[%mul3A_0, %dma_wait3A] : memref<25088x64xf32, #tpu.memory_space<vmem_shared>> -> memref<1568x64xf32, #tpu.memory_space<vmem_shared>>
      %dma_wait3A_19 = tpu.memref_slice %arg5[%mul3A_0, %mul3A_2] : memref<25088x128xf32, #tpu.memory_space<hbm>> -> memref<1568x64xf32, #tpu.memory_space<hbm>>
      tpu.wait_dma2 semaphore(%run_scoped3A : memref<!tpu.dma_semaphore, #tpu.memory_space<semaphore_mem>>) src(%dma_wait3A_19 : memref<1568x64xf32, #tpu.memory_space<hbm>>) dst(%dma_wait3A_18 : memref<1568x64xf32, #tpu.memory_space<vmem_shared>>)
      tpu.yield
    }) : () -> ()
    %mul3A_3 = arith.constant 8 : i32
    %mul3A_4 = arith.muli %arg0, %mul3A_3 : i32
    "tpu.region"() ({
      %run_scoped3A = tpu.sem_alloc : memref<!tpu.dma_semaphore, #tpu.memory_space<semaphore_mem>>
      %dma_start3A = arith.constant 0 : i32
      %dma_start3A_16 = tpu.memref_slice %arg16[%mul3A_0, %dma_start3A] : memref<25088x8xf32, #tpu.memory_space<vmem_shared>> -> memref<1568x8xf32, #tpu.memory_space<vmem_shared>>
      %dma_start3A_17 = tpu.memref_slice %arg6[%mul3A_0, %mul3A_4] : memref<25088x16xf32, #tpu.memory_space<hbm>> -> memref<1568x8xf32, #tpu.memory_space<hbm>>
      tpu.enqueue_dma source(%dma_start3A_17 : memref<1568x8xf32, #tpu.memory_space<hbm>>) target(%dma_start3A_16 : memref<1568x8xf32, #tpu.memory_space<vmem_shared>>) target_semaphore(%run_scoped3A : memref<!tpu.dma_semaphore, #tpu.memory_space<semaphore_mem>>)
      %dma_wait3A = arith.constant 0 : i32
      %dma_wait3A_18 = tpu.memref_slice %arg16[%mul3A_0, %dma_wait3A] : memref<25088x8xf32, #tpu.memory_space<vmem_shared>> -> memref<1568x8xf32, #tpu.memory_space<vmem_shared>>
      %dma_wait3A_19 = tpu.memref_slice %arg6[%mul3A_0, %mul3A_4] : memref<25088x16xf32, #tpu.memory_space<hbm>> -> memref<1568x8xf32, #tpu.memory_space<hbm>>
      tpu.wait_dma2 semaphore(%run_scoped3A : memref<!tpu.dma_semaphore, #tpu.memory_space<semaphore_mem>>) src(%dma_wait3A_19 : memref<1568x8xf32, #tpu.memory_space<hbm>>) dst(%dma_wait3A_18 : memref<1568x8xf32, #tpu.memory_space<vmem_shared>>)
      tpu.yield
    }) : () -> ()
    %barrier3A = arith.constant 0 : index
    tpu.barrier barrier_id(%barrier3A)
    %scan3A = arith.constant 0 : i32
    %scan3A_5 = arith.constant 0 : i32
    %scan3A_6 = arith.constant 64 : i32
    %scan3A_7 = arith.addi %scan3A_5, %scan3A_6 : i32
    %scan3A_8 = arith.constant 1 : i32
    %scan3A_9 = scf.for %scan3A_16 = %scan3A_5 to %scan3A_7 step %scan3A_8 iter_args(%scan3A_17 = %scan3A) -> (i32)  : i32 {
      %mul3A_18 = arith.constant 14336 : i32
      %mul3A_19 = arith.muli %arg1, %mul3A_18 : i32
      %mul3A_20 = arith.constant 2 : i32
      %mul3A_21 = arith.muli %mul3A_20, %scan3A_16 : i32
      %mul3A_22 = arith.constant 112 : i32
      %mul3A_23 = arith.muli %mul3A_21, %mul3A_22 : i32
      %add3A = arith.addi %mul3A_19, %mul3A_23 : i32
      %add3A_24 = arith.constant 112 : i32
      %add3A_25 = arith.addi %add3A, %add3A_24 : i32
      %dma_start3A = tpu.memref_slice %arg4[%add3A] : memref<229376xi32, #tpu.memory_space<hbm>> -> memref<112xi32, #tpu.memory_space<hbm>>
      %dma_start3A_26 = tpu.memref_slice %arg4[%add3A] : memref<229376xi32, #tpu.memory_space<hbm>> -> memref<112xi32, #tpu.memory_space<hbm>>
      tpu.enqueue_dma source(%dma_start3A_26 : memref<112xi32, #tpu.memory_space<hbm>>) target(%arg9 : memref<112xi32, #tpu.memory_space<vmem>>) target_semaphore(%arg17 : memref<!tpu.dma_semaphore, #tpu.memory_space<semaphore_mem>>)
      %mul3A_27 = arith.constant 64 : i32
      %mul3A_28 = arith.muli %arg0, %mul3A_27 : i32
      %dma_start3A_29 = tpu.memref_slice %arg2[%add3A, %mul3A_28] : memref<229376x128xf32, #tpu.memory_space<hbm>> -> memref<112x64xf32, #tpu.memory_space<hbm>>
      %dma_start3A_30 = tpu.memref_slice %arg2[%add3A, %mul3A_28] : memref<229376x128xf32, #tpu.memory_space<hbm>> -> memref<112x64xf32, #tpu.memory_space<hbm>>
      tpu.enqueue_dma source(%dma_start3A_30 : memref<112x64xf32, #tpu.memory_space<hbm>>) target(%arg10 : memref<112x64xf32, #tpu.memory_space<vmem>>) target_semaphore(%arg17 : memref<!tpu.dma_semaphore, #tpu.memory_space<semaphore_mem>>)
      %mul3A_31 = arith.constant 8 : i32
      %mul3A_32 = arith.muli %arg0, %mul3A_31 : i32
      %dma_start3A_33 = tpu.memref_slice %arg3[%add3A, %mul3A_32] : memref<229376x16xf32, #tpu.memory_space<hbm>> -> memref<112x8xf32, #tpu.memory_space<hbm>>
      %dma_start3A_34 = tpu.memref_slice %arg3[%add3A, %mul3A_32] : memref<229376x16xf32, #tpu.memory_space<hbm>> -> memref<112x8xf32, #tpu.memory_space<hbm>>
      tpu.enqueue_dma source(%dma_start3A_34 : memref<112x8xf32, #tpu.memory_space<hbm>>) target(%arg11 : memref<112x8xf32, #tpu.memory_space<vmem>>) target_semaphore(%arg17 : memref<!tpu.dma_semaphore, #tpu.memory_space<semaphore_mem>>)
      %dma_start3A_35 = tpu.memref_slice %arg4[%add3A_25] : memref<229376xi32, #tpu.memory_space<hbm>> -> memref<112xi32, #tpu.memory_space<hbm>>
      %dma_start3A_36 = tpu.memref_slice %arg4[%add3A_25] : memref<229376xi32, #tpu.memory_space<hbm>> -> memref<112xi32, #tpu.memory_space<hbm>>
      tpu.enqueue_dma source(%dma_start3A_36 : memref<112xi32, #tpu.memory_space<hbm>>) target(%arg12 : memref<112xi32, #tpu.memory_space<vmem>>) target_semaphore(%arg17 : memref<!tpu.dma_semaphore, #tpu.memory_space<semaphore_mem>>)
      %mul3A_37 = arith.constant 64 : i32
      %mul3A_38 = arith.muli %arg0, %mul3A_37 : i32
      %dma_start3A_39 = tpu.memref_slice %arg2[%add3A_25, %mul3A_38] : memref<229376x128xf32, #tpu.memory_space<hbm>> -> memref<112x64xf32, #tpu.memory_space<hbm>>
      %dma_start3A_40 = tpu.memref_slice %arg2[%add3A_25, %mul3A_38] : memref<229376x128xf32, #tpu.memory_space<hbm>> -> memref<112x64xf32, #tpu.memory_space<hbm>>
      tpu.enqueue_dma source(%dma_start3A_40 : memref<112x64xf32, #tpu.memory_space<hbm>>) target(%arg13 : memref<112x64xf32, #tpu.memory_space<vmem>>) target_semaphore(%arg17 : memref<!tpu.dma_semaphore, #tpu.memory_space<semaphore_mem>>)
      %mul3A_41 = arith.constant 8 : i32
      %mul3A_42 = arith.muli %arg0, %mul3A_41 : i32
      %dma_start3A_43 = tpu.memref_slice %arg3[%add3A_25, %mul3A_42] : memref<229376x16xf32, #tpu.memory_space<hbm>> -> memref<112x8xf32, #tpu.memory_space<hbm>>
      %dma_start3A_44 = tpu.memref_slice %arg3[%add3A_25, %mul3A_42] : memref<229376x16xf32, #tpu.memory_space<hbm>> -> memref<112x8xf32, #tpu.memory_space<hbm>>
      tpu.enqueue_dma source(%dma_start3A_44 : memref<112x8xf32, #tpu.memory_space<hbm>>) target(%arg14 : memref<112x8xf32, #tpu.memory_space<vmem>>) target_semaphore(%arg17 : memref<!tpu.dma_semaphore, #tpu.memory_space<semaphore_mem>>)
      %dma_wait3A = tpu.memref_slice %arg4[%add3A] : memref<229376xi32, #tpu.memory_space<hbm>> -> memref<112xi32, #tpu.memory_space<hbm>>
      %dma_wait3A_45 = tpu.memref_slice %arg4[%add3A] : memref<229376xi32, #tpu.memory_space<hbm>> -> memref<112xi32, #tpu.memory_space<hbm>>
      tpu.wait_dma2 semaphore(%arg17 : memref<!tpu.dma_semaphore, #tpu.memory_space<semaphore_mem>>) src(%dma_wait3A_45 : memref<112xi32, #tpu.memory_space<hbm>>) dst(%arg9 : memref<112xi32, #tpu.memory_space<vmem>>)
      %dma_wait3A_46 = tpu.memref_slice %arg2[%add3A, %mul3A_28] : memref<229376x128xf32, #tpu.memory_space<hbm>> -> memref<112x64xf32, #tpu.memory_space<hbm>>
      %dma_wait3A_47 = tpu.memref_slice %arg2[%add3A, %mul3A_28] : memref<229376x128xf32, #tpu.memory_space<hbm>> -> memref<112x64xf32, #tpu.memory_space<hbm>>
      tpu.wait_dma2 semaphore(%arg17 : memref<!tpu.dma_semaphore, #tpu.memory_space<semaphore_mem>>) src(%dma_wait3A_47 : memref<112x64xf32, #tpu.memory_space<hbm>>) dst(%arg10 : memref<112x64xf32, #tpu.memory_space<vmem>>)
      %dma_wait3A_48 = tpu.memref_slice %arg3[%add3A, %mul3A_32] : memref<229376x16xf32, #tpu.memory_space<hbm>> -> memref<112x8xf32, #tpu.memory_space<hbm>>
      %dma_wait3A_49 = tpu.memref_slice %arg3[%add3A, %mul3A_32] : memref<229376x16xf32, #tpu.memory_space<hbm>> -> memref<112x8xf32, #tpu.memory_space<hbm>>
      tpu.wait_dma2 semaphore(%arg17 : memref<!tpu.dma_semaphore, #tpu.memory_space<semaphore_mem>>) src(%dma_wait3A_49 : memref<112x8xf32, #tpu.memory_space<hbm>>) dst(%arg11 : memref<112x8xf32, #tpu.memory_space<vmem>>)
      %dma_start3A_50 = arith.constant 0 : i32
      %dma_start3A_51 = arith.constant 0 : i32
      %dma_start3A_52 = tpu.memref_slice %arg15[%dma_start3A_50, %dma_start3A_51] : memref<25088x64xf32, #tpu.memory_space<vmem_shared>> -> memref<25088x64xf32, #tpu.memory_space<vmem_shared>>
      tpu.enqueue_indirect_dma source(%arg10 : memref<112x64xf32, #tpu.memory_space<vmem>>) target(%dma_start3A_52 : memref<25088x64xf32, #tpu.memory_space<vmem_shared>>) offsets(%arg9 : memref<112xi32, #tpu.memory_space<vmem>>) semaphore(%arg18 : memref<!tpu.dma_semaphore, #tpu.memory_space<semaphore_mem>>) {add = true}
      %dma_start3A_53 = arith.constant 0 : i32
      %dma_start3A_54 = arith.constant 0 : i32
      %dma_start3A_55 = tpu.memref_slice %arg16[%dma_start3A_53, %dma_start3A_54] : memref<25088x8xf32, #tpu.memory_space<vmem_shared>> -> memref<25088x8xf32, #tpu.memory_space<vmem_shared>>
      tpu.enqueue_indirect_dma source(%arg11 : memref<112x8xf32, #tpu.memory_space<vmem>>) target(%dma_start3A_55 : memref<25088x8xf32, #tpu.memory_space<vmem_shared>>) offsets(%arg9 : memref<112xi32, #tpu.memory_space<vmem>>) semaphore(%arg18 : memref<!tpu.dma_semaphore, #tpu.memory_space<semaphore_mem>>) {add = true}
      %dma_wait3A_56 = tpu.memref_slice %arg4[%add3A_25] : memref<229376xi32, #tpu.memory_space<hbm>> -> memref<112xi32, #tpu.memory_space<hbm>>
      %dma_wait3A_57 = tpu.memref_slice %arg4[%add3A_25] : memref<229376xi32, #tpu.memory_space<hbm>> -> memref<112xi32, #tpu.memory_space<hbm>>
      tpu.wait_dma2 semaphore(%arg17 : memref<!tpu.dma_semaphore, #tpu.memory_space<semaphore_mem>>) src(%dma_wait3A_57 : memref<112xi32, #tpu.memory_space<hbm>>) dst(%arg12 : memref<112xi32, #tpu.memory_space<vmem>>)
      %dma_wait3A_58 = tpu.memref_slice %arg2[%add3A_25, %mul3A_38] : memref<229376x128xf32, #tpu.memory_space<hbm>> -> memref<112x64xf32, #tpu.memory_space<hbm>>
      %dma_wait3A_59 = tpu.memref_slice %arg2[%add3A_25, %mul3A_38] : memref<229376x128xf32, #tpu.memory_space<hbm>> -> memref<112x64xf32, #tpu.memory_space<hbm>>
      tpu.wait_dma2 semaphore(%arg17 : memref<!tpu.dma_semaphore, #tpu.memory_space<semaphore_mem>>) src(%dma_wait3A_59 : memref<112x64xf32, #tpu.memory_space<hbm>>) dst(%arg13 : memref<112x64xf32, #tpu.memory_space<vmem>>)
      %dma_wait3A_60 = tpu.memref_slice %arg3[%add3A_25, %mul3A_42] : memref<229376x16xf32, #tpu.memory_space<hbm>> -> memref<112x8xf32, #tpu.memory_space<hbm>>
      %dma_wait3A_61 = tpu.memref_slice %arg3[%add3A_25, %mul3A_42] : memref<229376x16xf32, #tpu.memory_space<hbm>> -> memref<112x8xf32, #tpu.memory_space<hbm>>
      tpu.wait_dma2 semaphore(%arg17 : memref<!tpu.dma_semaphore, #tpu.memory_space<semaphore_mem>>) src(%dma_wait3A_61 : memref<112x8xf32, #tpu.memory_space<hbm>>) dst(%arg14 : memref<112x8xf32, #tpu.memory_space<vmem>>)
      %dma_wait3A_62 = arith.constant 0 : i32
      %dma_wait3A_63 = arith.constant 0 : i32
      %dma_wait3A_64 = tpu.memref_slice %arg15[%dma_wait3A_62, %dma_wait3A_63] : memref<25088x64xf32, #tpu.memory_space<vmem_shared>> -> memref<25088x64xf32, #tpu.memory_space<vmem_shared>>
      tpu.wait_indirect_dma semaphore(%arg18 : memref<!tpu.dma_semaphore, #tpu.memory_space<semaphore_mem>>) src(%arg10 : memref<112x64xf32, #tpu.memory_space<vmem>>) dst(%dma_wait3A_64 : memref<25088x64xf32, #tpu.memory_space<vmem_shared>>)
      %dma_wait3A_65 = arith.constant 0 : i32
      %dma_wait3A_66 = arith.constant 0 : i32
      %dma_wait3A_67 = tpu.memref_slice %arg16[%dma_wait3A_65, %dma_wait3A_66] : memref<25088x8xf32, #tpu.memory_space<vmem_shared>> -> memref<25088x8xf32, #tpu.memory_space<vmem_shared>>
      tpu.wait_indirect_dma semaphore(%arg18 : memref<!tpu.dma_semaphore, #tpu.memory_space<semaphore_mem>>) src(%arg11 : memref<112x8xf32, #tpu.memory_space<vmem>>) dst(%dma_wait3A_67 : memref<25088x8xf32, #tpu.memory_space<vmem_shared>>)
      %dma_start3A_68 = arith.constant 0 : i32
      %dma_start3A_69 = arith.constant 0 : i32
      %dma_start3A_70 = tpu.memref_slice %arg15[%dma_start3A_68, %dma_start3A_69] : memref<25088x64xf32, #tpu.memory_space<vmem_shared>> -> memref<25088x64xf32, #tpu.memory_space<vmem_shared>>
      tpu.enqueue_indirect_dma source(%arg13 : memref<112x64xf32, #tpu.memory_space<vmem>>) target(%dma_start3A_70 : memref<25088x64xf32, #tpu.memory_space<vmem_shared>>) offsets(%arg12 : memref<112xi32, #tpu.memory_space<vmem>>) semaphore(%arg18 : memref<!tpu.dma_semaphore, #tpu.memory_space<semaphore_mem>>) {add = true}
      %dma_start3A_71 = arith.constant 0 : i32
      %dma_start3A_72 = arith.constant 0 : i32
      %dma_start3A_73 = tpu.memref_slice %arg16[%dma_start3A_71, %dma_start3A_72] : memref<25088x8xf32, #tpu.memory_space<vmem_shared>> -> memref<25088x8xf32, #tpu.memory_space<vmem_shared>>
      tpu.enqueue_indirect_dma source(%arg14 : memref<112x8xf32, #tpu.memory_space<vmem>>) target(%dma_start3A_73 : memref<25088x8xf32, #tpu.memory_space<vmem_shared>>) offsets(%arg12 : memref<112xi32, #tpu.memory_space<vmem>>) semaphore(%arg18 : memref<!tpu.dma_semaphore, #tpu.memory_space<semaphore_mem>>) {add = true}
      %dma_wait3A_74 = arith.constant 0 : i32
      %dma_wait3A_75 = arith.constant 0 : i32
      %dma_wait3A_76 = tpu.memref_slice %arg15[%dma_wait3A_74, %dma_wait3A_75] : memref<25088x64xf32, #tpu.memory_space<vmem_shared>> -> memref<25088x64xf32, #tpu.memory_space<vmem_shared>>
      tpu.wait_indirect_dma semaphore(%arg18 : memref<!tpu.dma_semaphore, #tpu.memory_space<semaphore_mem>>) src(%arg13 : memref<112x64xf32, #tpu.memory_space<vmem>>) dst(%dma_wait3A_76 : memref<25088x64xf32, #tpu.memory_space<vmem_shared>>)
      %dma_wait3A_77 = arith.constant 0 : i32
      %dma_wait3A_78 = arith.constant 0 : i32
      %dma_wait3A_79 = tpu.memref_slice %arg16[%dma_wait3A_77, %dma_wait3A_78] : memref<25088x8xf32, #tpu.memory_space<vmem_shared>> -> memref<25088x8xf32, #tpu.memory_space<vmem_shared>>
      tpu.wait_indirect_dma semaphore(%arg18 : memref<!tpu.dma_semaphore, #tpu.memory_space<semaphore_mem>>) src(%arg14 : memref<112x8xf32, #tpu.memory_space<vmem>>) dst(%dma_wait3A_79 : memref<25088x8xf32, #tpu.memory_space<vmem_shared>>)
      %scan3A_80 = arith.constant 0 : i32
      scf.yield %scan3A_80 : i32
    }
    %scan3A_10 = arith.constant 64 : i32
    %barrier3A_11 = arith.constant 0 : index
    tpu.barrier barrier_id(%barrier3A_11)
    %mul3A_12 = arith.constant 64 : i32
    %mul3A_13 = arith.muli %arg0, %mul3A_12 : i32
    "tpu.region"() ({
      %run_scoped3A = tpu.sem_alloc : memref<!tpu.dma_semaphore, #tpu.memory_space<semaphore_mem>>
      %dma_start3A = tpu.memref_slice %arg7[%mul3A_0, %mul3A_13] : memref<25088x128xf32, #tpu.memory_space<hbm>> -> memref<1568x64xf32, #tpu.memory_space<hbm>>
      %dma_start3A_16 = arith.constant 0 : i32
      %dma_start3A_17 = tpu.memref_slice %arg15[%mul3A_0, %dma_start3A_16] : memref<25088x64xf32, #tpu.memory_space<vmem_shared>> -> memref<1568x64xf32, #tpu.memory_space<vmem_shared>>
      tpu.enqueue_dma source(%dma_start3A_17 : memref<1568x64xf32, #tpu.memory_space<vmem_shared>>) target(%dma_start3A : memref<1568x64xf32, #tpu.memory_space<hbm>>) target_semaphore(%run_scoped3A : memref<!tpu.dma_semaphore, #tpu.memory_space<semaphore_mem>>)
      %dma_wait3A = tpu.memref_slice %arg7[%mul3A_0, %mul3A_13] : memref<25088x128xf32, #tpu.memory_space<hbm>> -> memref<1568x64xf32, #tpu.memory_space<hbm>>
      %dma_wait3A_18 = arith.constant 0 : i32
      %dma_wait3A_19 = tpu.memref_slice %arg15[%mul3A_0, %dma_wait3A_18] : memref<25088x64xf32, #tpu.memory_space<vmem_shared>> -> memref<1568x64xf32, #tpu.memory_space<vmem_shared>>
      tpu.wait_dma2 semaphore(%run_scoped3A : memref<!tpu.dma_semaphore, #tpu.memory_space<semaphore_mem>>) src(%dma_wait3A_19 : memref<1568x64xf32, #tpu.memory_space<vmem_shared>>) dst(%dma_wait3A : memref<1568x64xf32, #tpu.memory_space<hbm>>)
      tpu.yield
    }) : () -> ()
    %mul3A_14 = arith.constant 8 : i32
    %mul3A_15 = arith.muli %arg0, %mul3A_14 : i32
    "tpu.region"() ({
      %run_scoped3A = tpu.sem_alloc : memref<!tpu.dma_semaphore, #tpu.memory_space<semaphore_mem>>
      %dma_start3A = tpu.memref_slice %arg8[%mul3A_0, %mul3A_15] : memref<25088x16xf32, #tpu.memory_space<hbm>> -> memref<1568x8xf32, #tpu.memory_space<hbm>>
      %dma_start3A_16 = arith.constant 0 : i32
      %dma_start3A_17 = tpu.memref_slice %arg16[%mul3A_0, %dma_start3A_16] : memref<25088x8xf32, #tpu.memory_space<vmem_shared>> -> memref<1568x8xf32, #tpu.memory_space<vmem_shared>>
      tpu.enqueue_dma source(%dma_start3A_17 : memref<1568x8xf32, #tpu.memory_space<vmem_shared>>) target(%dma_start3A : memref<1568x8xf32, #tpu.memory_space<hbm>>) target_semaphore(%run_scoped3A : memref<!tpu.dma_semaphore, #tpu.memory_space<semaphore_mem>>)
      %dma_wait3A = tpu.memref_slice %arg8[%mul3A_0, %mul3A_15] : memref<25088x16xf32, #tpu.memory_space<hbm>> -> memref<1568x8xf32, #tpu.memory_space<hbm>>
      %dma_wait3A_18 = arith.constant 0 : i32
      %dma_wait3A_19 = tpu.memref_slice %arg16[%mul3A_0, %dma_wait3A_18] : memref<25088x8xf32, #tpu.memory_space<vmem_shared>> -> memref<1568x8xf32, #tpu.memory_space<vmem_shared>>
      tpu.wait_dma2 semaphore(%run_scoped3A : memref<!tpu.dma_semaphore, #tpu.memory_space<semaphore_mem>>) src(%dma_wait3A_19 : memref<1568x8xf32, #tpu.memory_space<vmem_shared>>) dst(%dma_wait3A : memref<1568x8xf32, #tpu.memory_space<hbm>>)
      tpu.yield
    }) : () -> ()
    return
  }
}

#map = affine_map<(d0, d1) -> (0, 0)>
#map1 = affine_map<(d0, d1) -> (0)>
module attributes {stable_mosaic.version = 14 : i64} {
  func.func @_sc_scatter_body(%arg0: i32, %arg1: i32, %arg2: memref<172032x128xf32, #tpu.memory_space<hbm>>, %arg3: memref<172032x16xf32, #tpu.memory_space<hbm>>, %arg4: memref<172032xi32, #tpu.memory_space<hbm>>, %arg5: memref<25088x128xf32, #tpu.memory_space<hbm>>, %arg6: memref<25088x16xf32, #tpu.memory_space<hbm>>, %arg7: memref<25088x128xf32, #tpu.memory_space<hbm>>, %arg8: memref<25088x16xf32, #tpu.memory_space<hbm>>, %arg9: memref<112xi32, #tpu.memory_space<vmem>>, %arg10: memref<112x64xf32, #tpu.memory_space<vmem>>, %arg11: memref<112x8xf32, #tpu.memory_space<vmem>>, %arg12: memref<112xi32, #tpu.memory_space<vmem>>, %arg13: memref<112x64xf32, #tpu.memory_space<vmem>>, %arg14: memref<112x8xf32, #tpu.memory_space<vmem>>, %arg15: memref<25088x64xf32, #tpu.memory_space<vmem_shared>>, %arg16: memref<25088x8xf32, #tpu.memory_space<vmem_shared>>, %arg17: memref<!tpu.dma_semaphore, #tpu.memory_space<semaphore_mem>>, %arg18: memref<!tpu.dma_semaphore, #tpu.memory_space<semaphore_mem>>) attributes {dimension_semantics = [#tpu.dimension_semantics<core_parallel>, #tpu.dimension_semantics<subcore_parallel>], iteration_bounds = array<i64: 2, 16>, scalar_prefetch = 0 : i64, scratch_operands = 10 : i64, tpu.core_type = #tpu.core_type<sc_vector_subcore>, window_params = [{transform_indices = #map}, {transform_indices = #map}, {transform_indices = #map1}, {transform_indices = #map}, {transform_indices = #map}, {transform_indices = #map}, {transform_indices = #map}]} {
    %mul3A = arith.constant 1568 : i32
    %mul3A_0 = arith.muli %arg1, %mul3A : i32
    %mul3A_1 = arith.constant 64 : i32
    %mul3A_2 = arith.muli %arg0, %mul3A_1 : i32
    "tpu.region"() ({
      %run_scoped3A = tpu.sem_alloc : memref<!tpu.dma_semaphore, #tpu.memory_space<semaphore_mem>>
      %dma_start3A = arith.constant 0 : i32
      %dma_start3A_16 = tpu.memref_slice %arg15[%mul3A_0, %dma_start3A] : memref<25088x64xf32, #tpu.memory_space<vmem_shared>> -> memref<1568x64xf32, #tpu.memory_space<vmem_shared>>
      %dma_start3A_17 = tpu.memref_slice %arg5[%mul3A_0, %mul3A_2] : memref<25088x128xf32, #tpu.memory_space<hbm>> -> memref<1568x64xf32, #tpu.memory_space<hbm>>
      tpu.enqueue_dma source(%dma_start3A_17 : memref<1568x64xf32, #tpu.memory_space<hbm>>) target(%dma_start3A_16 : memref<1568x64xf32, #tpu.memory_space<vmem_shared>>) target_semaphore(%run_scoped3A : memref<!tpu.dma_semaphore, #tpu.memory_space<semaphore_mem>>)
      %dma_wait3A = arith.constant 0 : i32
      %dma_wait3A_18 = tpu.memref_slice %arg15[%mul3A_0, %dma_wait3A] : memref<25088x64xf32, #tpu.memory_space<vmem_shared>> -> memref<1568x64xf32, #tpu.memory_space<vmem_shared>>
      %dma_wait3A_19 = tpu.memref_slice %arg5[%mul3A_0, %mul3A_2] : memref<25088x128xf32, #tpu.memory_space<hbm>> -> memref<1568x64xf32, #tpu.memory_space<hbm>>
      tpu.wait_dma2 semaphore(%run_scoped3A : memref<!tpu.dma_semaphore, #tpu.memory_space<semaphore_mem>>) src(%dma_wait3A_19 : memref<1568x64xf32, #tpu.memory_space<hbm>>) dst(%dma_wait3A_18 : memref<1568x64xf32, #tpu.memory_space<vmem_shared>>)
      tpu.yield
    }) : () -> ()
    %mul3A_3 = arith.constant 8 : i32
    %mul3A_4 = arith.muli %arg0, %mul3A_3 : i32
    "tpu.region"() ({
      %run_scoped3A = tpu.sem_alloc : memref<!tpu.dma_semaphore, #tpu.memory_space<semaphore_mem>>
      %dma_start3A = arith.constant 0 : i32
      %dma_start3A_16 = tpu.memref_slice %arg16[%mul3A_0, %dma_start3A] : memref<25088x8xf32, #tpu.memory_space<vmem_shared>> -> memref<1568x8xf32, #tpu.memory_space<vmem_shared>>
      %dma_start3A_17 = tpu.memref_slice %arg6[%mul3A_0, %mul3A_4] : memref<25088x16xf32, #tpu.memory_space<hbm>> -> memref<1568x8xf32, #tpu.memory_space<hbm>>
      tpu.enqueue_dma source(%dma_start3A_17 : memref<1568x8xf32, #tpu.memory_space<hbm>>) target(%dma_start3A_16 : memref<1568x8xf32, #tpu.memory_space<vmem_shared>>) target_semaphore(%run_scoped3A : memref<!tpu.dma_semaphore, #tpu.memory_space<semaphore_mem>>)
      %dma_wait3A = arith.constant 0 : i32
      %dma_wait3A_18 = tpu.memref_slice %arg16[%mul3A_0, %dma_wait3A] : memref<25088x8xf32, #tpu.memory_space<vmem_shared>> -> memref<1568x8xf32, #tpu.memory_space<vmem_shared>>
      %dma_wait3A_19 = tpu.memref_slice %arg6[%mul3A_0, %mul3A_4] : memref<25088x16xf32, #tpu.memory_space<hbm>> -> memref<1568x8xf32, #tpu.memory_space<hbm>>
      tpu.wait_dma2 semaphore(%run_scoped3A : memref<!tpu.dma_semaphore, #tpu.memory_space<semaphore_mem>>) src(%dma_wait3A_19 : memref<1568x8xf32, #tpu.memory_space<hbm>>) dst(%dma_wait3A_18 : memref<1568x8xf32, #tpu.memory_space<vmem_shared>>)
      tpu.yield
    }) : () -> ()
    %barrier3A = arith.constant 0 : index
    tpu.barrier barrier_id(%barrier3A)
    %scan3A = arith.constant 0 : i32
    %scan3A_5 = arith.constant 0 : i32
    %scan3A_6 = arith.constant 48 : i32
    %scan3A_7 = arith.addi %scan3A_5, %scan3A_6 : i32
    %scan3A_8 = arith.constant 1 : i32
    %scan3A_9 = scf.for %scan3A_16 = %scan3A_5 to %scan3A_7 step %scan3A_8 iter_args(%scan3A_17 = %scan3A) -> (i32)  : i32 {
      %mul3A_18 = arith.constant 10752 : i32
      %mul3A_19 = arith.muli %arg1, %mul3A_18 : i32
      %mul3A_20 = arith.constant 2 : i32
      %mul3A_21 = arith.muli %mul3A_20, %scan3A_16 : i32
      %mul3A_22 = arith.constant 112 : i32
      %mul3A_23 = arith.muli %mul3A_21, %mul3A_22 : i32
      %add3A = arith.addi %mul3A_19, %mul3A_23 : i32
      %add3A_24 = arith.constant 112 : i32
      %add3A_25 = arith.addi %add3A, %add3A_24 : i32
      %dma_start3A = tpu.memref_slice %arg4[%add3A] : memref<172032xi32, #tpu.memory_space<hbm>> -> memref<112xi32, #tpu.memory_space<hbm>>
      %dma_start3A_26 = tpu.memref_slice %arg4[%add3A] : memref<172032xi32, #tpu.memory_space<hbm>> -> memref<112xi32, #tpu.memory_space<hbm>>
      tpu.enqueue_dma source(%dma_start3A_26 : memref<112xi32, #tpu.memory_space<hbm>>) target(%arg9 : memref<112xi32, #tpu.memory_space<vmem>>) target_semaphore(%arg17 : memref<!tpu.dma_semaphore, #tpu.memory_space<semaphore_mem>>)
      %mul3A_27 = arith.constant 64 : i32
      %mul3A_28 = arith.muli %arg0, %mul3A_27 : i32
      %dma_start3A_29 = tpu.memref_slice %arg2[%add3A, %mul3A_28] : memref<172032x128xf32, #tpu.memory_space<hbm>> -> memref<112x64xf32, #tpu.memory_space<hbm>>
      %dma_start3A_30 = tpu.memref_slice %arg2[%add3A, %mul3A_28] : memref<172032x128xf32, #tpu.memory_space<hbm>> -> memref<112x64xf32, #tpu.memory_space<hbm>>
      tpu.enqueue_dma source(%dma_start3A_30 : memref<112x64xf32, #tpu.memory_space<hbm>>) target(%arg10 : memref<112x64xf32, #tpu.memory_space<vmem>>) target_semaphore(%arg17 : memref<!tpu.dma_semaphore, #tpu.memory_space<semaphore_mem>>)
      %mul3A_31 = arith.constant 8 : i32
      %mul3A_32 = arith.muli %arg0, %mul3A_31 : i32
      %dma_start3A_33 = tpu.memref_slice %arg3[%add3A, %mul3A_32] : memref<172032x16xf32, #tpu.memory_space<hbm>> -> memref<112x8xf32, #tpu.memory_space<hbm>>
      %dma_start3A_34 = tpu.memref_slice %arg3[%add3A, %mul3A_32] : memref<172032x16xf32, #tpu.memory_space<hbm>> -> memref<112x8xf32, #tpu.memory_space<hbm>>
      tpu.enqueue_dma source(%dma_start3A_34 : memref<112x8xf32, #tpu.memory_space<hbm>>) target(%arg11 : memref<112x8xf32, #tpu.memory_space<vmem>>) target_semaphore(%arg17 : memref<!tpu.dma_semaphore, #tpu.memory_space<semaphore_mem>>)
      %dma_start3A_35 = tpu.memref_slice %arg4[%add3A_25] : memref<172032xi32, #tpu.memory_space<hbm>> -> memref<112xi32, #tpu.memory_space<hbm>>
      %dma_start3A_36 = tpu.memref_slice %arg4[%add3A_25] : memref<172032xi32, #tpu.memory_space<hbm>> -> memref<112xi32, #tpu.memory_space<hbm>>
      tpu.enqueue_dma source(%dma_start3A_36 : memref<112xi32, #tpu.memory_space<hbm>>) target(%arg12 : memref<112xi32, #tpu.memory_space<vmem>>) target_semaphore(%arg17 : memref<!tpu.dma_semaphore, #tpu.memory_space<semaphore_mem>>)
      %mul3A_37 = arith.constant 64 : i32
      %mul3A_38 = arith.muli %arg0, %mul3A_37 : i32
      %dma_start3A_39 = tpu.memref_slice %arg2[%add3A_25, %mul3A_38] : memref<172032x128xf32, #tpu.memory_space<hbm>> -> memref<112x64xf32, #tpu.memory_space<hbm>>
      %dma_start3A_40 = tpu.memref_slice %arg2[%add3A_25, %mul3A_38] : memref<172032x128xf32, #tpu.memory_space<hbm>> -> memref<112x64xf32, #tpu.memory_space<hbm>>
      tpu.enqueue_dma source(%dma_start3A_40 : memref<112x64xf32, #tpu.memory_space<hbm>>) target(%arg13 : memref<112x64xf32, #tpu.memory_space<vmem>>) target_semaphore(%arg17 : memref<!tpu.dma_semaphore, #tpu.memory_space<semaphore_mem>>)
      %mul3A_41 = arith.constant 8 : i32
      %mul3A_42 = arith.muli %arg0, %mul3A_41 : i32
      %dma_start3A_43 = tpu.memref_slice %arg3[%add3A_25, %mul3A_42] : memref<172032x16xf32, #tpu.memory_space<hbm>> -> memref<112x8xf32, #tpu.memory_space<hbm>>
      %dma_start3A_44 = tpu.memref_slice %arg3[%add3A_25, %mul3A_42] : memref<172032x16xf32, #tpu.memory_space<hbm>> -> memref<112x8xf32, #tpu.memory_space<hbm>>
      tpu.enqueue_dma source(%dma_start3A_44 : memref<112x8xf32, #tpu.memory_space<hbm>>) target(%arg14 : memref<112x8xf32, #tpu.memory_space<vmem>>) target_semaphore(%arg17 : memref<!tpu.dma_semaphore, #tpu.memory_space<semaphore_mem>>)
      %dma_wait3A = tpu.memref_slice %arg4[%add3A] : memref<172032xi32, #tpu.memory_space<hbm>> -> memref<112xi32, #tpu.memory_space<hbm>>
      %dma_wait3A_45 = tpu.memref_slice %arg4[%add3A] : memref<172032xi32, #tpu.memory_space<hbm>> -> memref<112xi32, #tpu.memory_space<hbm>>
      tpu.wait_dma2 semaphore(%arg17 : memref<!tpu.dma_semaphore, #tpu.memory_space<semaphore_mem>>) src(%dma_wait3A_45 : memref<112xi32, #tpu.memory_space<hbm>>) dst(%arg9 : memref<112xi32, #tpu.memory_space<vmem>>)
      %dma_wait3A_46 = tpu.memref_slice %arg2[%add3A, %mul3A_28] : memref<172032x128xf32, #tpu.memory_space<hbm>> -> memref<112x64xf32, #tpu.memory_space<hbm>>
      %dma_wait3A_47 = tpu.memref_slice %arg2[%add3A, %mul3A_28] : memref<172032x128xf32, #tpu.memory_space<hbm>> -> memref<112x64xf32, #tpu.memory_space<hbm>>
      tpu.wait_dma2 semaphore(%arg17 : memref<!tpu.dma_semaphore, #tpu.memory_space<semaphore_mem>>) src(%dma_wait3A_47 : memref<112x64xf32, #tpu.memory_space<hbm>>) dst(%arg10 : memref<112x64xf32, #tpu.memory_space<vmem>>)
      %dma_wait3A_48 = tpu.memref_slice %arg3[%add3A, %mul3A_32] : memref<172032x16xf32, #tpu.memory_space<hbm>> -> memref<112x8xf32, #tpu.memory_space<hbm>>
      %dma_wait3A_49 = tpu.memref_slice %arg3[%add3A, %mul3A_32] : memref<172032x16xf32, #tpu.memory_space<hbm>> -> memref<112x8xf32, #tpu.memory_space<hbm>>
      tpu.wait_dma2 semaphore(%arg17 : memref<!tpu.dma_semaphore, #tpu.memory_space<semaphore_mem>>) src(%dma_wait3A_49 : memref<112x8xf32, #tpu.memory_space<hbm>>) dst(%arg11 : memref<112x8xf32, #tpu.memory_space<vmem>>)
      %dma_start3A_50 = arith.constant 0 : i32
      %dma_start3A_51 = arith.constant 0 : i32
      %dma_start3A_52 = tpu.memref_slice %arg15[%dma_start3A_50, %dma_start3A_51] : memref<25088x64xf32, #tpu.memory_space<vmem_shared>> -> memref<25088x64xf32, #tpu.memory_space<vmem_shared>>
      tpu.enqueue_indirect_dma source(%arg10 : memref<112x64xf32, #tpu.memory_space<vmem>>) target(%dma_start3A_52 : memref<25088x64xf32, #tpu.memory_space<vmem_shared>>) offsets(%arg9 : memref<112xi32, #tpu.memory_space<vmem>>) semaphore(%arg18 : memref<!tpu.dma_semaphore, #tpu.memory_space<semaphore_mem>>) {add = true}
      %dma_start3A_53 = arith.constant 0 : i32
      %dma_start3A_54 = arith.constant 0 : i32
      %dma_start3A_55 = tpu.memref_slice %arg16[%dma_start3A_53, %dma_start3A_54] : memref<25088x8xf32, #tpu.memory_space<vmem_shared>> -> memref<25088x8xf32, #tpu.memory_space<vmem_shared>>
      tpu.enqueue_indirect_dma source(%arg11 : memref<112x8xf32, #tpu.memory_space<vmem>>) target(%dma_start3A_55 : memref<25088x8xf32, #tpu.memory_space<vmem_shared>>) offsets(%arg9 : memref<112xi32, #tpu.memory_space<vmem>>) semaphore(%arg18 : memref<!tpu.dma_semaphore, #tpu.memory_space<semaphore_mem>>) {add = true}
      %dma_wait3A_56 = tpu.memref_slice %arg4[%add3A_25] : memref<172032xi32, #tpu.memory_space<hbm>> -> memref<112xi32, #tpu.memory_space<hbm>>
      %dma_wait3A_57 = tpu.memref_slice %arg4[%add3A_25] : memref<172032xi32, #tpu.memory_space<hbm>> -> memref<112xi32, #tpu.memory_space<hbm>>
      tpu.wait_dma2 semaphore(%arg17 : memref<!tpu.dma_semaphore, #tpu.memory_space<semaphore_mem>>) src(%dma_wait3A_57 : memref<112xi32, #tpu.memory_space<hbm>>) dst(%arg12 : memref<112xi32, #tpu.memory_space<vmem>>)
      %dma_wait3A_58 = tpu.memref_slice %arg2[%add3A_25, %mul3A_38] : memref<172032x128xf32, #tpu.memory_space<hbm>> -> memref<112x64xf32, #tpu.memory_space<hbm>>
      %dma_wait3A_59 = tpu.memref_slice %arg2[%add3A_25, %mul3A_38] : memref<172032x128xf32, #tpu.memory_space<hbm>> -> memref<112x64xf32, #tpu.memory_space<hbm>>
      tpu.wait_dma2 semaphore(%arg17 : memref<!tpu.dma_semaphore, #tpu.memory_space<semaphore_mem>>) src(%dma_wait3A_59 : memref<112x64xf32, #tpu.memory_space<hbm>>) dst(%arg13 : memref<112x64xf32, #tpu.memory_space<vmem>>)
      %dma_wait3A_60 = tpu.memref_slice %arg3[%add3A_25, %mul3A_42] : memref<172032x16xf32, #tpu.memory_space<hbm>> -> memref<112x8xf32, #tpu.memory_space<hbm>>
      %dma_wait3A_61 = tpu.memref_slice %arg3[%add3A_25, %mul3A_42] : memref<172032x16xf32, #tpu.memory_space<hbm>> -> memref<112x8xf32, #tpu.memory_space<hbm>>
      tpu.wait_dma2 semaphore(%arg17 : memref<!tpu.dma_semaphore, #tpu.memory_space<semaphore_mem>>) src(%dma_wait3A_61 : memref<112x8xf32, #tpu.memory_space<hbm>>) dst(%arg14 : memref<112x8xf32, #tpu.memory_space<vmem>>)
      %dma_wait3A_62 = arith.constant 0 : i32
      %dma_wait3A_63 = arith.constant 0 : i32
      %dma_wait3A_64 = tpu.memref_slice %arg15[%dma_wait3A_62, %dma_wait3A_63] : memref<25088x64xf32, #tpu.memory_space<vmem_shared>> -> memref<25088x64xf32, #tpu.memory_space<vmem_shared>>
      tpu.wait_indirect_dma semaphore(%arg18 : memref<!tpu.dma_semaphore, #tpu.memory_space<semaphore_mem>>) src(%arg10 : memref<112x64xf32, #tpu.memory_space<vmem>>) dst(%dma_wait3A_64 : memref<25088x64xf32, #tpu.memory_space<vmem_shared>>)
      %dma_wait3A_65 = arith.constant 0 : i32
      %dma_wait3A_66 = arith.constant 0 : i32
      %dma_wait3A_67 = tpu.memref_slice %arg16[%dma_wait3A_65, %dma_wait3A_66] : memref<25088x8xf32, #tpu.memory_space<vmem_shared>> -> memref<25088x8xf32, #tpu.memory_space<vmem_shared>>
      tpu.wait_indirect_dma semaphore(%arg18 : memref<!tpu.dma_semaphore, #tpu.memory_space<semaphore_mem>>) src(%arg11 : memref<112x8xf32, #tpu.memory_space<vmem>>) dst(%dma_wait3A_67 : memref<25088x8xf32, #tpu.memory_space<vmem_shared>>)
      %dma_start3A_68 = arith.constant 0 : i32
      %dma_start3A_69 = arith.constant 0 : i32
      %dma_start3A_70 = tpu.memref_slice %arg15[%dma_start3A_68, %dma_start3A_69] : memref<25088x64xf32, #tpu.memory_space<vmem_shared>> -> memref<25088x64xf32, #tpu.memory_space<vmem_shared>>
      tpu.enqueue_indirect_dma source(%arg13 : memref<112x64xf32, #tpu.memory_space<vmem>>) target(%dma_start3A_70 : memref<25088x64xf32, #tpu.memory_space<vmem_shared>>) offsets(%arg12 : memref<112xi32, #tpu.memory_space<vmem>>) semaphore(%arg18 : memref<!tpu.dma_semaphore, #tpu.memory_space<semaphore_mem>>) {add = true}
      %dma_start3A_71 = arith.constant 0 : i32
      %dma_start3A_72 = arith.constant 0 : i32
      %dma_start3A_73 = tpu.memref_slice %arg16[%dma_start3A_71, %dma_start3A_72] : memref<25088x8xf32, #tpu.memory_space<vmem_shared>> -> memref<25088x8xf32, #tpu.memory_space<vmem_shared>>
      tpu.enqueue_indirect_dma source(%arg14 : memref<112x8xf32, #tpu.memory_space<vmem>>) target(%dma_start3A_73 : memref<25088x8xf32, #tpu.memory_space<vmem_shared>>) offsets(%arg12 : memref<112xi32, #tpu.memory_space<vmem>>) semaphore(%arg18 : memref<!tpu.dma_semaphore, #tpu.memory_space<semaphore_mem>>) {add = true}
      %dma_wait3A_74 = arith.constant 0 : i32
      %dma_wait3A_75 = arith.constant 0 : i32
      %dma_wait3A_76 = tpu.memref_slice %arg15[%dma_wait3A_74, %dma_wait3A_75] : memref<25088x64xf32, #tpu.memory_space<vmem_shared>> -> memref<25088x64xf32, #tpu.memory_space<vmem_shared>>
      tpu.wait_indirect_dma semaphore(%arg18 : memref<!tpu.dma_semaphore, #tpu.memory_space<semaphore_mem>>) src(%arg13 : memref<112x64xf32, #tpu.memory_space<vmem>>) dst(%dma_wait3A_76 : memref<25088x64xf32, #tpu.memory_space<vmem_shared>>)
      %dma_wait3A_77 = arith.constant 0 : i32
      %dma_wait3A_78 = arith.constant 0 : i32
      %dma_wait3A_79 = tpu.memref_slice %arg16[%dma_wait3A_77, %dma_wait3A_78] : memref<25088x8xf32, #tpu.memory_space<vmem_shared>> -> memref<25088x8xf32, #tpu.memory_space<vmem_shared>>
      tpu.wait_indirect_dma semaphore(%arg18 : memref<!tpu.dma_semaphore, #tpu.memory_space<semaphore_mem>>) src(%arg14 : memref<112x8xf32, #tpu.memory_space<vmem>>) dst(%dma_wait3A_79 : memref<25088x8xf32, #tpu.memory_space<vmem_shared>>)
      %scan3A_80 = arith.constant 0 : i32
      scf.yield %scan3A_80 : i32
    }
    %scan3A_10 = arith.constant 48 : i32
    %barrier3A_11 = arith.constant 0 : index
    tpu.barrier barrier_id(%barrier3A_11)
    %mul3A_12 = arith.constant 64 : i32
    %mul3A_13 = arith.muli %arg0, %mul3A_12 : i32
    "tpu.region"() ({
      %run_scoped3A = tpu.sem_alloc : memref<!tpu.dma_semaphore, #tpu.memory_space<semaphore_mem>>
      %dma_start3A = tpu.memref_slice %arg7[%mul3A_0, %mul3A_13] : memref<25088x128xf32, #tpu.memory_space<hbm>> -> memref<1568x64xf32, #tpu.memory_space<hbm>>
      %dma_start3A_16 = arith.constant 0 : i32
      %dma_start3A_17 = tpu.memref_slice %arg15[%mul3A_0, %dma_start3A_16] : memref<25088x64xf32, #tpu.memory_space<vmem_shared>> -> memref<1568x64xf32, #tpu.memory_space<vmem_shared>>
      tpu.enqueue_dma source(%dma_start3A_17 : memref<1568x64xf32, #tpu.memory_space<vmem_shared>>) target(%dma_start3A : memref<1568x64xf32, #tpu.memory_space<hbm>>) target_semaphore(%run_scoped3A : memref<!tpu.dma_semaphore, #tpu.memory_space<semaphore_mem>>)
      %dma_wait3A = tpu.memref_slice %arg7[%mul3A_0, %mul3A_13] : memref<25088x128xf32, #tpu.memory_space<hbm>> -> memref<1568x64xf32, #tpu.memory_space<hbm>>
      %dma_wait3A_18 = arith.constant 0 : i32
      %dma_wait3A_19 = tpu.memref_slice %arg15[%mul3A_0, %dma_wait3A_18] : memref<25088x64xf32, #tpu.memory_space<vmem_shared>> -> memref<1568x64xf32, #tpu.memory_space<vmem_shared>>
      tpu.wait_dma2 semaphore(%run_scoped3A : memref<!tpu.dma_semaphore, #tpu.memory_space<semaphore_mem>>) src(%dma_wait3A_19 : memref<1568x64xf32, #tpu.memory_space<vmem_shared>>) dst(%dma_wait3A : memref<1568x64xf32, #tpu.memory_space<hbm>>)
      tpu.yield
    }) : () -> ()
    %mul3A_14 = arith.constant 8 : i32
    %mul3A_15 = arith.muli %arg0, %mul3A_14 : i32
    "tpu.region"() ({
      %run_scoped3A = tpu.sem_alloc : memref<!tpu.dma_semaphore, #tpu.memory_space<semaphore_mem>>
      %dma_start3A = tpu.memref_slice %arg8[%mul3A_0, %mul3A_15] : memref<25088x16xf32, #tpu.memory_space<hbm>> -> memref<1568x8xf32, #tpu.memory_space<hbm>>
      %dma_start3A_16 = arith.constant 0 : i32
      %dma_start3A_17 = tpu.memref_slice %arg16[%mul3A_0, %dma_start3A_16] : memref<25088x8xf32, #tpu.memory_space<vmem_shared>> -> memref<1568x8xf32, #tpu.memory_space<vmem_shared>>
      tpu.enqueue_dma source(%dma_start3A_17 : memref<1568x8xf32, #tpu.memory_space<vmem_shared>>) target(%dma_start3A : memref<1568x8xf32, #tpu.memory_space<hbm>>) target_semaphore(%run_scoped3A : memref<!tpu.dma_semaphore, #tpu.memory_space<semaphore_mem>>)
      %dma_wait3A = tpu.memref_slice %arg8[%mul3A_0, %mul3A_15] : memref<25088x16xf32, #tpu.memory_space<hbm>> -> memref<1568x8xf32, #tpu.memory_space<hbm>>
      %dma_wait3A_18 = arith.constant 0 : i32
      %dma_wait3A_19 = tpu.memref_slice %arg16[%mul3A_0, %dma_wait3A_18] : memref<25088x8xf32, #tpu.memory_space<vmem_shared>> -> memref<1568x8xf32, #tpu.memory_space<vmem_shared>>
      tpu.wait_dma2 semaphore(%run_scoped3A : memref<!tpu.dma_semaphore, #tpu.memory_space<semaphore_mem>>) src(%dma_wait3A_19 : memref<1568x8xf32, #tpu.memory_space<vmem_shared>>) dst(%dma_wait3A : memref<1568x8xf32, #tpu.memory_space<hbm>>)
      tpu.yield
    }) : () -> ()
    return
  }
}

#map = affine_map<(d0, d1) -> (0, 0)>
#map1 = affine_map<(d0, d1) -> (0)>
module attributes {stable_mosaic.version = 14 : i64} {
  func.func @_sc_gather_body(%arg0: i32, %arg1: i32, %arg2: memref<25000x64xi32, #tpu.memory_space<hbm>>, %arg3: memref<25000x64xi32, #tpu.memory_space<hbm>>, %arg4: memref<25000x16xf32, #tpu.memory_space<hbm>>, %arg5: memref<25000x16xf32, #tpu.memory_space<hbm>>, %arg6: memref<229376xi32, #tpu.memory_space<hbm>>, %arg7: memref<229376xi32, #tpu.memory_space<hbm>>, %arg8: memref<229376x128xi32, #tpu.memory_space<hbm>>, %arg9: memref<229376x16xf32, #tpu.memory_space<hbm>>, %arg10: memref<229376x16xf32, #tpu.memory_space<hbm>>, %arg11: memref<128xi32, #tpu.memory_space<vmem>>, %arg12: memref<128xi32, #tpu.memory_space<vmem>>, %arg13: memref<128x64xi32, #tpu.memory_space<vmem>>, %arg14: memref<128x64xi32, #tpu.memory_space<vmem>>, %arg15: memref<128x16xf32, #tpu.memory_space<vmem>>, %arg16: memref<128x16xf32, #tpu.memory_space<vmem>>, %arg17: memref<128xi32, #tpu.memory_space<vmem>>, %arg18: memref<128xi32, #tpu.memory_space<vmem>>, %arg19: memref<128x64xi32, #tpu.memory_space<vmem>>, %arg20: memref<128x64xi32, #tpu.memory_space<vmem>>, %arg21: memref<128x16xf32, #tpu.memory_space<vmem>>, %arg22: memref<128x16xf32, #tpu.memory_space<vmem>>, %arg23: memref<!tpu.dma_semaphore, #tpu.memory_space<semaphore_mem>>, %arg24: memref<!tpu.dma_semaphore, #tpu.memory_space<semaphore_mem>>, %arg25: memref<!tpu.dma_semaphore, #tpu.memory_space<semaphore_mem>>) attributes {dimension_semantics = [#tpu.dimension_semantics<core_parallel>, #tpu.dimension_semantics<subcore_parallel>], iteration_bounds = array<i64: 2, 16>, scalar_prefetch = 0 : i64, scratch_operands = 15 : i64, tpu.core_type = #tpu.core_type<sc_vector_subcore>, window_params = [{transform_indices = #map}, {transform_indices = #map}, {transform_indices = #map}, {transform_indices = #map}, {transform_indices = #map1}, {transform_indices = #map1}, {transform_indices = #map}, {transform_indices = #map}, {transform_indices = #map}]} {
    %mul3A = arith.constant 2 : i32
    %mul3A_0 = arith.muli %arg1, %mul3A : i32
    %add3A = arith.addi %mul3A_0, %arg0 : i32
    %scan3A = arith.constant 0 : i32
    %scan3A_1 = arith.constant 0 : i32
    %scan3A_2 = arith.constant 28 : i32
    %scan3A_3 = arith.addi %scan3A_1, %scan3A_2 : i32
    %scan3A_4 = arith.constant 1 : i32
    %scan3A_5 = scf.for %scan3A_7 = %scan3A_1 to %scan3A_3 step %scan3A_4 iter_args(%scan3A_8 = %scan3A) -> (i32)  : i32 {
      %mul3A_9 = arith.constant 7168 : i32
      %mul3A_10 = arith.muli %add3A, %mul3A_9 : i32
      %mul3A_11 = arith.constant 2 : i32
      %mul3A_12 = arith.muli %mul3A_11, %scan3A_7 : i32
      %mul3A_13 = arith.constant 128 : i32
      %mul3A_14 = arith.muli %mul3A_12, %mul3A_13 : i32
      %add3A_15 = arith.addi %mul3A_10, %mul3A_14 : i32
      %add3A_16 = arith.constant 128 : i32
      %add3A_17 = arith.addi %add3A_15, %add3A_16 : i32
      %dma_start3A = tpu.memref_slice %arg6[%add3A_15] : memref<229376xi32, #tpu.memory_space<hbm>> -> memref<128xi32, #tpu.memory_space<hbm>>
      %dma_start3A_18 = tpu.memref_slice %arg6[%add3A_15] : memref<229376xi32, #tpu.memory_space<hbm>> -> memref<128xi32, #tpu.memory_space<hbm>>
      tpu.enqueue_dma source(%dma_start3A_18 : memref<128xi32, #tpu.memory_space<hbm>>) target(%arg11 : memref<128xi32, #tpu.memory_space<vmem>>) target_semaphore(%arg23 : memref<!tpu.dma_semaphore, #tpu.memory_space<semaphore_mem>>)
      %dma_start3A_19 = tpu.memref_slice %arg7[%add3A_15] : memref<229376xi32, #tpu.memory_space<hbm>> -> memref<128xi32, #tpu.memory_space<hbm>>
      %dma_start3A_20 = tpu.memref_slice %arg7[%add3A_15] : memref<229376xi32, #tpu.memory_space<hbm>> -> memref<128xi32, #tpu.memory_space<hbm>>
      tpu.enqueue_dma source(%dma_start3A_20 : memref<128xi32, #tpu.memory_space<hbm>>) target(%arg12 : memref<128xi32, #tpu.memory_space<vmem>>) target_semaphore(%arg23 : memref<!tpu.dma_semaphore, #tpu.memory_space<semaphore_mem>>)
      %dma_wait3A = tpu.memref_slice %arg6[%add3A_15] : memref<229376xi32, #tpu.memory_space<hbm>> -> memref<128xi32, #tpu.memory_space<hbm>>
      %dma_wait3A_21 = tpu.memref_slice %arg6[%add3A_15] : memref<229376xi32, #tpu.memory_space<hbm>> -> memref<128xi32, #tpu.memory_space<hbm>>
      tpu.wait_dma2 semaphore(%arg23 : memref<!tpu.dma_semaphore, #tpu.memory_space<semaphore_mem>>) src(%dma_wait3A_21 : memref<128xi32, #tpu.memory_space<hbm>>) dst(%arg11 : memref<128xi32, #tpu.memory_space<vmem>>)
      %dma_wait3A_22 = tpu.memref_slice %arg7[%add3A_15] : memref<229376xi32, #tpu.memory_space<hbm>> -> memref<128xi32, #tpu.memory_space<hbm>>
      %dma_wait3A_23 = tpu.memref_slice %arg7[%add3A_15] : memref<229376xi32, #tpu.memory_space<hbm>> -> memref<128xi32, #tpu.memory_space<hbm>>
      tpu.wait_dma2 semaphore(%arg23 : memref<!tpu.dma_semaphore, #tpu.memory_space<semaphore_mem>>) src(%dma_wait3A_23 : memref<128xi32, #tpu.memory_space<hbm>>) dst(%arg12 : memref<128xi32, #tpu.memory_space<vmem>>)
      %dma_start3A_24 = arith.constant 0 : i32
      %dma_start3A_25 = arith.constant 0 : i32
      %dma_start3A_26 = tpu.memref_slice %arg2[%dma_start3A_24, %dma_start3A_25] : memref<25000x64xi32, #tpu.memory_space<hbm>> -> memref<25000x64xi32, #tpu.memory_space<hbm>>
      tpu.enqueue_indirect_dma source(%dma_start3A_26 : memref<25000x64xi32, #tpu.memory_space<hbm>>) target(%arg13 : memref<128x64xi32, #tpu.memory_space<vmem>>) offsets(%arg11 : memref<128xi32, #tpu.memory_space<vmem>>) semaphore(%arg24 : memref<!tpu.dma_semaphore, #tpu.memory_space<semaphore_mem>>)
      %dma_start3A_27 = arith.constant 0 : i32
      %dma_start3A_28 = arith.constant 0 : i32
      %dma_start3A_29 = tpu.memref_slice %arg3[%dma_start3A_27, %dma_start3A_28] : memref<25000x64xi32, #tpu.memory_space<hbm>> -> memref<25000x64xi32, #tpu.memory_space<hbm>>
      tpu.enqueue_indirect_dma source(%dma_start3A_29 : memref<25000x64xi32, #tpu.memory_space<hbm>>) target(%arg14 : memref<128x64xi32, #tpu.memory_space<vmem>>) offsets(%arg12 : memref<128xi32, #tpu.memory_space<vmem>>) semaphore(%arg24 : memref<!tpu.dma_semaphore, #tpu.memory_space<semaphore_mem>>)
      %dma_start3A_30 = arith.constant 0 : i32
      %dma_start3A_31 = arith.constant 0 : i32
      %dma_start3A_32 = tpu.memref_slice %arg4[%dma_start3A_30, %dma_start3A_31] : memref<25000x16xf32, #tpu.memory_space<hbm>> -> memref<25000x16xf32, #tpu.memory_space<hbm>>
      tpu.enqueue_indirect_dma source(%dma_start3A_32 : memref<25000x16xf32, #tpu.memory_space<hbm>>) target(%arg15 : memref<128x16xf32, #tpu.memory_space<vmem>>) offsets(%arg11 : memref<128xi32, #tpu.memory_space<vmem>>) semaphore(%arg24 : memref<!tpu.dma_semaphore, #tpu.memory_space<semaphore_mem>>)
      %dma_start3A_33 = arith.constant 0 : i32
      %dma_start3A_34 = arith.constant 0 : i32
      %dma_start3A_35 = tpu.memref_slice %arg5[%dma_start3A_33, %dma_start3A_34] : memref<25000x16xf32, #tpu.memory_space<hbm>> -> memref<25000x16xf32, #tpu.memory_space<hbm>>
      tpu.enqueue_indirect_dma source(%dma_start3A_35 : memref<25000x16xf32, #tpu.memory_space<hbm>>) target(%arg16 : memref<128x16xf32, #tpu.memory_space<vmem>>) offsets(%arg12 : memref<128xi32, #tpu.memory_space<vmem>>) semaphore(%arg24 : memref<!tpu.dma_semaphore, #tpu.memory_space<semaphore_mem>>)
      %dma_start3A_36 = tpu.memref_slice %arg6[%add3A_17] : memref<229376xi32, #tpu.memory_space<hbm>> -> memref<128xi32, #tpu.memory_space<hbm>>
      %dma_start3A_37 = tpu.memref_slice %arg6[%add3A_17] : memref<229376xi32, #tpu.memory_space<hbm>> -> memref<128xi32, #tpu.memory_space<hbm>>
      tpu.enqueue_dma source(%dma_start3A_37 : memref<128xi32, #tpu.memory_space<hbm>>) target(%arg17 : memref<128xi32, #tpu.memory_space<vmem>>) target_semaphore(%arg23 : memref<!tpu.dma_semaphore, #tpu.memory_space<semaphore_mem>>)
      %dma_start3A_38 = tpu.memref_slice %arg7[%add3A_17] : memref<229376xi32, #tpu.memory_space<hbm>> -> memref<128xi32, #tpu.memory_space<hbm>>
      %dma_start3A_39 = tpu.memref_slice %arg7[%add3A_17] : memref<229376xi32, #tpu.memory_space<hbm>> -> memref<128xi32, #tpu.memory_space<hbm>>
      tpu.enqueue_dma source(%dma_start3A_39 : memref<128xi32, #tpu.memory_space<hbm>>) target(%arg18 : memref<128xi32, #tpu.memory_space<vmem>>) target_semaphore(%arg23 : memref<!tpu.dma_semaphore, #tpu.memory_space<semaphore_mem>>)
      %dma_wait3A_40 = tpu.memref_slice %arg6[%add3A_17] : memref<229376xi32, #tpu.memory_space<hbm>> -> memref<128xi32, #tpu.memory_space<hbm>>
      %dma_wait3A_41 = tpu.memref_slice %arg6[%add3A_17] : memref<229376xi32, #tpu.memory_space<hbm>> -> memref<128xi32, #tpu.memory_space<hbm>>
      tpu.wait_dma2 semaphore(%arg23 : memref<!tpu.dma_semaphore, #tpu.memory_space<semaphore_mem>>) src(%dma_wait3A_41 : memref<128xi32, #tpu.memory_space<hbm>>) dst(%arg17 : memref<128xi32, #tpu.memory_space<vmem>>)
      %dma_wait3A_42 = tpu.memref_slice %arg7[%add3A_17] : memref<229376xi32, #tpu.memory_space<hbm>> -> memref<128xi32, #tpu.memory_space<hbm>>
      %dma_wait3A_43 = tpu.memref_slice %arg7[%add3A_17] : memref<229376xi32, #tpu.memory_space<hbm>> -> memref<128xi32, #tpu.memory_space<hbm>>
      tpu.wait_dma2 semaphore(%arg23 : memref<!tpu.dma_semaphore, #tpu.memory_space<semaphore_mem>>) src(%dma_wait3A_43 : memref<128xi32, #tpu.memory_space<hbm>>) dst(%arg18 : memref<128xi32, #tpu.memory_space<vmem>>)
      %dma_start3A_44 = arith.constant 0 : i32
      %dma_start3A_45 = arith.constant 0 : i32
      %dma_start3A_46 = tpu.memref_slice %arg2[%dma_start3A_44, %dma_start3A_45] : memref<25000x64xi32, #tpu.memory_space<hbm>> -> memref<25000x64xi32, #tpu.memory_space<hbm>>
      tpu.enqueue_indirect_dma source(%dma_start3A_46 : memref<25000x64xi32, #tpu.memory_space<hbm>>) target(%arg19 : memref<128x64xi32, #tpu.memory_space<vmem>>) offsets(%arg17 : memref<128xi32, #tpu.memory_space<vmem>>) semaphore(%arg24 : memref<!tpu.dma_semaphore, #tpu.memory_space<semaphore_mem>>)
      %dma_start3A_47 = arith.constant 0 : i32
      %dma_start3A_48 = arith.constant 0 : i32
      %dma_start3A_49 = tpu.memref_slice %arg3[%dma_start3A_47, %dma_start3A_48] : memref<25000x64xi32, #tpu.memory_space<hbm>> -> memref<25000x64xi32, #tpu.memory_space<hbm>>
      tpu.enqueue_indirect_dma source(%dma_start3A_49 : memref<25000x64xi32, #tpu.memory_space<hbm>>) target(%arg20 : memref<128x64xi32, #tpu.memory_space<vmem>>) offsets(%arg18 : memref<128xi32, #tpu.memory_space<vmem>>) semaphore(%arg24 : memref<!tpu.dma_semaphore, #tpu.memory_space<semaphore_mem>>)
      %dma_start3A_50 = arith.constant 0 : i32
      %dma_start3A_51 = arith.constant 0 : i32
      %dma_start3A_52 = tpu.memref_slice %arg4[%dma_start3A_50, %dma_start3A_51] : memref<25000x16xf32, #tpu.memory_space<hbm>> -> memref<25000x16xf32, #tpu.memory_space<hbm>>
      tpu.enqueue_indirect_dma source(%dma_start3A_52 : memref<25000x16xf32, #tpu.memory_space<hbm>>) target(%arg21 : memref<128x16xf32, #tpu.memory_space<vmem>>) offsets(%arg17 : memref<128xi32, #tpu.memory_space<vmem>>) semaphore(%arg24 : memref<!tpu.dma_semaphore, #tpu.memory_space<semaphore_mem>>)
      %dma_start3A_53 = arith.constant 0 : i32
      %dma_start3A_54 = arith.constant 0 : i32
      %dma_start3A_55 = tpu.memref_slice %arg5[%dma_start3A_53, %dma_start3A_54] : memref<25000x16xf32, #tpu.memory_space<hbm>> -> memref<25000x16xf32, #tpu.memory_space<hbm>>
      tpu.enqueue_indirect_dma source(%dma_start3A_55 : memref<25000x16xf32, #tpu.memory_space<hbm>>) target(%arg22 : memref<128x16xf32, #tpu.memory_space<vmem>>) offsets(%arg18 : memref<128xi32, #tpu.memory_space<vmem>>) semaphore(%arg24 : memref<!tpu.dma_semaphore, #tpu.memory_space<semaphore_mem>>)
      %dma_wait3A_56 = arith.constant 0 : i32
      %dma_wait3A_57 = arith.constant 0 : i32
      %dma_wait3A_58 = tpu.memref_slice %arg2[%dma_wait3A_56, %dma_wait3A_57] : memref<25000x64xi32, #tpu.memory_space<hbm>> -> memref<25000x64xi32, #tpu.memory_space<hbm>>
      tpu.wait_indirect_dma semaphore(%arg24 : memref<!tpu.dma_semaphore, #tpu.memory_space<semaphore_mem>>) src(%dma_wait3A_58 : memref<25000x64xi32, #tpu.memory_space<hbm>>) dst(%arg13 : memref<128x64xi32, #tpu.memory_space<vmem>>)
      %dma_wait3A_59 = arith.constant 0 : i32
      %dma_wait3A_60 = arith.constant 0 : i32
      %dma_wait3A_61 = tpu.memref_slice %arg3[%dma_wait3A_59, %dma_wait3A_60] : memref<25000x64xi32, #tpu.memory_space<hbm>> -> memref<25000x64xi32, #tpu.memory_space<hbm>>
      tpu.wait_indirect_dma semaphore(%arg24 : memref<!tpu.dma_semaphore, #tpu.memory_space<semaphore_mem>>) src(%dma_wait3A_61 : memref<25000x64xi32, #tpu.memory_space<hbm>>) dst(%arg14 : memref<128x64xi32, #tpu.memory_space<vmem>>)
      %dma_wait3A_62 = arith.constant 0 : i32
      %dma_wait3A_63 = arith.constant 0 : i32
      %dma_wait3A_64 = tpu.memref_slice %arg4[%dma_wait3A_62, %dma_wait3A_63] : memref<25000x16xf32, #tpu.memory_space<hbm>> -> memref<25000x16xf32, #tpu.memory_space<hbm>>
      tpu.wait_indirect_dma semaphore(%arg24 : memref<!tpu.dma_semaphore, #tpu.memory_space<semaphore_mem>>) src(%dma_wait3A_64 : memref<25000x16xf32, #tpu.memory_space<hbm>>) dst(%arg15 : memref<128x16xf32, #tpu.memory_space<vmem>>)
      %dma_wait3A_65 = arith.constant 0 : i32
      %dma_wait3A_66 = arith.constant 0 : i32
      %dma_wait3A_67 = tpu.memref_slice %arg5[%dma_wait3A_65, %dma_wait3A_66] : memref<25000x16xf32, #tpu.memory_space<hbm>> -> memref<25000x16xf32, #tpu.memory_space<hbm>>
      tpu.wait_indirect_dma semaphore(%arg24 : memref<!tpu.dma_semaphore, #tpu.memory_space<semaphore_mem>>) src(%dma_wait3A_67 : memref<25000x16xf32, #tpu.memory_space<hbm>>) dst(%arg16 : memref<128x16xf32, #tpu.memory_space<vmem>>)
      %dma_start3A_68 = arith.constant 0 : i32
      %dma_start3A_69 = tpu.memref_slice %arg8[%add3A_15, %dma_start3A_68] : memref<229376x128xi32, #tpu.memory_space<hbm>> -> memref<128x64xi32, #tpu.memory_space<hbm>>
      %dma_start3A_70 = arith.constant 0 : i32
      %dma_start3A_71 = tpu.memref_slice %arg8[%add3A_15, %dma_start3A_70] : memref<229376x128xi32, #tpu.memory_space<hbm>> -> memref<128x64xi32, #tpu.memory_space<hbm>>
      tpu.enqueue_dma source(%arg13 : memref<128x64xi32, #tpu.memory_space<vmem>>) target(%dma_start3A_71 : memref<128x64xi32, #tpu.memory_space<hbm>>) target_semaphore(%arg25 : memref<!tpu.dma_semaphore, #tpu.memory_space<semaphore_mem>>)
      %dma_start3A_72 = arith.constant 64 : i32
      %dma_start3A_73 = tpu.memref_slice %arg8[%add3A_15, %dma_start3A_72] : memref<229376x128xi32, #tpu.memory_space<hbm>> -> memref<128x64xi32, #tpu.memory_space<hbm>>
      %dma_start3A_74 = arith.constant 64 : i32
      %dma_start3A_75 = tpu.memref_slice %arg8[%add3A_15, %dma_start3A_74] : memref<229376x128xi32, #tpu.memory_space<hbm>> -> memref<128x64xi32, #tpu.memory_space<hbm>>
      tpu.enqueue_dma source(%arg14 : memref<128x64xi32, #tpu.memory_space<vmem>>) target(%dma_start3A_75 : memref<128x64xi32, #tpu.memory_space<hbm>>) target_semaphore(%arg25 : memref<!tpu.dma_semaphore, #tpu.memory_space<semaphore_mem>>)
      %dma_start3A_76 = arith.constant 0 : i32
      %dma_start3A_77 = tpu.memref_slice %arg9[%add3A_15, %dma_start3A_76] : memref<229376x16xf32, #tpu.memory_space<hbm>> -> memref<128x16xf32, #tpu.memory_space<hbm>>
      %dma_start3A_78 = arith.constant 0 : i32
      %dma_start3A_79 = tpu.memref_slice %arg9[%add3A_15, %dma_start3A_78] : memref<229376x16xf32, #tpu.memory_space<hbm>> -> memref<128x16xf32, #tpu.memory_space<hbm>>
      tpu.enqueue_dma source(%arg15 : memref<128x16xf32, #tpu.memory_space<vmem>>) target(%dma_start3A_79 : memref<128x16xf32, #tpu.memory_space<hbm>>) target_semaphore(%arg25 : memref<!tpu.dma_semaphore, #tpu.memory_space<semaphore_mem>>)
      %dma_start3A_80 = arith.constant 0 : i32
      %dma_start3A_81 = tpu.memref_slice %arg10[%add3A_15, %dma_start3A_80] : memref<229376x16xf32, #tpu.memory_space<hbm>> -> memref<128x16xf32, #tpu.memory_space<hbm>>
      %dma_start3A_82 = arith.constant 0 : i32
      %dma_start3A_83 = tpu.memref_slice %arg10[%add3A_15, %dma_start3A_82] : memref<229376x16xf32, #tpu.memory_space<hbm>> -> memref<128x16xf32, #tpu.memory_space<hbm>>
      tpu.enqueue_dma source(%arg16 : memref<128x16xf32, #tpu.memory_space<vmem>>) target(%dma_start3A_83 : memref<128x16xf32, #tpu.memory_space<hbm>>) target_semaphore(%arg25 : memref<!tpu.dma_semaphore, #tpu.memory_space<semaphore_mem>>)
      %dma_wait3A_84 = arith.constant 0 : i32
      %dma_wait3A_85 = arith.constant 0 : i32
      %dma_wait3A_86 = tpu.memref_slice %arg2[%dma_wait3A_84, %dma_wait3A_85] : memref<25000x64xi32, #tpu.memory_space<hbm>> -> memref<25000x64xi32, #tpu.memory_space<hbm>>
      tpu.wait_indirect_dma semaphore(%arg24 : memref<!tpu.dma_semaphore, #tpu.memory_space<semaphore_mem>>) src(%dma_wait3A_86 : memref<25000x64xi32, #tpu.memory_space<hbm>>) dst(%arg19 : memref<128x64xi32, #tpu.memory_space<vmem>>)
      %dma_wait3A_87 = arith.constant 0 : i32
      %dma_wait3A_88 = arith.constant 0 : i32
      %dma_wait3A_89 = tpu.memref_slice %arg3[%dma_wait3A_87, %dma_wait3A_88] : memref<25000x64xi32, #tpu.memory_space<hbm>> -> memref<25000x64xi32, #tpu.memory_space<hbm>>
      tpu.wait_indirect_dma semaphore(%arg24 : memref<!tpu.dma_semaphore, #tpu.memory_space<semaphore_mem>>) src(%dma_wait3A_89 : memref<25000x64xi32, #tpu.memory_space<hbm>>) dst(%arg20 : memref<128x64xi32, #tpu.memory_space<vmem>>)
      %dma_wait3A_90 = arith.constant 0 : i32
      %dma_wait3A_91 = arith.constant 0 : i32
      %dma_wait3A_92 = tpu.memref_slice %arg4[%dma_wait3A_90, %dma_wait3A_91] : memref<25000x16xf32, #tpu.memory_space<hbm>> -> memref<25000x16xf32, #tpu.memory_space<hbm>>
      tpu.wait_indirect_dma semaphore(%arg24 : memref<!tpu.dma_semaphore, #tpu.memory_space<semaphore_mem>>) src(%dma_wait3A_92 : memref<25000x16xf32, #tpu.memory_space<hbm>>) dst(%arg21 : memref<128x16xf32, #tpu.memory_space<vmem>>)
      %dma_wait3A_93 = arith.constant 0 : i32
      %dma_wait3A_94 = arith.constant 0 : i32
      %dma_wait3A_95 = tpu.memref_slice %arg5[%dma_wait3A_93, %dma_wait3A_94] : memref<25000x16xf32, #tpu.memory_space<hbm>> -> memref<25000x16xf32, #tpu.memory_space<hbm>>
      tpu.wait_indirect_dma semaphore(%arg24 : memref<!tpu.dma_semaphore, #tpu.memory_space<semaphore_mem>>) src(%dma_wait3A_95 : memref<25000x16xf32, #tpu.memory_space<hbm>>) dst(%arg22 : memref<128x16xf32, #tpu.memory_space<vmem>>)
      %dma_start3A_96 = arith.constant 0 : i32
      %dma_start3A_97 = tpu.memref_slice %arg8[%add3A_17, %dma_start3A_96] : memref<229376x128xi32, #tpu.memory_space<hbm>> -> memref<128x64xi32, #tpu.memory_space<hbm>>
      %dma_start3A_98 = arith.constant 0 : i32
      %dma_start3A_99 = tpu.memref_slice %arg8[%add3A_17, %dma_start3A_98] : memref<229376x128xi32, #tpu.memory_space<hbm>> -> memref<128x64xi32, #tpu.memory_space<hbm>>
      tpu.enqueue_dma source(%arg19 : memref<128x64xi32, #tpu.memory_space<vmem>>) target(%dma_start3A_99 : memref<128x64xi32, #tpu.memory_space<hbm>>) target_semaphore(%arg25 : memref<!tpu.dma_semaphore, #tpu.memory_space<semaphore_mem>>)
      %dma_start3A_100 = arith.constant 64 : i32
      %dma_start3A_101 = tpu.memref_slice %arg8[%add3A_17, %dma_start3A_100] : memref<229376x128xi32, #tpu.memory_space<hbm>> -> memref<128x64xi32, #tpu.memory_space<hbm>>
      %dma_start3A_102 = arith.constant 64 : i32
      %dma_start3A_103 = tpu.memref_slice %arg8[%add3A_17, %dma_start3A_102] : memref<229376x128xi32, #tpu.memory_space<hbm>> -> memref<128x64xi32, #tpu.memory_space<hbm>>
      tpu.enqueue_dma source(%arg20 : memref<128x64xi32, #tpu.memory_space<vmem>>) target(%dma_start3A_103 : memref<128x64xi32, #tpu.memory_space<hbm>>) target_semaphore(%arg25 : memref<!tpu.dma_semaphore, #tpu.memory_space<semaphore_mem>>)
      %dma_start3A_104 = arith.constant 0 : i32
      %dma_start3A_105 = tpu.memref_slice %arg9[%add3A_17, %dma_start3A_104] : memref<229376x16xf32, #tpu.memory_space<hbm>> -> memref<128x16xf32, #tpu.memory_space<hbm>>
      %dma_start3A_106 = arith.constant 0 : i32
      %dma_start3A_107 = tpu.memref_slice %arg9[%add3A_17, %dma_start3A_106] : memref<229376x16xf32, #tpu.memory_space<hbm>> -> memref<128x16xf32, #tpu.memory_space<hbm>>
      tpu.enqueue_dma source(%arg21 : memref<128x16xf32, #tpu.memory_space<vmem>>) target(%dma_start3A_107 : memref<128x16xf32, #tpu.memory_space<hbm>>) target_semaphore(%arg25 : memref<!tpu.dma_semaphore, #tpu.memory_space<semaphore_mem>>)
      %dma_start3A_108 = arith.constant 0 : i32
      %dma_start3A_109 = tpu.memref_slice %arg10[%add3A_17, %dma_start3A_108] : memref<229376x16xf32, #tpu.memory_space<hbm>> -> memref<128x16xf32, #tpu.memory_space<hbm>>
      %dma_start3A_110 = arith.constant 0 : i32
      %dma_start3A_111 = tpu.memref_slice %arg10[%add3A_17, %dma_start3A_110] : memref<229376x16xf32, #tpu.memory_space<hbm>> -> memref<128x16xf32, #tpu.memory_space<hbm>>
      tpu.enqueue_dma source(%arg22 : memref<128x16xf32, #tpu.memory_space<vmem>>) target(%dma_start3A_111 : memref<128x16xf32, #tpu.memory_space<hbm>>) target_semaphore(%arg25 : memref<!tpu.dma_semaphore, #tpu.memory_space<semaphore_mem>>)
      %dma_wait3A_112 = arith.constant 0 : i32
      %dma_wait3A_113 = tpu.memref_slice %arg8[%add3A_15, %dma_wait3A_112] : memref<229376x128xi32, #tpu.memory_space<hbm>> -> memref<128x64xi32, #tpu.memory_space<hbm>>
      %dma_wait3A_114 = arith.constant 0 : i32
      %dma_wait3A_115 = tpu.memref_slice %arg8[%add3A_15, %dma_wait3A_114] : memref<229376x128xi32, #tpu.memory_space<hbm>> -> memref<128x64xi32, #tpu.memory_space<hbm>>
      tpu.wait_dma2 semaphore(%arg25 : memref<!tpu.dma_semaphore, #tpu.memory_space<semaphore_mem>>) src(%arg13 : memref<128x64xi32, #tpu.memory_space<vmem>>) dst(%dma_wait3A_115 : memref<128x64xi32, #tpu.memory_space<hbm>>)
      %dma_wait3A_116 = arith.constant 64 : i32
      %dma_wait3A_117 = tpu.memref_slice %arg8[%add3A_15, %dma_wait3A_116] : memref<229376x128xi32, #tpu.memory_space<hbm>> -> memref<128x64xi32, #tpu.memory_space<hbm>>
      %dma_wait3A_118 = arith.constant 64 : i32
      %dma_wait3A_119 = tpu.memref_slice %arg8[%add3A_15, %dma_wait3A_118] : memref<229376x128xi32, #tpu.memory_space<hbm>> -> memref<128x64xi32, #tpu.memory_space<hbm>>
      tpu.wait_dma2 semaphore(%arg25 : memref<!tpu.dma_semaphore, #tpu.memory_space<semaphore_mem>>) src(%arg14 : memref<128x64xi32, #tpu.memory_space<vmem>>) dst(%dma_wait3A_119 : memref<128x64xi32, #tpu.memory_space<hbm>>)
      %dma_wait3A_120 = arith.constant 0 : i32
      %dma_wait3A_121 = tpu.memref_slice %arg9[%add3A_15, %dma_wait3A_120] : memref<229376x16xf32, #tpu.memory_space<hbm>> -> memref<128x16xf32, #tpu.memory_space<hbm>>
      %dma_wait3A_122 = arith.constant 0 : i32
      %dma_wait3A_123 = tpu.memref_slice %arg9[%add3A_15, %dma_wait3A_122] : memref<229376x16xf32, #tpu.memory_space<hbm>> -> memref<128x16xf32, #tpu.memory_space<hbm>>
      tpu.wait_dma2 semaphore(%arg25 : memref<!tpu.dma_semaphore, #tpu.memory_space<semaphore_mem>>) src(%arg15 : memref<128x16xf32, #tpu.memory_space<vmem>>) dst(%dma_wait3A_123 : memref<128x16xf32, #tpu.memory_space<hbm>>)
      %dma_wait3A_124 = arith.constant 0 : i32
      %dma_wait3A_125 = tpu.memref_slice %arg10[%add3A_15, %dma_wait3A_124] : memref<229376x16xf32, #tpu.memory_space<hbm>> -> memref<128x16xf32, #tpu.memory_space<hbm>>
      %dma_wait3A_126 = arith.constant 0 : i32
      %dma_wait3A_127 = tpu.memref_slice %arg10[%add3A_15, %dma_wait3A_126] : memref<229376x16xf32, #tpu.memory_space<hbm>> -> memref<128x16xf32, #tpu.memory_space<hbm>>
      tpu.wait_dma2 semaphore(%arg25 : memref<!tpu.dma_semaphore, #tpu.memory_space<semaphore_mem>>) src(%arg16 : memref<128x16xf32, #tpu.memory_space<vmem>>) dst(%dma_wait3A_127 : memref<128x16xf32, #tpu.memory_space<hbm>>)
      %dma_wait3A_128 = arith.constant 0 : i32
      %dma_wait3A_129 = tpu.memref_slice %arg8[%add3A_17, %dma_wait3A_128] : memref<229376x128xi32, #tpu.memory_space<hbm>> -> memref<128x64xi32, #tpu.memory_space<hbm>>
      %dma_wait3A_130 = arith.constant 0 : i32
      %dma_wait3A_131 = tpu.memref_slice %arg8[%add3A_17, %dma_wait3A_130] : memref<229376x128xi32, #tpu.memory_space<hbm>> -> memref<128x64xi32, #tpu.memory_space<hbm>>
      tpu.wait_dma2 semaphore(%arg25 : memref<!tpu.dma_semaphore, #tpu.memory_space<semaphore_mem>>) src(%arg19 : memref<128x64xi32, #tpu.memory_space<vmem>>) dst(%dma_wait3A_131 : memref<128x64xi32, #tpu.memory_space<hbm>>)
      %dma_wait3A_132 = arith.constant 64 : i32
      %dma_wait3A_133 = tpu.memref_slice %arg8[%add3A_17, %dma_wait3A_132] : memref<229376x128xi32, #tpu.memory_space<hbm>> -> memref<128x64xi32, #tpu.memory_space<hbm>>
      %dma_wait3A_134 = arith.constant 64 : i32
      %dma_wait3A_135 = tpu.memref_slice %arg8[%add3A_17, %dma_wait3A_134] : memref<229376x128xi32, #tpu.memory_space<hbm>> -> memref<128x64xi32, #tpu.memory_space<hbm>>
      tpu.wait_dma2 semaphore(%arg25 : memref<!tpu.dma_semaphore, #tpu.memory_space<semaphore_mem>>) src(%arg20 : memref<128x64xi32, #tpu.memory_space<vmem>>) dst(%dma_wait3A_135 : memref<128x64xi32, #tpu.memory_space<hbm>>)
      %dma_wait3A_136 = arith.constant 0 : i32
      %dma_wait3A_137 = tpu.memref_slice %arg9[%add3A_17, %dma_wait3A_136] : memref<229376x16xf32, #tpu.memory_space<hbm>> -> memref<128x16xf32, #tpu.memory_space<hbm>>
      %dma_wait3A_138 = arith.constant 0 : i32
      %dma_wait3A_139 = tpu.memref_slice %arg9[%add3A_17, %dma_wait3A_138] : memref<229376x16xf32, #tpu.memory_space<hbm>> -> memref<128x16xf32, #tpu.memory_space<hbm>>
      tpu.wait_dma2 semaphore(%arg25 : memref<!tpu.dma_semaphore, #tpu.memory_space<semaphore_mem>>) src(%arg21 : memref<128x16xf32, #tpu.memory_space<vmem>>) dst(%dma_wait3A_139 : memref<128x16xf32, #tpu.memory_space<hbm>>)
      %dma_wait3A_140 = arith.constant 0 : i32
      %dma_wait3A_141 = tpu.memref_slice %arg10[%add3A_17, %dma_wait3A_140] : memref<229376x16xf32, #tpu.memory_space<hbm>> -> memref<128x16xf32, #tpu.memory_space<hbm>>
      %dma_wait3A_142 = arith.constant 0 : i32
      %dma_wait3A_143 = tpu.memref_slice %arg10[%add3A_17, %dma_wait3A_142] : memref<229376x16xf32, #tpu.memory_space<hbm>> -> memref<128x16xf32, #tpu.memory_space<hbm>>
      tpu.wait_dma2 semaphore(%arg25 : memref<!tpu.dma_semaphore, #tpu.memory_space<semaphore_mem>>) src(%arg22 : memref<128x16xf32, #tpu.memory_space<vmem>>) dst(%dma_wait3A_143 : memref<128x16xf32, #tpu.memory_space<hbm>>)
      %scan3A_144 = arith.constant 0 : i32
      scf.yield %scan3A_144 : i32
    }
    %scan3A_6 = arith.constant 28 : i32
    return
  }
}

#map = affine_map<(d0, d1) -> (0, 0)>
#map1 = affine_map<(d0, d1) -> (0)>
module attributes {stable_mosaic.version = 14 : i64} {
  func.func @_sc_scatter_body(%arg0: i32, %arg1: i32, %arg2: memref<229376x128xf32, #tpu.memory_space<hbm>>, %arg3: memref<229376x16xf32, #tpu.memory_space<hbm>>, %arg4: memref<229376xi32, #tpu.memory_space<hbm>>, %arg5: memref<25088x128xf32, #tpu.memory_space<hbm>>, %arg6: memref<25088x16xf32, #tpu.memory_space<hbm>>, %arg7: memref<25088x128xf32, #tpu.memory_space<hbm>>, %arg8: memref<25088x16xf32, #tpu.memory_space<hbm>>, %arg9: memref<112xi32, #tpu.memory_space<vmem>>, %arg10: memref<112x64xf32, #tpu.memory_space<vmem>>, %arg11: memref<112x8xf32, #tpu.memory_space<vmem>>, %arg12: memref<112xi32, #tpu.memory_space<vmem>>, %arg13: memref<112x64xf32, #tpu.memory_space<vmem>>, %arg14: memref<112x8xf32, #tpu.memory_space<vmem>>, %arg15: memref<25088x64xf32, #tpu.memory_space<vmem_shared>>, %arg16: memref<25088x8xf32, #tpu.memory_space<vmem_shared>>, %arg17: memref<!tpu.dma_semaphore, #tpu.memory_space<semaphore_mem>>, %arg18: memref<!tpu.dma_semaphore, #tpu.memory_space<semaphore_mem>>) attributes {dimension_semantics = [#tpu.dimension_semantics<core_parallel>, #tpu.dimension_semantics<subcore_parallel>], iteration_bounds = array<i64: 2, 16>, scalar_prefetch = 0 : i64, scratch_operands = 10 : i64, tpu.core_type = #tpu.core_type<sc_vector_subcore>, window_params = [{transform_indices = #map}, {transform_indices = #map}, {transform_indices = #map1}, {transform_indices = #map}, {transform_indices = #map}, {transform_indices = #map}, {transform_indices = #map}]} {
    %mul3A = arith.constant 1568 : i32
    %mul3A_0 = arith.muli %arg1, %mul3A : i32
    %mul3A_1 = arith.constant 64 : i32
    %mul3A_2 = arith.muli %arg0, %mul3A_1 : i32
    "tpu.region"() ({
      %run_scoped3A = tpu.sem_alloc : memref<!tpu.dma_semaphore, #tpu.memory_space<semaphore_mem>>
      %dma_start3A = arith.constant 0 : i32
      %dma_start3A_16 = tpu.memref_slice %arg15[%mul3A_0, %dma_start3A] : memref<25088x64xf32, #tpu.memory_space<vmem_shared>> -> memref<1568x64xf32, #tpu.memory_space<vmem_shared>>
      %dma_start3A_17 = tpu.memref_slice %arg5[%mul3A_0, %mul3A_2] : memref<25088x128xf32, #tpu.memory_space<hbm>> -> memref<1568x64xf32, #tpu.memory_space<hbm>>
      tpu.enqueue_dma source(%dma_start3A_17 : memref<1568x64xf32, #tpu.memory_space<hbm>>) target(%dma_start3A_16 : memref<1568x64xf32, #tpu.memory_space<vmem_shared>>) target_semaphore(%run_scoped3A : memref<!tpu.dma_semaphore, #tpu.memory_space<semaphore_mem>>)
      %dma_wait3A = arith.constant 0 : i32
      %dma_wait3A_18 = tpu.memref_slice %arg15[%mul3A_0, %dma_wait3A] : memref<25088x64xf32, #tpu.memory_space<vmem_shared>> -> memref<1568x64xf32, #tpu.memory_space<vmem_shared>>
      %dma_wait3A_19 = tpu.memref_slice %arg5[%mul3A_0, %mul3A_2] : memref<25088x128xf32, #tpu.memory_space<hbm>> -> memref<1568x64xf32, #tpu.memory_space<hbm>>
      tpu.wait_dma2 semaphore(%run_scoped3A : memref<!tpu.dma_semaphore, #tpu.memory_space<semaphore_mem>>) src(%dma_wait3A_19 : memref<1568x64xf32, #tpu.memory_space<hbm>>) dst(%dma_wait3A_18 : memref<1568x64xf32, #tpu.memory_space<vmem_shared>>)
      tpu.yield
    }) : () -> ()
    %mul3A_3 = arith.constant 8 : i32
    %mul3A_4 = arith.muli %arg0, %mul3A_3 : i32
    "tpu.region"() ({
      %run_scoped3A = tpu.sem_alloc : memref<!tpu.dma_semaphore, #tpu.memory_space<semaphore_mem>>
      %dma_start3A = arith.constant 0 : i32
      %dma_start3A_16 = tpu.memref_slice %arg16[%mul3A_0, %dma_start3A] : memref<25088x8xf32, #tpu.memory_space<vmem_shared>> -> memref<1568x8xf32, #tpu.memory_space<vmem_shared>>
      %dma_start3A_17 = tpu.memref_slice %arg6[%mul3A_0, %mul3A_4] : memref<25088x16xf32, #tpu.memory_space<hbm>> -> memref<1568x8xf32, #tpu.memory_space<hbm>>
      tpu.enqueue_dma source(%dma_start3A_17 : memref<1568x8xf32, #tpu.memory_space<hbm>>) target(%dma_start3A_16 : memref<1568x8xf32, #tpu.memory_space<vmem_shared>>) target_semaphore(%run_scoped3A : memref<!tpu.dma_semaphore, #tpu.memory_space<semaphore_mem>>)
      %dma_wait3A = arith.constant 0 : i32
      %dma_wait3A_18 = tpu.memref_slice %arg16[%mul3A_0, %dma_wait3A] : memref<25088x8xf32, #tpu.memory_space<vmem_shared>> -> memref<1568x8xf32, #tpu.memory_space<vmem_shared>>
      %dma_wait3A_19 = tpu.memref_slice %arg6[%mul3A_0, %mul3A_4] : memref<25088x16xf32, #tpu.memory_space<hbm>> -> memref<1568x8xf32, #tpu.memory_space<hbm>>
      tpu.wait_dma2 semaphore(%run_scoped3A : memref<!tpu.dma_semaphore, #tpu.memory_space<semaphore_mem>>) src(%dma_wait3A_19 : memref<1568x8xf32, #tpu.memory_space<hbm>>) dst(%dma_wait3A_18 : memref<1568x8xf32, #tpu.memory_space<vmem_shared>>)
      tpu.yield
    }) : () -> ()
    %barrier3A = arith.constant 0 : index
    tpu.barrier barrier_id(%barrier3A)
    %scan3A = arith.constant 0 : i32
    %scan3A_5 = arith.constant 0 : i32
    %scan3A_6 = arith.constant 64 : i32
    %scan3A_7 = arith.addi %scan3A_5, %scan3A_6 : i32
    %scan3A_8 = arith.constant 1 : i32
    %scan3A_9 = scf.for %scan3A_16 = %scan3A_5 to %scan3A_7 step %scan3A_8 iter_args(%scan3A_17 = %scan3A) -> (i32)  : i32 {
      %mul3A_18 = arith.constant 14336 : i32
      %mul3A_19 = arith.muli %arg1, %mul3A_18 : i32
      %mul3A_20 = arith.constant 2 : i32
      %mul3A_21 = arith.muli %mul3A_20, %scan3A_16 : i32
      %mul3A_22 = arith.constant 112 : i32
      %mul3A_23 = arith.muli %mul3A_21, %mul3A_22 : i32
      %add3A = arith.addi %mul3A_19, %mul3A_23 : i32
      %add3A_24 = arith.constant 112 : i32
      %add3A_25 = arith.addi %add3A, %add3A_24 : i32
      %dma_start3A = tpu.memref_slice %arg4[%add3A] : memref<229376xi32, #tpu.memory_space<hbm>> -> memref<112xi32, #tpu.memory_space<hbm>>
      %dma_start3A_26 = tpu.memref_slice %arg4[%add3A] : memref<229376xi32, #tpu.memory_space<hbm>> -> memref<112xi32, #tpu.memory_space<hbm>>
      tpu.enqueue_dma source(%dma_start3A_26 : memref<112xi32, #tpu.memory_space<hbm>>) target(%arg9 : memref<112xi32, #tpu.memory_space<vmem>>) target_semaphore(%arg17 : memref<!tpu.dma_semaphore, #tpu.memory_space<semaphore_mem>>)
      %mul3A_27 = arith.constant 64 : i32
      %mul3A_28 = arith.muli %arg0, %mul3A_27 : i32
      %dma_start3A_29 = tpu.memref_slice %arg2[%add3A, %mul3A_28] : memref<229376x128xf32, #tpu.memory_space<hbm>> -> memref<112x64xf32, #tpu.memory_space<hbm>>
      %dma_start3A_30 = tpu.memref_slice %arg2[%add3A, %mul3A_28] : memref<229376x128xf32, #tpu.memory_space<hbm>> -> memref<112x64xf32, #tpu.memory_space<hbm>>
      tpu.enqueue_dma source(%dma_start3A_30 : memref<112x64xf32, #tpu.memory_space<hbm>>) target(%arg10 : memref<112x64xf32, #tpu.memory_space<vmem>>) target_semaphore(%arg17 : memref<!tpu.dma_semaphore, #tpu.memory_space<semaphore_mem>>)
      %mul3A_31 = arith.constant 8 : i32
      %mul3A_32 = arith.muli %arg0, %mul3A_31 : i32
      %dma_start3A_33 = tpu.memref_slice %arg3[%add3A, %mul3A_32] : memref<229376x16xf32, #tpu.memory_space<hbm>> -> memref<112x8xf32, #tpu.memory_space<hbm>>
      %dma_start3A_34 = tpu.memref_slice %arg3[%add3A, %mul3A_32] : memref<229376x16xf32, #tpu.memory_space<hbm>> -> memref<112x8xf32, #tpu.memory_space<hbm>>
      tpu.enqueue_dma source(%dma_start3A_34 : memref<112x8xf32, #tpu.memory_space<hbm>>) target(%arg11 : memref<112x8xf32, #tpu.memory_space<vmem>>) target_semaphore(%arg17 : memref<!tpu.dma_semaphore, #tpu.memory_space<semaphore_mem>>)
      %dma_start3A_35 = tpu.memref_slice %arg4[%add3A_25] : memref<229376xi32, #tpu.memory_space<hbm>> -> memref<112xi32, #tpu.memory_space<hbm>>
      %dma_start3A_36 = tpu.memref_slice %arg4[%add3A_25] : memref<229376xi32, #tpu.memory_space<hbm>> -> memref<112xi32, #tpu.memory_space<hbm>>
      tpu.enqueue_dma source(%dma_start3A_36 : memref<112xi32, #tpu.memory_space<hbm>>) target(%arg12 : memref<112xi32, #tpu.memory_space<vmem>>) target_semaphore(%arg17 : memref<!tpu.dma_semaphore, #tpu.memory_space<semaphore_mem>>)
      %mul3A_37 = arith.constant 64 : i32
      %mul3A_38 = arith.muli %arg0, %mul3A_37 : i32
      %dma_start3A_39 = tpu.memref_slice %arg2[%add3A_25, %mul3A_38] : memref<229376x128xf32, #tpu.memory_space<hbm>> -> memref<112x64xf32, #tpu.memory_space<hbm>>
      %dma_start3A_40 = tpu.memref_slice %arg2[%add3A_25, %mul3A_38] : memref<229376x128xf32, #tpu.memory_space<hbm>> -> memref<112x64xf32, #tpu.memory_space<hbm>>
      tpu.enqueue_dma source(%dma_start3A_40 : memref<112x64xf32, #tpu.memory_space<hbm>>) target(%arg13 : memref<112x64xf32, #tpu.memory_space<vmem>>) target_semaphore(%arg17 : memref<!tpu.dma_semaphore, #tpu.memory_space<semaphore_mem>>)
      %mul3A_41 = arith.constant 8 : i32
      %mul3A_42 = arith.muli %arg0, %mul3A_41 : i32
      %dma_start3A_43 = tpu.memref_slice %arg3[%add3A_25, %mul3A_42] : memref<229376x16xf32, #tpu.memory_space<hbm>> -> memref<112x8xf32, #tpu.memory_space<hbm>>
      %dma_start3A_44 = tpu.memref_slice %arg3[%add3A_25, %mul3A_42] : memref<229376x16xf32, #tpu.memory_space<hbm>> -> memref<112x8xf32, #tpu.memory_space<hbm>>
      tpu.enqueue_dma source(%dma_start3A_44 : memref<112x8xf32, #tpu.memory_space<hbm>>) target(%arg14 : memref<112x8xf32, #tpu.memory_space<vmem>>) target_semaphore(%arg17 : memref<!tpu.dma_semaphore, #tpu.memory_space<semaphore_mem>>)
      %dma_wait3A = tpu.memref_slice %arg4[%add3A] : memref<229376xi32, #tpu.memory_space<hbm>> -> memref<112xi32, #tpu.memory_space<hbm>>
      %dma_wait3A_45 = tpu.memref_slice %arg4[%add3A] : memref<229376xi32, #tpu.memory_space<hbm>> -> memref<112xi32, #tpu.memory_space<hbm>>
      tpu.wait_dma2 semaphore(%arg17 : memref<!tpu.dma_semaphore, #tpu.memory_space<semaphore_mem>>) src(%dma_wait3A_45 : memref<112xi32, #tpu.memory_space<hbm>>) dst(%arg9 : memref<112xi32, #tpu.memory_space<vmem>>)
      %dma_wait3A_46 = tpu.memref_slice %arg2[%add3A, %mul3A_28] : memref<229376x128xf32, #tpu.memory_space<hbm>> -> memref<112x64xf32, #tpu.memory_space<hbm>>
      %dma_wait3A_47 = tpu.memref_slice %arg2[%add3A, %mul3A_28] : memref<229376x128xf32, #tpu.memory_space<hbm>> -> memref<112x64xf32, #tpu.memory_space<hbm>>
      tpu.wait_dma2 semaphore(%arg17 : memref<!tpu.dma_semaphore, #tpu.memory_space<semaphore_mem>>) src(%dma_wait3A_47 : memref<112x64xf32, #tpu.memory_space<hbm>>) dst(%arg10 : memref<112x64xf32, #tpu.memory_space<vmem>>)
      %dma_wait3A_48 = tpu.memref_slice %arg3[%add3A, %mul3A_32] : memref<229376x16xf32, #tpu.memory_space<hbm>> -> memref<112x8xf32, #tpu.memory_space<hbm>>
      %dma_wait3A_49 = tpu.memref_slice %arg3[%add3A, %mul3A_32] : memref<229376x16xf32, #tpu.memory_space<hbm>> -> memref<112x8xf32, #tpu.memory_space<hbm>>
      tpu.wait_dma2 semaphore(%arg17 : memref<!tpu.dma_semaphore, #tpu.memory_space<semaphore_mem>>) src(%dma_wait3A_49 : memref<112x8xf32, #tpu.memory_space<hbm>>) dst(%arg11 : memref<112x8xf32, #tpu.memory_space<vmem>>)
      %dma_start3A_50 = arith.constant 0 : i32
      %dma_start3A_51 = arith.constant 0 : i32
      %dma_start3A_52 = tpu.memref_slice %arg15[%dma_start3A_50, %dma_start3A_51] : memref<25088x64xf32, #tpu.memory_space<vmem_shared>> -> memref<25088x64xf32, #tpu.memory_space<vmem_shared>>
      tpu.enqueue_indirect_dma source(%arg10 : memref<112x64xf32, #tpu.memory_space<vmem>>) target(%dma_start3A_52 : memref<25088x64xf32, #tpu.memory_space<vmem_shared>>) offsets(%arg9 : memref<112xi32, #tpu.memory_space<vmem>>) semaphore(%arg18 : memref<!tpu.dma_semaphore, #tpu.memory_space<semaphore_mem>>) {add = true}
      %dma_start3A_53 = arith.constant 0 : i32
      %dma_start3A_54 = arith.constant 0 : i32
      %dma_start3A_55 = tpu.memref_slice %arg16[%dma_start3A_53, %dma_start3A_54] : memref<25088x8xf32, #tpu.memory_space<vmem_shared>> -> memref<25088x8xf32, #tpu.memory_space<vmem_shared>>
      tpu.enqueue_indirect_dma source(%arg11 : memref<112x8xf32, #tpu.memory_space<vmem>>) target(%dma_start3A_55 : memref<25088x8xf32, #tpu.memory_space<vmem_shared>>) offsets(%arg9 : memref<112xi32, #tpu.memory_space<vmem>>) semaphore(%arg18 : memref<!tpu.dma_semaphore, #tpu.memory_space<semaphore_mem>>) {add = true}
      %dma_wait3A_56 = tpu.memref_slice %arg4[%add3A_25] : memref<229376xi32, #tpu.memory_space<hbm>> -> memref<112xi32, #tpu.memory_space<hbm>>
      %dma_wait3A_57 = tpu.memref_slice %arg4[%add3A_25] : memref<229376xi32, #tpu.memory_space<hbm>> -> memref<112xi32, #tpu.memory_space<hbm>>
      tpu.wait_dma2 semaphore(%arg17 : memref<!tpu.dma_semaphore, #tpu.memory_space<semaphore_mem>>) src(%dma_wait3A_57 : memref<112xi32, #tpu.memory_space<hbm>>) dst(%arg12 : memref<112xi32, #tpu.memory_space<vmem>>)
      %dma_wait3A_58 = tpu.memref_slice %arg2[%add3A_25, %mul3A_38] : memref<229376x128xf32, #tpu.memory_space<hbm>> -> memref<112x64xf32, #tpu.memory_space<hbm>>
      %dma_wait3A_59 = tpu.memref_slice %arg2[%add3A_25, %mul3A_38] : memref<229376x128xf32, #tpu.memory_space<hbm>> -> memref<112x64xf32, #tpu.memory_space<hbm>>
      tpu.wait_dma2 semaphore(%arg17 : memref<!tpu.dma_semaphore, #tpu.memory_space<semaphore_mem>>) src(%dma_wait3A_59 : memref<112x64xf32, #tpu.memory_space<hbm>>) dst(%arg13 : memref<112x64xf32, #tpu.memory_space<vmem>>)
      %dma_wait3A_60 = tpu.memref_slice %arg3[%add3A_25, %mul3A_42] : memref<229376x16xf32, #tpu.memory_space<hbm>> -> memref<112x8xf32, #tpu.memory_space<hbm>>
      %dma_wait3A_61 = tpu.memref_slice %arg3[%add3A_25, %mul3A_42] : memref<229376x16xf32, #tpu.memory_space<hbm>> -> memref<112x8xf32, #tpu.memory_space<hbm>>
      tpu.wait_dma2 semaphore(%arg17 : memref<!tpu.dma_semaphore, #tpu.memory_space<semaphore_mem>>) src(%dma_wait3A_61 : memref<112x8xf32, #tpu.memory_space<hbm>>) dst(%arg14 : memref<112x8xf32, #tpu.memory_space<vmem>>)
      %dma_wait3A_62 = arith.constant 0 : i32
      %dma_wait3A_63 = arith.constant 0 : i32
      %dma_wait3A_64 = tpu.memref_slice %arg15[%dma_wait3A_62, %dma_wait3A_63] : memref<25088x64xf32, #tpu.memory_space<vmem_shared>> -> memref<25088x64xf32, #tpu.memory_space<vmem_shared>>
      tpu.wait_indirect_dma semaphore(%arg18 : memref<!tpu.dma_semaphore, #tpu.memory_space<semaphore_mem>>) src(%arg10 : memref<112x64xf32, #tpu.memory_space<vmem>>) dst(%dma_wait3A_64 : memref<25088x64xf32, #tpu.memory_space<vmem_shared>>)
      %dma_wait3A_65 = arith.constant 0 : i32
      %dma_wait3A_66 = arith.constant 0 : i32
      %dma_wait3A_67 = tpu.memref_slice %arg16[%dma_wait3A_65, %dma_wait3A_66] : memref<25088x8xf32, #tpu.memory_space<vmem_shared>> -> memref<25088x8xf32, #tpu.memory_space<vmem_shared>>
      tpu.wait_indirect_dma semaphore(%arg18 : memref<!tpu.dma_semaphore, #tpu.memory_space<semaphore_mem>>) src(%arg11 : memref<112x8xf32, #tpu.memory_space<vmem>>) dst(%dma_wait3A_67 : memref<25088x8xf32, #tpu.memory_space<vmem_shared>>)
      %dma_start3A_68 = arith.constant 0 : i32
      %dma_start3A_69 = arith.constant 0 : i32
      %dma_start3A_70 = tpu.memref_slice %arg15[%dma_start3A_68, %dma_start3A_69] : memref<25088x64xf32, #tpu.memory_space<vmem_shared>> -> memref<25088x64xf32, #tpu.memory_space<vmem_shared>>
      tpu.enqueue_indirect_dma source(%arg13 : memref<112x64xf32, #tpu.memory_space<vmem>>) target(%dma_start3A_70 : memref<25088x64xf32, #tpu.memory_space<vmem_shared>>) offsets(%arg12 : memref<112xi32, #tpu.memory_space<vmem>>) semaphore(%arg18 : memref<!tpu.dma_semaphore, #tpu.memory_space<semaphore_mem>>) {add = true}
      %dma_start3A_71 = arith.constant 0 : i32
      %dma_start3A_72 = arith.constant 0 : i32
      %dma_start3A_73 = tpu.memref_slice %arg16[%dma_start3A_71, %dma_start3A_72] : memref<25088x8xf32, #tpu.memory_space<vmem_shared>> -> memref<25088x8xf32, #tpu.memory_space<vmem_shared>>
      tpu.enqueue_indirect_dma source(%arg14 : memref<112x8xf32, #tpu.memory_space<vmem>>) target(%dma_start3A_73 : memref<25088x8xf32, #tpu.memory_space<vmem_shared>>) offsets(%arg12 : memref<112xi32, #tpu.memory_space<vmem>>) semaphore(%arg18 : memref<!tpu.dma_semaphore, #tpu.memory_space<semaphore_mem>>) {add = true}
      %dma_wait3A_74 = arith.constant 0 : i32
      %dma_wait3A_75 = arith.constant 0 : i32
      %dma_wait3A_76 = tpu.memref_slice %arg15[%dma_wait3A_74, %dma_wait3A_75] : memref<25088x64xf32, #tpu.memory_space<vmem_shared>> -> memref<25088x64xf32, #tpu.memory_space<vmem_shared>>
      tpu.wait_indirect_dma semaphore(%arg18 : memref<!tpu.dma_semaphore, #tpu.memory_space<semaphore_mem>>) src(%arg13 : memref<112x64xf32, #tpu.memory_space<vmem>>) dst(%dma_wait3A_76 : memref<25088x64xf32, #tpu.memory_space<vmem_shared>>)
      %dma_wait3A_77 = arith.constant 0 : i32
      %dma_wait3A_78 = arith.constant 0 : i32
      %dma_wait3A_79 = tpu.memref_slice %arg16[%dma_wait3A_77, %dma_wait3A_78] : memref<25088x8xf32, #tpu.memory_space<vmem_shared>> -> memref<25088x8xf32, #tpu.memory_space<vmem_shared>>
      tpu.wait_indirect_dma semaphore(%arg18 : memref<!tpu.dma_semaphore, #tpu.memory_space<semaphore_mem>>) src(%arg14 : memref<112x8xf32, #tpu.memory_space<vmem>>) dst(%dma_wait3A_79 : memref<25088x8xf32, #tpu.memory_space<vmem_shared>>)
      %scan3A_80 = arith.constant 0 : i32
      scf.yield %scan3A_80 : i32
    }
    %scan3A_10 = arith.constant 64 : i32
    %barrier3A_11 = arith.constant 0 : index
    tpu.barrier barrier_id(%barrier3A_11)
    %mul3A_12 = arith.constant 64 : i32
    %mul3A_13 = arith.muli %arg0, %mul3A_12 : i32
    "tpu.region"() ({
      %run_scoped3A = tpu.sem_alloc : memref<!tpu.dma_semaphore, #tpu.memory_space<semaphore_mem>>
      %dma_start3A = tpu.memref_slice %arg7[%mul3A_0, %mul3A_13] : memref<25088x128xf32, #tpu.memory_space<hbm>> -> memref<1568x64xf32, #tpu.memory_space<hbm>>
      %dma_start3A_16 = arith.constant 0 : i32
      %dma_start3A_17 = tpu.memref_slice %arg15[%mul3A_0, %dma_start3A_16] : memref<25088x64xf32, #tpu.memory_space<vmem_shared>> -> memref<1568x64xf32, #tpu.memory_space<vmem_shared>>
      tpu.enqueue_dma source(%dma_start3A_17 : memref<1568x64xf32, #tpu.memory_space<vmem_shared>>) target(%dma_start3A : memref<1568x64xf32, #tpu.memory_space<hbm>>) target_semaphore(%run_scoped3A : memref<!tpu.dma_semaphore, #tpu.memory_space<semaphore_mem>>)
      %dma_wait3A = tpu.memref_slice %arg7[%mul3A_0, %mul3A_13] : memref<25088x128xf32, #tpu.memory_space<hbm>> -> memref<1568x64xf32, #tpu.memory_space<hbm>>
      %dma_wait3A_18 = arith.constant 0 : i32
      %dma_wait3A_19 = tpu.memref_slice %arg15[%mul3A_0, %dma_wait3A_18] : memref<25088x64xf32, #tpu.memory_space<vmem_shared>> -> memref<1568x64xf32, #tpu.memory_space<vmem_shared>>
      tpu.wait_dma2 semaphore(%run_scoped3A : memref<!tpu.dma_semaphore, #tpu.memory_space<semaphore_mem>>) src(%dma_wait3A_19 : memref<1568x64xf32, #tpu.memory_space<vmem_shared>>) dst(%dma_wait3A : memref<1568x64xf32, #tpu.memory_space<hbm>>)
      tpu.yield
    }) : () -> ()
    %mul3A_14 = arith.constant 8 : i32
    %mul3A_15 = arith.muli %arg0, %mul3A_14 : i32
    "tpu.region"() ({
      %run_scoped3A = tpu.sem_alloc : memref<!tpu.dma_semaphore, #tpu.memory_space<semaphore_mem>>
      %dma_start3A = tpu.memref_slice %arg8[%mul3A_0, %mul3A_15] : memref<25088x16xf32, #tpu.memory_space<hbm>> -> memref<1568x8xf32, #tpu.memory_space<hbm>>
      %dma_start3A_16 = arith.constant 0 : i32
      %dma_start3A_17 = tpu.memref_slice %arg16[%mul3A_0, %dma_start3A_16] : memref<25088x8xf32, #tpu.memory_space<vmem_shared>> -> memref<1568x8xf32, #tpu.memory_space<vmem_shared>>
      tpu.enqueue_dma source(%dma_start3A_17 : memref<1568x8xf32, #tpu.memory_space<vmem_shared>>) target(%dma_start3A : memref<1568x8xf32, #tpu.memory_space<hbm>>) target_semaphore(%run_scoped3A : memref<!tpu.dma_semaphore, #tpu.memory_space<semaphore_mem>>)
      %dma_wait3A = tpu.memref_slice %arg8[%mul3A_0, %mul3A_15] : memref<25088x16xf32, #tpu.memory_space<hbm>> -> memref<1568x8xf32, #tpu.memory_space<hbm>>
      %dma_wait3A_18 = arith.constant 0 : i32
      %dma_wait3A_19 = tpu.memref_slice %arg16[%mul3A_0, %dma_wait3A_18] : memref<25088x8xf32, #tpu.memory_space<vmem_shared>> -> memref<1568x8xf32, #tpu.memory_space<vmem_shared>>
      tpu.wait_dma2 semaphore(%run_scoped3A : memref<!tpu.dma_semaphore, #tpu.memory_space<semaphore_mem>>) src(%dma_wait3A_19 : memref<1568x8xf32, #tpu.memory_space<vmem_shared>>) dst(%dma_wait3A : memref<1568x8xf32, #tpu.memory_space<hbm>>)
      tpu.yield
    }) : () -> ()
    return
  }
}

module attributes {stable_mosaic.version = 14 : i64} {
  func.func @_tc_edge_body(%arg0: i32, %arg1: memref<512x128xi32, #tpu.memory_space<vmem>>, %arg2: memref<512x16xf32, #tpu.memory_space<vmem>>, %arg3: memref<512x16xf32, #tpu.memory_space<vmem>>, %arg4: memref<64x256xf32, #tpu.memory_space<vmem>>, %arg5: memref<64x256xf32, #tpu.memory_space<vmem>>, %arg6: memref<64x256xf32, #tpu.memory_space<vmem>>, %arg7: memref<64x256xf32, #tpu.memory_space<vmem>>, %arg8: memref<1x256xf32, #tpu.memory_space<vmem>>, %arg9: memref<1x256xf32, #tpu.memory_space<vmem>>, %arg10: memref<128x128xf32, #tpu.memory_space<vmem>>, %arg11: memref<1x128xf32, #tpu.memory_space<vmem>>, %arg12: memref<128x128xf32, #tpu.memory_space<vmem>>, %arg13: memref<1x128xf32, #tpu.memory_space<vmem>>, %arg14: memref<1x128xf32, #tpu.memory_space<vmem>>, %arg15: memref<512x128xf32, #tpu.memory_space<vmem>>, %arg16: memref<512x16xf32, #tpu.memory_space<vmem>>) attributes {dimension_semantics = [#tpu.dimension_semantics<arbitrary>], iteration_bounds = array<i64: 336>, scalar_prefetch = 0 : i64, scratch_operands = 0 : i64, tpu.core_type = #tpu.core_type<tc>, window_params = [{transform_indices = @transform_0, window_bounds = array<i64: 512, 128>}, {transform_indices = @transform_1, window_bounds = array<i64: 512, 16>}, {transform_indices = @transform_2, window_bounds = array<i64: 512, 16>}, {pipeline_mode = #tpu.pipeline_mode<synchronous>, transform_indices = @transform_3, window_bounds = array<i64: 64, 256>}, {pipeline_mode = #tpu.pipeline_mode<synchronous>, transform_indices = @transform_4, window_bounds = array<i64: 64, 256>}, {pipeline_mode = #tpu.pipeline_mode<synchronous>, transform_indices = @transform_5, window_bounds = array<i64: 64, 256>}, {pipeline_mode = #tpu.pipeline_mode<synchronous>, transform_indices = @transform_6, window_bounds = array<i64: 64, 256>}, {pipeline_mode = #tpu.pipeline_mode<synchronous>, transform_indices = @transform_7, window_bounds = array<i64: 1, 256>}, {pipeline_mode = #tpu.pipeline_mode<synchronous>, transform_indices = @transform_8, window_bounds = array<i64: 1, 256>}, {pipeline_mode = #tpu.pipeline_mode<synchronous>, transform_indices = @transform_9, window_bounds = array<i64: 128, 128>}, {pipeline_mode = #tpu.pipeline_mode<synchronous>, transform_indices = @transform_10, window_bounds = array<i64: 1, 128>}, {pipeline_mode = #tpu.pipeline_mode<synchronous>, transform_indices = @transform_11, window_bounds = array<i64: 128, 128>}, {pipeline_mode = #tpu.pipeline_mode<synchronous>, transform_indices = @transform_12, window_bounds = array<i64: 1, 128>}, {pipeline_mode = #tpu.pipeline_mode<synchronous>, transform_indices = @transform_13, window_bounds = array<i64: 1, 128>}, {transform_indices = @transform_14, window_bounds = array<i64: 512, 128>}, {transform_indices = @transform_15, window_bounds = array<i64: 512, 16>}]} {
    %get3A = arith.constant 0 : index
    %get3A_0 = arith.constant 0 : index
    %get3A_1 = vector.load %arg2[%get3A, %get3A_0] : memref<512x16xf32, #tpu.memory_space<vmem>>, vector<512x3xf32>
    %get3A_2 = arith.constant 0 : index
    %get3A_3 = arith.constant 0 : index
    %get3A_4 = vector.load %arg3[%get3A_2, %get3A_3] : memref<512x16xf32, #tpu.memory_space<vmem>>, vector<512x3xf32>
    %sub3A = arith.subf %get3A_1, %get3A_4 : vector<512x3xf32>
    %mul3A = arith.mulf %sub3A, %sub3A : vector<512x3xf32>
    %reduce_sum3A = arith.constant dense<0.000000e+00> : vector<512xf32>
    %reduce_sum3A_5 = vector.multi_reduction <add>, %mul3A, %reduce_sum3A [1] : vector<512x3xf32> to vector<512xf32>
    %broadcast_in_dim3A = vector.shape_cast %reduce_sum3A_5 : vector<512xf32> to vector<512x1xf32>
    %sqrt3A = math.sqrt %broadcast_in_dim3A : vector<512x1xf32>
    %add3A = arith.constant 9.99999971E-10 : f32
    %add3A_6 = vector.broadcast %add3A : f32 to vector<512x1xf32>
    %add3A_7 = arith.addf %sqrt3A, %add3A_6 : vector<512x1xf32>
    %div3A = vector.broadcast %add3A_7 : vector<512x1xf32> to vector<512x3xf32>
    %div3A_8 = arith.divf %sub3A, %div3A : vector<512x3xf32>
    %get3A_9 = arith.constant 0 : index
    %get3A_10 = arith.constant 0 : index
    %get3A_11 = vector.load %arg1[%get3A_9, %get3A_10] : memref<512x128xi32, #tpu.memory_space<vmem>>, vector<512x64xi32>
    %shift_left3A = arith.constant 16 : i32
    %shift_left3A_12 = vector.broadcast %shift_left3A : i32 to vector<512x64xi32>
    %shift_left3A_13 = arith.shli %get3A_11, %shift_left3A_12 : vector<512x64xi32>
    %bitcast_convert_type3A = tpu.bitcast %shift_left3A_13 : vector<512x64xi32> -> vector<512x64xf32>
    %and3A = arith.constant -65536 : i32
    %and3A_14 = vector.broadcast %and3A : i32 to vector<512x64xi32>
    %and3A_15 = arith.andi %get3A_11, %and3A_14 : vector<512x64xi32>
    %bitcast_convert_type3A_16 = tpu.bitcast %and3A_15 : vector<512x64xi32> -> vector<512x64xf32>
    %get3A_17 = arith.constant 0 : index
    %get3A_18 = arith.constant 64 : index
    %get3A_19 = vector.load %arg1[%get3A_17, %get3A_18] : memref<512x128xi32, #tpu.memory_space<vmem>>, vector<512x64xi32>
    %shift_left3A_20 = arith.constant 16 : i32
    %shift_left3A_21 = vector.broadcast %shift_left3A_20 : i32 to vector<512x64xi32>
    %shift_left3A_22 = arith.shli %get3A_19, %shift_left3A_21 : vector<512x64xi32>
    %bitcast_convert_type3A_23 = tpu.bitcast %shift_left3A_22 : vector<512x64xi32> -> vector<512x64xf32>
    %and3A_24 = arith.constant -65536 : i32
    %and3A_25 = vector.broadcast %and3A_24 : i32 to vector<512x64xi32>
    %and3A_26 = arith.andi %get3A_19, %and3A_25 : vector<512x64xi32>
    %bitcast_convert_type3A_27 = tpu.bitcast %and3A_26 : vector<512x64xi32> -> vector<512x64xf32>
    %get3A_28 = arith.constant 0 : index
    %get3A_29 = arith.constant 0 : index
    %get3A_30 = vector.load %arg4[%get3A_28, %get3A_29] : memref<64x256xf32, #tpu.memory_space<vmem>>, vector<64x256xf32>
    %dot_general3A = arith.constant dense<0.000000e+00> : vector<512x256xf32>
    %dot_general3A_31 = tpu.matmul %bitcast_convert_type3A, %get3A_30, %dot_general3A {dimension_numbers = #tpu.dot_dimension_numbers<[1], [0], [0], [1], [0, 0, 1, 1], [], []>, transpose_lhs_hint = false} : vector<512x64xf32>, vector<64x256xf32>, vector<512x256xf32> -> vector<512x256xf32>
    %get3A_32 = arith.constant 0 : index
    %get3A_33 = arith.constant 0 : index
    %get3A_34 = vector.load %arg5[%get3A_32, %get3A_33] : memref<64x256xf32, #tpu.memory_space<vmem>>, vector<64x256xf32>
    %dot_general3A_35 = arith.constant dense<0.000000e+00> : vector<512x256xf32>
    %dot_general3A_36 = tpu.matmul %bitcast_convert_type3A_16, %get3A_34, %dot_general3A_35 {dimension_numbers = #tpu.dot_dimension_numbers<[1], [0], [0], [1], [0, 0, 1, 1], [], []>, transpose_lhs_hint = false} : vector<512x64xf32>, vector<64x256xf32>, vector<512x256xf32> -> vector<512x256xf32>
    %add3A_37 = arith.addf %dot_general3A_31, %dot_general3A_36 : vector<512x256xf32>
    %get3A_38 = arith.constant 0 : index
    %get3A_39 = arith.constant 0 : index
    %get3A_40 = vector.load %arg6[%get3A_38, %get3A_39] : memref<64x256xf32, #tpu.memory_space<vmem>>, vector<64x256xf32>
    %dot_general3A_41 = arith.constant dense<0.000000e+00> : vector<512x256xf32>
    %dot_general3A_42 = tpu.matmul %bitcast_convert_type3A_23, %get3A_40, %dot_general3A_41 {dimension_numbers = #tpu.dot_dimension_numbers<[1], [0], [0], [1], [0, 0, 1, 1], [], []>, transpose_lhs_hint = false} : vector<512x64xf32>, vector<64x256xf32>, vector<512x256xf32> -> vector<512x256xf32>
    %add3A_43 = arith.addf %add3A_37, %dot_general3A_42 : vector<512x256xf32>
    %get3A_44 = arith.constant 0 : index
    %get3A_45 = arith.constant 0 : index
    %get3A_46 = vector.load %arg7[%get3A_44, %get3A_45] : memref<64x256xf32, #tpu.memory_space<vmem>>, vector<64x256xf32>
    %dot_general3A_47 = arith.constant dense<0.000000e+00> : vector<512x256xf32>
    %dot_general3A_48 = tpu.matmul %bitcast_convert_type3A_27, %get3A_46, %dot_general3A_47 {dimension_numbers = #tpu.dot_dimension_numbers<[1], [0], [0], [1], [0, 0, 1, 1], [], []>, transpose_lhs_hint = false} : vector<512x64xf32>, vector<64x256xf32>, vector<512x256xf32> -> vector<512x256xf32>
    %add3A_49 = arith.addf %add3A_43, %dot_general3A_48 : vector<512x256xf32>
    %get3A_50 = arith.constant 0 : index
    %get3A_51 = arith.constant 0 : index
    %get3A_52 = vector.load %arg8[%get3A_50, %get3A_51] : memref<1x256xf32, #tpu.memory_space<vmem>>, vector<1x256xf32>
    %mul3A_53 = vector.broadcast %sqrt3A : vector<512x1xf32> to vector<512x256xf32>
    %mul3A_54 = vector.broadcast %get3A_52 : vector<1x256xf32> to vector<512x256xf32>
    %mul3A_55 = arith.mulf %mul3A_53, %mul3A_54 : vector<512x256xf32>
    %add3A_56 = arith.addf %add3A_49, %mul3A_55 : vector<512x256xf32>
    %get3A_57 = arith.constant 0 : index
    %get3A_58 = arith.constant 0 : index
    %get3A_59 = vector.load %arg9[%get3A_57, %get3A_58] : memref<1x256xf32, #tpu.memory_space<vmem>>, vector<1x256xf32>
    %add3A_60 = vector.broadcast %get3A_59 : vector<1x256xf32> to vector<512x256xf32>
    %add3A_61 = arith.addf %add3A_56, %add3A_60 : vector<512x256xf32>
    %logistic3A = arith.negf %add3A_61 : vector<512x256xf32>
    %logistic3A_62 = math.exp %logistic3A : vector<512x256xf32>
    %logistic3A_63 = arith.constant 1.000000e+00 : f32
    %logistic3A_64 = vector.broadcast %logistic3A_63 : f32 to vector<512x256xf32>
    %logistic3A_65 = arith.addf %logistic3A_64, %logistic3A_62 : vector<512x256xf32>
    %logistic3A_66 = arith.divf %logistic3A_64, %logistic3A_65 : vector<512x256xf32>
    %mul3A_67 = arith.mulf %add3A_61, %logistic3A_66 : vector<512x256xf32>
    %slice3A = vector.extract_strided_slice %mul3A_67 {offsets = [0, 0], sizes = [512, 128], strides = [1, 1]} : vector<512x256xf32> to vector<512x128xf32>
    %get3A_68 = arith.constant 0 : index
    %get3A_69 = arith.constant 0 : index
    %get3A_70 = vector.load %arg10[%get3A_68, %get3A_69] : memref<128x128xf32, #tpu.memory_space<vmem>>, vector<128x128xf32>
    %dot_general3A_71 = arith.constant dense<0.000000e+00> : vector<512x128xf32>
    %dot_general3A_72 = tpu.matmul %slice3A, %get3A_70, %dot_general3A_71 {dimension_numbers = #tpu.dot_dimension_numbers<[1], [0], [0], [1], [0, 0, 1, 1], [], []>, transpose_lhs_hint = false} : vector<512x128xf32>, vector<128x128xf32>, vector<512x128xf32> -> vector<512x128xf32>
    %get3A_73 = arith.constant 0 : index
    %get3A_74 = arith.constant 0 : index
    %get3A_75 = vector.load %arg11[%get3A_73, %get3A_74] : memref<1x128xf32, #tpu.memory_space<vmem>>, vector<1x128xf32>
    %add3A_76 = vector.broadcast %get3A_75 : vector<1x128xf32> to vector<512x128xf32>
    %add3A_77 = arith.addf %dot_general3A_72, %add3A_76 : vector<512x128xf32>
    %logistic3A_78 = arith.negf %add3A_77 : vector<512x128xf32>
    %logistic3A_79 = math.exp %logistic3A_78 : vector<512x128xf32>
    %logistic3A_80 = arith.constant 1.000000e+00 : f32
    %logistic3A_81 = vector.broadcast %logistic3A_80 : f32 to vector<512x128xf32>
    %logistic3A_82 = arith.addf %logistic3A_81, %logistic3A_79 : vector<512x128xf32>
    %logistic3A_83 = arith.divf %logistic3A_81, %logistic3A_82 : vector<512x128xf32>
    %mul3A_84 = arith.mulf %add3A_77, %logistic3A_83 : vector<512x128xf32>
    %slice3A_85 = vector.extract_strided_slice %mul3A_67 {offsets = [0, 128], sizes = [512, 128], strides = [1, 1]} : vector<512x256xf32> to vector<512x128xf32>
    %get3A_86 = arith.constant 0 : index
    %get3A_87 = arith.constant 0 : index
    %get3A_88 = vector.load %arg12[%get3A_86, %get3A_87] : memref<128x128xf32, #tpu.memory_space<vmem>>, vector<128x128xf32>
    %dot_general3A_89 = arith.constant dense<0.000000e+00> : vector<512x128xf32>
    %dot_general3A_90 = tpu.matmul %slice3A_85, %get3A_88, %dot_general3A_89 {dimension_numbers = #tpu.dot_dimension_numbers<[1], [0], [0], [1], [0, 0, 1, 1], [], []>, transpose_lhs_hint = false} : vector<512x128xf32>, vector<128x128xf32>, vector<512x128xf32> -> vector<512x128xf32>
    %get3A_91 = arith.constant 0 : index
    %get3A_92 = arith.constant 0 : index
    %get3A_93 = vector.load %arg13[%get3A_91, %get3A_92] : memref<1x128xf32, #tpu.memory_space<vmem>>, vector<1x128xf32>
    %add3A_94 = vector.broadcast %get3A_93 : vector<1x128xf32> to vector<512x128xf32>
    %add3A_95 = arith.addf %dot_general3A_90, %add3A_94 : vector<512x128xf32>
    %logistic3A_96 = arith.negf %add3A_95 : vector<512x128xf32>
    %logistic3A_97 = math.exp %logistic3A_96 : vector<512x128xf32>
    %logistic3A_98 = arith.constant 1.000000e+00 : f32
    %logistic3A_99 = vector.broadcast %logistic3A_98 : f32 to vector<512x128xf32>
    %logistic3A_100 = arith.addf %logistic3A_99, %logistic3A_97 : vector<512x128xf32>
    %logistic3A_101 = arith.divf %logistic3A_99, %logistic3A_100 : vector<512x128xf32>
    %mul3A_102 = arith.mulf %add3A_95, %logistic3A_101 : vector<512x128xf32>
    %get3A_103 = arith.constant 0 : index
    %get3A_104 = arith.constant 0 : index
    %get3A_105 = vector.load %arg14[%get3A_103, %get3A_104] : memref<1x128xf32, #tpu.memory_space<vmem>>, vector<1x128xf32>
    %mul3A_106 = vector.broadcast %get3A_105 : vector<1x128xf32> to vector<512x128xf32>
    %mul3A_107 = arith.mulf %mul3A_102, %mul3A_106 : vector<512x128xf32>
    %reduce_sum3A_108 = arith.constant dense<0.000000e+00> : vector<512xf32>
    %reduce_sum3A_109 = vector.multi_reduction <add>, %mul3A_107, %reduce_sum3A_108 [1] : vector<512x128xf32> to vector<512xf32>
    %broadcast_in_dim3A_110 = vector.shape_cast %reduce_sum3A_109 : vector<512xf32> to vector<512x1xf32>
    %swap3A = arith.constant 0 : index
    %swap3A_111 = arith.constant 0 : index
    %swap3A_112 = vector.load %arg15[%swap3A, %swap3A_111] : memref<512x128xf32, #tpu.memory_space<vmem>>, vector<512x128xf32>
    tpu.vector_store %arg15[%swap3A, %swap3A_111], %mul3A_84 {strides = array<i32>} : memref<512x128xf32, #tpu.memory_space<vmem>>, vector<512x128xf32>,
    %mul3A_113 = vector.broadcast %broadcast_in_dim3A_110 : vector<512x1xf32> to vector<512x3xf32>
    %mul3A_114 = arith.mulf %mul3A_113, %div3A_8 : vector<512x3xf32>
    %broadcast_in_dim3A_115 = arith.constant 0.000000e+00 : f32
    %broadcast_in_dim3A_116 = vector.broadcast %broadcast_in_dim3A_115 : f32 to vector<512x13xf32>
    %concatenate3A = tpu.concatenate %mul3A_114, %broadcast_in_dim3A_116 in 1 : vector<512x3xf32>, vector<512x13xf32> -> vector<512x16xf32>
    %swap3A_117 = arith.constant 0 : index
    %swap3A_118 = arith.constant 0 : index
    %swap3A_119 = vector.load %arg16[%swap3A_117, %swap3A_118] : memref<512x16xf32, #tpu.memory_space<vmem>>, vector<512x16xf32>
    tpu.vector_store %arg16[%swap3A_117, %swap3A_118], %concatenate3A {strides = array<i32>} : memref<512x16xf32, #tpu.memory_space<vmem>>, vector<512x16xf32>,
    return
  }
  func.func @transform_0(%arg0: i32) -> (i32, i32) {
    %c0_i32 = arith.constant 0 : i32
    %c0_i32_0 = arith.constant 0 : i32
    return %arg0, %c0_i32 : i32, i32
  }
  func.func @transform_1(%arg0: i32) -> (i32, i32) {
    %c0_i32 = arith.constant 0 : i32
    %c0_i32_0 = arith.constant 0 : i32
    return %arg0, %c0_i32 : i32, i32
  }
  func.func @transform_2(%arg0: i32) -> (i32, i32) {
    %c0_i32 = arith.constant 0 : i32
    %c0_i32_0 = arith.constant 0 : i32
    return %arg0, %c0_i32 : i32, i32
  }
  func.func @transform_3(%arg0: i32) -> (i32, i32) {
    %c0_i32 = arith.constant 0 : i32
    %c0_i32_0 = arith.constant 0 : i32
    %c0_i32_1 = arith.constant 0 : i32
    return %c0_i32, %c0_i32_0 : i32, i32
  }
  func.func @transform_4(%arg0: i32) -> (i32, i32) {
    %c0_i32 = arith.constant 0 : i32
    %c0_i32_0 = arith.constant 0 : i32
    %c0_i32_1 = arith.constant 0 : i32
    return %c0_i32, %c0_i32_0 : i32, i32
  }
  func.func @transform_5(%arg0: i32) -> (i32, i32) {
    %c0_i32 = arith.constant 0 : i32
    %c0_i32_0 = arith.constant 0 : i32
    %c0_i32_1 = arith.constant 0 : i32
    return %c0_i32, %c0_i32_0 : i32, i32
  }
  func.func @transform_6(%arg0: i32) -> (i32, i32) {
    %c0_i32 = arith.constant 0 : i32
    %c0_i32_0 = arith.constant 0 : i32
    %c0_i32_1 = arith.constant 0 : i32
    return %c0_i32, %c0_i32_0 : i32, i32
  }
  func.func @transform_7(%arg0: i32) -> (i32, i32) {
    %c0_i32 = arith.constant 0 : i32
    %c0_i32_0 = arith.constant 0 : i32
    %c0_i32_1 = arith.constant 0 : i32
    return %c0_i32, %c0_i32_0 : i32, i32
  }
  func.func @transform_8(%arg0: i32) -> (i32, i32) {
    %c0_i32 = arith.constant 0 : i32
    %c0_i32_0 = arith.constant 0 : i32
    %c0_i32_1 = arith.constant 0 : i32
    return %c0_i32, %c0_i32_0 : i32, i32
  }
  func.func @transform_9(%arg0: i32) -> (i32, i32) {
    %c0_i32 = arith.constant 0 : i32
    %c0_i32_0 = arith.constant 0 : i32
    %c0_i32_1 = arith.constant 0 : i32
    return %c0_i32, %c0_i32_0 : i32, i32
  }
  func.func @transform_10(%arg0: i32) -> (i32, i32) {
    %c0_i32 = arith.constant 0 : i32
    %c0_i32_0 = arith.constant 0 : i32
    %c0_i32_1 = arith.constant 0 : i32
    return %c0_i32, %c0_i32_0 : i32, i32
  }
  func.func @transform_11(%arg0: i32) -> (i32, i32) {
    %c0_i32 = arith.constant 0 : i32
    %c0_i32_0 = arith.constant 0 : i32
    %c0_i32_1 = arith.constant 0 : i32
    return %c0_i32, %c0_i32_0 : i32, i32
  }
  func.func @transform_12(%arg0: i32) -> (i32, i32) {
    %c0_i32 = arith.constant 0 : i32
    %c0_i32_0 = arith.constant 0 : i32
    %c0_i32_1 = arith.constant 0 : i32
    return %c0_i32, %c0_i32_0 : i32, i32
  }
  func.func @transform_13(%arg0: i32) -> (i32, i32) {
    %c0_i32 = arith.constant 0 : i32
    %c0_i32_0 = arith.constant 0 : i32
    %c0_i32_1 = arith.constant 0 : i32
    return %c0_i32, %c0_i32_0 : i32, i32
  }
  func.func @transform_14(%arg0: i32) -> (i32, i32) {
    %c0_i32 = arith.constant 0 : i32
    %c0_i32_0 = arith.constant 0 : i32
    return %arg0, %c0_i32 : i32, i32
  }
  func.func @transform_15(%arg0: i32) -> (i32, i32) {
    %c0_i32 = arith.constant 0 : i32
    %c0_i32_0 = arith.constant 0 : i32
    return %arg0, %c0_i32 : i32, i32
  }
}

module attributes {stable_mosaic.version = 14 : i64} {
  func.func @_tc_edge_body(%arg0: i32, %arg1: memref<512x128xi32, #tpu.memory_space<vmem>>, %arg2: memref<512x16xf32, #tpu.memory_space<vmem>>, %arg3: memref<512x16xf32, #tpu.memory_space<vmem>>, %arg4: memref<64x256xf32, #tpu.memory_space<vmem>>, %arg5: memref<64x256xf32, #tpu.memory_space<vmem>>, %arg6: memref<64x256xf32, #tpu.memory_space<vmem>>, %arg7: memref<64x256xf32, #tpu.memory_space<vmem>>, %arg8: memref<1x256xf32, #tpu.memory_space<vmem>>, %arg9: memref<1x256xf32, #tpu.memory_space<vmem>>, %arg10: memref<128x128xf32, #tpu.memory_space<vmem>>, %arg11: memref<1x128xf32, #tpu.memory_space<vmem>>, %arg12: memref<128x128xf32, #tpu.memory_space<vmem>>, %arg13: memref<1x128xf32, #tpu.memory_space<vmem>>, %arg14: memref<1x128xf32, #tpu.memory_space<vmem>>, %arg15: memref<512x128xf32, #tpu.memory_space<vmem>>, %arg16: memref<512x16xf32, #tpu.memory_space<vmem>>) attributes {dimension_semantics = [#tpu.dimension_semantics<arbitrary>], iteration_bounds = array<i64: 448>, scalar_prefetch = 0 : i64, scratch_operands = 0 : i64, tpu.core_type = #tpu.core_type<tc>, window_params = [{transform_indices = @transform_0, window_bounds = array<i64: 512, 128>}, {transform_indices = @transform_1, window_bounds = array<i64: 512, 16>}, {transform_indices = @transform_2, window_bounds = array<i64: 512, 16>}, {pipeline_mode = #tpu.pipeline_mode<synchronous>, transform_indices = @transform_3, window_bounds = array<i64: 64, 256>}, {pipeline_mode = #tpu.pipeline_mode<synchronous>, transform_indices = @transform_4, window_bounds = array<i64: 64, 256>}, {pipeline_mode = #tpu.pipeline_mode<synchronous>, transform_indices = @transform_5, window_bounds = array<i64: 64, 256>}, {pipeline_mode = #tpu.pipeline_mode<synchronous>, transform_indices = @transform_6, window_bounds = array<i64: 64, 256>}, {pipeline_mode = #tpu.pipeline_mode<synchronous>, transform_indices = @transform_7, window_bounds = array<i64: 1, 256>}, {pipeline_mode = #tpu.pipeline_mode<synchronous>, transform_indices = @transform_8, window_bounds = array<i64: 1, 256>}, {pipeline_mode = #tpu.pipeline_mode<synchronous>, transform_indices = @transform_9, window_bounds = array<i64: 128, 128>}, {pipeline_mode = #tpu.pipeline_mode<synchronous>, transform_indices = @transform_10, window_bounds = array<i64: 1, 128>}, {pipeline_mode = #tpu.pipeline_mode<synchronous>, transform_indices = @transform_11, window_bounds = array<i64: 128, 128>}, {pipeline_mode = #tpu.pipeline_mode<synchronous>, transform_indices = @transform_12, window_bounds = array<i64: 1, 128>}, {pipeline_mode = #tpu.pipeline_mode<synchronous>, transform_indices = @transform_13, window_bounds = array<i64: 1, 128>}, {transform_indices = @transform_14, window_bounds = array<i64: 512, 128>}, {transform_indices = @transform_15, window_bounds = array<i64: 512, 16>}]} {
    %get3A = arith.constant 0 : index
    %get3A_0 = arith.constant 0 : index
    %get3A_1 = vector.load %arg2[%get3A, %get3A_0] : memref<512x16xf32, #tpu.memory_space<vmem>>, vector<512x3xf32>
    %get3A_2 = arith.constant 0 : index
    %get3A_3 = arith.constant 0 : index
    %get3A_4 = vector.load %arg3[%get3A_2, %get3A_3] : memref<512x16xf32, #tpu.memory_space<vmem>>, vector<512x3xf32>
    %sub3A = arith.subf %get3A_1, %get3A_4 : vector<512x3xf32>
    %mul3A = arith.mulf %sub3A, %sub3A : vector<512x3xf32>
    %reduce_sum3A = arith.constant dense<0.000000e+00> : vector<512xf32>
    %reduce_sum3A_5 = vector.multi_reduction <add>, %mul3A, %reduce_sum3A [1] : vector<512x3xf32> to vector<512xf32>
    %broadcast_in_dim3A = vector.shape_cast %reduce_sum3A_5 : vector<512xf32> to vector<512x1xf32>
    %sqrt3A = math.sqrt %broadcast_in_dim3A : vector<512x1xf32>
    %add3A = arith.constant 9.99999971E-10 : f32
    %add3A_6 = vector.broadcast %add3A : f32 to vector<512x1xf32>
    %add3A_7 = arith.addf %sqrt3A, %add3A_6 : vector<512x1xf32>
    %div3A = vector.broadcast %add3A_7 : vector<512x1xf32> to vector<512x3xf32>
    %div3A_8 = arith.divf %sub3A, %div3A : vector<512x3xf32>
    %get3A_9 = arith.constant 0 : index
    %get3A_10 = arith.constant 0 : index
    %get3A_11 = vector.load %arg1[%get3A_9, %get3A_10] : memref<512x128xi32, #tpu.memory_space<vmem>>, vector<512x64xi32>
    %shift_left3A = arith.constant 16 : i32
    %shift_left3A_12 = vector.broadcast %shift_left3A : i32 to vector<512x64xi32>
    %shift_left3A_13 = arith.shli %get3A_11, %shift_left3A_12 : vector<512x64xi32>
    %bitcast_convert_type3A = tpu.bitcast %shift_left3A_13 : vector<512x64xi32> -> vector<512x64xf32>
    %and3A = arith.constant -65536 : i32
    %and3A_14 = vector.broadcast %and3A : i32 to vector<512x64xi32>
    %and3A_15 = arith.andi %get3A_11, %and3A_14 : vector<512x64xi32>
    %bitcast_convert_type3A_16 = tpu.bitcast %and3A_15 : vector<512x64xi32> -> vector<512x64xf32>
    %get3A_17 = arith.constant 0 : index
    %get3A_18 = arith.constant 64 : index
    %get3A_19 = vector.load %arg1[%get3A_17, %get3A_18] : memref<512x128xi32, #tpu.memory_space<vmem>>, vector<512x64xi32>
    %shift_left3A_20 = arith.constant 16 : i32
    %shift_left3A_21 = vector.broadcast %shift_left3A_20 : i32 to vector<512x64xi32>
    %shift_left3A_22 = arith.shli %get3A_19, %shift_left3A_21 : vector<512x64xi32>
    %bitcast_convert_type3A_23 = tpu.bitcast %shift_left3A_22 : vector<512x64xi32> -> vector<512x64xf32>
    %and3A_24 = arith.constant -65536 : i32
    %and3A_25 = vector.broadcast %and3A_24 : i32 to vector<512x64xi32>
    %and3A_26 = arith.andi %get3A_19, %and3A_25 : vector<512x64xi32>
    %bitcast_convert_type3A_27 = tpu.bitcast %and3A_26 : vector<512x64xi32> -> vector<512x64xf32>
    %get3A_28 = arith.constant 0 : index
    %get3A_29 = arith.constant 0 : index
    %get3A_30 = vector.load %arg4[%get3A_28, %get3A_29] : memref<64x256xf32, #tpu.memory_space<vmem>>, vector<64x256xf32>
    %dot_general3A = arith.constant dense<0.000000e+00> : vector<512x256xf32>
    %dot_general3A_31 = tpu.matmul %bitcast_convert_type3A, %get3A_30, %dot_general3A {dimension_numbers = #tpu.dot_dimension_numbers<[1], [0], [0], [1], [0, 0, 1, 1], [], []>, transpose_lhs_hint = false} : vector<512x64xf32>, vector<64x256xf32>, vector<512x256xf32> -> vector<512x256xf32>
    %get3A_32 = arith.constant 0 : index
    %get3A_33 = arith.constant 0 : index
    %get3A_34 = vector.load %arg5[%get3A_32, %get3A_33] : memref<64x256xf32, #tpu.memory_space<vmem>>, vector<64x256xf32>
    %dot_general3A_35 = arith.constant dense<0.000000e+00> : vector<512x256xf32>
    %dot_general3A_36 = tpu.matmul %bitcast_convert_type3A_16, %get3A_34, %dot_general3A_35 {dimension_numbers = #tpu.dot_dimension_numbers<[1], [0], [0], [1], [0, 0, 1, 1], [], []>, transpose_lhs_hint = false} : vector<512x64xf32>, vector<64x256xf32>, vector<512x256xf32> -> vector<512x256xf32>
    %add3A_37 = arith.addf %dot_general3A_31, %dot_general3A_36 : vector<512x256xf32>
    %get3A_38 = arith.constant 0 : index
    %get3A_39 = arith.constant 0 : index
    %get3A_40 = vector.load %arg6[%get3A_38, %get3A_39] : memref<64x256xf32, #tpu.memory_space<vmem>>, vector<64x256xf32>
    %dot_general3A_41 = arith.constant dense<0.000000e+00> : vector<512x256xf32>
    %dot_general3A_42 = tpu.matmul %bitcast_convert_type3A_23, %get3A_40, %dot_general3A_41 {dimension_numbers = #tpu.dot_dimension_numbers<[1], [0], [0], [1], [0, 0, 1, 1], [], []>, transpose_lhs_hint = false} : vector<512x64xf32>, vector<64x256xf32>, vector<512x256xf32> -> vector<512x256xf32>
    %add3A_43 = arith.addf %add3A_37, %dot_general3A_42 : vector<512x256xf32>
    %get3A_44 = arith.constant 0 : index
    %get3A_45 = arith.constant 0 : index
    %get3A_46 = vector.load %arg7[%get3A_44, %get3A_45] : memref<64x256xf32, #tpu.memory_space<vmem>>, vector<64x256xf32>
    %dot_general3A_47 = arith.constant dense<0.000000e+00> : vector<512x256xf32>
    %dot_general3A_48 = tpu.matmul %bitcast_convert_type3A_27, %get3A_46, %dot_general3A_47 {dimension_numbers = #tpu.dot_dimension_numbers<[1], [0], [0], [1], [0, 0, 1, 1], [], []>, transpose_lhs_hint = false} : vector<512x64xf32>, vector<64x256xf32>, vector<512x256xf32> -> vector<512x256xf32>
    %add3A_49 = arith.addf %add3A_43, %dot_general3A_48 : vector<512x256xf32>
    %get3A_50 = arith.constant 0 : index
    %get3A_51 = arith.constant 0 : index
    %get3A_52 = vector.load %arg8[%get3A_50, %get3A_51] : memref<1x256xf32, #tpu.memory_space<vmem>>, vector<1x256xf32>
    %mul3A_53 = vector.broadcast %sqrt3A : vector<512x1xf32> to vector<512x256xf32>
    %mul3A_54 = vector.broadcast %get3A_52 : vector<1x256xf32> to vector<512x256xf32>
    %mul3A_55 = arith.mulf %mul3A_53, %mul3A_54 : vector<512x256xf32>
    %add3A_56 = arith.addf %add3A_49, %mul3A_55 : vector<512x256xf32>
    %get3A_57 = arith.constant 0 : index
    %get3A_58 = arith.constant 0 : index
    %get3A_59 = vector.load %arg9[%get3A_57, %get3A_58] : memref<1x256xf32, #tpu.memory_space<vmem>>, vector<1x256xf32>
    %add3A_60 = vector.broadcast %get3A_59 : vector<1x256xf32> to vector<512x256xf32>
    %add3A_61 = arith.addf %add3A_56, %add3A_60 : vector<512x256xf32>
    %logistic3A = arith.negf %add3A_61 : vector<512x256xf32>
    %logistic3A_62 = math.exp %logistic3A : vector<512x256xf32>
    %logistic3A_63 = arith.constant 1.000000e+00 : f32
    %logistic3A_64 = vector.broadcast %logistic3A_63 : f32 to vector<512x256xf32>
    %logistic3A_65 = arith.addf %logistic3A_64, %logistic3A_62 : vector<512x256xf32>
    %logistic3A_66 = arith.divf %logistic3A_64, %logistic3A_65 : vector<512x256xf32>
    %mul3A_67 = arith.mulf %add3A_61, %logistic3A_66 : vector<512x256xf32>
    %slice3A = vector.extract_strided_slice %mul3A_67 {offsets = [0, 0], sizes = [512, 128], strides = [1, 1]} : vector<512x256xf32> to vector<512x128xf32>
    %get3A_68 = arith.constant 0 : index
    %get3A_69 = arith.constant 0 : index
    %get3A_70 = vector.load %arg10[%get3A_68, %get3A_69] : memref<128x128xf32, #tpu.memory_space<vmem>>, vector<128x128xf32>
    %dot_general3A_71 = arith.constant dense<0.000000e+00> : vector<512x128xf32>
    %dot_general3A_72 = tpu.matmul %slice3A, %get3A_70, %dot_general3A_71 {dimension_numbers = #tpu.dot_dimension_numbers<[1], [0], [0], [1], [0, 0, 1, 1], [], []>, transpose_lhs_hint = false} : vector<512x128xf32>, vector<128x128xf32>, vector<512x128xf32> -> vector<512x128xf32>
    %get3A_73 = arith.constant 0 : index
    %get3A_74 = arith.constant 0 : index
    %get3A_75 = vector.load %arg11[%get3A_73, %get3A_74] : memref<1x128xf32, #tpu.memory_space<vmem>>, vector<1x128xf32>
    %add3A_76 = vector.broadcast %get3A_75 : vector<1x128xf32> to vector<512x128xf32>
    %add3A_77 = arith.addf %dot_general3A_72, %add3A_76 : vector<512x128xf32>
    %logistic3A_78 = arith.negf %add3A_77 : vector<512x128xf32>
    %logistic3A_79 = math.exp %logistic3A_78 : vector<512x128xf32>
    %logistic3A_80 = arith.constant 1.000000e+00 : f32
    %logistic3A_81 = vector.broadcast %logistic3A_80 : f32 to vector<512x128xf32>
    %logistic3A_82 = arith.addf %logistic3A_81, %logistic3A_79 : vector<512x128xf32>
    %logistic3A_83 = arith.divf %logistic3A_81, %logistic3A_82 : vector<512x128xf32>
    %mul3A_84 = arith.mulf %add3A_77, %logistic3A_83 : vector<512x128xf32>
    %slice3A_85 = vector.extract_strided_slice %mul3A_67 {offsets = [0, 128], sizes = [512, 128], strides = [1, 1]} : vector<512x256xf32> to vector<512x128xf32>
    %get3A_86 = arith.constant 0 : index
    %get3A_87 = arith.constant 0 : index
    %get3A_88 = vector.load %arg12[%get3A_86, %get3A_87] : memref<128x128xf32, #tpu.memory_space<vmem>>, vector<128x128xf32>
    %dot_general3A_89 = arith.constant dense<0.000000e+00> : vector<512x128xf32>
    %dot_general3A_90 = tpu.matmul %slice3A_85, %get3A_88, %dot_general3A_89 {dimension_numbers = #tpu.dot_dimension_numbers<[1], [0], [0], [1], [0, 0, 1, 1], [], []>, transpose_lhs_hint = false} : vector<512x128xf32>, vector<128x128xf32>, vector<512x128xf32> -> vector<512x128xf32>
    %get3A_91 = arith.constant 0 : index
    %get3A_92 = arith.constant 0 : index
    %get3A_93 = vector.load %arg13[%get3A_91, %get3A_92] : memref<1x128xf32, #tpu.memory_space<vmem>>, vector<1x128xf32>
    %add3A_94 = vector.broadcast %get3A_93 : vector<1x128xf32> to vector<512x128xf32>
    %add3A_95 = arith.addf %dot_general3A_90, %add3A_94 : vector<512x128xf32>
    %logistic3A_96 = arith.negf %add3A_95 : vector<512x128xf32>
    %logistic3A_97 = math.exp %logistic3A_96 : vector<512x128xf32>
    %logistic3A_98 = arith.constant 1.000000e+00 : f32
    %logistic3A_99 = vector.broadcast %logistic3A_98 : f32 to vector<512x128xf32>
    %logistic3A_100 = arith.addf %logistic3A_99, %logistic3A_97 : vector<512x128xf32>
    %logistic3A_101 = arith.divf %logistic3A_99, %logistic3A_100 : vector<512x128xf32>
    %mul3A_102 = arith.mulf %add3A_95, %logistic3A_101 : vector<512x128xf32>
    %get3A_103 = arith.constant 0 : index
    %get3A_104 = arith.constant 0 : index
    %get3A_105 = vector.load %arg14[%get3A_103, %get3A_104] : memref<1x128xf32, #tpu.memory_space<vmem>>, vector<1x128xf32>
    %mul3A_106 = vector.broadcast %get3A_105 : vector<1x128xf32> to vector<512x128xf32>
    %mul3A_107 = arith.mulf %mul3A_102, %mul3A_106 : vector<512x128xf32>
    %reduce_sum3A_108 = arith.constant dense<0.000000e+00> : vector<512xf32>
    %reduce_sum3A_109 = vector.multi_reduction <add>, %mul3A_107, %reduce_sum3A_108 [1] : vector<512x128xf32> to vector<512xf32>
    %broadcast_in_dim3A_110 = vector.shape_cast %reduce_sum3A_109 : vector<512xf32> to vector<512x1xf32>
    %swap3A = arith.constant 0 : index
    %swap3A_111 = arith.constant 0 : index
    %swap3A_112 = vector.load %arg15[%swap3A, %swap3A_111] : memref<512x128xf32, #tpu.memory_space<vmem>>, vector<512x128xf32>
    tpu.vector_store %arg15[%swap3A, %swap3A_111], %mul3A_84 {strides = array<i32>} : memref<512x128xf32, #tpu.memory_space<vmem>>, vector<512x128xf32>,
    %mul3A_113 = vector.broadcast %broadcast_in_dim3A_110 : vector<512x1xf32> to vector<512x3xf32>
    %mul3A_114 = arith.mulf %mul3A_113, %div3A_8 : vector<512x3xf32>
    %broadcast_in_dim3A_115 = arith.constant 0.000000e+00 : f32
    %broadcast_in_dim3A_116 = vector.broadcast %broadcast_in_dim3A_115 : f32 to vector<512x13xf32>
    %concatenate3A = tpu.concatenate %mul3A_114, %broadcast_in_dim3A_116 in 1 : vector<512x3xf32>, vector<512x13xf32> -> vector<512x16xf32>
    %swap3A_117 = arith.constant 0 : index
    %swap3A_118 = arith.constant 0 : index
    %swap3A_119 = vector.load %arg16[%swap3A_117, %swap3A_118] : memref<512x16xf32, #tpu.memory_space<vmem>>, vector<512x16xf32>
    tpu.vector_store %arg16[%swap3A_117, %swap3A_118], %concatenate3A {strides = array<i32>} : memref<512x16xf32, #tpu.memory_space<vmem>>, vector<512x16xf32>,
    return
  }
  func.func @transform_0(%arg0: i32) -> (i32, i32) {
    %c0_i32 = arith.constant 0 : i32
    %c0_i32_0 = arith.constant 0 : i32
    return %arg0, %c0_i32 : i32, i32
  }
  func.func @transform_1(%arg0: i32) -> (i32, i32) {
    %c0_i32 = arith.constant 0 : i32
    %c0_i32_0 = arith.constant 0 : i32
    return %arg0, %c0_i32 : i32, i32
  }
  func.func @transform_2(%arg0: i32) -> (i32, i32) {
    %c0_i32 = arith.constant 0 : i32
    %c0_i32_0 = arith.constant 0 : i32
    return %arg0, %c0_i32 : i32, i32
  }
  func.func @transform_3(%arg0: i32) -> (i32, i32) {
    %c0_i32 = arith.constant 0 : i32
    %c0_i32_0 = arith.constant 0 : i32
    %c0_i32_1 = arith.constant 0 : i32
    return %c0_i32, %c0_i32_0 : i32, i32
  }
  func.func @transform_4(%arg0: i32) -> (i32, i32) {
    %c0_i32 = arith.constant 0 : i32
    %c0_i32_0 = arith.constant 0 : i32
    %c0_i32_1 = arith.constant 0 : i32
    return %c0_i32, %c0_i32_0 : i32, i32
  }
  func.func @transform_5(%arg0: i32) -> (i32, i32) {
    %c0_i32 = arith.constant 0 : i32
    %c0_i32_0 = arith.constant 0 : i32
    %c0_i32_1 = arith.constant 0 : i32
    return %c0_i32, %c0_i32_0 : i32, i32
  }
  func.func @transform_6(%arg0: i32) -> (i32, i32) {
    %c0_i32 = arith.constant 0 : i32
    %c0_i32_0 = arith.constant 0 : i32
    %c0_i32_1 = arith.constant 0 : i32
    return %c0_i32, %c0_i32_0 : i32, i32
  }
  func.func @transform_7(%arg0: i32) -> (i32, i32) {
    %c0_i32 = arith.constant 0 : i32
    %c0_i32_0 = arith.constant 0 : i32
    %c0_i32_1 = arith.constant 0 : i32
    return %c0_i32, %c0_i32_0 : i32, i32
  }
  func.func @transform_8(%arg0: i32) -> (i32, i32) {
    %c0_i32 = arith.constant 0 : i32
    %c0_i32_0 = arith.constant 0 : i32
    %c0_i32_1 = arith.constant 0 : i32
    return %c0_i32, %c0_i32_0 : i32, i32
  }
  func.func @transform_9(%arg0: i32) -> (i32, i32) {
    %c0_i32 = arith.constant 0 : i32
    %c0_i32_0 = arith.constant 0 : i32
    %c0_i32_1 = arith.constant 0 : i32
    return %c0_i32, %c0_i32_0 : i32, i32
  }
  func.func @transform_10(%arg0: i32) -> (i32, i32) {
    %c0_i32 = arith.constant 0 : i32
    %c0_i32_0 = arith.constant 0 : i32
    %c0_i32_1 = arith.constant 0 : i32
    return %c0_i32, %c0_i32_0 : i32, i32
  }
  func.func @transform_11(%arg0: i32) -> (i32, i32) {
    %c0_i32 = arith.constant 0 : i32
    %c0_i32_0 = arith.constant 0 : i32
    %c0_i32_1 = arith.constant 0 : i32
    return %c0_i32, %c0_i32_0 : i32, i32
  }
  func.func @transform_12(%arg0: i32) -> (i32, i32) {
    %c0_i32 = arith.constant 0 : i32
    %c0_i32_0 = arith.constant 0 : i32
    %c0_i32_1 = arith.constant 0 : i32
    return %c0_i32, %c0_i32_0 : i32, i32
  }
  func.func @transform_13(%arg0: i32) -> (i32, i32) {
    %c0_i32 = arith.constant 0 : i32
    %c0_i32_0 = arith.constant 0 : i32
    %c0_i32_1 = arith.constant 0 : i32
    return %c0_i32, %c0_i32_0 : i32, i32
  }
  func.func @transform_14(%arg0: i32) -> (i32, i32) {
    %c0_i32 = arith.constant 0 : i32
    %c0_i32_0 = arith.constant 0 : i32
    return %arg0, %c0_i32 : i32, i32
  }
  func.func @transform_15(%arg0: i32) -> (i32, i32) {
    %c0_i32 = arith.constant 0 : i32
    %c0_i32_0 = arith.constant 0 : i32
    return %arg0, %c0_i32 : i32, i32
  }
}

module attributes {stable_mosaic.version = 14 : i64} {
  func.func @_tc_node_body(%arg0: i32, %arg1: memref<512x128xf32, #tpu.memory_space<vmem>>, %arg2: memref<512x16xf32, #tpu.memory_space<vmem>>, %arg3: memref<512x128xf32, #tpu.memory_space<vmem>>, %arg4: memref<512x16xf32, #tpu.memory_space<vmem>>, %arg5: memref<128x128xf32, #tpu.memory_space<vmem>>, %arg6: memref<128x128xf32, #tpu.memory_space<vmem>>, %arg7: memref<1x128xf32, #tpu.memory_space<vmem>>, %arg8: memref<128x128xf32, #tpu.memory_space<vmem>>, %arg9: memref<1x128xf32, #tpu.memory_space<vmem>>, %arg10: memref<512x128xf32, #tpu.memory_space<vmem>>, %arg11: memref<512x16xf32, #tpu.memory_space<vmem>>) attributes {dimension_semantics = [#tpu.dimension_semantics<arbitrary>], iteration_bounds = array<i64: 49>, scalar_prefetch = 0 : i64, scratch_operands = 0 : i64, tpu.core_type = #tpu.core_type<tc>, window_params = [{transform_indices = @transform_0, window_bounds = array<i64: 512, 128>}, {transform_indices = @transform_1, window_bounds = array<i64: 512, 16>}, {transform_indices = @transform_2, window_bounds = array<i64: 512, 128>}, {transform_indices = @transform_3, window_bounds = array<i64: 512, 16>}, {pipeline_mode = #tpu.pipeline_mode<synchronous>, transform_indices = @transform_4, window_bounds = array<i64: 128, 128>}, {pipeline_mode = #tpu.pipeline_mode<synchronous>, transform_indices = @transform_5, window_bounds = array<i64: 128, 128>}, {pipeline_mode = #tpu.pipeline_mode<synchronous>, transform_indices = @transform_6, window_bounds = array<i64: 1, 128>}, {pipeline_mode = #tpu.pipeline_mode<synchronous>, transform_indices = @transform_7, window_bounds = array<i64: 128, 128>}, {pipeline_mode = #tpu.pipeline_mode<synchronous>, transform_indices = @transform_8, window_bounds = array<i64: 1, 128>}, {transform_indices = @transform_9, window_bounds = array<i64: 512, 128>}, {transform_indices = @transform_10, window_bounds = array<i64: 512, 16>}]} {
    %get3A = arith.constant 0 : index
    %get3A_0 = arith.constant 0 : index
    %get3A_1 = vector.load %arg3[%get3A, %get3A_0] : memref<512x128xf32, #tpu.memory_space<vmem>>, vector<512x128xf32>
    %get3A_2 = arith.constant 0 : index
    %get3A_3 = arith.constant 0 : index
    %get3A_4 = vector.load %arg5[%get3A_2, %get3A_3] : memref<128x128xf32, #tpu.memory_space<vmem>>, vector<128x128xf32>
    %dot_general3A = arith.constant dense<0.000000e+00> : vector<512x128xf32>
    %dot_general3A_5 = tpu.matmul %get3A_1, %get3A_4, %dot_general3A {dimension_numbers = #tpu.dot_dimension_numbers<[1], [0], [0], [1], [0, 0, 1, 1], [], []>, transpose_lhs_hint = false} : vector<512x128xf32>, vector<128x128xf32>, vector<512x128xf32> -> vector<512x128xf32>
    %get3A_6 = arith.constant 0 : index
    %get3A_7 = arith.constant 0 : index
    %get3A_8 = vector.load %arg1[%get3A_6, %get3A_7] : memref<512x128xf32, #tpu.memory_space<vmem>>, vector<512x128xf32>
    %get3A_9 = arith.constant 0 : index
    %get3A_10 = arith.constant 0 : index
    %get3A_11 = vector.load %arg6[%get3A_9, %get3A_10] : memref<128x128xf32, #tpu.memory_space<vmem>>, vector<128x128xf32>
    %dot_general3A_12 = arith.constant dense<0.000000e+00> : vector<512x128xf32>
    %dot_general3A_13 = tpu.matmul %get3A_8, %get3A_11, %dot_general3A_12 {dimension_numbers = #tpu.dot_dimension_numbers<[1], [0], [0], [1], [0, 0, 1, 1], [], []>, transpose_lhs_hint = false} : vector<512x128xf32>, vector<128x128xf32>, vector<512x128xf32> -> vector<512x128xf32>
    %add3A = arith.addf %dot_general3A_5, %dot_general3A_13 : vector<512x128xf32>
    %get3A_14 = arith.constant 0 : index
    %get3A_15 = arith.constant 0 : index
    %get3A_16 = vector.load %arg7[%get3A_14, %get3A_15] : memref<1x128xf32, #tpu.memory_space<vmem>>, vector<1x128xf32>
    %add3A_17 = vector.broadcast %get3A_16 : vector<1x128xf32> to vector<512x128xf32>
    %add3A_18 = arith.addf %add3A, %add3A_17 : vector<512x128xf32>
    %logistic3A = arith.negf %add3A_18 : vector<512x128xf32>
    %logistic3A_19 = math.exp %logistic3A : vector<512x128xf32>
    %logistic3A_20 = arith.constant 1.000000e+00 : f32
    %logistic3A_21 = vector.broadcast %logistic3A_20 : f32 to vector<512x128xf32>
    %logistic3A_22 = arith.addf %logistic3A_21, %logistic3A_19 : vector<512x128xf32>
    %logistic3A_23 = arith.divf %logistic3A_21, %logistic3A_22 : vector<512x128xf32>
    %mul3A = arith.mulf %add3A_18, %logistic3A_23 : vector<512x128xf32>
    %get3A_24 = arith.constant 0 : index
    %get3A_25 = arith.constant 0 : index
    %get3A_26 = vector.load %arg8[%get3A_24, %get3A_25] : memref<128x128xf32, #tpu.memory_space<vmem>>, vector<128x128xf32>
    %dot_general3A_27 = arith.constant dense<0.000000e+00> : vector<512x128xf32>
    %dot_general3A_28 = tpu.matmul %mul3A, %get3A_26, %dot_general3A_27 {dimension_numbers = #tpu.dot_dimension_numbers<[1], [0], [0], [1], [0, 0, 1, 1], [], []>, transpose_lhs_hint = false} : vector<512x128xf32>, vector<128x128xf32>, vector<512x128xf32> -> vector<512x128xf32>
    %get3A_29 = arith.constant 0 : index
    %get3A_30 = arith.constant 0 : index
    %get3A_31 = vector.load %arg9[%get3A_29, %get3A_30] : memref<1x128xf32, #tpu.memory_space<vmem>>, vector<1x128xf32>
    %add3A_32 = vector.broadcast %get3A_31 : vector<1x128xf32> to vector<512x128xf32>
    %add3A_33 = arith.addf %dot_general3A_28, %add3A_32 : vector<512x128xf32>
    %get3A_34 = arith.constant 0 : index
    %get3A_35 = arith.constant 0 : index
    %get3A_36 = vector.load %arg3[%get3A_34, %get3A_35] : memref<512x128xf32, #tpu.memory_space<vmem>>, vector<512x128xf32>
    %add3A_37 = arith.addf %get3A_36, %add3A_33 : vector<512x128xf32>
    %swap3A = arith.constant 0 : index
    %swap3A_38 = arith.constant 0 : index
    %swap3A_39 = vector.load %arg10[%swap3A, %swap3A_38] : memref<512x128xf32, #tpu.memory_space<vmem>>, vector<512x128xf32>
    tpu.vector_store %arg10[%swap3A, %swap3A_38], %add3A_37 {strides = array<i32>} : memref<512x128xf32, #tpu.memory_space<vmem>>, vector<512x128xf32>,
    %get3A_40 = arith.constant 0 : index
    %get3A_41 = arith.constant 0 : index
    %get3A_42 = vector.load %arg4[%get3A_40, %get3A_41] : memref<512x16xf32, #tpu.memory_space<vmem>>, vector<512x16xf32>
    %get3A_43 = arith.constant 0 : index
    %get3A_44 = arith.constant 0 : index
    %get3A_45 = vector.load %arg2[%get3A_43, %get3A_44] : memref<512x16xf32, #tpu.memory_space<vmem>>, vector<512x16xf32>
    %add3A_46 = arith.addf %get3A_42, %get3A_45 : vector<512x16xf32>
    %swap3A_47 = arith.constant 0 : index
    %swap3A_48 = arith.constant 0 : index
    %swap3A_49 = vector.load %arg11[%swap3A_47, %swap3A_48] : memref<512x16xf32, #tpu.memory_space<vmem>>, vector<512x16xf32>
    tpu.vector_store %arg11[%swap3A_47, %swap3A_48], %add3A_46 {strides = array<i32>} : memref<512x16xf32, #tpu.memory_space<vmem>>, vector<512x16xf32>,
    return
  }
  func.func @transform_0(%arg0: i32) -> (i32, i32) {
    %c0_i32 = arith.constant 0 : i32
    %c0_i32_0 = arith.constant 0 : i32
    return %arg0, %c0_i32 : i32, i32
  }
  func.func @transform_1(%arg0: i32) -> (i32, i32) {
    %c0_i32 = arith.constant 0 : i32
    %c0_i32_0 = arith.constant 0 : i32
    return %arg0, %c0_i32 : i32, i32
  }
  func.func @transform_2(%arg0: i32) -> (i32, i32) {
    %c0_i32 = arith.constant 0 : i32
    %c0_i32_0 = arith.constant 0 : i32
    return %arg0, %c0_i32 : i32, i32
  }
  func.func @transform_3(%arg0: i32) -> (i32, i32) {
    %c0_i32 = arith.constant 0 : i32
    %c0_i32_0 = arith.constant 0 : i32
    return %arg0, %c0_i32 : i32, i32
  }
  func.func @transform_4(%arg0: i32) -> (i32, i32) {
    %c0_i32 = arith.constant 0 : i32
    %c0_i32_0 = arith.constant 0 : i32
    %c0_i32_1 = arith.constant 0 : i32
    return %c0_i32, %c0_i32_0 : i32, i32
  }
  func.func @transform_5(%arg0: i32) -> (i32, i32) {
    %c0_i32 = arith.constant 0 : i32
    %c0_i32_0 = arith.constant 0 : i32
    %c0_i32_1 = arith.constant 0 : i32
    return %c0_i32, %c0_i32_0 : i32, i32
  }
  func.func @transform_6(%arg0: i32) -> (i32, i32) {
    %c0_i32 = arith.constant 0 : i32
    %c0_i32_0 = arith.constant 0 : i32
    %c0_i32_1 = arith.constant 0 : i32
    return %c0_i32, %c0_i32_0 : i32, i32
  }
  func.func @transform_7(%arg0: i32) -> (i32, i32) {
    %c0_i32 = arith.constant 0 : i32
    %c0_i32_0 = arith.constant 0 : i32
    %c0_i32_1 = arith.constant 0 : i32
    return %c0_i32, %c0_i32_0 : i32, i32
  }
  func.func @transform_8(%arg0: i32) -> (i32, i32) {
    %c0_i32 = arith.constant 0 : i32
    %c0_i32_0 = arith.constant 0 : i32
    %c0_i32_1 = arith.constant 0 : i32
    return %c0_i32, %c0_i32_0 : i32, i32
  }
  func.func @transform_9(%arg0: i32) -> (i32, i32) {
    %c0_i32 = arith.constant 0 : i32
    %c0_i32_0 = arith.constant 0 : i32
    return %arg0, %c0_i32 : i32, i32
  }
  func.func @transform_10(%arg0: i32) -> (i32, i32) {
    %c0_i32 = arith.constant 0 : i32
    %c0_i32_0 = arith.constant 0 : i32
    return %arg0, %c0_i32 : i32, i32
  }
}

</mosaic_0001>

<sc_bundles>
// kernel: kernel.15.cloned.1.call-start
scs
__scs_entry_jumppad:
0x0: {  	(pc) =	sbr.rel $0x88, $3  }
0x1: {  	(tag) =	ssettag $0x0;
	lr =	simm.s32 $0x1  }
0x2: {  	[smem:$0x3F85] =	sst lr;
	_ =	strace $0xD0000000  }
0x3: {  	_ = 	snop  }
0x4: {  	_ = 	snop  }
0x5: {  	_ = 	snop  }
0x6: {  	_ = 	snop  }
0x7: {  	_ = 	snop  }
__scs_overlays_trampoline_lowered:
0x8: {  	[smem:$0x3F94] =	sst s0  }
0x9: {  	[smem:$0x3F95] =	sst s1  }
0xa: {  	[smem:$0x3F96] =	sst s2  }
0xb: {  	[smem:$0x3F97] =	sst s3  }
0xc: {  	[smem:$0x3F98] =	sst s4  }
0xd: {  	[smem:$0x3F99] =	sst s5  }
0xe: {  	[smem:$0x3F9A] =	sst s6  }
0xf: {  	[smem:$0x3F9B] =	sst s7  }
0x10: {  	[smem:$0x3F9C] =	sst s8  }
0x11: {  	[smem:$0x3F9D] =	sst s9;
	s0 =	simm.s32 @!p0 $0x0  }
0x12: {  	s1 =	sld [smem:$0x3F83];
	s0 =	simm.s32 @p0 $0x1  }
0x13: {  	[smem:$0x3F9E] =	sst s0;
	s0 =	simm.s32 @!p1 $0x0  }
0x14: {  	s2 =	sld [smem:$0x3F82];
	s0 =	simm.s32 @p1 $0x1  }
0x15: {  	[smem:$0x3F9F] =	sst s0;
	s0 =	simm.s32 @!p2 $0x0  }
0x16: {  	s3 =	sld [smem:$0x3FDB];
	s0 =	simm.s32 @p2 $0x1  }
0x17: {  	s4 =	simm.s32 $0x1BF5;
	[smem:$0x3FA1] =	sst s0  }
0x18: {  	s0 =	sld [smem:$0x3F84];
	_ =	swait.ge [sflag:s4], $0x0  }
0x19: {  	s7 =	sld [smem:$0x3F85]  }
0x1a: {  	s8 =	sadd.s32 $0xFFFFE003, lr  }
0x1b: {  	s9 =	sadd.s32 $0xFFFFFEF7, lr;
	s5 =	simm.s32 $0xFFFFFFFF;
	p2 =	slt.u32 s8, $0xFFFFF086  }
0x1c: {  	p1 =	slt.u32 s9, $0xF7A;
	s5 =	simm.s32 @!p2 $0x0  }
0x1d: {  	s5 =	simm.s32 @p1 $0x1;
	p0 =	seq.s32 s7, s2  }
0x1e: {  	s7 =	smul.u32 @!p0 $0xF7A, s2;
	p2 =	seq.s32 @!p0 s5, $0x0  }
0x1f: {  	s9 =	smul.u32 $0xF7A, s1;
	s8 =	simm.s32 @!p0 $0x1BF5;
	p2 =	por !p2, p0  }
0x20: {  	[sflag:s8] =	ssyncset.s32 @!p0 $0xFFFFF086;
	s6 =	sadd.s32 @!p0 s3, s7;
	s7 =	simm.s32 @!p0 $0x108  }
0x21: {  	s3 =	sadd.s32 s3, s9;
	s6 =	sadd.s32 @!p0 $0x88, s6;
	s7 =	simm.s32 @p2 $0x1082  }
0x22: {  	[simem:s7], [sflag:s8] =	dma.local @!p0 [hbm:s6], $0xF7A  }
0x23: {  	s9 =	sor.u32 $0xD0000000, s2;
	s6 =	simm.s32 $0x108;
	_ =	swait.ge @!p0 [sflag:s8], $0x0  }
0x24: {  	s3 =	sadd.s32 $0x88, s3;
	s6 =	simm.s32 @!p1 $0x1082;
	[sflag:s4] =	ssyncset.s32 $0xFFFFF086  }
0x25: {  	[simem:s6], [sflag:s4] =	dma.local [hbm:s3], $0xF7A  }
0x26: {  	[smem:$0x3F85] =	sst s1;
	(tag) =	ssettag s2;
	_ =	strace s9  }
0x27: {  	s1 =	sld [smem:$0x3F95]  }
0x28: {  	s2 =	sld [smem:$0x3F96]  }
0x29: {  	s4 =	sld [smem:$0x3F98]  }
0x2a: {  	p0 =	seq.s32 s5, $0x0;
	s5 =	sld [smem:$0x3F99]  }
0x2b: {  	s6 =	sld [smem:$0x3F9A]  }
0x2c: {  	s7 =	sld [smem:$0x3F9B]  }
0x2d: {  	s3 =	simm.s32 $0x108;
	s8 =	sld [smem:$0x3F9C]  }
0x2e: {  	s3 =	simm.s32 @!p0 $0x1082;
	s9 =	sld [smem:$0x3F9D]  }
0x2f: {  	lr =	sadd.s32 s0, s3;
	s0 =	sld [smem:$0x3F94]  }
0x30: {  	s3 =	sld [smem:$0x3F97]  }
0x31: {  	[smem:$0x3FA0] =	sst s10  }
0x32: {  	s10 =	sld [smem:$0x3F9E];
	_ =	sdelay $0x3  }
0x33: {  	p0 =	seq.s32 s10, $0x1;
	s10 =	sld [smem:$0x3FA0];
	_ =	sdelay $0x3  }
0x34: {  	[smem:$0x3FA0] =	sst s10  }
0x35: {  	s10 =	sld [smem:$0x3F9F];
	_ =	sdelay $0x3  }
0x36: {  	p1 =	seq.s32 s10, $0x1;
	s10 =	sld [smem:$0x3FA0];
	_ =	sdelay $0x3  }
0x37: {  	[smem:$0x3FA0] =	sst s10  }
0x38: {  	s10 =	sld [smem:$0x3FA1]  }
0x39: {  	_ = 	snop;
	(pc) =	sbr.ind lr, $3  }
0x3a: {  	_ = 	snop  }
0x3b: {  	_ = 	snop  }
0x3c: {  	p2 =	seq.s32 s10, $0x1;
	s10 =	sld [smem:$0x3FA0]  }
0x3d: {  	_ =	shalt  }
0x3e: {  	_ =	shalt  }
0x3f: {  	_ =	shalt  }
0x40: {  	_ =	shalt  }
0x41: {  	_ =	shalt  }
0x42: {  	_ =	shalt  }
0x43: {  	_ =	shalt  }
0x44: {  	_ =	shalt  }
0x45: {  	_ =	shalt  }
0x46: {  	_ =	shalt  }
0x47: {  	_ =	shalt  }
0x48: {  	_ =	shalt  }
0x49: {  	_ =	shalt  }
0x4a: {  	_ =	shalt  }
0x4b: {  	_ =	shalt  }
0x4c: {  	_ =	shalt  }
0x4d: {  	_ =	shalt  }
0x4e: {  	_ =	shalt  }
0x4f: {  	_ =	shalt  }
0x50: {  	_ =	shalt  }
0x51: {  	_ =	shalt  }
0x52: {  	_ =	shalt  }
0x53: {  	_ =	shalt  }
0x54: {  	_ =	shalt  }
0x55: {  	_ =	shalt  }
0x56: {  	_ =	shalt  }
0x57: {  	_ =	shalt  }
0x58: {  	_ =	shalt  }
0x59: {  	_ =	shalt  }
0x5a: {  	_ =	shalt  }
0x5b: {  	_ =	shalt  }
0x5c: {  	_ =	shalt  }
0x5d: {  	_ =	shalt  }
0x5e: {  	_ =	shalt  }
0x5f: {  	_ =	shalt  }
0x60: {  	_ =	shalt  }
0x61: {  	_ =	shalt  }
0x62: {  	_ =	shalt  }
0x63: {  	_ =	shalt  }
0x64: {  	_ =	shalt  }
0x65: {  	_ =	shalt  }
0x66: {  	_ =	shalt  }
0x67: {  	_ =	shalt  }
0x68: {  	_ =	shalt  }
0x69: {  	_ =	shalt  }
0x6a: {  	_ =	shalt  }
0x6b: {  	_ =	shalt  }
0x6c: {  	_ =	shalt  }
0x6d: {  	_ =	shalt  }
0x6e: {  	_ =	shalt  }
0x6f: {  	_ =	shalt  }
0x70: {  	_ =	shalt  }
0x71: {  	_ =	shalt  }
0x72: {  	_ =	shalt  }
0x73: {  	_ =	shalt  }
0x74: {  	_ =	shalt  }
0x75: {  	_ =	shalt  }
0x76: {  	_ =	shalt  }
0x77: {  	_ =	shalt  }
0x78: {  	_ =	shalt  }
0x79: {  	_ =	shalt  }
0x7a: {  	_ =	shalt  }
0x7b: {  	_ =	shalt  }
0x7c: {  	_ =	shalt  }
0x7d: {  	_ =	shalt  }
0x7e: {  	_ =	shalt  }
0x7f: {  	_ =	shalt  }
0x80: {  	_ =	shalt  }
0x81: {  	_ =	shalt  }
0x82: {  	_ =	shalt  }
0x83: {  	_ =	shalt  }
0x84: {  	_ =	shalt  }
0x85: {  	_ =	shalt  }
0x86: {  	_ =	shalt  }
0x87: {  	_ =	shalt  }
.Lfunc_end0:
.L_simem_size_0:
called_computation_lowered:
.L_overlay_start_0:
0x88: {  	s2 =	sld [smem:$0x3FD9]  }
0x89: {  	s3 =	sld [smem:$0x3FFE];
	_ =	sdelay $0x1  }
0x8a: {  	s1 =	srdreg.scid  }
0x8b: {  	s0 =	sand.u32 $0x1, s1  }
0x8c: {  	s14 =	sshll.u32 s0, $0xA;
	s2 =	sadd.s32 s3, s2  }
0x8d: {  	s2 =	sadd.s32 s2, s14  }
0x8e: {  	[smem:$0x3FAC] =	sst s2  }
0x8f: {  	_ = 	snop  }
0x90: {  	s2 =	sld [smem:$0x3FD0];
	_ =	sdelay $0x2  }
0x91: {  	s15 =	simm.s32 $0xC;
	s4 =	simm.s32 $0x10  }
0x92: {  	[smem:s4], [sflag:s15] =	dma.local [hbm:s2], $0x1  }
0x93: {  	_ =	swait.eq [sflag:s15], $0x1  }
0x94: {  	[sflag:s15] =	ssyncset.done $0x0  }
0x95: {  	[sflag:s15] =	ssyncadd.s32 $0xFFFFFFFF  }
0x96: {  	s16 =	sld [smem:$0x11];
	(tm) =	ssettm $0x1  }
0x97: {  	s17 =	sld [smem:$0x3FFB];
	_ =	sdelay $0x3  }
0x98: {  	_ =	strace s17  }
0x99: {  	s3 =	sld [smem:$0x3FFC];
	_ =	sdelay $0x3  }
0x9a: {  	_ =	strace s3  }
0x9b: {  	s3 =	sld [smem:$0x3FFD];
	_ =	sdelay $0x3  }
0x9c: {  	_ =	strace s3  }
0x9d: {  	_ =	strace $0x8FFFFFFF  }
0x9e: {  	s18 =	sld [smem:$0x3FDB];
	_ =	sdelay $0x1  }
0x9f: {  	s19 =	simm.s32 $_scs_section_size  }
0xa0: {  	s5 =	simm.s32 $_size__tile_overlayer_lowered;
	s6 =	simm.s32 $_tile_overlayer_lowered  }
0xa1: {  	s22 =	simm.s32 $0x1BFF;
	s21 =	sshll.u32 s6, $0x1;
	s3 =	sadd.s32 s19, s18  }
0xa2: {  	s7 =	simm.s32 $0x0;
	s20 =	sshll.u32 s5, $0x1;
	s5 =	sadd.s32 s21, s3  }
0xa3: {  	[timem:s7], [sflag:s22] =	dma.local [hbm:s5], s20  }
0xa4: {  	_ =	swait.ge [sflag:s22], s20  }
0xa5: {  	s4 =	ssub.s32 $0x0, s20;
	[sflag:s22] =	ssyncset.done $0x0  }
0xa6: {  	[sflag:s22] =	ssyncadd.s32 s4;
	_ =	sdelay $0x1  }
0xa7: {  	s23 =	simm.s32 $0x1B8B  }
0xa8: {  	_ =	swait.ge [sflag:s23], $0x1  }
0xa9: {  	[sflag:s23] =	ssyncset.done $0x0  }
0xaa: {  	s25 =	simm.s32 $0x1B8E;
	s24 =	sld [smem:$0x3FFE];
	[sflag:s23] =	ssyncadd.s32 $0xFFFFFFFF  }
0xab: {  	s26 =	simm.s32 $execute0_lowered;
	[smem:$0x3FD2] =	sst s25  }
0xac: {  	s5 =	sshll.u32 s26, $0x1;
	_ =	strace $0x80000046;
	[dreg:$0x1] =	wrdreg $0xFFFFFFFF  }
0xad: {  	s28 =	simm.s32 $_size_execute0_lowered;
	s3 =	sadd.s32 s3, s5;
	[dreg:$0x0] =	wrdreg $0x0  }
0xae: {  	s5 =	sshll.u32 s28, $0x1;
	[dreg:$0x2] =	wrdreg s3  }
0xaf: {  	[dreg:$0x3] =	wrdreg s5  }
0xb0: {  	[dreg:$0x4] =	wrdreg $0xC0  }
0xb1: {  	_ =	task [dreg:s7], $0x5FFFF  }
0xb2: {  	[dreg:$0x1] =	wrdreg $0xFFFFFFFF  }
0xb3: {  	[dreg:$0x0] =	wrdreg $0x60  }
0xb4: {  	[dreg:$0x2] =	wrdreg s24  }
0xb5: {  	[dreg:$0x3] =	wrdreg s16  }
0xb6: {  	[dreg:$0x4] =	wrdreg $0x9  }
0xb7: {  	_ =	task.clear_ibuf [dreg:s7], $0x5FFFF;
	_ =	strace $0x90000046  }
0xb8: {  	s29 =	simm.s32 $0x9;
	_ =	strace $0x80000048  }
0xb9: {  	_ =	swait.ge [sflag:s29], $0x1  }
0xba: {  	[sflag:s29] =	ssyncadd.s32 $0xFFFFFFFF  }
0xbb: {  	_ =	strace $0x90000048  }
0xbc: {  	_ =	sfence  }
0xbd: {  	s30 =	sld [smem:$0x0];
	_ =	sdelay $0x2  }
0xbe: {  	s31 =	sshll.u32 s1, $0xD;
	s1 =	sshrl.u32 s1, $0x2  }
0xbf: {  	s3 =	sand.u32 $0x4000, s31;
	s1 =	sadd.s32 s1, s30  }
0xc0: {  	s0 =	sor.u32 s3, s0;
	s1 =	sshll.u32 s1, $0x11  }
0xc1: {  	s0 =	sor.u32 s1, s0  }
0xc2: {  	s0 =	sadd.s32 $0x8F2B, s0  }
0xc3: {  	[sflag:s0] =	ssyncadd.remote.s32 $0x1  }
0xc4: {  	_ =	sfence.sel $0xFFFF  }
0xc5: {  	[dreg:$0x0] =	wrdreg $0xFFFFFFFF;
	(pc) =	sbr.abs _section_cstart, $3  }
0xc6: {  	[dreg:$0x1] =	wrdreg $0xFFFFFFFF  }
0xc7: {  	_ =	task.clear_ibuf [dreg:s7], $0x2FFFF;
	_ =	strace $0x9FFFFFFF  }
0xc8: {  	(tm) =	ssettm $0x7FFFFFFF  }
0xc9: {  	_ =	shalt  }
tec
execute0_lowered:
.L_overlay_start_1:
0x0: {  	(tag) =	ssettag $0x1  }
0x1: {  	s0 =	rddreg [dreg:$0x0]  }
0x2: {  	s1 =	rddreg [dreg:$0x1];
	s2 =	simm.s32 $0x0  }
0x3: {  	s6 =	stileid.u32;
	s5 =	srdreg.scid;
	s15 =	simm.s32 $0x4100  }
0x4: {  	s16 =	simm.s32 $0x4900;
	s17 =	simm.s32 $0x5100;
	s18 =	simm.s32 $0x5180  }
0x5: {  	s19 =	simm.s32 $0x5200;
	s20 =	simm.s32 $0x7200;
	s21 =	simm.s32 $0x9200  }
0x6: {  	[smem:$0x7FF] =	sst s2;
	s3 =	sadd.s32 $0x1B000, s0;
	s7 =	smul.u32 $0x2A000, s6  }
0x7: {  	s4 =	sadd.s32 $0xEC00, s0;
	s8 =	sand.u32 $0x1, s5;
	s9 =	smul.u32 $0x5400, s6  }
0x8: {  	s22 =	sadd.s32 $0x4BE00, s0;
	s23 =	sadd.s32 $0x51200, s0;
	s13 =	smul.u32 $0x2A00, s6  }
0x9: {  	s14 =	sadd.s32 $0x56600, s0;
	_ =	strace $0x80000047;
	s11 =	smul.u32 $0x2A00, s8  }
0xa: {  	[dreg:$0x7] =	wrdreg s22;
	s10 =	ssub.s32 $0x2, s8;
	s24 =	smul.u32 $0x1500, s8  }
0xb: {  	[dreg:$0x8] =	wrdreg s23;
	s8 =	smul.u32 $0x15000, s8;
	s22 =	simm.s32 $0x9A00  }
0xc: {  	s23 =	simm.s32 $0x2;
	s12 =	sshrl.u32 s10, $0x1;
	s0 =	sadd.s32 s7, s0  }
0xd: {  	s26 =	sadd.s32 s9, s14;
	s9 =	sadd.s32 s9, s1;
	s10 =	ssub.s32 s10, s12  }
0xe: {  	s12 =	sadd.s32 s24, s13;
	s9 =	sadd.s32 s11, s9;
	s0 =	sadd.s32 s8, s0  }
0xf: {  	s13 =	simm.s32 $0x100;
	s24 =	simm.s32 $0x40;
	s25 =	smax.u32 s10, $0x1  }
0x10: {  	s10 =	sadd.s32 s11, s26;
	s28 =	sor.u32 $0x80, s12;
	[dreg:$0x4] =	wrdreg s9  }
0x11: {  	s8 =	sadd.s32 $0xAA600, s0;
	s9 =	sshrl.u32 s12, $0x3;
	s11 =	simm.s32 $0x80  }
0x12: {  	s12 =	simm.s32 $0x1;
	[dreg:$0x9] =	wrdreg s25;
	s29 =	sshll.u32 s28, $0x1  }
0x13: {  	s26 =	simm.s32 $0x0;
	[dreg:$0x3] =	wrdreg s10;
	s30 =	sadd.s32 s29, s1  }
0x14: {  	s10 =	sshrl.u32 s28, $0x3;
	s31 =	sadd.s32 s29, s14;
	[dreg:$0x5] =	wrdreg s30  }
0x15: {  	s25 =	simm.s32 $0x3;
	s14 =	simm.s32 $0x2100;
	[dreg:$0x6] =	wrdreg s31  }
.LBB2_1:
0x16: {  	s5 =	rddreg [dreg:$0x7]  }
0x17: {  	s6 =	rddreg [dreg:$0x8];
	s0 =	sadd.s32 s5, s9  }
0x18: {  	[tilespmem:s2], [sflag:$0x1] =	stream.linear.gather [hbm4b:s0+s2], $0x80, $0x38;
	[tilespmem:$0xA200] =	vst v63  }
0x19: {  	s1 =	sadd.s32 s6, s9  }
0x1a: {  	[tilespmem:s11], [sflag:$0x1] =	stream.linear.gather [hbm4b:s1+s2], $0x80, $0x38;
	[tilespmem:$0xA200] =	vst v63  }
0x1b: {  	_ =	swait.ge [sflag:s12], $0x80  }
0x1c: {  	[sflag:s12] =	ssyncset.done $0x0  }
0x1d: {  	[sflag:s12] =	ssyncadd.s32 $0xFFFFFF80  }
0x1e: {  	_ =	swait.ge [sflag:s12], $0x80  }
0x1f: {  	[sflag:s12] =	ssyncset.done $0x0  }
0x20: {  	[sflag:s12] =	ssyncadd.s32 $0xFFFFFF80  }
0x21: {  	[tilespmem:s13], [sflag:$0x2] =	stream.indirect.gather [hbm4b:s3+s11], $0x40, s2, s11, $0xb8;
	[tilespmem:$0xA200] =	vst v63  }
0x22: {  	_ = 	snop  }
0x23: {  	[tilespmem:s14], [sflag:$0x2] =	stream.indirect.gather [hbm4b:s3+s11], $0x40, s11, s11, $0xb8;
	[tilespmem:$0xA200] =	vst v63  }
0x24: {  	_ = 	snop  }
0x25: {  	[tilespmem:s15], [sflag:$0x2] =	stream.indirect.gather [hbm4b:s4+s11], $0x10, s2, s11, $0xb8;
	[tilespmem:$0xA200] =	vst v63  }
0x26: {  	_ = 	snop  }
0x27: {  	[tilespmem:s16], [sflag:$0x2] =	stream.indirect.gather [hbm4b:s4+s11], $0x10, s11, s11, $0xb8;
	[tilespmem:$0xA200] =	vst v63  }
0x28: {  	s7 =	sadd.s32 s5, s10  }
0x29: {  	[tilespmem:s17], [sflag:$0x1] =	stream.linear.gather [hbm4b:s7+s2], $0x80, $0x38;
	[tilespmem:$0xA200] =	vst v63  }
0x2a: {  	s1 =	sadd.s32 s6, s10  }
0x2b: {  	[tilespmem:s18], [sflag:$0x1] =	stream.linear.gather [hbm4b:s1+s2], $0x80, $0x38;
	[tilespmem:$0xA200] =	vst v63  }
0x2c: {  	_ =	swait.ge [sflag:s12], $0x80  }
0x2d: {  	[sflag:s12] =	ssyncset.done $0x0  }
0x2e: {  	[sflag:s12] =	ssyncadd.s32 $0xFFFFFF80  }
0x2f: {  	_ =	swait.ge [sflag:s12], $0x80  }
0x30: {  	[sflag:s12] =	ssyncset.done $0x0  }
0x31: {  	[sflag:s12] =	ssyncadd.s32 $0xFFFFFF80  }
0x32: {  	[tilespmem:s19], [sflag:$0x2] =	stream.indirect.gather [hbm4b:s3+s11], $0x40, s17, s11, $0xb8;
	[tilespmem:$0xA200] =	vst v63  }
0x33: {  	_ = 	snop  }
0x34: {  	[tilespmem:s20], [sflag:$0x2] =	stream.indirect.gather [hbm4b:s3+s11], $0x40, s18, s11, $0xb8;
	[tilespmem:$0xA200] =	vst v63  }
0x35: {  	_ = 	snop  }
0x36: {  	[tilespmem:s21], [sflag:$0x2] =	stream.indirect.gather [hbm4b:s4+s11], $0x10, s17, s11, $0xb8;
	[tilespmem:$0xA200] =	vst v63  }
0x37: {  	_ = 	snop  }
0x38: {  	[tilespmem:s22], [sflag:$0x2] =	stream.indirect.gather [hbm4b:s4+s11], $0x10, s18, s11, $0xb8;
	[tilespmem:$0xA200] =	vst v63  }
0x39: {  	_ =	swait.ge [sflag:s23], $0x2000  }
0x3a: {  	[sflag:s23] =	ssyncset.done $0x0  }
0x3b: {  	[sflag:s23] =	ssyncadd.s32 $0xFFFFE000  }
0x3c: {  	_ =	swait.ge [sflag:s23], $0x2000  }
0x3d: {  	[sflag:s23] =	ssyncset.done $0x0  }
0x3e: {  	[sflag:s23] =	ssyncadd.s32 $0xFFFFE000  }
0x3f: {  	_ =	swait.ge [sflag:s23], $0x800  }
0x40: {  	[sflag:s23] =	ssyncset.done $0x0  }
0x41: {  	[sflag:s23] =	ssyncadd.s32 $0xFFFFF800  }
0x42: {  	_ =	swait.ge [sflag:s23], $0x800  }
0x43: {  	[sflag:s23] =	ssyncset.done $0x0  }
0x44: {  	[sflag:s23] =	ssyncadd.s32 $0xFFFFF800  }
0x45: {  	[hbm4b:s8+s24] =	stream.strided.scatter [tilespmem:s13], [sflag:$0x3], $0x2000, s11, s24, $0x38;
	[tilespmem:$0xA200] =	vst v63  }
0x46: {  	s1 =	sadd.s32 $0x8, s8;
	s7 =	rddreg [dreg:$0x4]  }
0x47: {  	[hbm4b:s1+s24] =	stream.strided.scatter [tilespmem:s14], [sflag:$0x3], $0x2000, s11, s24, $0x38;
	[tilespmem:$0xA200] =	vst v63  }
0x48: {  	s28 =	rddreg [dreg:$0x3];
	s0 =	sadd.s32 $0x0, s7  }
0x49: {  	[hbm4b:s0+s2] =	stream.linear.scatter [tilespmem:s15], [sflag:$0x3], $0x800, $0x38;
	[tilespmem:$0xA200] =	vst v63  }
0x4a: {  	s1 =	sadd.s32 $0x0, s28  }
0x4b: {  	[hbm4b:s1+s2] =	stream.linear.scatter [tilespmem:s16], [sflag:$0x3], $0x800, $0x38;
	[tilespmem:$0xA200] =	vst v63  }
0x4c: {  	_ =	swait.ge [sflag:s23], $0x2000  }
0x4d: {  	[sflag:s23] =	ssyncset.done $0x0  }
0x4e: {  	[sflag:s23] =	ssyncadd.s32 $0xFFFFE000  }
0x4f: {  	_ =	swait.ge [sflag:s23], $0x2000  }
0x50: {  	[sflag:s23] =	ssyncset.done $0x0  }
0x51: {  	[sflag:s23] =	ssyncadd.s32 $0xFFFFE000  }
0x52: {  	_ =	swait.ge [sflag:s23], $0x800  }
0x53: {  	[sflag:s23] =	ssyncset.done $0x0  }
0x54: {  	[sflag:s23] =	ssyncadd.s32 $0xFFFFF800  }
0x55: {  	_ =	swait.ge [sflag:s23], $0x800  }
0x56: {  	[sflag:s23] =	ssyncset.done $0x0  }
0x57: {  	s7 =	sadd.s32 $0x800, s8;
	[sflag:s23] =	ssyncadd.s32 $0xFFFFF800  }
0x58: {  	[hbm4b:s7+s24] =	stream.strided.scatter [tilespmem:s19], [sflag:$0x3], $0x2000, s11, s24, $0x38;
	[tilespmem:$0xA200] =	vst v63  }
0x59: {  	s1 =	rddreg [dreg:$0x5];
	s7 =	sadd.s32 $0x808, s8  }
0x5a: {  	[hbm4b:s7+s24] =	stream.strided.scatter [tilespmem:s20], [sflag:$0x3], $0x2000, s11, s24, $0x38;
	[tilespmem:$0xA200] =	vst v63  }
0x5b: {  	s28 =	rddreg [dreg:$0x6];
	s1 =	sadd.s32 $0x0, s1  }
0x5c: {  	[hbm4b:s1+s2] =	stream.linear.scatter [tilespmem:s21], [sflag:$0x3], $0x800, $0x38;
	[tilespmem:$0xA200] =	vst v63  }
0x5d: {  	s7 =	sadd.s32 $0x0, s28  }
0x5e: {  	[hbm4b:s7+s2] =	stream.linear.scatter [tilespmem:s22], [sflag:$0x3], $0x800, $0x38;
	[tilespmem:$0xA200] =	vst v63  }
0x5f: {  	_ =	swait.ge [sflag:s25], $0x2000  }
0x60: {  	[sflag:s25] =	ssyncset.done $0x0  }
0x61: {  	[sflag:s25] =	ssyncadd.s32 $0xFFFFE000  }
0x62: {  	_ =	swait.ge [sflag:s25], $0x2000  }
0x63: {  	[sflag:s25] =	ssyncset.done $0x0  }
0x64: {  	[sflag:s25] =	ssyncadd.s32 $0xFFFFE000  }
0x65: {  	_ =	swait.ge [sflag:s25], $0x800  }
0x66: {  	[sflag:s25] =	ssyncset.done $0x0  }
0x67: {  	[sflag:s25] =	ssyncadd.s32 $0xFFFFF800  }
0x68: {  	_ =	swait.ge [sflag:s25], $0x800  }
0x69: {  	[sflag:s25] =	ssyncset.done $0x0  }
0x6a: {  	[sflag:s25] =	ssyncadd.s32 $0xFFFFF800  }
0x6b: {  	_ =	swait.ge [sflag:s25], $0x2000  }
0x6c: {  	[sflag:s25] =	ssyncset.done $0x0  }
0x6d: {  	[sflag:s25] =	ssyncadd.s32 $0xFFFFE000  }
0x6e: {  	_ =	swait.ge [sflag:s25], $0x2000  }
0x6f: {  	[sflag:s25] =	ssyncset.done $0x0  }
0x70: {  	[sflag:s25] =	ssyncadd.s32 $0xFFFFE000  }
0x71: {  	_ =	swait.ge [sflag:s25], $0x800  }
0x72: {  	[sflag:s25] =	ssyncset.done $0x0  }
0x73: {  	s29 =	smov.u32 s8;
	[sflag:s25] =	ssyncadd.s32 $0xFFFFF800  }
0x74: {  	s30 =	sadd.s32 $0x20, s6;
	s31 =	sadd.s32 $0x20, s5;
	_ =	swait.ge [sflag:s25], $0x800  }
0x75: {  	s0 =	simm.s32 $0x400;
	s28 =	simm.s32 $0x200;
	[sflag:s25] =	ssyncset.done $0x0  }
.LBB2_2:
0x76: {  	s7 =	sadd.s32 s31, s9;
	[sflag:s25] =	ssyncadd.s32 $0xFFFFF800  }
0x77: {  	[tilespmem:s2], [sflag:$0x1] =	stream.linear.gather [hbm4b:s7+s2], $0x80, $0x38;
	[tilespmem:$0xA200] =	vst v63  }
0x78: {  	s6 =	sadd.s32 s30, s9  }
0x79: {  	[tilespmem:s11], [sflag:$0x1] =	stream.linear.gather [hbm4b:s6+s2], $0x80, $0x38;
	[tilespmem:$0xA200] =	vst v63  }
0x7a: {  	_ =	swait.ge [sflag:s12], $0x80  }
0x7b: {  	[sflag:s12] =	ssyncset.done $0x0  }
0x7c: {  	[sflag:s12] =	ssyncadd.s32 $0xFFFFFF80  }
0x7d: {  	_ =	swait.ge [sflag:s12], $0x80  }
0x7e: {  	[sflag:s12] =	ssyncset.done $0x0  }
0x7f: {  	[sflag:s12] =	ssyncadd.s32 $0xFFFFFF80  }
0x80: {  	[tilespmem:s13], [sflag:$0x2] =	stream.indirect.gather [hbm4b:s3+s11], $0x40, s2, s11, $0xb8;
	[tilespmem:$0xA200] =	vst v63  }
0x81: {  	_ = 	snop  }
0x82: {  	[tilespmem:s14], [sflag:$0x2] =	stream.indirect.gather [hbm4b:s3+s11], $0x40, s11, s11, $0xb8;
	[tilespmem:$0xA200] =	vst v63  }
0x83: {  	_ = 	snop  }
0x84: {  	[tilespmem:s15], [sflag:$0x2] =	stream.indirect.gather [hbm4b:s4+s11], $0x10, s2, s11, $0xb8;
	[tilespmem:$0xA200] =	vst v63  }
0x85: {  	_ = 	snop  }
0x86: {  	[tilespmem:s16], [sflag:$0x2] =	stream.indirect.gather [hbm4b:s4+s11], $0x10, s11, s11, $0xb8;
	[tilespmem:$0xA200] =	vst v63  }
0x87: {  	s5 =	sadd.s32 s31, s10  }
0x88: {  	[tilespmem:s17], [sflag:$0x1] =	stream.linear.gather [hbm4b:s5+s2], $0x80, $0x38;
	[tilespmem:$0xA200] =	vst v63  }
0x89: {  	s6 =	sadd.s32 s30, s10  }
0x8a: {  	[tilespmem:s18], [sflag:$0x1] =	stream.linear.gather [hbm4b:s6+s2], $0x80, $0x38;
	[tilespmem:$0xA200] =	vst v63  }
0x8b: {  	_ =	swait.ge [sflag:s12], $0x80  }
0x8c: {  	[sflag:s12] =	ssyncset.done $0x0  }
0x8d: {  	[sflag:s12] =	ssyncadd.s32 $0xFFFFFF80  }
0x8e: {  	_ =	swait.ge [sflag:s12], $0x80  }
0x8f: {  	[sflag:s12] =	ssyncset.done $0x0  }
0x90: {  	[sflag:s12] =	ssyncadd.s32 $0xFFFFFF80  }
0x91: {  	[tilespmem:s19], [sflag:$0x2] =	stream.indirect.gather [hbm4b:s3+s11], $0x40, s17, s11, $0xb8;
	[tilespmem:$0xA200] =	vst v63  }
0x92: {  	_ = 	snop  }
0x93: {  	[tilespmem:s20], [sflag:$0x2] =	stream.indirect.gather [hbm4b:s3+s11], $0x40, s18, s11, $0xb8;
	[tilespmem:$0xA200] =	vst v63  }
0x94: {  	_ = 	snop  }
0x95: {  	[tilespmem:s21], [sflag:$0x2] =	stream.indirect.gather [hbm4b:s4+s11], $0x10, s17, s11, $0xb8;
	[tilespmem:$0xA200] =	vst v63  }
0x96: {  	_ = 	snop  }
0x97: {  	[tilespmem:s22], [sflag:$0x2] =	stream.indirect.gather [hbm4b:s4+s11], $0x10, s18, s11, $0xb8;
	[tilespmem:$0xA200] =	vst v63  }
0x98: {  	_ =	swait.ge [sflag:s23], $0x2000  }
0x99: {  	[sflag:s23] =	ssyncset.done $0x0  }
0x9a: {  	[sflag:s23] =	ssyncadd.s32 $0xFFFFE000  }
0x9b: {  	_ =	swait.ge [sflag:s23], $0x2000  }
0x9c: {  	[sflag:s23] =	ssyncset.done $0x0  }
0x9d: {  	[sflag:s23] =	ssyncadd.s32 $0xFFFFE000  }
0x9e: {  	_ =	swait.ge [sflag:s23], $0x800  }
0x9f: {  	[sflag:s23] =	ssyncset.done $0x0  }
0xa0: {  	[sflag:s23] =	ssyncadd.s32 $0xFFFFF800  }
0xa1: {  	_ =	swait.ge [sflag:s23], $0x800  }
0xa2: {  	[sflag:s23] =	ssyncset.done $0x0  }
0xa3: {  	s29 =	sadd.s32 $0x1000, s29;
	[sflag:s23] =	ssyncadd.s32 $0xFFFFF800  }
0xa4: {  	[hbm4b:s29+s24] =	stream.strided.scatter [tilespmem:s13], [sflag:$0x3], $0x2000, s11, s24, $0x38;
	[tilespmem:$0xA200] =	vst v63  }
0xa5: {  	s5 =	sadd.s32 $0x8, s29;
	s7 =	rddreg [dreg:$0x4]  }
0xa6: {  	[hbm4b:s5+s24] =	stream.strided.scatter [tilespmem:s14], [sflag:$0x3], $0x2000, s11, s24, $0x38;
	[tilespmem:$0xA200] =	vst v63  }
0xa7: {  	s6 =	rddreg [dreg:$0x3];
	s7 =	sadd.s32 s28, s7  }
0xa8: {  	[hbm4b:s7+s2] =	stream.linear.scatter [tilespmem:s15], [sflag:$0x3], $0x800, $0x38;
	[tilespmem:$0xA200] =	vst v63  }
0xa9: {  	s6 =	sadd.s32 s28, s6  }
0xaa: {  	[hbm4b:s6+s2] =	stream.linear.scatter [tilespmem:s16], [sflag:$0x3], $0x800, $0x38;
	[tilespmem:$0xA200] =	vst v63  }
0xab: {  	_ =	swait.ge [sflag:s23], $0x2000  }
0xac: {  	[sflag:s23] =	ssyncset.done $0x0  }
0xad: {  	[sflag:s23] =	ssyncadd.s32 $0xFFFFE000  }
0xae: {  	_ =	swait.ge [sflag:s23], $0x2000  }
0xaf: {  	[sflag:s23] =	ssyncset.done $0x0  }
0xb0: {  	[sflag:s23] =	ssyncadd.s32 $0xFFFFE000  }
0xb1: {  	_ =	swait.ge [sflag:s23], $0x800  }
0xb2: {  	[sflag:s23] =	ssyncset.done $0x0  }
0xb3: {  	[sflag:s23] =	ssyncadd.s32 $0xFFFFF800  }
0xb4: {  	_ =	swait.ge [sflag:s23], $0x800  }
0xb5: {  	[sflag:s23] =	ssyncset.done $0x0  }
0xb6: {  	s7 =	sadd.s32 $0x800, s29;
	[sflag:s23] =	ssyncadd.s32 $0xFFFFF800  }
0xb7: {  	[hbm4b:s7+s24] =	stream.strided.scatter [tilespmem:s19], [sflag:$0x3], $0x2000, s11, s24, $0x38;
	[tilespmem:$0xA200] =	vst v63  }
0xb8: {  	s5 =	sadd.s32 $0x808, s29;
	s6 =	rddreg [dreg:$0x5]  }
0xb9: {  	[hbm4b:s5+s24] =	stream.strided.scatter [tilespmem:s20], [sflag:$0x3], $0x2000, s11, s24, $0x38;
	[tilespmem:$0xA200] =	vst v63  }
0xba: {  	s6 =	sadd.s32 s28, s6;
	s7 =	rddreg [dreg:$0x6]  }
0xbb: {  	[hbm4b:s6+s2] =	stream.linear.scatter [tilespmem:s21], [sflag:$0x3], $0x800, $0x38;
	[tilespmem:$0xA200] =	vst v63  }
0xbc: {  	s7 =	sadd.s32 s28, s7  }
0xbd: {  	[hbm4b:s7+s2] =	stream.linear.scatter [tilespmem:s22], [sflag:$0x3], $0x800, $0x38;
	[tilespmem:$0xA200] =	vst v63  }
0xbe: {  	_ =	swait.ge [sflag:s25], $0x2000  }
0xbf: {  	[sflag:s25] =	ssyncset.done $0x0  }
0xc0: {  	[sflag:s25] =	ssyncadd.s32 $0xFFFFE000  }
0xc1: {  	_ =	swait.ge [sflag:s25], $0x2000  }
0xc2: {  	[sflag:s25] =	ssyncset.done $0x0  }
0xc3: {  	[sflag:s25] =	ssyncadd.s32 $0xFFFFE000  }
0xc4: {  	_ =	swait.ge [sflag:s25], $0x800  }
0xc5: {  	[sflag:s25] =	ssyncset.done $0x0  }
0xc6: {  	[sflag:s25] =	ssyncadd.s32 $0xFFFFF800  }
0xc7: {  	_ =	swait.ge [sflag:s25], $0x800  }
0xc8: {  	[sflag:s25] =	ssyncset.done $0x0  }
0xc9: {  	[sflag:s25] =	ssyncadd.s32 $0xFFFFF800  }
0xca: {  	_ =	swait.ge [sflag:s25], $0x2000  }
0xcb: {  	[sflag:s25] =	ssyncset.done $0x0  }
0xcc: {  	[sflag:s25] =	ssyncadd.s32 $0xFFFFE000  }
0xcd: {  	_ =	swait.ge [sflag:s25], $0x2000  }
0xce: {  	[sflag:s25] =	ssyncset.done $0x0  }
0xcf: {  	p0 =	sne.s32 s0, $0x2800;
	[sflag:s25] =	ssyncadd.s32 $0xFFFFE000  }
.Ltmp0:
0xd0: {  	_ =	swait.ge [sflag:s25], $0x800;
	(pc) =	sbr.rel @p0 .LBB2_2-.Ltmp0, $4  }
0xd1: {  	[sflag:s25] =	ssyncset.done $0x0  }
0xd2: {  	s1 =	smov.u32 s0;
	[sflag:s25] =	ssyncadd.s32 $0xFFFFF800  }
0xd3: {  	s0 =	sadd.s32 $0x200, s0;
	s31 =	sadd.s32 $0x20, s31;
	_ =	swait.ge [sflag:s25], $0x800  }
0xd4: {  	s30 =	sadd.s32 $0x20, s30;
	s28 =	smov.u32 s1;
	[sflag:s25] =	ssyncset.done $0x0  }
0xd5: {  	s0 =	sadd.s32 s31, s9;
	[sflag:s25] =	ssyncadd.s32 $0xFFFFF800  }
0xd6: {  	[tilespmem:s2], [sflag:$0x1] =	stream.linear.gather [hbm4b:s0+s2], $0x80, $0x38;
	[tilespmem:$0xA200] =	vst v63  }
0xd7: {  	s5 =	sadd.s32 s30, s9  }
0xd8: {  	[tilespmem:s11], [sflag:$0x1] =	stream.linear.gather [hbm4b:s5+s2], $0x80, $0x38;
	[tilespmem:$0xA200] =	vst v63  }
0xd9: {  	_ =	swait.ge [sflag:s12], $0x80  }
0xda: {  	[sflag:s12] =	ssyncset.done $0x0  }
0xdb: {  	[sflag:s12] =	ssyncadd.s32 $0xFFFFFF80  }
0xdc: {  	_ =	swait.ge [sflag:s12], $0x80  }
0xdd: {  	[sflag:s12] =	ssyncset.done $0x0  }
0xde: {  	[sflag:s12] =	ssyncadd.s32 $0xFFFFFF80  }
0xdf: {  	[tilespmem:s13], [sflag:$0x2] =	stream.indirect.gather [hbm4b:s3+s11], $0x40, s2, s11, $0xb8;
	[tilespmem:$0xA200] =	vst v63  }
0xe0: {  	_ = 	snop  }
0xe1: {  	[tilespmem:s14], [sflag:$0x2] =	stream.indirect.gather [hbm4b:s3+s11], $0x40, s11, s11, $0xb8;
	[tilespmem:$0xA200] =	vst v63  }
0xe2: {  	_ = 	snop  }
0xe3: {  	[tilespmem:s15], [sflag:$0x2] =	stream.indirect.gather [hbm4b:s4+s11], $0x10, s2, s11, $0xb8;
	[tilespmem:$0xA200] =	vst v63  }
0xe4: {  	_ = 	snop  }
0xe5: {  	[tilespmem:s16], [sflag:$0x2] =	stream.indirect.gather [hbm4b:s4+s11], $0x10, s11, s11, $0xb8;
	[tilespmem:$0xA200] =	vst v63  }
0xe6: {  	s6 =	sadd.s32 s31, s10  }
0xe7: {  	[tilespmem:s17], [sflag:$0x1] =	stream.linear.gather [hbm4b:s6+s2], $0x80, $0x38;
	[tilespmem:$0xA200] =	vst v63  }
0xe8: {  	s7 =	sadd.s32 s30, s10  }
0xe9: {  	[tilespmem:s18], [sflag:$0x1] =	stream.linear.gather [hbm4b:s7+s2], $0x80, $0x38;
	[tilespmem:$0xA200] =	vst v63  }
0xea: {  	_ =	swait.ge [sflag:s12], $0x80  }
0xeb: {  	[sflag:s12] =	ssyncset.done $0x0  }
0xec: {  	[sflag:s12] =	ssyncadd.s32 $0xFFFFFF80  }
0xed: {  	_ =	swait.ge [sflag:s12], $0x80  }
0xee: {  	[sflag:s12] =	ssyncset.done $0x0  }
0xef: {  	[sflag:s12] =	ssyncadd.s32 $0xFFFFFF80  }
0xf0: {  	[tilespmem:s19], [sflag:$0x2] =	stream.indirect.gather [hbm4b:s3+s11], $0x40, s17, s11, $0xb8;
	[tilespmem:$0xA200] =	vst v63  }
0xf1: {  	_ = 	snop  }
0xf2: {  	[tilespmem:s20], [sflag:$0x2] =	stream.indirect.gather [hbm4b:s3+s11], $0x40, s18, s11, $0xb8;
	[tilespmem:$0xA200] =	vst v63  }
0xf3: {  	_ = 	snop  }
0xf4: {  	[tilespmem:s21], [sflag:$0x2] =	stream.indirect.gather [hbm4b:s4+s11], $0x10, s17, s11, $0xb8;
	[tilespmem:$0xA200] =	vst v63  }
0xf5: {  	_ = 	snop  }
0xf6: {  	[tilespmem:s22], [sflag:$0x2] =	stream.indirect.gather [hbm4b:s4+s11], $0x10, s18, s11, $0xb8;
	[tilespmem:$0xA200] =	vst v63  }
0xf7: {  	_ =	swait.ge [sflag:s23], $0x2000  }
0xf8: {  	[sflag:s23] =	ssyncset.done $0x0  }
0xf9: {  	[sflag:s23] =	ssyncadd.s32 $0xFFFFE000  }
0xfa: {  	_ =	swait.ge [sflag:s23], $0x2000  }
0xfb: {  	[sflag:s23] =	ssyncset.done $0x0  }
0xfc: {  	[sflag:s23] =	ssyncadd.s32 $0xFFFFE000  }
0xfd: {  	_ =	swait.ge [sflag:s23], $0x800  }
0xfe: {  	[sflag:s23] =	ssyncset.done $0x0  }
0xff: {  	[sflag:s23] =	ssyncadd.s32 $0xFFFFF800  }
0x100: {  	_ =	swait.ge [sflag:s23], $0x800  }
0x101: {  	[sflag:s23] =	ssyncset.done $0x0  }
0x102: {  	s30 =	sadd.s32 $0x1000, s29;
	[sflag:s23] =	ssyncadd.s32 $0xFFFFF800  }
0x103: {  	[hbm4b:s30+s24] =	stream.strided.scatter [tilespmem:s13], [sflag:$0x3], $0x2000, s11, s24, $0x38;
	[tilespmem:$0xA200] =	vst v63  }
0x104: {  	s5 =	sadd.s32 $0x8, s30;
	s1 =	rddreg [dreg:$0x4]  }
0x105: {  	[hbm4b:s5+s24] =	stream.strided.scatter [tilespmem:s14], [sflag:$0x3], $0x2000, s11, s24, $0x38;
	[tilespmem:$0xA200] =	vst v63  }
0x106: {  	s31 =	rddreg [dreg:$0x3];
	s1 =	sadd.s32 s28, s1  }
0x107: {  	[hbm4b:s1+s2] =	stream.linear.scatter [tilespmem:s15], [sflag:$0x3], $0x800, $0x38;
	[tilespmem:$0xA200] =	vst v63  }
0x108: {  	s6 =	sadd.s32 s28, s31  }
0x109: {  	[hbm4b:s6+s2] =	stream.linear.scatter [tilespmem:s16], [sflag:$0x3], $0x800, $0x38;
	[tilespmem:$0xA200] =	vst v63  }
0x10a: {  	_ =	swait.ge [sflag:s23], $0x2000  }
0x10b: {  	[sflag:s23] =	ssyncset.done $0x0  }
0x10c: {  	[sflag:s23] =	ssyncadd.s32 $0xFFFFE000  }
0x10d: {  	_ =	swait.ge [sflag:s23], $0x2000  }
0x10e: {  	[sflag:s23] =	ssyncset.done $0x0  }
0x10f: {  	[sflag:s23] =	ssyncadd.s32 $0xFFFFE000  }
0x110: {  	_ =	swait.ge [sflag:s23], $0x800  }
0x111: {  	[sflag:s23] =	ssyncset.done $0x0  }
0x112: {  	[sflag:s23] =	ssyncadd.s32 $0xFFFFF800  }
0x113: {  	_ =	swait.ge [sflag:s23], $0x800  }
0x114: {  	[sflag:s23] =	ssyncset.done $0x0  }
0x115: {  	s7 =	sadd.s32 $0x800, s30;
	[sflag:s23] =	ssyncadd.s32 $0xFFFFF800  }
0x116: {  	[hbm4b:s7+s24] =	stream.strided.scatter [tilespmem:s19], [sflag:$0x3], $0x2000, s11, s24, $0x38;
	[tilespmem:$0xA200] =	vst v63  }
0x117: {  	s0 =	sadd.s32 $0x808, s30;
	s29 =	rddreg [dreg:$0x5]  }
0x118: {  	[hbm4b:s0+s24] =	stream.strided.scatter [tilespmem:s20], [sflag:$0x3], $0x2000, s11, s24, $0x38;
	[tilespmem:$0xA200] =	vst v63  }
0x119: {  	s30 =	rddreg [dreg:$0x6];
	s1 =	sadd.s32 s28, s29  }
0x11a: {  	[hbm4b:s1+s2] =	stream.linear.scatter [tilespmem:s21], [sflag:$0x3], $0x800, $0x38;
	[tilespmem:$0xA200] =	vst v63  }
0x11b: {  	s0 =	sadd.s32 s28, s30  }
0x11c: {  	[hbm4b:s0+s2] =	stream.linear.scatter [tilespmem:s22], [sflag:$0x3], $0x800, $0x38;
	[tilespmem:$0xA200] =	vst v63  }
0x11d: {  	_ =	swait.ge [sflag:s25], $0x2000  }
0x11e: {  	[sflag:s25] =	ssyncset.done $0x0  }
0x11f: {  	[sflag:s25] =	ssyncadd.s32 $0xFFFFE000  }
0x120: {  	_ =	swait.ge [sflag:s25], $0x2000  }
0x121: {  	[sflag:s25] =	ssyncset.done $0x0  }
0x122: {  	[sflag:s25] =	ssyncadd.s32 $0xFFFFE000  }
0x123: {  	_ =	swait.ge [sflag:s25], $0x800  }
0x124: {  	[sflag:s25] =	ssyncset.done $0x0  }
0x125: {  	[sflag:s25] =	ssyncadd.s32 $0xFFFFF800  }
0x126: {  	_ =	swait.ge [sflag:s25], $0x800  }
0x127: {  	[sflag:s25] =	ssyncset.done $0x0  }
0x128: {  	[sflag:s25] =	ssyncadd.s32 $0xFFFFF800  }
0x129: {  	_ =	swait.ge [sflag:s25], $0x2000  }
0x12a: {  	[sflag:s25] =	ssyncset.done $0x0  }
0x12b: {  	[sflag:s25] =	ssyncadd.s32 $0xFFFFE000  }
0x12c: {  	_ =	swait.ge [sflag:s25], $0x2000  }
0x12d: {  	[sflag:s25] =	ssyncset.done $0x0  }
0x12e: {  	[sflag:s25] =	ssyncadd.s32 $0xFFFFE000  }
0x12f: {  	_ =	swait.ge [sflag:s25], $0x800  }
0x130: {  	[sflag:s25] =	ssyncset.done $0x0  }
0x131: {  	[sflag:s25] =	ssyncadd.s32 $0xFFFFF800  }
0x132: {  	_ =	swait.ge [sflag:s25], $0x800  }
0x133: {  	s26 =	sadd.s32 $0x1, s26;
	s31 =	rddreg [dreg:$0x9]  }
0x134: {  	p0 =	sne.s32 s26, s31  }
.Ltmp1:
0x135: {  	_ = 	snop;
	(pc) =	sbr.rel @p0 .LBB2_1-.Ltmp1, $3  }
0x136: {  	_ =	sdelay $0x1  }
0x137: {  	[sflag:s25] =	ssyncset.done $0x0  }
0x138: {  	[sflag:s25] =	ssyncadd.s32 $0xFFFFF800  }
0x139: {  	_ =	sfence.sel $0x180000  }
0x13a: {  	[bflag:$0x0] =	sbarrier.arrive $0xFFFF  }
0x13b: {  	_ =	strace $0x90000047  }
0x13c: {  	s0 =	stileid.u32;
	[bflag:$0x2] =	sbarrier.arrive $0xFFFF  }
0x13d: {  	p0 =	sne.s32 s0, $0x0;
	s0 =	rddreg [dreg:$0x2]  }
0x13e: {  	s0 =	sadd.s32 @!p0 $0x100000, s0  }
0x13f: {  	[sflag:s0] =	ssyncadd.tile.s32 @!p0 $0x1;
	_ =	shalt  }
.Lfunc_end2:
_tile_overlayer_lowered:
.L_overlay_start_2:
0x140: {  	(tag) =	ssettag $0x2  }
0x141: {  	s0 =	rddreg [dreg:$0x0];
	s2 =	stileid.u32  }
0x142: {  	s1 =	rddreg [dreg:$0x1];
	p0 =	sne.s32 s2, $0x0  }
0x143: {  	s3 =	rddreg [dreg:$0x2];
	[bflag:$0x3] =	sbarrier.arrive $0xFFFF;
	s2 =	simm.s32 @!p0 $0x1C04  }
0x144: {  	[timem:s3], [sflag:s2] =	dma.local @!p0 [hbm:s0], s1  }
0x145: {  	s0 =	simm.s32 @!p0 $0x4  }
0x146: {  	_ =	swait.ge @!p0 [sflag:s0], s1  }
0x147: {  	s1 =	ssub.s32 @!p0 $0x0, s1;
	[sflag:s0] =	ssyncset.done @!p0 $0x0  }
0x148: {  	[sflag:s0] =	ssyncadd.s32 @!p0 s1  }
0x149: {  	[bflag:$0x3] =	sbarrier.arrive $0xFFFF  }
0x14a: {  	_ =	shalt  }

// kernel: kernel.18.cloned.1.call-start
scs
__scs_entry_jumppad:
0x0: {  	(pc) =	sbr.rel $0x88, $3  }
0x1: {  	(tag) =	ssettag $0x0;
	lr =	simm.s32 $0x1  }
0x2: {  	[smem:$0x3F85] =	sst lr;
	_ =	strace $0xD0000000  }
0x3: {  	_ = 	snop  }
0x4: {  	_ = 	snop  }
0x5: {  	_ = 	snop  }
0x6: {  	_ = 	snop  }
0x7: {  	_ = 	snop  }
__scs_overlays_trampoline_lowered:
0x8: {  	[smem:$0x3F94] =	sst s0  }
0x9: {  	[smem:$0x3F95] =	sst s1  }
0xa: {  	[smem:$0x3F96] =	sst s2  }
0xb: {  	[smem:$0x3F97] =	sst s3  }
0xc: {  	[smem:$0x3F98] =	sst s4  }
0xd: {  	[smem:$0x3F99] =	sst s5  }
0xe: {  	[smem:$0x3F9A] =	sst s6  }
0xf: {  	[smem:$0x3F9B] =	sst s7  }
0x10: {  	[smem:$0x3F9C] =	sst s8  }
0x11: {  	[smem:$0x3F9D] =	sst s9;
	s0 =	simm.s32 @!p0 $0x0  }
0x12: {  	s1 =	sld [smem:$0x3F83];
	s0 =	simm.s32 @p0 $0x1  }
0x13: {  	[smem:$0x3F9E] =	sst s0;
	s0 =	simm.s32 @!p1 $0x0  }
0x14: {  	s2 =	sld [smem:$0x3F82];
	s0 =	simm.s32 @p1 $0x1  }
0x15: {  	[smem:$0x3F9F] =	sst s0;
	s0 =	simm.s32 @!p2 $0x0  }
0x16: {  	s3 =	sld [smem:$0x3FDB];
	s0 =	simm.s32 @p2 $0x1  }
0x17: {  	s4 =	simm.s32 $0x1BF5;
	[smem:$0x3FA1] =	sst s0  }
0x18: {  	s0 =	sld [smem:$0x3F84];
	_ =	swait.ge [sflag:s4], $0x0  }
0x19: {  	s7 =	sld [smem:$0x3F85]  }
0x1a: {  	s8 =	sadd.s32 $0xFFFFE003, lr  }
0x1b: {  	s9 =	sadd.s32 $0xFFFFFEF7, lr;
	s5 =	simm.s32 $0xFFFFFFFF;
	p2 =	slt.u32 s8, $0xFFFFF086  }
0x1c: {  	p1 =	slt.u32 s9, $0xF7A;
	s5 =	simm.s32 @!p2 $0x0  }
0x1d: {  	s5 =	simm.s32 @p1 $0x1;
	p0 =	seq.s32 s7, s2  }
0x1e: {  	s7 =	smul.u32 @!p0 $0xF7A, s2;
	p2 =	seq.s32 @!p0 s5, $0x0  }
0x1f: {  	s9 =	smul.u32 $0xF7A, s1;
	s8 =	simm.s32 @!p0 $0x1BF5;
	p2 =	por !p2, p0  }
0x20: {  	[sflag:s8] =	ssyncset.s32 @!p0 $0xFFFFF086;
	s6 =	sadd.s32 @!p0 s3, s7;
	s7 =	simm.s32 @!p0 $0x108  }
0x21: {  	s3 =	sadd.s32 s3, s9;
	s6 =	sadd.s32 @!p0 $0x88, s6;
	s7 =	simm.s32 @p2 $0x1082  }
0x22: {  	[simem:s7], [sflag:s8] =	dma.local @!p0 [hbm:s6], $0xF7A  }
0x23: {  	s9 =	sor.u32 $0xD0000000, s2;
	s6 =	simm.s32 $0x108;
	_ =	swait.ge @!p0 [sflag:s8], $0x0  }
0x24: {  	s3 =	sadd.s32 $0x88, s3;
	s6 =	simm.s32 @!p1 $0x1082;
	[sflag:s4] =	ssyncset.s32 $0xFFFFF086  }
0x25: {  	[simem:s6], [sflag:s4] =	dma.local [hbm:s3], $0xF7A  }
0x26: {  	[smem:$0x3F85] =	sst s1;
	(tag) =	ssettag s2;
	_ =	strace s9  }
0x27: {  	s1 =	sld [smem:$0x3F95]  }
0x28: {  	s2 =	sld [smem:$0x3F96]  }
0x29: {  	s4 =	sld [smem:$0x3F98]  }
0x2a: {  	p0 =	seq.s32 s5, $0x0;
	s5 =	sld [smem:$0x3F99]  }
0x2b: {  	s6 =	sld [smem:$0x3F9A]  }
0x2c: {  	s7 =	sld [smem:$0x3F9B]  }
0x2d: {  	s3 =	simm.s32 $0x108;
	s8 =	sld [smem:$0x3F9C]  }
0x2e: {  	s3 =	simm.s32 @!p0 $0x1082;
	s9 =	sld [smem:$0x3F9D]  }
0x2f: {  	lr =	sadd.s32 s0, s3;
	s0 =	sld [smem:$0x3F94]  }
0x30: {  	s3 =	sld [smem:$0x3F97]  }
0x31: {  	[smem:$0x3FA0] =	sst s10  }
0x32: {  	s10 =	sld [smem:$0x3F9E];
	_ =	sdelay $0x3  }
0x33: {  	p0 =	seq.s32 s10, $0x1;
	s10 =	sld [smem:$0x3FA0];
	_ =	sdelay $0x3  }
0x34: {  	[smem:$0x3FA0] =	sst s10  }
0x35: {  	s10 =	sld [smem:$0x3F9F];
	_ =	sdelay $0x3  }
0x36: {  	p1 =	seq.s32 s10, $0x1;
	s10 =	sld [smem:$0x3FA0];
	_ =	sdelay $0x3  }
0x37: {  	[smem:$0x3FA0] =	sst s10  }
0x38: {  	s10 =	sld [smem:$0x3FA1]  }
0x39: {  	_ = 	snop;
	(pc) =	sbr.ind lr, $3  }
0x3a: {  	_ = 	snop  }
0x3b: {  	_ = 	snop  }
0x3c: {  	p2 =	seq.s32 s10, $0x1;
	s10 =	sld [smem:$0x3FA0]  }
0x3d: {  	_ =	shalt  }
0x3e: {  	_ =	shalt  }
0x3f: {  	_ =	shalt  }
0x40: {  	_ =	shalt  }
0x41: {  	_ =	shalt  }
0x42: {  	_ =	shalt  }
0x43: {  	_ =	shalt  }
0x44: {  	_ =	shalt  }
0x45: {  	_ =	shalt  }
0x46: {  	_ =	shalt  }
0x47: {  	_ =	shalt  }
0x48: {  	_ =	shalt  }
0x49: {  	_ =	shalt  }
0x4a: {  	_ =	shalt  }
0x4b: {  	_ =	shalt  }
0x4c: {  	_ =	shalt  }
0x4d: {  	_ =	shalt  }
0x4e: {  	_ =	shalt  }
0x4f: {  	_ =	shalt  }
0x50: {  	_ =	shalt  }
0x51: {  	_ =	shalt  }
0x52: {  	_ =	shalt  }
0x53: {  	_ =	shalt  }
0x54: {  	_ =	shalt  }
0x55: {  	_ =	shalt  }
0x56: {  	_ =	shalt  }
0x57: {  	_ =	shalt  }
0x58: {  	_ =	shalt  }
0x59: {  	_ =	shalt  }
0x5a: {  	_ =	shalt  }
0x5b: {  	_ =	shalt  }
0x5c: {  	_ =	shalt  }
0x5d: {  	_ =	shalt  }
0x5e: {  	_ =	shalt  }
0x5f: {  	_ =	shalt  }
0x60: {  	_ =	shalt  }
0x61: {  	_ =	shalt  }
0x62: {  	_ =	shalt  }
0x63: {  	_ =	shalt  }
0x64: {  	_ =	shalt  }
0x65: {  	_ =	shalt  }
0x66: {  	_ =	shalt  }
0x67: {  	_ =	shalt  }
0x68: {  	_ =	shalt  }
0x69: {  	_ =	shalt  }
0x6a: {  	_ =	shalt  }
0x6b: {  	_ =	shalt  }
0x6c: {  	_ =	shalt  }
0x6d: {  	_ =	shalt  }
0x6e: {  	_ =	shalt  }
0x6f: {  	_ =	shalt  }
0x70: {  	_ =	shalt  }
0x71: {  	_ =	shalt  }
0x72: {  	_ =	shalt  }
0x73: {  	_ =	shalt  }
0x74: {  	_ =	shalt  }
0x75: {  	_ =	shalt  }
0x76: {  	_ =	shalt  }
0x77: {  	_ =	shalt  }
0x78: {  	_ =	shalt  }
0x79: {  	_ =	shalt  }
0x7a: {  	_ =	shalt  }
0x7b: {  	_ =	shalt  }
0x7c: {  	_ =	shalt  }
0x7d: {  	_ =	shalt  }
0x7e: {  	_ =	shalt  }
0x7f: {  	_ =	shalt  }
0x80: {  	_ =	shalt  }
0x81: {  	_ =	shalt  }
0x82: {  	_ =	shalt  }
0x83: {  	_ =	shalt  }
0x84: {  	_ =	shalt  }
0x85: {  	_ =	shalt  }
0x86: {  	_ =	shalt  }
0x87: {  	_ =	shalt  }
.Lfunc_end0:
.L_simem_size_0:
called_computation.1_lowered:
.L_overlay_start_0:
0x88: {  	s2 =	sld [smem:$0x3FD9]  }
0x89: {  	s3 =	sld [smem:$0x3FFE];
	_ =	sdelay $0x1  }
0x8a: {  	s1 =	srdreg.scid  }
0x8b: {  	s0 =	sand.u32 $0x1, s1  }
0x8c: {  	s17 =	sshll.u32 s0, $0xA;
	s2 =	sadd.s32 s3, s2  }
0x8d: {  	s2 =	sadd.s32 s2, s17  }
0x8e: {  	[smem:$0x3FAC] =	sst s2  }
0x8f: {  	_ = 	snop  }
0x90: {  	(tm) =	ssettm $0x1  }
0x91: {  	s18 =	sld [smem:$0x3FFB];
	_ =	sdelay $0x3  }
0x92: {  	_ =	strace s18  }
0x93: {  	s2 =	sld [smem:$0x3FFC];
	_ =	sdelay $0x3  }
0x94: {  	_ =	strace s2  }
0x95: {  	s2 =	sld [smem:$0x3FFD];
	_ =	sdelay $0x3  }
0x96: {  	_ =	strace s2  }
0x97: {  	_ =	strace $0x8FFFFFFF  }
0x98: {  	s19 =	sld [smem:$0x3FDB];
	_ =	sdelay $0x1  }
0x99: {  	s20 =	simm.s32 $_scs_section_size  }
0x9a: {  	s4 =	simm.s32 $_size__tile_overlayer_lowered;
	s5 =	simm.s32 $_tile_overlayer_lowered  }
0x9b: {  	s6 =	simm.s32 $0x1BFF;
	s21 =	sshll.u32 s5, $0x1;
	s3 =	sadd.s32 s20, s19  }
0x9c: {  	s22 =	simm.s32 $0x0;
	s4 =	sshll.u32 s4, $0x1;
	s5 =	sadd.s32 s21, s3  }
0x9d: {  	[timem:s22], [sflag:s6] =	dma.local [hbm:s5], s4  }
0x9e: {  	_ =	swait.ge [sflag:s6], s4  }
0x9f: {  	s4 =	ssub.s32 $0x0, s4;
	[sflag:s6] =	ssyncset.done $0x0  }
0xa0: {  	[sflag:s6] =	ssyncadd.s32 s4;
	_ =	sdelay $0x1  }
0xa1: {  	s23 =	simm.s32 $0x1B8B  }
0xa2: {  	_ =	swait.ge [sflag:s23], $0x1  }
0xa3: {  	[sflag:s23] =	ssyncset.done $0x0  }
0xa4: {  	[sflag:s23] =	ssyncadd.s32 $0xFFFFFFFF  }
0xa5: {  	s4 =	sld [smem:$0x0]  }
0xa6: {  	s5 =	sand.u32 $0xFFFFFFFE, s1  }
0xa7: {  	p0 =	sne.s32 s1, s5  }
0xa8: {  	s5 =	sshll.u32 @p0 s5, $0xE  }
0xa9: {  	s5 =	sadd.s32 @p0 $0x11B8D, s5;
	s6 =	sshll.u32 @p0 s4, $0x11  }
0xaa: {  	s5 =	sor.u32 @p0 s6, s5  }
0xab: {  	[sflag:s5] =	ssyncadd.remote.s32 @p0 $0x1;
	_ =	sdelay $0x1  }
0xac: {  	s5 =	simm.s32 @p0 $0x1B8D  }
0xad: {  	_ =	swait.eq @p0 [sflag:s5], $0x1  }
0xae: {  	[sflag:s5] =	ssyncadd.s32 @p0 $0xFFFFFFFF  }
0xaf: {  	s6 =	sshll.u32 @!p0 s1, $0xE  }
0xb0: {  	s6 =	sor.u32 @!p0 $0x4000, s6;
	s5 =	simm.s32 @!p0 $0x1B8D  }
0xb1: {  	s4 =	sshll.u32 @!p0 s4, $0x11;
	s6 =	sadd.s32 @!p0 $0x11B8D, s6;
	_ =	swait.eq @!p0 [sflag:s5], $0x1  }
0xb2: {  	s4 =	sor.u32 @!p0 s4, s6;
	[sflag:s5] =	ssyncadd.s32 @!p0 $0xFFFFFFFF  }
0xb3: {  	s25 =	simm.s32 $0x1B8E;
	s24 =	sld [smem:$0x3FFE];
	[sflag:s4] =	ssyncadd.remote.s32 @!p0 $0x1  }
0xb4: {  	s26 =	simm.s32 $execute0_lowered;
	[smem:$0x3FD2] =	sst s25  }
0xb5: {  	s5 =	sshll.u32 s26, $0x1;
	_ =	strace $0x80000049;
	[dreg:$0x1] =	wrdreg $0xFFFFFFFF  }
0xb6: {  	s28 =	simm.s32 $_size_execute0_lowered;
	s3 =	sadd.s32 s3, s5;
	[dreg:$0x0] =	wrdreg $0x0  }
0xb7: {  	s5 =	sshll.u32 s28, $0x1;
	[dreg:$0x2] =	wrdreg s3  }
0xb8: {  	[dreg:$0x3] =	wrdreg s5  }
0xb9: {  	[dreg:$0x4] =	wrdreg $0xC0  }
0xba: {  	_ =	task [dreg:s22], $0x5FFFF  }
0xbb: {  	[dreg:$0x1] =	wrdreg $0xFFFFFFFF  }
0xbc: {  	[dreg:$0x0] =	wrdreg $0x60  }
0xbd: {  	[dreg:$0x2] =	wrdreg s24  }
0xbe: {  	[dreg:$0x3] =	wrdreg $0xA  }
0xbf: {  	_ =	task.clear_ibuf [dreg:s22], $0x4FFFF;
	_ =	strace $0x90000049  }
0xc0: {  	s29 =	simm.s32 $0xA;
	_ =	strace $0x8000004B  }
0xc1: {  	_ =	swait.ge [sflag:s29], $0x1  }
0xc2: {  	[sflag:s29] =	ssyncadd.s32 $0xFFFFFFFF  }
0xc3: {  	_ =	strace $0x9000004B  }
0xc4: {  	_ =	sfence  }
0xc5: {  	s30 =	sld [smem:$0x0];
	_ =	sdelay $0x2  }
0xc6: {  	s31 =	sshll.u32 s1, $0xD;
	s1 =	sshrl.u32 s1, $0x2  }
0xc7: {  	s4 =	sand.u32 $0x4000, s31;
	s1 =	sadd.s32 s1, s30  }
0xc8: {  	s0 =	sor.u32 s4, s0;
	s1 =	sshll.u32 s1, $0x11  }
0xc9: {  	s0 =	sor.u32 s1, s0  }
0xca: {  	s0 =	sadd.s32 $0x8F2B, s0  }
0xcb: {  	[sflag:s0] =	ssyncadd.remote.s32 $0x1  }
0xcc: {  	_ =	sfence.sel $0xFFFF  }
0xcd: {  	[dreg:$0x0] =	wrdreg $0xFFFFFFFF;
	(pc) =	sbr.abs _section_cstart, $3  }
0xce: {  	[dreg:$0x1] =	wrdreg $0xFFFFFFFF  }
0xcf: {  	_ =	task.clear_ibuf [dreg:s22], $0x2FFFF;
	_ =	strace $0x9FFFFFFF  }
0xd0: {  	(tm) =	ssettm $0x7FFFFFFF  }
0xd1: {  	_ =	shalt  }
tec
execute0_lowered:
.L_overlay_start_1:
0x0: {  	(tag) =	ssettag $0x1  }
0x1: {  	s0 =	rddreg [dreg:$0x0];
	s2 =	simm.s32 $0x0;
	s5 =	stileid.u32  }
0x2: {  	s6 =	srdreg.scid;
	s15 =	simm.s32 $0x4100;
	s16 =	simm.s32 $0x4900  }
0x3: {  	s17 =	simm.s32 $0x5100;
	s18 =	simm.s32 $0x5180;
	s19 =	simm.s32 $0x5200  }
0x4: {  	s20 =	simm.s32 $0x7200;
	s21 =	simm.s32 $0x9200;
	s22 =	simm.s32 $0x9A00  }
0x5: {  	s23 =	simm.s32 $0x2;
	s24 =	simm.s32 $0x40;
	[smem:$0x7FF] =	sst s2  }
0x6: {  	s3 =	sadd.s32 $0x1B000, s0;
	s1 =	smul.u32 $0x38000, s5;
	s7 =	sadd.s32 $0x351600, s0  }
0x7: {  	s4 =	sadd.s32 $0xEC00, s0;
	s9 =	smul.u32 $0x7000, s5;
	s25 =	sadd.s32 $0x34A600, s0  }
0x8: {  	s8 =	sand.u32 $0x1, s6;
	s12 =	smul.u32 $0x3800, s5;
	s13 =	sadd.s32 $0x35F600, s0  }
0x9: {  	_ =	strace $0x8000004A;
	[dreg:$0x6] =	wrdreg s7;
	s10 =	smul.u32 $0x3800, s8  }
0xa: {  	[dreg:$0x7] =	wrdreg s25;
	s26 =	ssub.s32 $0x2, s8;
	s28 =	smul.u32 $0x1C00, s8  }
0xb: {  	s8 =	smul.u32 $0x1C000, s8;
	s25 =	simm.s32 $0x3;
	s1 =	sadd.s32 s1, s0  }
0xc: {  	s11 =	sshrl.u32 s26, $0x1;
	s0 =	sadd.s32 $0x3CF600, s0;
	s14 =	sadd.s32 s9, s13  }
0xd: {  	s7 =	ssub.s32 s26, s11;
	s14 =	sadd.s32 s10, s14;
	s11 =	sadd.s32 s28, s12  }
0xe: {  	s9 =	sadd.s32 s9, s0;
	s1 =	sadd.s32 s8, s1;
	s26 =	simm.s32 $0x0  }
0xf: {  	s29 =	smax.u32 s7, $0x1;
	[dreg:$0x2] =	wrdreg s14;
	s12 =	sor.u32 $0x80, s11  }
0x10: {  	s9 =	sadd.s32 s10, s9;
	s8 =	sadd.s32 $0x43F600, s1;
	[dreg:$0x8] =	wrdreg s29  }
0x11: {  	s14 =	simm.s32 $0x2100;
	s30 =	sshll.u32 s12, $0x1;
	[dreg:$0x3] =	wrdreg s9  }
0x12: {  	s9 =	sshrl.u32 s11, $0x3;
	s10 =	sshrl.u32 s12, $0x3;
	s0 =	sadd.s32 s30, s0  }
0x13: {  	s11 =	simm.s32 $0x80;
	s31 =	sadd.s32 s30, s13;
	[dreg:$0x4] =	wrdreg s0  }
0x14: {  	s12 =	simm.s32 $0x1;
	s13 =	simm.s32 $0x100;
	[dreg:$0x5] =	wrdreg s31  }
.LBB2_1:
0x15: {  	s5 =	rddreg [dreg:$0x6]  }
0x16: {  	s6 =	rddreg [dreg:$0x7];
	s0 =	sadd.s32 s5, s9  }
0x17: {  	[tilespmem:s2], [sflag:$0x1] =	stream.linear.gather [hbm4b:s0+s2], $0x80, $0x38;
	[tilespmem:$0xA200] =	vst v63  }
0x18: {  	s1 =	sadd.s32 s6, s9  }
0x19: {  	[tilespmem:s11], [sflag:$0x1] =	stream.linear.gather [hbm4b:s1+s2], $0x80, $0x38;
	[tilespmem:$0xA200] =	vst v63  }
0x1a: {  	_ =	swait.ge [sflag:s12], $0x80  }
0x1b: {  	[sflag:s12] =	ssyncset.done $0x0  }
0x1c: {  	[sflag:s12] =	ssyncadd.s32 $0xFFFFFF80  }
0x1d: {  	_ =	swait.ge [sflag:s12], $0x80  }
0x1e: {  	[sflag:s12] =	ssyncset.done $0x0  }
0x1f: {  	[sflag:s12] =	ssyncadd.s32 $0xFFFFFF80  }
0x20: {  	[tilespmem:s13], [sflag:$0x2] =	stream.indirect.gather [hbm4b:s3+s11], $0x40, s2, s11, $0xb8;
	[tilespmem:$0xA200] =	vst v63  }
0x21: {  	_ = 	snop  }
0x22: {  	[tilespmem:s14], [sflag:$0x2] =	stream.indirect.gather [hbm4b:s3+s11], $0x40, s11, s11, $0xb8;
	[tilespmem:$0xA200] =	vst v63  }
0x23: {  	_ = 	snop  }
0x24: {  	[tilespmem:s15], [sflag:$0x2] =	stream.indirect.gather [hbm4b:s4+s11], $0x10, s2, s11, $0xb8;
	[tilespmem:$0xA200] =	vst v63  }
0x25: {  	_ = 	snop  }
0x26: {  	[tilespmem:s16], [sflag:$0x2] =	stream.indirect.gather [hbm4b:s4+s11], $0x10, s11, s11, $0xb8;
	[tilespmem:$0xA200] =	vst v63  }
0x27: {  	s7 =	sadd.s32 s5, s10  }
0x28: {  	[tilespmem:s17], [sflag:$0x1] =	stream.linear.gather [hbm4b:s7+s2], $0x80, $0x38;
	[tilespmem:$0xA200] =	vst v63  }
0x29: {  	s1 =	sadd.s32 s6, s10  }
0x2a: {  	[tilespmem:s18], [sflag:$0x1] =	stream.linear.gather [hbm4b:s1+s2], $0x80, $0x38;
	[tilespmem:$0xA200] =	vst v63  }
0x2b: {  	_ =	swait.ge [sflag:s12], $0x80  }
0x2c: {  	[sflag:s12] =	ssyncset.done $0x0  }
0x2d: {  	[sflag:s12] =	ssyncadd.s32 $0xFFFFFF80  }
0x2e: {  	_ =	swait.ge [sflag:s12], $0x80  }
0x2f: {  	[sflag:s12] =	ssyncset.done $0x0  }
0x30: {  	[sflag:s12] =	ssyncadd.s32 $0xFFFFFF80  }
0x31: {  	[tilespmem:s19], [sflag:$0x2] =	stream.indirect.gather [hbm4b:s3+s11], $0x40, s17, s11, $0xb8;
	[tilespmem:$0xA200] =	vst v63  }
0x32: {  	_ = 	snop  }
0x33: {  	[tilespmem:s20], [sflag:$0x2] =	stream.indirect.gather [hbm4b:s3+s11], $0x40, s18, s11, $0xb8;
	[tilespmem:$0xA200] =	vst v63  }
0x34: {  	_ = 	snop  }
0x35: {  	[tilespmem:s21], [sflag:$0x2] =	stream.indirect.gather [hbm4b:s4+s11], $0x10, s17, s11, $0xb8;
	[tilespmem:$0xA200] =	vst v63  }
0x36: {  	_ = 	snop  }
0x37: {  	[tilespmem:s22], [sflag:$0x2] =	stream.indirect.gather [hbm4b:s4+s11], $0x10, s18, s11, $0xb8;
	[tilespmem:$0xA200] =	vst v63  }
0x38: {  	_ =	swait.ge [sflag:s23], $0x2000  }
0x39: {  	[sflag:s23] =	ssyncset.done $0x0  }
0x3a: {  	[sflag:s23] =	ssyncadd.s32 $0xFFFFE000  }
0x3b: {  	_ =	swait.ge [sflag:s23], $0x2000  }
0x3c: {  	[sflag:s23] =	ssyncset.done $0x0  }
0x3d: {  	[sflag:s23] =	ssyncadd.s32 $0xFFFFE000  }
0x3e: {  	_ =	swait.ge [sflag:s23], $0x800  }
0x3f: {  	[sflag:s23] =	ssyncset.done $0x0  }
0x40: {  	[sflag:s23] =	ssyncadd.s32 $0xFFFFF800  }
0x41: {  	_ =	swait.ge [sflag:s23], $0x800  }
0x42: {  	[sflag:s23] =	ssyncset.done $0x0  }
0x43: {  	[sflag:s23] =	ssyncadd.s32 $0xFFFFF800  }
0x44: {  	[hbm4b:s8+s24] =	stream.strided.scatter [tilespmem:s13], [sflag:$0x3], $0x2000, s11, s24, $0x38;
	[tilespmem:$0xA200] =	vst v63  }
0x45: {  	s1 =	sadd.s32 $0x8, s8;
	s7 =	rddreg [dreg:$0x3]  }
0x46: {  	[hbm4b:s1+s24] =	stream.strided.scatter [tilespmem:s14], [sflag:$0x3], $0x2000, s11, s24, $0x38;
	[tilespmem:$0xA200] =	vst v63  }
0x47: {  	s28 =	rddreg [dreg:$0x2];
	s0 =	sadd.s32 $0x0, s7  }
0x48: {  	[hbm4b:s0+s2] =	stream.linear.scatter [tilespmem:s15], [sflag:$0x3], $0x800, $0x38;
	[tilespmem:$0xA200] =	vst v63  }
0x49: {  	s1 =	sadd.s32 $0x0, s28  }
0x4a: {  	[hbm4b:s1+s2] =	stream.linear.scatter [tilespmem:s16], [sflag:$0x3], $0x800, $0x38;
	[tilespmem:$0xA200] =	vst v63  }
0x4b: {  	_ =	swait.ge [sflag:s23], $0x2000  }
0x4c: {  	[sflag:s23] =	ssyncset.done $0x0  }
0x4d: {  	[sflag:s23] =	ssyncadd.s32 $0xFFFFE000  }
0x4e: {  	_ =	swait.ge [sflag:s23], $0x2000  }
0x4f: {  	[sflag:s23] =	ssyncset.done $0x0  }
0x50: {  	[sflag:s23] =	ssyncadd.s32 $0xFFFFE000  }
0x51: {  	_ =	swait.ge [sflag:s23], $0x800  }
0x52: {  	[sflag:s23] =	ssyncset.done $0x0  }
0x53: {  	[sflag:s23] =	ssyncadd.s32 $0xFFFFF800  }
0x54: {  	_ =	swait.ge [sflag:s23], $0x800  }
0x55: {  	[sflag:s23] =	ssyncset.done $0x0  }
0x56: {  	s7 =	sadd.s32 $0x800, s8;
	[sflag:s23] =	ssyncadd.s32 $0xFFFFF800  }
0x57: {  	[hbm4b:s7+s24] =	stream.strided.scatter [tilespmem:s19], [sflag:$0x3], $0x2000, s11, s24, $0x38;
	[tilespmem:$0xA200] =	vst v63  }
0x58: {  	s1 =	rddreg [dreg:$0x4];
	s7 =	sadd.s32 $0x808, s8  }
0x59: {  	[hbm4b:s7+s24] =	stream.strided.scatter [tilespmem:s20], [sflag:$0x3], $0x2000, s11, s24, $0x38;
	[tilespmem:$0xA200] =	vst v63  }
0x5a: {  	s28 =	rddreg [dreg:$0x5];
	s1 =	sadd.s32 $0x0, s1  }
0x5b: {  	[hbm4b:s1+s2] =	stream.linear.scatter [tilespmem:s21], [sflag:$0x3], $0x800, $0x38;
	[tilespmem:$0xA200] =	vst v63  }
0x5c: {  	s7 =	sadd.s32 $0x0, s28  }
0x5d: {  	[hbm4b:s7+s2] =	stream.linear.scatter [tilespmem:s22], [sflag:$0x3], $0x800, $0x38;
	[tilespmem:$0xA200] =	vst v63  }
0x5e: {  	_ =	swait.ge [sflag:s25], $0x2000  }
0x5f: {  	[sflag:s25] =	ssyncset.done $0x0  }
0x60: {  	[sflag:s25] =	ssyncadd.s32 $0xFFFFE000  }
0x61: {  	_ =	swait.ge [sflag:s25], $0x2000  }
0x62: {  	[sflag:s25] =	ssyncset.done $0x0  }
0x63: {  	[sflag:s25] =	ssyncadd.s32 $0xFFFFE000  }
0x64: {  	_ =	swait.ge [sflag:s25], $0x800  }
0x65: {  	[sflag:s25] =	ssyncset.done $0x0  }
0x66: {  	[sflag:s25] =	ssyncadd.s32 $0xFFFFF800  }
0x67: {  	_ =	swait.ge [sflag:s25], $0x800  }
0x68: {  	[sflag:s25] =	ssyncset.done $0x0  }
0x69: {  	[sflag:s25] =	ssyncadd.s32 $0xFFFFF800  }
0x6a: {  	_ =	swait.ge [sflag:s25], $0x2000  }
0x6b: {  	[sflag:s25] =	ssyncset.done $0x0  }
0x6c: {  	[sflag:s25] =	ssyncadd.s32 $0xFFFFE000  }
0x6d: {  	_ =	swait.ge [sflag:s25], $0x2000  }
0x6e: {  	[sflag:s25] =	ssyncset.done $0x0  }
0x6f: {  	[sflag:s25] =	ssyncadd.s32 $0xFFFFE000  }
0x70: {  	_ =	swait.ge [sflag:s25], $0x800  }
0x71: {  	[sflag:s25] =	ssyncset.done $0x0  }
0x72: {  	s29 =	smov.u32 s8;
	[sflag:s25] =	ssyncadd.s32 $0xFFFFF800  }
0x73: {  	s30 =	sadd.s32 $0x20, s6;
	s31 =	sadd.s32 $0x20, s5;
	_ =	swait.ge [sflag:s25], $0x800  }
0x74: {  	s0 =	simm.s32 $0x400;
	s28 =	simm.s32 $0x200;
	[sflag:s25] =	ssyncset.done $0x0  }
.LBB2_2:
0x75: {  	s7 =	sadd.s32 s31, s9;
	[sflag:s25] =	ssyncadd.s32 $0xFFFFF800  }
0x76: {  	[tilespmem:s2], [sflag:$0x1] =	stream.linear.gather [hbm4b:s7+s2], $0x80, $0x38;
	[tilespmem:$0xA200] =	vst v63  }
0x77: {  	s6 =	sadd.s32 s30, s9  }
0x78: {  	[tilespmem:s11], [sflag:$0x1] =	stream.linear.gather [hbm4b:s6+s2], $0x80, $0x38;
	[tilespmem:$0xA200] =	vst v63  }
0x79: {  	_ =	swait.ge [sflag:s12], $0x80  }
0x7a: {  	[sflag:s12] =	ssyncset.done $0x0  }
0x7b: {  	[sflag:s12] =	ssyncadd.s32 $0xFFFFFF80  }
0x7c: {  	_ =	swait.ge [sflag:s12], $0x80  }
0x7d: {  	[sflag:s12] =	ssyncset.done $0x0  }
0x7e: {  	[sflag:s12] =	ssyncadd.s32 $0xFFFFFF80  }
0x7f: {  	[tilespmem:s13], [sflag:$0x2] =	stream.indirect.gather [hbm4b:s3+s11], $0x40, s2, s11, $0xb8;
	[tilespmem:$0xA200] =	vst v63  }
0x80: {  	_ = 	snop  }
0x81: {  	[tilespmem:s14], [sflag:$0x2] =	stream.indirect.gather [hbm4b:s3+s11], $0x40, s11, s11, $0xb8;
	[tilespmem:$0xA200] =	vst v63  }
0x82: {  	_ = 	snop  }
0x83: {  	[tilespmem:s15], [sflag:$0x2] =	stream.indirect.gather [hbm4b:s4+s11], $0x10, s2, s11, $0xb8;
	[tilespmem:$0xA200] =	vst v63  }
0x84: {  	_ = 	snop  }
0x85: {  	[tilespmem:s16], [sflag:$0x2] =	stream.indirect.gather [hbm4b:s4+s11], $0x10, s11, s11, $0xb8;
	[tilespmem:$0xA200] =	vst v63  }
0x86: {  	s5 =	sadd.s32 s31, s10  }
0x87: {  	[tilespmem:s17], [sflag:$0x1] =	stream.linear.gather [hbm4b:s5+s2], $0x80, $0x38;
	[tilespmem:$0xA200] =	vst v63  }
0x88: {  	s6 =	sadd.s32 s30, s10  }
0x89: {  	[tilespmem:s18], [sflag:$0x1] =	stream.linear.gather [hbm4b:s6+s2], $0x80, $0x38;
	[tilespmem:$0xA200] =	vst v63  }
0x8a: {  	_ =	swait.ge [sflag:s12], $0x80  }
0x8b: {  	[sflag:s12] =	ssyncset.done $0x0  }
0x8c: {  	[sflag:s12] =	ssyncadd.s32 $0xFFFFFF80  }
0x8d: {  	_ =	swait.ge [sflag:s12], $0x80  }
0x8e: {  	[sflag:s12] =	ssyncset.done $0x0  }
0x8f: {  	[sflag:s12] =	ssyncadd.s32 $0xFFFFFF80  }
0x90: {  	[tilespmem:s19], [sflag:$0x2] =	stream.indirect.gather [hbm4b:s3+s11], $0x40, s17, s11, $0xb8;
	[tilespmem:$0xA200] =	vst v63  }
0x91: {  	_ = 	snop  }
0x92: {  	[tilespmem:s20], [sflag:$0x2] =	stream.indirect.gather [hbm4b:s3+s11], $0x40, s18, s11, $0xb8;
	[tilespmem:$0xA200] =	vst v63  }
0x93: {  	_ = 	snop  }
0x94: {  	[tilespmem:s21], [sflag:$0x2] =	stream.indirect.gather [hbm4b:s4+s11], $0x10, s17, s11, $0xb8;
	[tilespmem:$0xA200] =	vst v63  }
0x95: {  	_ = 	snop  }
0x96: {  	[tilespmem:s22], [sflag:$0x2] =	stream.indirect.gather [hbm4b:s4+s11], $0x10, s18, s11, $0xb8;
	[tilespmem:$0xA200] =	vst v63  }
0x97: {  	_ =	swait.ge [sflag:s23], $0x2000  }
0x98: {  	[sflag:s23] =	ssyncset.done $0x0  }
0x99: {  	[sflag:s23] =	ssyncadd.s32 $0xFFFFE000  }
0x9a: {  	_ =	swait.ge [sflag:s23], $0x2000  }
0x9b: {  	[sflag:s23] =	ssyncset.done $0x0  }
0x9c: {  	[sflag:s23] =	ssyncadd.s32 $0xFFFFE000  }
0x9d: {  	_ =	swait.ge [sflag:s23], $0x800  }
0x9e: {  	[sflag:s23] =	ssyncset.done $0x0  }
0x9f: {  	[sflag:s23] =	ssyncadd.s32 $0xFFFFF800  }
0xa0: {  	_ =	swait.ge [sflag:s23], $0x800  }
0xa1: {  	[sflag:s23] =	ssyncset.done $0x0  }
0xa2: {  	s29 =	sadd.s32 $0x1000, s29;
	[sflag:s23] =	ssyncadd.s32 $0xFFFFF800  }
0xa3: {  	[hbm4b:s29+s24] =	stream.strided.scatter [tilespmem:s13], [sflag:$0x3], $0x2000, s11, s24, $0x38;
	[tilespmem:$0xA200] =	vst v63  }
0xa4: {  	s5 =	sadd.s32 $0x8, s29;
	s7 =	rddreg [dreg:$0x3]  }
0xa5: {  	[hbm4b:s5+s24] =	stream.strided.scatter [tilespmem:s14], [sflag:$0x3], $0x2000, s11, s24, $0x38;
	[tilespmem:$0xA200] =	vst v63  }
0xa6: {  	s6 =	rddreg [dreg:$0x2];
	s7 =	sadd.s32 s28, s7  }
0xa7: {  	[hbm4b:s7+s2] =	stream.linear.scatter [tilespmem:s15], [sflag:$0x3], $0x800, $0x38;
	[tilespmem:$0xA200] =	vst v63  }
0xa8: {  	s6 =	sadd.s32 s28, s6  }
0xa9: {  	[hbm4b:s6+s2] =	stream.linear.scatter [tilespmem:s16], [sflag:$0x3], $0x800, $0x38;
	[tilespmem:$0xA200] =	vst v63  }
0xaa: {  	_ =	swait.ge [sflag:s23], $0x2000  }
0xab: {  	[sflag:s23] =	ssyncset.done $0x0  }
0xac: {  	[sflag:s23] =	ssyncadd.s32 $0xFFFFE000  }
0xad: {  	_ =	swait.ge [sflag:s23], $0x2000  }
0xae: {  	[sflag:s23] =	ssyncset.done $0x0  }
0xaf: {  	[sflag:s23] =	ssyncadd.s32 $0xFFFFE000  }
0xb0: {  	_ =	swait.ge [sflag:s23], $0x800  }
0xb1: {  	[sflag:s23] =	ssyncset.done $0x0  }
0xb2: {  	[sflag:s23] =	ssyncadd.s32 $0xFFFFF800  }
0xb3: {  	_ =	swait.ge [sflag:s23], $0x800  }
0xb4: {  	[sflag:s23] =	ssyncset.done $0x0  }
0xb5: {  	s7 =	sadd.s32 $0x800, s29;
	[sflag:s23] =	ssyncadd.s32 $0xFFFFF800  }
0xb6: {  	[hbm4b:s7+s24] =	stream.strided.scatter [tilespmem:s19], [sflag:$0x3], $0x2000, s11, s24, $0x38;
	[tilespmem:$0xA200] =	vst v63  }
0xb7: {  	s5 =	sadd.s32 $0x808, s29;
	s6 =	rddreg [dreg:$0x4]  }
0xb8: {  	[hbm4b:s5+s24] =	stream.strided.scatter [tilespmem:s20], [sflag:$0x3], $0x2000, s11, s24, $0x38;
	[tilespmem:$0xA200] =	vst v63  }
0xb9: {  	s6 =	sadd.s32 s28, s6;
	s7 =	rddreg [dreg:$0x5]  }
0xba: {  	[hbm4b:s6+s2] =	stream.linear.scatter [tilespmem:s21], [sflag:$0x3], $0x800, $0x38;
	[tilespmem:$0xA200] =	vst v63  }
0xbb: {  	s7 =	sadd.s32 s28, s7  }
0xbc: {  	[hbm4b:s7+s2] =	stream.linear.scatter [tilespmem:s22], [sflag:$0x3], $0x800, $0x38;
	[tilespmem:$0xA200] =	vst v63  }
0xbd: {  	_ =	swait.ge [sflag:s25], $0x2000  }
0xbe: {  	[sflag:s25] =	ssyncset.done $0x0  }
0xbf: {  	[sflag:s25] =	ssyncadd.s32 $0xFFFFE000  }
0xc0: {  	_ =	swait.ge [sflag:s25], $0x2000  }
0xc1: {  	[sflag:s25] =	ssyncset.done $0x0  }
0xc2: {  	[sflag:s25] =	ssyncadd.s32 $0xFFFFE000  }
0xc3: {  	_ =	swait.ge [sflag:s25], $0x800  }
0xc4: {  	[sflag:s25] =	ssyncset.done $0x0  }
0xc5: {  	[sflag:s25] =	ssyncadd.s32 $0xFFFFF800  }
0xc6: {  	_ =	swait.ge [sflag:s25], $0x800  }
0xc7: {  	[sflag:s25] =	ssyncset.done $0x0  }
0xc8: {  	[sflag:s25] =	ssyncadd.s32 $0xFFFFF800  }
0xc9: {  	_ =	swait.ge [sflag:s25], $0x2000  }
0xca: {  	[sflag:s25] =	ssyncset.done $0x0  }
0xcb: {  	[sflag:s25] =	ssyncadd.s32 $0xFFFFE000  }
0xcc: {  	_ =	swait.ge [sflag:s25], $0x2000  }
0xcd: {  	[sflag:s25] =	ssyncset.done $0x0  }
0xce: {  	p0 =	sne.s32 s0, $0x3600;
	[sflag:s25] =	ssyncadd.s32 $0xFFFFE000  }
.Ltmp0:
0xcf: {  	_ =	swait.ge [sflag:s25], $0x800;
	(pc) =	sbr.rel @p0 .LBB2_2-.Ltmp0, $4  }
0xd0: {  	[sflag:s25] =	ssyncset.done $0x0  }
0xd1: {  	s1 =	smov.u32 s0;
	[sflag:s25] =	ssyncadd.s32 $0xFFFFF800  }
0xd2: {  	s0 =	sadd.s32 $0x200, s0;
	s31 =	sadd.s32 $0x20, s31;
	_ =	swait.ge [sflag:s25], $0x800  }
0xd3: {  	s30 =	sadd.s32 $0x20, s30;
	s28 =	smov.u32 s1;
	[sflag:s25] =	ssyncset.done $0x0  }
0xd4: {  	s0 =	sadd.s32 s31, s9;
	[sflag:s25] =	ssyncadd.s32 $0xFFFFF800  }
0xd5: {  	[tilespmem:s2], [sflag:$0x1] =	stream.linear.gather [hbm4b:s0+s2], $0x80, $0x38;
	[tilespmem:$0xA200] =	vst v63  }
0xd6: {  	s5 =	sadd.s32 s30, s9  }
0xd7: {  	[tilespmem:s11], [sflag:$0x1] =	stream.linear.gather [hbm4b:s5+s2], $0x80, $0x38;
	[tilespmem:$0xA200] =	vst v63  }
0xd8: {  	_ =	swait.ge [sflag:s12], $0x80  }
0xd9: {  	[sflag:s12] =	ssyncset.done $0x0  }
0xda: {  	[sflag:s12] =	ssyncadd.s32 $0xFFFFFF80  }
0xdb: {  	_ =	swait.ge [sflag:s12], $0x80  }
0xdc: {  	[sflag:s12] =	ssyncset.done $0x0  }
0xdd: {  	[sflag:s12] =	ssyncadd.s32 $0xFFFFFF80  }
0xde: {  	[tilespmem:s13], [sflag:$0x2] =	stream.indirect.gather [hbm4b:s3+s11], $0x40, s2, s11, $0xb8;
	[tilespmem:$0xA200] =	vst v63  }
0xdf: {  	_ = 	snop  }
0xe0: {  	[tilespmem:s14], [sflag:$0x2] =	stream.indirect.gather [hbm4b:s3+s11], $0x40, s11, s11, $0xb8;
	[tilespmem:$0xA200] =	vst v63  }
0xe1: {  	_ = 	snop  }
0xe2: {  	[tilespmem:s15], [sflag:$0x2] =	stream.indirect.gather [hbm4b:s4+s11], $0x10, s2, s11, $0xb8;
	[tilespmem:$0xA200] =	vst v63  }
0xe3: {  	_ = 	snop  }
0xe4: {  	[tilespmem:s16], [sflag:$0x2] =	stream.indirect.gather [hbm4b:s4+s11], $0x10, s11, s11, $0xb8;
	[tilespmem:$0xA200] =	vst v63  }
0xe5: {  	s6 =	sadd.s32 s31, s10  }
0xe6: {  	[tilespmem:s17], [sflag:$0x1] =	stream.linear.gather [hbm4b:s6+s2], $0x80, $0x38;
	[tilespmem:$0xA200] =	vst v63  }
0xe7: {  	s7 =	sadd.s32 s30, s10  }
0xe8: {  	[tilespmem:s18], [sflag:$0x1] =	stream.linear.gather [hbm4b:s7+s2], $0x80, $0x38;
	[tilespmem:$0xA200] =	vst v63  }
0xe9: {  	_ =	swait.ge [sflag:s12], $0x80  }
0xea: {  	[sflag:s12] =	ssyncset.done $0x0  }
0xeb: {  	[sflag:s12] =	ssyncadd.s32 $0xFFFFFF80  }
0xec: {  	_ =	swait.ge [sflag:s12], $0x80  }
0xed: {  	[sflag:s12] =	ssyncset.done $0x0  }
0xee: {  	[sflag:s12] =	ssyncadd.s32 $0xFFFFFF80  }
0xef: {  	[tilespmem:s19], [sflag:$0x2] =	stream.indirect.gather [hbm4b:s3+s11], $0x40, s17, s11, $0xb8;
	[tilespmem:$0xA200] =	vst v63  }
0xf0: {  	_ = 	snop  }
0xf1: {  	[tilespmem:s20], [sflag:$0x2] =	stream.indirect.gather [hbm4b:s3+s11], $0x40, s18, s11, $0xb8;
	[tilespmem:$0xA200] =	vst v63  }
0xf2: {  	_ = 	snop  }
0xf3: {  	[tilespmem:s21], [sflag:$0x2] =	stream.indirect.gather [hbm4b:s4+s11], $0x10, s17, s11, $0xb8;
	[tilespmem:$0xA200] =	vst v63  }
0xf4: {  	_ = 	snop  }
0xf5: {  	[tilespmem:s22], [sflag:$0x2] =	stream.indirect.gather [hbm4b:s4+s11], $0x10, s18, s11, $0xb8;
	[tilespmem:$0xA200] =	vst v63  }
0xf6: {  	_ =	swait.ge [sflag:s23], $0x2000  }
0xf7: {  	[sflag:s23] =	ssyncset.done $0x0  }
0xf8: {  	[sflag:s23] =	ssyncadd.s32 $0xFFFFE000  }
0xf9: {  	_ =	swait.ge [sflag:s23], $0x2000  }
0xfa: {  	[sflag:s23] =	ssyncset.done $0x0  }
0xfb: {  	[sflag:s23] =	ssyncadd.s32 $0xFFFFE000  }
0xfc: {  	_ =	swait.ge [sflag:s23], $0x800  }
0xfd: {  	[sflag:s23] =	ssyncset.done $0x0  }
0xfe: {  	[sflag:s23] =	ssyncadd.s32 $0xFFFFF800  }
0xff: {  	_ =	swait.ge [sflag:s23], $0x800  }
0x100: {  	[sflag:s23] =	ssyncset.done $0x0  }
0x101: {  	s30 =	sadd.s32 $0x1000, s29;
	[sflag:s23] =	ssyncadd.s32 $0xFFFFF800  }
0x102: {  	[hbm4b:s30+s24] =	stream.strided.scatter [tilespmem:s13], [sflag:$0x3], $0x2000, s11, s24, $0x38;
	[tilespmem:$0xA200] =	vst v63  }
0x103: {  	s5 =	sadd.s32 $0x8, s30;
	s1 =	rddreg [dreg:$0x3]  }
0x104: {  	[hbm4b:s5+s24] =	stream.strided.scatter [tilespmem:s14], [sflag:$0x3], $0x2000, s11, s24, $0x38;
	[tilespmem:$0xA200] =	vst v63  }
0x105: {  	s31 =	rddreg [dreg:$0x2];
	s1 =	sadd.s32 s28, s1  }
0x106: {  	[hbm4b:s1+s2] =	stream.linear.scatter [tilespmem:s15], [sflag:$0x3], $0x800, $0x38;
	[tilespmem:$0xA200] =	vst v63  }
0x107: {  	s6 =	sadd.s32 s28, s31  }
0x108: {  	[hbm4b:s6+s2] =	stream.linear.scatter [tilespmem:s16], [sflag:$0x3], $0x800, $0x38;
	[tilespmem:$0xA200] =	vst v63  }
0x109: {  	_ =	swait.ge [sflag:s23], $0x2000  }
0x10a: {  	[sflag:s23] =	ssyncset.done $0x0  }
0x10b: {  	[sflag:s23] =	ssyncadd.s32 $0xFFFFE000  }
0x10c: {  	_ =	swait.ge [sflag:s23], $0x2000  }
0x10d: {  	[sflag:s23] =	ssyncset.done $0x0  }
0x10e: {  	[sflag:s23] =	ssyncadd.s32 $0xFFFFE000  }
0x10f: {  	_ =	swait.ge [sflag:s23], $0x800  }
0x110: {  	[sflag:s23] =	ssyncset.done $0x0  }
0x111: {  	[sflag:s23] =	ssyncadd.s32 $0xFFFFF800  }
0x112: {  	_ =	swait.ge [sflag:s23], $0x800  }
0x113: {  	[sflag:s23] =	ssyncset.done $0x0  }
0x114: {  	s7 =	sadd.s32 $0x800, s30;
	[sflag:s23] =	ssyncadd.s32 $0xFFFFF800  }
0x115: {  	[hbm4b:s7+s24] =	stream.strided.scatter [tilespmem:s19], [sflag:$0x3], $0x2000, s11, s24, $0x38;
	[tilespmem:$0xA200] =	vst v63  }
0x116: {  	s0 =	sadd.s32 $0x808, s30;
	s29 =	rddreg [dreg:$0x4]  }
0x117: {  	[hbm4b:s0+s24] =	stream.strided.scatter [tilespmem:s20], [sflag:$0x3], $0x2000, s11, s24, $0x38;
	[tilespmem:$0xA200] =	vst v63  }
0x118: {  	s30 =	rddreg [dreg:$0x5];
	s1 =	sadd.s32 s28, s29  }
0x119: {  	[hbm4b:s1+s2] =	stream.linear.scatter [tilespmem:s21], [sflag:$0x3], $0x800, $0x38;
	[tilespmem:$0xA200] =	vst v63  }
0x11a: {  	s0 =	sadd.s32 s28, s30  }
0x11b: {  	[hbm4b:s0+s2] =	stream.linear.scatter [tilespmem:s22], [sflag:$0x3], $0x800, $0x38;
	[tilespmem:$0xA200] =	vst v63  }
0x11c: {  	_ =	swait.ge [sflag:s25], $0x2000  }
0x11d: {  	[sflag:s25] =	ssyncset.done $0x0  }
0x11e: {  	[sflag:s25] =	ssyncadd.s32 $0xFFFFE000  }
0x11f: {  	_ =	swait.ge [sflag:s25], $0x2000  }
0x120: {  	[sflag:s25] =	ssyncset.done $0x0  }
0x121: {  	[sflag:s25] =	ssyncadd.s32 $0xFFFFE000  }
0x122: {  	_ =	swait.ge [sflag:s25], $0x800  }
0x123: {  	[sflag:s25] =	ssyncset.done $0x0  }
0x124: {  	[sflag:s25] =	ssyncadd.s32 $0xFFFFF800  }
0x125: {  	_ =	swait.ge [sflag:s25], $0x800  }
0x126: {  	[sflag:s25] =	ssyncset.done $0x0  }
0x127: {  	[sflag:s25] =	ssyncadd.s32 $0xFFFFF800  }
0x128: {  	_ =	swait.ge [sflag:s25], $0x2000  }
0x129: {  	[sflag:s25] =	ssyncset.done $0x0  }
0x12a: {  	[sflag:s25] =	ssyncadd.s32 $0xFFFFE000  }
0x12b: {  	_ =	swait.ge [sflag:s25], $0x2000  }
0x12c: {  	[sflag:s25] =	ssyncset.done $0x0  }
0x12d: {  	[sflag:s25] =	ssyncadd.s32 $0xFFFFE000  }
0x12e: {  	_ =	swait.ge [sflag:s25], $0x800  }
0x12f: {  	[sflag:s25] =	ssyncset.done $0x0  }
0x130: {  	[sflag:s25] =	ssyncadd.s32 $0xFFFFF800  }
0x131: {  	_ =	swait.ge [sflag:s25], $0x800  }
0x132: {  	s26 =	sadd.s32 $0x1, s26;
	s31 =	rddreg [dreg:$0x8]  }
0x133: {  	p0 =	sne.s32 s26, s31  }
.Ltmp1:
0x134: {  	_ = 	snop;
	(pc) =	sbr.rel @p0 .LBB2_1-.Ltmp1, $3  }
0x135: {  	_ =	sdelay $0x1  }
0x136: {  	[sflag:s25] =	ssyncset.done $0x0  }
0x137: {  	[sflag:s25] =	ssyncadd.s32 $0xFFFFF800  }
0x138: {  	_ =	sfence.sel $0x180000  }
0x139: {  	[bflag:$0x0] =	sbarrier.arrive $0xFFFF  }
0x13a: {  	_ =	strace $0x9000004A  }
0x13b: {  	s0 =	stileid.u32;
	[bflag:$0x2] =	sbarrier.arrive $0xFFFF  }
0x13c: {  	p0 =	sne.s32 s0, $0x0;
	s0 =	rddreg [dreg:$0x1]  }
0x13d: {  	s0 =	sadd.s32 @!p0 $0x100000, s0  }
0x13e: {  	[sflag:s0] =	ssyncadd.tile.s32 @!p0 $0x1;
	_ =	shalt  }
.Lfunc_end2:
_tile_overlayer_lowered:
.L_overlay_start_2:
0x13f: {  	(tag) =	ssettag $0x2  }
0x140: {  	s0 =	rddreg [dreg:$0x0];
	s2 =	stileid.u32  }
0x141: {  	s1 =	rddreg [dreg:$0x1];
	p0 =	sne.s32 s2, $0x0  }
0x142: {  	s3 =	rddreg [dreg:$0x2];
	[bflag:$0x3] =	sbarrier.arrive $0xFFFF;
	s2 =	simm.s32 @!p0 $0x1C04  }
0x143: {  	[timem:s3], [sflag:s2] =	dma.local @!p0 [hbm:s0], s1  }
0x144: {  	s0 =	simm.s32 @!p0 $0x4  }
0x145: {  	_ =	swait.ge @!p0 [sflag:s0], s1  }
0x146: {  	s1 =	ssub.s32 @!p0 $0x0, s1;
	[sflag:s0] =	ssyncset.done @!p0 $0x0  }
0x147: {  	[sflag:s0] =	ssyncadd.s32 @!p0 s1  }
0x148: {  	[bflag:$0x3] =	sbarrier.arrive $0xFFFF  }
0x149: {  	_ =	shalt  }

// kernel: kernel.21.cloned.1.call-start
scs
__scs_entry_jumppad:
0x0: {  	(pc) =	sbr.rel $0x88, $3  }
0x1: {  	(tag) =	ssettag $0x0;
	lr =	simm.s32 $0x1  }
0x2: {  	[smem:$0x3F85] =	sst lr;
	_ =	strace $0xD0000000  }
0x3: {  	_ = 	snop  }
0x4: {  	_ = 	snop  }
0x5: {  	_ = 	snop  }
0x6: {  	_ = 	snop  }
0x7: {  	_ = 	snop  }
__scs_overlays_trampoline_lowered:
0x8: {  	[smem:$0x3F94] =	sst s0  }
0x9: {  	[smem:$0x3F95] =	sst s1  }
0xa: {  	[smem:$0x3F96] =	sst s2  }
0xb: {  	[smem:$0x3F97] =	sst s3  }
0xc: {  	[smem:$0x3F98] =	sst s4  }
0xd: {  	[smem:$0x3F99] =	sst s5  }
0xe: {  	[smem:$0x3F9A] =	sst s6  }
0xf: {  	[smem:$0x3F9B] =	sst s7  }
0x10: {  	[smem:$0x3F9C] =	sst s8  }
0x11: {  	[smem:$0x3F9D] =	sst s9;
	s0 =	simm.s32 @!p0 $0x0  }
0x12: {  	s1 =	sld [smem:$0x3F83];
	s0 =	simm.s32 @p0 $0x1  }
0x13: {  	[smem:$0x3F9E] =	sst s0;
	s0 =	simm.s32 @!p1 $0x0  }
0x14: {  	s2 =	sld [smem:$0x3F82];
	s0 =	simm.s32 @p1 $0x1  }
0x15: {  	[smem:$0x3F9F] =	sst s0;
	s0 =	simm.s32 @!p2 $0x0  }
0x16: {  	s3 =	sld [smem:$0x3FDB];
	s0 =	simm.s32 @p2 $0x1  }
0x17: {  	s4 =	simm.s32 $0x1BF5;
	[smem:$0x3FA1] =	sst s0  }
0x18: {  	s0 =	sld [smem:$0x3F84];
	_ =	swait.ge [sflag:s4], $0x0  }
0x19: {  	s7 =	sld [smem:$0x3F85]  }
0x1a: {  	s8 =	sadd.s32 $0xFFFFE003, lr  }
0x1b: {  	s9 =	sadd.s32 $0xFFFFFEF7, lr;
	s5 =	simm.s32 $0xFFFFFFFF;
	p2 =	slt.u32 s8, $0xFFFFF086  }
0x1c: {  	p1 =	slt.u32 s9, $0xF7A;
	s5 =	simm.s32 @!p2 $0x0  }
0x1d: {  	s5 =	simm.s32 @p1 $0x1;
	p0 =	seq.s32 s7, s2  }
0x1e: {  	s7 =	smul.u32 @!p0 $0xF7A, s2;
	p2 =	seq.s32 @!p0 s5, $0x0  }
0x1f: {  	s9 =	smul.u32 $0xF7A, s1;
	s8 =	simm.s32 @!p0 $0x1BF5;
	p2 =	por !p2, p0  }
0x20: {  	[sflag:s8] =	ssyncset.s32 @!p0 $0xFFFFF086;
	s6 =	sadd.s32 @!p0 s3, s7;
	s7 =	simm.s32 @!p0 $0x108  }
0x21: {  	s3 =	sadd.s32 s3, s9;
	s6 =	sadd.s32 @!p0 $0x88, s6;
	s7 =	simm.s32 @p2 $0x1082  }
0x22: {  	[simem:s7], [sflag:s8] =	dma.local @!p0 [hbm:s6], $0xF7A  }
0x23: {  	s9 =	sor.u32 $0xD0000000, s2;
	s6 =	simm.s32 $0x108;
	_ =	swait.ge @!p0 [sflag:s8], $0x0  }
0x24: {  	s3 =	sadd.s32 $0x88, s3;
	s6 =	simm.s32 @!p1 $0x1082;
	[sflag:s4] =	ssyncset.s32 $0xFFFFF086  }
0x25: {  	[simem:s6], [sflag:s4] =	dma.local [hbm:s3], $0xF7A  }
0x26: {  	[smem:$0x3F85] =	sst s1;
	(tag) =	ssettag s2;
	_ =	strace s9  }
0x27: {  	s1 =	sld [smem:$0x3F95]  }
0x28: {  	s2 =	sld [smem:$0x3F96]  }
0x29: {  	s4 =	sld [smem:$0x3F98]  }
0x2a: {  	p0 =	seq.s32 s5, $0x0;
	s5 =	sld [smem:$0x3F99]  }
0x2b: {  	s6 =	sld [smem:$0x3F9A]  }
0x2c: {  	s7 =	sld [smem:$0x3F9B]  }
0x2d: {  	s3 =	simm.s32 $0x108;
	s8 =	sld [smem:$0x3F9C]  }
0x2e: {  	s3 =	simm.s32 @!p0 $0x1082;
	s9 =	sld [smem:$0x3F9D]  }
0x2f: {  	lr =	sadd.s32 s0, s3;
	s0 =	sld [smem:$0x3F94]  }
0x30: {  	s3 =	sld [smem:$0x3F97]  }
0x31: {  	[smem:$0x3FA0] =	sst s10  }
0x32: {  	s10 =	sld [smem:$0x3F9E];
	_ =	sdelay $0x3  }
0x33: {  	p0 =	seq.s32 s10, $0x1;
	s10 =	sld [smem:$0x3FA0];
	_ =	sdelay $0x3  }
0x34: {  	[smem:$0x3FA0] =	sst s10  }
0x35: {  	s10 =	sld [smem:$0x3F9F];
	_ =	sdelay $0x3  }
0x36: {  	p1 =	seq.s32 s10, $0x1;
	s10 =	sld [smem:$0x3FA0];
	_ =	sdelay $0x3  }
0x37: {  	[smem:$0x3FA0] =	sst s10  }
0x38: {  	s10 =	sld [smem:$0x3FA1]  }
0x39: {  	_ = 	snop;
	(pc) =	sbr.ind lr, $3  }
0x3a: {  	_ = 	snop  }
0x3b: {  	_ = 	snop  }
0x3c: {  	p2 =	seq.s32 s10, $0x1;
	s10 =	sld [smem:$0x3FA0]  }
0x3d: {  	_ =	shalt  }
0x3e: {  	_ =	shalt  }
0x3f: {  	_ =	shalt  }
0x40: {  	_ =	shalt  }
0x41: {  	_ =	shalt  }
0x42: {  	_ =	shalt  }
0x43: {  	_ =	shalt  }
0x44: {  	_ =	shalt  }
0x45: {  	_ =	shalt  }
0x46: {  	_ =	shalt  }
0x47: {  	_ =	shalt  }
0x48: {  	_ =	shalt  }
0x49: {  	_ =	shalt  }
0x4a: {  	_ =	shalt  }
0x4b: {  	_ =	shalt  }
0x4c: {  	_ =	shalt  }
0x4d: {  	_ =	shalt  }
0x4e: {  	_ =	shalt  }
0x4f: {  	_ =	shalt  }
0x50: {  	_ =	shalt  }
0x51: {  	_ =	shalt  }
0x52: {  	_ =	shalt  }
0x53: {  	_ =	shalt  }
0x54: {  	_ =	shalt  }
0x55: {  	_ =	shalt  }
0x56: {  	_ =	shalt  }
0x57: {  	_ =	shalt  }
0x58: {  	_ =	shalt  }
0x59: {  	_ =	shalt  }
0x5a: {  	_ =	shalt  }
0x5b: {  	_ =	shalt  }
0x5c: {  	_ =	shalt  }
0x5d: {  	_ =	shalt  }
0x5e: {  	_ =	shalt  }
0x5f: {  	_ =	shalt  }
0x60: {  	_ =	shalt  }
0x61: {  	_ =	shalt  }
0x62: {  	_ =	shalt  }
0x63: {  	_ =	shalt  }
0x64: {  	_ =	shalt  }
0x65: {  	_ =	shalt  }
0x66: {  	_ =	shalt  }
0x67: {  	_ =	shalt  }
0x68: {  	_ =	shalt  }
0x69: {  	_ =	shalt  }
0x6a: {  	_ =	shalt  }
0x6b: {  	_ =	shalt  }
0x6c: {  	_ =	shalt  }
0x6d: {  	_ =	shalt  }
0x6e: {  	_ =	shalt  }
0x6f: {  	_ =	shalt  }
0x70: {  	_ =	shalt  }
0x71: {  	_ =	shalt  }
0x72: {  	_ =	shalt  }
0x73: {  	_ =	shalt  }
0x74: {  	_ =	shalt  }
0x75: {  	_ =	shalt  }
0x76: {  	_ =	shalt  }
0x77: {  	_ =	shalt  }
0x78: {  	_ =	shalt  }
0x79: {  	_ =	shalt  }
0x7a: {  	_ =	shalt  }
0x7b: {  	_ =	shalt  }
0x7c: {  	_ =	shalt  }
0x7d: {  	_ =	shalt  }
0x7e: {  	_ =	shalt  }
0x7f: {  	_ =	shalt  }
0x80: {  	_ =	shalt  }
0x81: {  	_ =	shalt  }
0x82: {  	_ =	shalt  }
0x83: {  	_ =	shalt  }
0x84: {  	_ =	shalt  }
0x85: {  	_ =	shalt  }
0x86: {  	_ =	shalt  }
0x87: {  	_ =	shalt  }
.Lfunc_end0:
.L_simem_size_0:
called_computation.2_lowered:
.L_overlay_start_0:
0x88: {  	s2 =	sld [smem:$0x3FD9]  }
0x89: {  	s3 =	sld [smem:$0x3FFE];
	_ =	sdelay $0x1  }
0x8a: {  	s1 =	srdreg.scid  }
0x8b: {  	s0 =	sand.u32 $0x1, s1  }
0x8c: {  	s17 =	sshll.u32 s0, $0xA;
	s2 =	sadd.s32 s3, s2  }
0x8d: {  	s2 =	sadd.s32 s2, s17  }
0x8e: {  	[smem:$0x3FAC] =	sst s2  }
0x8f: {  	_ = 	snop  }
0x90: {  	(tm) =	ssettm $0x1  }
0x91: {  	s18 =	sld [smem:$0x3FFB];
	_ =	sdelay $0x3  }
0x92: {  	_ =	strace s18  }
0x93: {  	s2 =	sld [smem:$0x3FFC];
	_ =	sdelay $0x3  }
0x94: {  	_ =	strace s2  }
0x95: {  	s2 =	sld [smem:$0x3FFD];
	_ =	sdelay $0x3  }
0x96: {  	_ =	strace s2  }
0x97: {  	_ =	strace $0x8FFFFFFF  }
0x98: {  	s19 =	sld [smem:$0x3FDB];
	_ =	sdelay $0x1  }
0x99: {  	s20 =	simm.s32 $_scs_section_size  }
0x9a: {  	s4 =	simm.s32 $_size__tile_overlayer_lowered;
	s5 =	simm.s32 $_tile_overlayer_lowered  }
0x9b: {  	s6 =	simm.s32 $0x1BFF;
	s21 =	sshll.u32 s5, $0x1;
	s3 =	sadd.s32 s20, s19  }
0x9c: {  	s22 =	simm.s32 $0x0;
	s4 =	sshll.u32 s4, $0x1;
	s5 =	sadd.s32 s21, s3  }
0x9d: {  	[timem:s22], [sflag:s6] =	dma.local [hbm:s5], s4  }
0x9e: {  	_ =	swait.ge [sflag:s6], s4  }
0x9f: {  	s4 =	ssub.s32 $0x0, s4;
	[sflag:s6] =	ssyncset.done $0x0  }
0xa0: {  	[sflag:s6] =	ssyncadd.s32 s4;
	_ =	sdelay $0x1  }
0xa1: {  	s23 =	simm.s32 $0x1B8B  }
0xa2: {  	_ =	swait.ge [sflag:s23], $0x1  }
0xa3: {  	[sflag:s23] =	ssyncset.done $0x0  }
0xa4: {  	[sflag:s23] =	ssyncadd.s32 $0xFFFFFFFF  }
0xa5: {  	s4 =	sld [smem:$0x0]  }
0xa6: {  	s5 =	sand.u32 $0xFFFFFFFE, s1  }
0xa7: {  	p0 =	sne.s32 s1, s5  }
0xa8: {  	s5 =	sshll.u32 @p0 s5, $0xE  }
0xa9: {  	s5 =	sadd.s32 @p0 $0x11B8D, s5;
	s6 =	sshll.u32 @p0 s4, $0x11  }
0xaa: {  	s5 =	sor.u32 @p0 s6, s5  }
0xab: {  	[sflag:s5] =	ssyncadd.remote.s32 @p0 $0x1;
	_ =	sdelay $0x1  }
0xac: {  	s5 =	simm.s32 @p0 $0x1B8D  }
0xad: {  	_ =	swait.eq @p0 [sflag:s5], $0x1  }
0xae: {  	[sflag:s5] =	ssyncadd.s32 @p0 $0xFFFFFFFF  }
0xaf: {  	s6 =	sshll.u32 @!p0 s1, $0xE  }
0xb0: {  	s6 =	sor.u32 @!p0 $0x4000, s6;
	s5 =	simm.s32 @!p0 $0x1B8D  }
0xb1: {  	s4 =	sshll.u32 @!p0 s4, $0x11;
	s6 =	sadd.s32 @!p0 $0x11B8D, s6;
	_ =	swait.eq @!p0 [sflag:s5], $0x1  }
0xb2: {  	s4 =	sor.u32 @!p0 s4, s6;
	[sflag:s5] =	ssyncadd.s32 @!p0 $0xFFFFFFFF  }
0xb3: {  	s25 =	simm.s32 $0x1B8E;
	s24 =	sld [smem:$0x3FFE];
	[sflag:s4] =	ssyncadd.remote.s32 @!p0 $0x1  }
0xb4: {  	s26 =	simm.s32 $execute0_lowered;
	[smem:$0x3FD2] =	sst s25  }
0xb5: {  	s5 =	sshll.u32 s26, $0x1;
	_ =	strace $0x8000004F;
	[dreg:$0x1] =	wrdreg $0xFFFFFFFF  }
0xb6: {  	s28 =	simm.s32 $_size_execute0_lowered;
	s3 =	sadd.s32 s3, s5;
	[dreg:$0x0] =	wrdreg $0x0  }
0xb7: {  	s5 =	sshll.u32 s28, $0x1;
	[dreg:$0x2] =	wrdreg s3  }
0xb8: {  	[dreg:$0x3] =	wrdreg s5  }
0xb9: {  	[dreg:$0x4] =	wrdreg $0xC0  }
0xba: {  	_ =	task [dreg:s22], $0x5FFFF  }
0xbb: {  	[dreg:$0x1] =	wrdreg $0xFFFFFFFF  }
0xbc: {  	[dreg:$0x0] =	wrdreg $0x60  }
0xbd: {  	[dreg:$0x2] =	wrdreg s24  }
0xbe: {  	[dreg:$0x3] =	wrdreg $0x9  }
0xbf: {  	_ =	task.clear_ibuf [dreg:s22], $0x4FFFF;
	_ =	strace $0x9000004F  }
0xc0: {  	s29 =	simm.s32 $0x9;
	_ =	strace $0x80000051  }
0xc1: {  	_ =	swait.ge [sflag:s29], $0x1  }
0xc2: {  	[sflag:s29] =	ssyncadd.s32 $0xFFFFFFFF  }
0xc3: {  	_ =	strace $0x90000051  }
0xc4: {  	_ =	sfence  }
0xc5: {  	s30 =	sld [smem:$0x0];
	_ =	sdelay $0x2  }
0xc6: {  	s31 =	sshll.u32 s1, $0xD;
	s1 =	sshrl.u32 s1, $0x2  }
0xc7: {  	s4 =	sand.u32 $0x4000, s31;
	s1 =	sadd.s32 s1, s30  }
0xc8: {  	s0 =	sor.u32 s4, s0;
	s1 =	sshll.u32 s1, $0x11  }
0xc9: {  	s0 =	sor.u32 s1, s0  }
0xca: {  	s0 =	sadd.s32 $0x8F2B, s0  }
0xcb: {  	[sflag:s0] =	ssyncadd.remote.s32 $0x1  }
0xcc: {  	_ =	sfence.sel $0xFFFF  }
0xcd: {  	[dreg:$0x0] =	wrdreg $0xFFFFFFFF;
	(pc) =	sbr.abs _section_cstart, $3  }
0xce: {  	[dreg:$0x1] =	wrdreg $0xFFFFFFFF  }
0xcf: {  	_ =	task.clear_ibuf [dreg:s22], $0x2FFFF;
	_ =	strace $0x9FFFFFFF  }
0xd0: {  	(tm) =	ssettm $0x7FFFFFFF  }
0xd1: {  	_ =	shalt  }
tec
execute0_lowered:
.L_overlay_start_1:
0x0: {  	(tag) =	ssettag $0x1  }
0x1: {  	s0 =	rddreg [dreg:$0x0];
	s1 =	simm.s32 $0x0;
	s8 =	stileid.u32  }
0x2: {  	s7 =	srdreg.scid;
	s15 =	simm.s32 $0x100;
	s16 =	simm.s32 $0x2100  }
0x3: {  	s17 =	simm.s32 $0x4100;
	s18 =	simm.s32 $0x4900;
	s19 =	simm.s32 $0x5100  }
0x4: {  	s20 =	simm.s32 $0x5180;
	s21 =	simm.s32 $0x5200;
	s22 =	simm.s32 $0x7200  }
0x5: {  	s28 =	simm.s32 $0x3;
	[smem:$0x7FF] =	sst s1;
	s3 =	sadd.s32 $0x132E00, s0  }
0x6: {  	s4 =	sadd.s32 $0x1B000, s0;
	s5 =	sadd.s32 $0x163C00, s0;
	s2 =	smul.u32 $0x2A000, s8  }
0x7: {  	s6 =	sadd.s32 $0xEC00, s0;
	s9 =	sadd.s32 $0x4BE00, s0;
	s23 =	smul.u32 $0x5400, s8  }
0x8: {  	s7 =	sand.u32 $0x1, s7;
	s10 =	sadd.s32 $0x170000, s0;
	s13 =	smul.u32 $0x2A00, s8  }
0x9: {  	_ =	strace $0x80000050;
	[dreg:$0x6] =	wrdreg s9;
	s11 =	smul.u32 $0x2A00, s7  }
0xa: {  	s14 =	sadd.s32 $0x175400, s0;
	[dreg:$0x7] =	wrdreg s10;
	s25 =	smul.u32 $0x1500, s7  }
0xb: {  	s24 =	ssub.s32 $0x2, s7;
	s7 =	smul.u32 $0x15000, s7;
	s2 =	sadd.s32 s2, s0  }
0xc: {  	s12 =	sshrl.u32 s24, $0x1;
	s0 =	sadd.s32 $0x1C9400, s0;
	s29 =	sadd.s32 s23, s14  }
0xd: {  	s10 =	ssub.s32 s24, s12;
	s12 =	sadd.s32 s25, s13;
	s9 =	sadd.s32 s23, s0  }
0xe: {  	s2 =	sadd.s32 s7, s2;
	s23 =	simm.s32 $0x9200;
	s26 =	smax.u32 s10, $0x1  }
0xf: {  	s24 =	simm.s32 $0x9A00;
	s10 =	sadd.s32 s11, s29;
	[dreg:$0x8] =	wrdreg s26  }
0x10: {  	s25 =	simm.s32 $0x2;
	s9 =	sadd.s32 s11, s9;
	[dreg:$0x2] =	wrdreg s10  }
0x11: {  	s13 =	sor.u32 $0x80, s12;
	s2 =	sadd.s32 $0x7C0A00, s2;
	[dreg:$0x3] =	wrdreg s9  }
0x12: {  	s11 =	sshrl.u32 s12, $0x3;
	s30 =	sshll.u32 s13, $0x1;
	[dreg:$0x9] =	wrdreg s2  }
0x13: {  	s12 =	sshrl.u32 s13, $0x3;
	s13 =	simm.s32 $0x80;
	s0 =	sadd.s32 s30, s0  }
0x14: {  	s26 =	simm.s32 $0x40;
	s31 =	sadd.s32 s30, s14;
	[dreg:$0x4] =	wrdreg s0  }
0x15: {  	s2 =	simm.s32 $0x0;
	s14 =	simm.s32 $0x1;
	[dreg:$0x5] =	wrdreg s31  }
.LBB2_1:
0x16: {  	s8 =	rddreg [dreg:$0x6]  }
0x17: {  	s10 =	rddreg [dreg:$0x7];
	s0 =	sadd.s32 s8, s11  }
0x18: {  	[tilespmem:s1], [sflag:$0x1] =	stream.linear.gather [hbm4b:s0+s1], $0x80, $0x38;
	[tilespmem:$0xA200] =	vst v63  }
0x19: {  	[dreg:$0xa] =	wrdreg s2;
	s2 =	sadd.s32 s10, s11  }
0x1a: {  	[tilespmem:s13], [sflag:$0x1] =	stream.linear.gather [hbm4b:s2+s1], $0x80, $0x38;
	[tilespmem:$0xA200] =	vst v63  }
0x1b: {  	_ =	swait.ge [sflag:s14], $0x80  }
0x1c: {  	[sflag:s14] =	ssyncset.done $0x0  }
0x1d: {  	[sflag:s14] =	ssyncadd.s32 $0xFFFFFF80  }
0x1e: {  	_ =	swait.ge [sflag:s14], $0x80  }
0x1f: {  	[sflag:s14] =	ssyncset.done $0x0  }
0x20: {  	[sflag:s14] =	ssyncadd.s32 $0xFFFFFF80  }
0x21: {  	[tilespmem:s15], [sflag:$0x2] =	stream.indirect.gather [hbm4b:s3+s13], $0x40, s1, s13, $0xb8;
	[tilespmem:$0xA200] =	vst v63  }
0x22: {  	_ = 	snop  }
0x23: {  	[tilespmem:s16], [sflag:$0x2] =	stream.indirect.gather [hbm4b:s4+s13], $0x40, s13, s13, $0xb8;
	[tilespmem:$0xA200] =	vst v63  }
0x24: {  	_ = 	snop  }
0x25: {  	[tilespmem:s17], [sflag:$0x2] =	stream.indirect.gather [hbm4b:s5+s13], $0x10, s1, s13, $0xb8;
	[tilespmem:$0xA200] =	vst v63  }
0x26: {  	_ = 	snop  }
0x27: {  	[tilespmem:s18], [sflag:$0x2] =	stream.indirect.gather [hbm4b:s6+s13], $0x10, s13, s13, $0xb8;
	[tilespmem:$0xA200] =	vst v63  }
0x28: {  	s7 =	sadd.s32 s8, s12  }
0x29: {  	[tilespmem:s19], [sflag:$0x1] =	stream.linear.gather [hbm4b:s7+s1], $0x80, $0x38;
	[tilespmem:$0xA200] =	vst v63  }
0x2a: {  	s9 =	sadd.s32 s10, s12  }
0x2b: {  	[tilespmem:s20], [sflag:$0x1] =	stream.linear.gather [hbm4b:s9+s1], $0x80, $0x38;
	[tilespmem:$0xA200] =	vst v63  }
0x2c: {  	_ =	swait.ge [sflag:s14], $0x80  }
0x2d: {  	[sflag:s14] =	ssyncset.done $0x0  }
0x2e: {  	[sflag:s14] =	ssyncadd.s32 $0xFFFFFF80  }
0x2f: {  	_ =	swait.ge [sflag:s14], $0x80  }
0x30: {  	[sflag:s14] =	ssyncset.done $0x0  }
0x31: {  	[sflag:s14] =	ssyncadd.s32 $0xFFFFFF80  }
0x32: {  	[tilespmem:s21], [sflag:$0x2] =	stream.indirect.gather [hbm4b:s3+s13], $0x40, s19, s13, $0xb8;
	[tilespmem:$0xA200] =	vst v63  }
0x33: {  	_ = 	snop  }
0x34: {  	[tilespmem:s22], [sflag:$0x2] =	stream.indirect.gather [hbm4b:s4+s13], $0x40, s20, s13, $0xb8;
	[tilespmem:$0xA200] =	vst v63  }
0x35: {  	_ = 	snop  }
0x36: {  	[tilespmem:s23], [sflag:$0x2] =	stream.indirect.gather [hbm4b:s5+s13], $0x10, s19, s13, $0xb8;
	[tilespmem:$0xA200] =	vst v63  }
0x37: {  	_ = 	snop  }
0x38: {  	[tilespmem:s24], [sflag:$0x2] =	stream.indirect.gather [hbm4b:s6+s13], $0x10, s20, s13, $0xb8;
	[tilespmem:$0xA200] =	vst v63  }
0x39: {  	_ =	swait.ge [sflag:s25], $0x2000  }
0x3a: {  	[sflag:s25] =	ssyncset.done $0x0  }
0x3b: {  	[sflag:s25] =	ssyncadd.s32 $0xFFFFE000  }
0x3c: {  	_ =	swait.ge [sflag:s25], $0x2000  }
0x3d: {  	[sflag:s25] =	ssyncset.done $0x0  }
0x3e: {  	[sflag:s25] =	ssyncadd.s32 $0xFFFFE000  }
0x3f: {  	_ =	swait.ge [sflag:s25], $0x800  }
0x40: {  	[sflag:s25] =	ssyncset.done $0x0  }
0x41: {  	[sflag:s25] =	ssyncadd.s32 $0xFFFFF800  }
0x42: {  	_ =	swait.ge [sflag:s25], $0x800  }
0x43: {  	[sflag:s25] =	ssyncset.done $0x0  }
0x44: {  	s31 =	rddreg [dreg:$0x9];
	[sflag:s25] =	ssyncadd.s32 $0xFFFFF800  }
0x45: {  	[hbm4b:s31+s26] =	stream.strided.scatter [tilespmem:s15], [sflag:$0x3], $0x2000, s13, s26, $0x38;
	[tilespmem:$0xA200] =	vst v63  }
0x46: {  	s29 =	rddreg [dreg:$0x3];
	s9 =	sadd.s32 $0x8, s31  }
0x47: {  	[hbm4b:s9+s26] =	stream.strided.scatter [tilespmem:s16], [sflag:$0x3], $0x2000, s13, s26, $0x38;
	[tilespmem:$0xA200] =	vst v63  }
0x48: {  	s7 =	rddreg [dreg:$0x2];
	s0 =	sadd.s32 $0x0, s29  }
0x49: {  	[hbm4b:s0+s1] =	stream.linear.scatter [tilespmem:s17], [sflag:$0x3], $0x800, $0x38;
	[tilespmem:$0xA200] =	vst v63  }
0x4a: {  	s29 =	sadd.s32 $0x0, s7  }
0x4b: {  	[hbm4b:s29+s1] =	stream.linear.scatter [tilespmem:s18], [sflag:$0x3], $0x800, $0x38;
	[tilespmem:$0xA200] =	vst v63  }
0x4c: {  	_ =	swait.ge [sflag:s25], $0x2000  }
0x4d: {  	[sflag:s25] =	ssyncset.done $0x0  }
0x4e: {  	[sflag:s25] =	ssyncadd.s32 $0xFFFFE000  }
0x4f: {  	_ =	swait.ge [sflag:s25], $0x2000  }
0x50: {  	[sflag:s25] =	ssyncset.done $0x0  }
0x51: {  	[sflag:s25] =	ssyncadd.s32 $0xFFFFE000  }
0x52: {  	_ =	swait.ge [sflag:s25], $0x800  }
0x53: {  	[sflag:s25] =	ssyncset.done $0x0  }
0x54: {  	[sflag:s25] =	ssyncadd.s32 $0xFFFFF800  }
0x55: {  	_ =	swait.ge [sflag:s25], $0x800  }
0x56: {  	[sflag:s25] =	ssyncset.done $0x0  }
0x57: {  	s2 =	sadd.s32 $0x800, s31;
	[sflag:s25] =	ssyncadd.s32 $0xFFFFF800  }
0x58: {  	[hbm4b:s2+s26] =	stream.strided.scatter [tilespmem:s21], [sflag:$0x3], $0x2000, s13, s26, $0x38;
	[tilespmem:$0xA200] =	vst v63  }
0x59: {  	s9 =	sadd.s32 $0x808, s31;
	s7 =	rddreg [dreg:$0x4]  }
0x5a: {  	[hbm4b:s9+s26] =	stream.strided.scatter [tilespmem:s22], [sflag:$0x3], $0x2000, s13, s26, $0x38;
	[tilespmem:$0xA200] =	vst v63  }
0x5b: {  	s29 =	rddreg [dreg:$0x5];
	s9 =	sadd.s32 $0x0, s7  }
0x5c: {  	[hbm4b:s9+s1] =	stream.linear.scatter [tilespmem:s23], [sflag:$0x3], $0x800, $0x38;
	[tilespmem:$0xA200] =	vst v63  }
0x5d: {  	s29 =	sadd.s32 $0x0, s29  }
0x5e: {  	[hbm4b:s29+s1] =	stream.linear.scatter [tilespmem:s24], [sflag:$0x3], $0x800, $0x38;
	[tilespmem:$0xA200] =	vst v63  }
0x5f: {  	_ =	swait.ge [sflag:s28], $0x2000  }
0x60: {  	[sflag:s28] =	ssyncset.done $0x0  }
0x61: {  	[sflag:s28] =	ssyncadd.s32 $0xFFFFE000  }
0x62: {  	_ =	swait.ge [sflag:s28], $0x2000  }
0x63: {  	[sflag:s28] =	ssyncset.done $0x0  }
0x64: {  	[sflag:s28] =	ssyncadd.s32 $0xFFFFE000  }
0x65: {  	_ =	swait.ge [sflag:s28], $0x800  }
0x66: {  	[sflag:s28] =	ssyncset.done $0x0  }
0x67: {  	[sflag:s28] =	ssyncadd.s32 $0xFFFFF800  }
0x68: {  	_ =	swait.ge [sflag:s28], $0x800  }
0x69: {  	[sflag:s28] =	ssyncset.done $0x0  }
0x6a: {  	[sflag:s28] =	ssyncadd.s32 $0xFFFFF800  }
0x6b: {  	_ =	swait.ge [sflag:s28], $0x2000  }
0x6c: {  	[sflag:s28] =	ssyncset.done $0x0  }
0x6d: {  	[sflag:s28] =	ssyncadd.s32 $0xFFFFE000  }
0x6e: {  	_ =	swait.ge [sflag:s28], $0x2000  }
0x6f: {  	[sflag:s28] =	ssyncset.done $0x0  }
0x70: {  	[sflag:s28] =	ssyncadd.s32 $0xFFFFE000  }
0x71: {  	_ =	swait.ge [sflag:s28], $0x800  }
0x72: {  	[sflag:s28] =	ssyncset.done $0x0  }
0x73: {  	[sflag:s28] =	ssyncadd.s32 $0xFFFFF800  }
0x74: {  	s30 =	simm.s32 $0x200;
	s0 =	sadd.s32 $0x20, s10;
	_ =	swait.ge [sflag:s28], $0x800  }
0x75: {  	s2 =	sadd.s32 $0x20, s8;
	s9 =	simm.s32 $0x400;
	[sflag:s28] =	ssyncset.done $0x0  }
.LBB2_2:
0x76: {  	s8 =	sadd.s32 s2, s11;
	[sflag:s28] =	ssyncadd.s32 $0xFFFFF800  }
0x77: {  	[tilespmem:s1], [sflag:$0x1] =	stream.linear.gather [hbm4b:s8+s1], $0x80, $0x38;
	[tilespmem:$0xA200] =	vst v63  }
0x78: {  	s29 =	sadd.s32 s0, s11  }
0x79: {  	[tilespmem:s13], [sflag:$0x1] =	stream.linear.gather [hbm4b:s29+s1], $0x80, $0x38;
	[tilespmem:$0xA200] =	vst v63  }
0x7a: {  	_ =	swait.ge [sflag:s14], $0x80  }
0x7b: {  	[sflag:s14] =	ssyncset.done $0x0  }
0x7c: {  	[sflag:s14] =	ssyncadd.s32 $0xFFFFFF80  }
0x7d: {  	_ =	swait.ge [sflag:s14], $0x80  }
0x7e: {  	[sflag:s14] =	ssyncset.done $0x0  }
0x7f: {  	[sflag:s14] =	ssyncadd.s32 $0xFFFFFF80  }
0x80: {  	[tilespmem:s15], [sflag:$0x2] =	stream.indirect.gather [hbm4b:s3+s13], $0x40, s1, s13, $0xb8;
	[tilespmem:$0xA200] =	vst v63  }
0x81: {  	_ = 	snop  }
0x82: {  	[tilespmem:s16], [sflag:$0x2] =	stream.indirect.gather [hbm4b:s4+s13], $0x40, s13, s13, $0xb8;
	[tilespmem:$0xA200] =	vst v63  }
0x83: {  	_ = 	snop  }
0x84: {  	[tilespmem:s17], [sflag:$0x2] =	stream.indirect.gather [hbm4b:s5+s13], $0x10, s1, s13, $0xb8;
	[tilespmem:$0xA200] =	vst v63  }
0x85: {  	_ = 	snop  }
0x86: {  	[tilespmem:s18], [sflag:$0x2] =	stream.indirect.gather [hbm4b:s6+s13], $0x10, s13, s13, $0xb8;
	[tilespmem:$0xA200] =	vst v63  }
0x87: {  	s10 =	sadd.s32 s2, s12  }
0x88: {  	[tilespmem:s19], [sflag:$0x1] =	stream.linear.gather [hbm4b:s10+s1], $0x80, $0x38;
	[tilespmem:$0xA200] =	vst v63  }
0x89: {  	s29 =	sadd.s32 s0, s12  }
0x8a: {  	[tilespmem:s20], [sflag:$0x1] =	stream.linear.gather [hbm4b:s29+s1], $0x80, $0x38;
	[tilespmem:$0xA200] =	vst v63  }
0x8b: {  	_ =	swait.ge [sflag:s14], $0x80  }
0x8c: {  	[sflag:s14] =	ssyncset.done $0x0  }
0x8d: {  	[sflag:s14] =	ssyncadd.s32 $0xFFFFFF80  }
0x8e: {  	_ =	swait.ge [sflag:s14], $0x80  }
0x8f: {  	[sflag:s14] =	ssyncset.done $0x0  }
0x90: {  	[sflag:s14] =	ssyncadd.s32 $0xFFFFFF80  }
0x91: {  	[tilespmem:s21], [sflag:$0x2] =	stream.indirect.gather [hbm4b:s3+s13], $0x40, s19, s13, $0xb8;
	[tilespmem:$0xA200] =	vst v63  }
0x92: {  	_ = 	snop  }
0x93: {  	[tilespmem:s22], [sflag:$0x2] =	stream.indirect.gather [hbm4b:s4+s13], $0x40, s20, s13, $0xb8;
	[tilespmem:$0xA200] =	vst v63  }
0x94: {  	_ = 	snop  }
0x95: {  	[tilespmem:s23], [sflag:$0x2] =	stream.indirect.gather [hbm4b:s5+s13], $0x10, s19, s13, $0xb8;
	[tilespmem:$0xA200] =	vst v63  }
0x96: {  	_ = 	snop  }
0x97: {  	[tilespmem:s24], [sflag:$0x2] =	stream.indirect.gather [hbm4b:s6+s13], $0x10, s20, s13, $0xb8;
	[tilespmem:$0xA200] =	vst v63  }
0x98: {  	_ =	swait.ge [sflag:s25], $0x2000  }
0x99: {  	[sflag:s25] =	ssyncset.done $0x0  }
0x9a: {  	[sflag:s25] =	ssyncadd.s32 $0xFFFFE000  }
0x9b: {  	_ =	swait.ge [sflag:s25], $0x2000  }
0x9c: {  	[sflag:s25] =	ssyncset.done $0x0  }
0x9d: {  	[sflag:s25] =	ssyncadd.s32 $0xFFFFE000  }
0x9e: {  	_ =	swait.ge [sflag:s25], $0x800  }
0x9f: {  	[sflag:s25] =	ssyncset.done $0x0  }
0xa0: {  	[sflag:s25] =	ssyncadd.s32 $0xFFFFF800  }
0xa1: {  	_ =	swait.ge [sflag:s25], $0x800  }
0xa2: {  	[sflag:s25] =	ssyncset.done $0x0  }
0xa3: {  	s31 =	sadd.s32 $0x1000, s31;
	[sflag:s25] =	ssyncadd.s32 $0xFFFFF800  }
0xa4: {  	[hbm4b:s31+s26] =	stream.strided.scatter [tilespmem:s15], [sflag:$0x3], $0x2000, s13, s26, $0x38;
	[tilespmem:$0xA200] =	vst v63  }
0xa5: {  	s10 =	sadd.s32 $0x8, s31;
	s8 =	rddreg [dreg:$0x3]  }
0xa6: {  	[hbm4b:s10+s26] =	stream.strided.scatter [tilespmem:s16], [sflag:$0x3], $0x2000, s13, s26, $0x38;
	[tilespmem:$0xA200] =	vst v63  }
0xa7: {  	s29 =	rddreg [dreg:$0x2];
	s8 =	sadd.s32 s30, s8  }
0xa8: {  	[hbm4b:s8+s1] =	stream.linear.scatter [tilespmem:s17], [sflag:$0x3], $0x800, $0x38;
	[tilespmem:$0xA200] =	vst v63  }
0xa9: {  	s10 =	sadd.s32 s30, s29  }
0xaa: {  	[hbm4b:s10+s1] =	stream.linear.scatter [tilespmem:s18], [sflag:$0x3], $0x800, $0x38;
	[tilespmem:$0xA200] =	vst v63  }
0xab: {  	_ =	swait.ge [sflag:s25], $0x2000  }
0xac: {  	[sflag:s25] =	ssyncset.done $0x0  }
0xad: {  	[sflag:s25] =	ssyncadd.s32 $0xFFFFE000  }
0xae: {  	_ =	swait.ge [sflag:s25], $0x2000  }
0xaf: {  	[sflag:s25] =	ssyncset.done $0x0  }
0xb0: {  	[sflag:s25] =	ssyncadd.s32 $0xFFFFE000  }
0xb1: {  	_ =	swait.ge [sflag:s25], $0x800  }
0xb2: {  	[sflag:s25] =	ssyncset.done $0x0  }
0xb3: {  	[sflag:s25] =	ssyncadd.s32 $0xFFFFF800  }
0xb4: {  	_ =	swait.ge [sflag:s25], $0x800  }
0xb5: {  	[sflag:s25] =	ssyncset.done $0x0  }
0xb6: {  	s29 =	sadd.s32 $0x800, s31;
	[sflag:s25] =	ssyncadd.s32 $0xFFFFF800  }
0xb7: {  	[hbm4b:s29+s26] =	stream.strided.scatter [tilespmem:s21], [sflag:$0x3], $0x2000, s13, s26, $0x38;
	[tilespmem:$0xA200] =	vst v63  }
0xb8: {  	s8 =	sadd.s32 $0x808, s31;
	s10 =	rddreg [dreg:$0x4]  }
0xb9: {  	[hbm4b:s8+s26] =	stream.strided.scatter [tilespmem:s22], [sflag:$0x3], $0x2000, s13, s26, $0x38;
	[tilespmem:$0xA200] =	vst v63  }
0xba: {  	s10 =	sadd.s32 s30, s10;
	s29 =	rddreg [dreg:$0x5]  }
0xbb: {  	[hbm4b:s10+s1] =	stream.linear.scatter [tilespmem:s23], [sflag:$0x3], $0x800, $0x38;
	[tilespmem:$0xA200] =	vst v63  }
0xbc: {  	s29 =	sadd.s32 s30, s29  }
0xbd: {  	[hbm4b:s29+s1] =	stream.linear.scatter [tilespmem:s24], [sflag:$0x3], $0x800, $0x38;
	[tilespmem:$0xA200] =	vst v63  }
0xbe: {  	_ =	swait.ge [sflag:s28], $0x2000  }
0xbf: {  	[sflag:s28] =	ssyncset.done $0x0  }
0xc0: {  	[sflag:s28] =	ssyncadd.s32 $0xFFFFE000  }
0xc1: {  	_ =	swait.ge [sflag:s28], $0x2000  }
0xc2: {  	[sflag:s28] =	ssyncset.done $0x0  }
0xc3: {  	[sflag:s28] =	ssyncadd.s32 $0xFFFFE000  }
0xc4: {  	_ =	swait.ge [sflag:s28], $0x800  }
0xc5: {  	[sflag:s28] =	ssyncset.done $0x0  }
0xc6: {  	[sflag:s28] =	ssyncadd.s32 $0xFFFFF800  }
0xc7: {  	_ =	swait.ge [sflag:s28], $0x800  }
0xc8: {  	[sflag:s28] =	ssyncset.done $0x0  }
0xc9: {  	[sflag:s28] =	ssyncadd.s32 $0xFFFFF800  }
0xca: {  	_ =	swait.ge [sflag:s28], $0x2000  }
0xcb: {  	[sflag:s28] =	ssyncset.done $0x0  }
0xcc: {  	[sflag:s28] =	ssyncadd.s32 $0xFFFFE000  }
0xcd: {  	_ =	swait.ge [sflag:s28], $0x2000  }
0xce: {  	[sflag:s28] =	ssyncset.done $0x0  }
0xcf: {  	p0 =	sne.s32 s9, $0x2800;
	[sflag:s28] =	ssyncadd.s32 $0xFFFFE000  }
.Ltmp0:
0xd0: {  	_ =	swait.ge [sflag:s28], $0x800;
	(pc) =	sbr.rel @p0 .LBB2_2-.Ltmp0, $4  }
0xd1: {  	[sflag:s28] =	ssyncset.done $0x0  }
0xd2: {  	s7 =	smov.u32 s9;
	[sflag:s28] =	ssyncadd.s32 $0xFFFFF800  }
0xd3: {  	s9 =	sadd.s32 $0x200, s9;
	s2 =	sadd.s32 $0x20, s2;
	_ =	swait.ge [sflag:s28], $0x800  }
0xd4: {  	s0 =	sadd.s32 $0x20, s0;
	s30 =	smov.u32 s7;
	[sflag:s28] =	ssyncset.done $0x0  }
0xd5: {  	s7 =	sadd.s32 s2, s11;
	[sflag:s28] =	ssyncadd.s32 $0xFFFFF800  }
0xd6: {  	[tilespmem:s1], [sflag:$0x1] =	stream.linear.gather [hbm4b:s7+s1], $0x80, $0x38;
	[tilespmem:$0xA200] =	vst v63  }
0xd7: {  	s29 =	sadd.s32 s0, s11  }
0xd8: {  	[tilespmem:s13], [sflag:$0x1] =	stream.linear.gather [hbm4b:s29+s1], $0x80, $0x38;
	[tilespmem:$0xA200] =	vst v63  }
0xd9: {  	_ =	swait.ge [sflag:s14], $0x80  }
0xda: {  	[sflag:s14] =	ssyncset.done $0x0  }
0xdb: {  	[sflag:s14] =	ssyncadd.s32 $0xFFFFFF80  }
0xdc: {  	_ =	swait.ge [sflag:s14], $0x80  }
0xdd: {  	[sflag:s14] =	ssyncset.done $0x0  }
0xde: {  	[sflag:s14] =	ssyncadd.s32 $0xFFFFFF80  }
0xdf: {  	[tilespmem:s15], [sflag:$0x2] =	stream.indirect.gather [hbm4b:s3+s13], $0x40, s1, s13, $0xb8;
	[tilespmem:$0xA200] =	vst v63  }
0xe0: {  	_ = 	snop  }
0xe1: {  	[tilespmem:s16], [sflag:$0x2] =	stream.indirect.gather [hbm4b:s4+s13], $0x40, s13, s13, $0xb8;
	[tilespmem:$0xA200] =	vst v63  }
0xe2: {  	_ = 	snop  }
0xe3: {  	[tilespmem:s17], [sflag:$0x2] =	stream.indirect.gather [hbm4b:s5+s13], $0x10, s1, s13, $0xb8;
	[tilespmem:$0xA200] =	vst v63  }
0xe4: {  	_ = 	snop  }
0xe5: {  	[tilespmem:s18], [sflag:$0x2] =	stream.indirect.gather [hbm4b:s6+s13], $0x10, s13, s13, $0xb8;
	[tilespmem:$0xA200] =	vst v63  }
0xe6: {  	s8 =	sadd.s32 s2, s12  }
0xe7: {  	[tilespmem:s19], [sflag:$0x1] =	stream.linear.gather [hbm4b:s8+s1], $0x80, $0x38;
	[tilespmem:$0xA200] =	vst v63  }
0xe8: {  	s9 =	sadd.s32 s0, s12  }
0xe9: {  	[tilespmem:s20], [sflag:$0x1] =	stream.linear.gather [hbm4b:s9+s1], $0x80, $0x38;
	[tilespmem:$0xA200] =	vst v63  }
0xea: {  	_ =	swait.ge [sflag:s14], $0x80  }
0xeb: {  	[sflag:s14] =	ssyncset.done $0x0  }
0xec: {  	[sflag:s14] =	ssyncadd.s32 $0xFFFFFF80  }
0xed: {  	_ =	swait.ge [sflag:s14], $0x80  }
0xee: {  	[sflag:s14] =	ssyncset.done $0x0  }
0xef: {  	[sflag:s14] =	ssyncadd.s32 $0xFFFFFF80  }
0xf0: {  	[tilespmem:s21], [sflag:$0x2] =	stream.indirect.gather [hbm4b:s3+s13], $0x40, s19, s13, $0xb8;
	[tilespmem:$0xA200] =	vst v63  }
0xf1: {  	_ = 	snop  }
0xf2: {  	[tilespmem:s22], [sflag:$0x2] =	stream.indirect.gather [hbm4b:s4+s13], $0x40, s20, s13, $0xb8;
	[tilespmem:$0xA200] =	vst v63  }
0xf3: {  	_ = 	snop  }
0xf4: {  	[tilespmem:s23], [sflag:$0x2] =	stream.indirect.gather [hbm4b:s5+s13], $0x10, s19, s13, $0xb8;
	[tilespmem:$0xA200] =	vst v63  }
0xf5: {  	_ = 	snop  }
0xf6: {  	[tilespmem:s24], [sflag:$0x2] =	stream.indirect.gather [hbm4b:s6+s13], $0x10, s20, s13, $0xb8;
	[tilespmem:$0xA200] =	vst v63  }
0xf7: {  	_ =	swait.ge [sflag:s25], $0x2000  }
0xf8: {  	[sflag:s25] =	ssyncset.done $0x0  }
0xf9: {  	[sflag:s25] =	ssyncadd.s32 $0xFFFFE000  }
0xfa: {  	_ =	swait.ge [sflag:s25], $0x2000  }
0xfb: {  	[sflag:s25] =	ssyncset.done $0x0  }
0xfc: {  	[sflag:s25] =	ssyncadd.s32 $0xFFFFE000  }
0xfd: {  	_ =	swait.ge [sflag:s25], $0x800  }
0xfe: {  	[sflag:s25] =	ssyncset.done $0x0  }
0xff: {  	[sflag:s25] =	ssyncadd.s32 $0xFFFFF800  }
0x100: {  	_ =	swait.ge [sflag:s25], $0x800  }
0x101: {  	[sflag:s25] =	ssyncset.done $0x0  }
0x102: {  	s0 =	sadd.s32 $0x1000, s31;
	[sflag:s25] =	ssyncadd.s32 $0xFFFFF800  }
0x103: {  	[hbm4b:s0+s26] =	stream.strided.scatter [tilespmem:s15], [sflag:$0x3], $0x2000, s13, s26, $0x38;
	[tilespmem:$0xA200] =	vst v63  }
0x104: {  	s29 =	sadd.s32 $0x8, s0;
	s10 =	rddreg [dreg:$0x3]  }
0x105: {  	[hbm4b:s29+s26] =	stream.strided.scatter [tilespmem:s16], [sflag:$0x3], $0x2000, s13, s26, $0x38;
	[tilespmem:$0xA200] =	vst v63  }
0x106: {  	s31 =	rddreg [dreg:$0x2];
	s2 =	sadd.s32 s30, s10  }
0x107: {  	[hbm4b:s2+s1] =	stream.linear.scatter [tilespmem:s17], [sflag:$0x3], $0x800, $0x38;
	[tilespmem:$0xA200] =	vst v63  }
0x108: {  	s8 =	sadd.s32 s30, s31  }
0x109: {  	[hbm4b:s8+s1] =	stream.linear.scatter [tilespmem:s18], [sflag:$0x3], $0x800, $0x38;
	[tilespmem:$0xA200] =	vst v63  }
0x10a: {  	_ =	swait.ge [sflag:s25], $0x2000  }
0x10b: {  	[sflag:s25] =	ssyncset.done $0x0  }
0x10c: {  	[sflag:s25] =	ssyncadd.s32 $0xFFFFE000  }
0x10d: {  	_ =	swait.ge [sflag:s25], $0x2000  }
0x10e: {  	[sflag:s25] =	ssyncset.done $0x0  }
0x10f: {  	[sflag:s25] =	ssyncadd.s32 $0xFFFFE000  }
0x110: {  	_ =	swait.ge [sflag:s25], $0x800  }
0x111: {  	[sflag:s25] =	ssyncset.done $0x0  }
0x112: {  	[sflag:s25] =	ssyncadd.s32 $0xFFFFF800  }
0x113: {  	_ =	swait.ge [sflag:s25], $0x800  }
0x114: {  	[sflag:s25] =	ssyncset.done $0x0  }
0x115: {  	s9 =	sadd.s32 $0x800, s0;
	[sflag:s25] =	ssyncadd.s32 $0xFFFFF800  }
0x116: {  	[hbm4b:s9+s26] =	stream.strided.scatter [tilespmem:s21], [sflag:$0x3], $0x2000, s13, s26, $0x38;
	[tilespmem:$0xA200] =	vst v63  }
0x117: {  	s0 =	sadd.s32 $0x808, s0;
	s10 =	rddreg [dreg:$0x4]  }
0x118: {  	[hbm4b:s0+s26] =	stream.strided.scatter [tilespmem:s22], [sflag:$0x3], $0x2000, s13, s26, $0x38;
	[tilespmem:$0xA200] =	vst v63  }
0x119: {  	s29 =	rddreg [dreg:$0x5];
	s2 =	sadd.s32 s30, s10  }
0x11a: {  	[hbm4b:s2+s1] =	stream.linear.scatter [tilespmem:s23], [sflag:$0x3], $0x800, $0x38;
	[tilespmem:$0xA200] =	vst v63  }
0x11b: {  	s0 =	sadd.s32 s30, s29  }
0x11c: {  	[hbm4b:s0+s1] =	stream.linear.scatter [tilespmem:s24], [sflag:$0x3], $0x800, $0x38;
	[tilespmem:$0xA200] =	vst v63  }
0x11d: {  	_ =	swait.ge [sflag:s28], $0x2000  }
0x11e: {  	[sflag:s28] =	ssyncset.done $0x0  }
0x11f: {  	[sflag:s28] =	ssyncadd.s32 $0xFFFFE000  }
0x120: {  	_ =	swait.ge [sflag:s28], $0x2000  }
0x121: {  	[sflag:s28] =	ssyncset.done $0x0  }
0x122: {  	[sflag:s28] =	ssyncadd.s32 $0xFFFFE000  }
0x123: {  	_ =	swait.ge [sflag:s28], $0x800  }
0x124: {  	[sflag:s28] =	ssyncset.done $0x0  }
0x125: {  	[sflag:s28] =	ssyncadd.s32 $0xFFFFF800  }
0x126: {  	_ =	swait.ge [sflag:s28], $0x800  }
0x127: {  	[sflag:s28] =	ssyncset.done $0x0  }
0x128: {  	[sflag:s28] =	ssyncadd.s32 $0xFFFFF800  }
0x129: {  	_ =	swait.ge [sflag:s28], $0x2000  }
0x12a: {  	[sflag:s28] =	ssyncset.done $0x0  }
0x12b: {  	[sflag:s28] =	ssyncadd.s32 $0xFFFFE000  }
0x12c: {  	_ =	swait.ge [sflag:s28], $0x2000  }
0x12d: {  	[sflag:s28] =	ssyncset.done $0x0  }
0x12e: {  	[sflag:s28] =	ssyncadd.s32 $0xFFFFE000  }
0x12f: {  	_ =	swait.ge [sflag:s28], $0x800  }
0x130: {  	[sflag:s28] =	ssyncset.done $0x0  }
0x131: {  	[sflag:s28] =	ssyncadd.s32 $0xFFFFF800  }
0x132: {  	_ =	swait.ge [sflag:s28], $0x800  }
0x133: {  	s30 =	rddreg [dreg:$0xa]  }
0x134: {  	s31 =	rddreg [dreg:$0x8];
	s2 =	sadd.s32 $0x1, s30  }
0x135: {  	p0 =	sne.s32 s2, s31  }
.Ltmp1:
0x136: {  	_ = 	snop;
	(pc) =	sbr.rel @p0 .LBB2_1-.Ltmp1, $3  }
0x137: {  	_ =	sdelay $0x1  }
0x138: {  	[sflag:s28] =	ssyncset.done $0x0  }
0x139: {  	[sflag:s28] =	ssyncadd.s32 $0xFFFFF800  }
0x13a: {  	_ =	sfence.sel $0x180000  }
0x13b: {  	[bflag:$0x0] =	sbarrier.arrive $0xFFFF  }
0x13c: {  	_ =	strace $0x90000050  }
0x13d: {  	s0 =	stileid.u32;
	[bflag:$0x2] =	sbarrier.arrive $0xFFFF  }
0x13e: {  	p0 =	sne.s32 s0, $0x0;
	s0 =	rddreg [dreg:$0x1]  }
0x13f: {  	s0 =	sadd.s32 @!p0 $0x100000, s0  }
0x140: {  	[sflag:s0] =	ssyncadd.tile.s32 @!p0 $0x1;
	_ =	shalt  }
.Lfunc_end2:
_tile_overlayer_lowered:
.L_overlay_start_2:
0x141: {  	(tag) =	ssettag $0x2  }
0x142: {  	s0 =	rddreg [dreg:$0x0];
	s2 =	stileid.u32  }
0x143: {  	s1 =	rddreg [dreg:$0x1];
	p0 =	sne.s32 s2, $0x0  }
0x144: {  	s3 =	rddreg [dreg:$0x2];
	[bflag:$0x3] =	sbarrier.arrive $0xFFFF;
	s2 =	simm.s32 @!p0 $0x1C04  }
0x145: {  	[timem:s3], [sflag:s2] =	dma.local @!p0 [hbm:s0], s1  }
0x146: {  	s0 =	simm.s32 @!p0 $0x4  }
0x147: {  	_ =	swait.ge @!p0 [sflag:s0], s1  }
0x148: {  	s1 =	ssub.s32 @!p0 $0x0, s1;
	[sflag:s0] =	ssyncset.done @!p0 $0x0  }
0x149: {  	[sflag:s0] =	ssyncadd.s32 @!p0 s1  }
0x14a: {  	[bflag:$0x3] =	sbarrier.arrive $0xFFFF  }
0x14b: {  	_ =	shalt  }

// kernel: kernel.24.cloned.1.call-start
scs
__scs_entry_jumppad:
0x0: {  	(pc) =	sbr.rel $0x88, $3  }
0x1: {  	(tag) =	ssettag $0x0;
	lr =	simm.s32 $0x1  }
0x2: {  	[smem:$0x3F85] =	sst lr;
	_ =	strace $0xD0000000  }
0x3: {  	_ = 	snop  }
0x4: {  	_ = 	snop  }
0x5: {  	_ = 	snop  }
0x6: {  	_ = 	snop  }
0x7: {  	_ = 	snop  }
__scs_overlays_trampoline_lowered:
0x8: {  	[smem:$0x3F94] =	sst s0  }
0x9: {  	[smem:$0x3F95] =	sst s1  }
0xa: {  	[smem:$0x3F96] =	sst s2  }
0xb: {  	[smem:$0x3F97] =	sst s3  }
0xc: {  	[smem:$0x3F98] =	sst s4  }
0xd: {  	[smem:$0x3F99] =	sst s5  }
0xe: {  	[smem:$0x3F9A] =	sst s6  }
0xf: {  	[smem:$0x3F9B] =	sst s7  }
0x10: {  	[smem:$0x3F9C] =	sst s8  }
0x11: {  	[smem:$0x3F9D] =	sst s9;
	s0 =	simm.s32 @!p0 $0x0  }
0x12: {  	s1 =	sld [smem:$0x3F83];
	s0 =	simm.s32 @p0 $0x1  }
0x13: {  	[smem:$0x3F9E] =	sst s0;
	s0 =	simm.s32 @!p1 $0x0  }
0x14: {  	s2 =	sld [smem:$0x3F82];
	s0 =	simm.s32 @p1 $0x1  }
0x15: {  	[smem:$0x3F9F] =	sst s0;
	s0 =	simm.s32 @!p2 $0x0  }
0x16: {  	s3 =	sld [smem:$0x3FDB];
	s0 =	simm.s32 @p2 $0x1  }
0x17: {  	s4 =	simm.s32 $0x1BF5;
	[smem:$0x3FA1] =	sst s0  }
0x18: {  	s0 =	sld [smem:$0x3F84];
	_ =	swait.ge [sflag:s4], $0x0  }
0x19: {  	s7 =	sld [smem:$0x3F85]  }
0x1a: {  	s8 =	sadd.s32 $0xFFFFE003, lr  }
0x1b: {  	s9 =	sadd.s32 $0xFFFFFEF7, lr;
	s5 =	simm.s32 $0xFFFFFFFF;
	p2 =	slt.u32 s8, $0xFFFFF086  }
0x1c: {  	p1 =	slt.u32 s9, $0xF7A;
	s5 =	simm.s32 @!p2 $0x0  }
0x1d: {  	s5 =	simm.s32 @p1 $0x1;
	p0 =	seq.s32 s7, s2  }
0x1e: {  	s7 =	smul.u32 @!p0 $0xF7A, s2;
	p2 =	seq.s32 @!p0 s5, $0x0  }
0x1f: {  	s9 =	smul.u32 $0xF7A, s1;
	s8 =	simm.s32 @!p0 $0x1BF5;
	p2 =	por !p2, p0  }
0x20: {  	[sflag:s8] =	ssyncset.s32 @!p0 $0xFFFFF086;
	s6 =	sadd.s32 @!p0 s3, s7;
	s7 =	simm.s32 @!p0 $0x108  }
0x21: {  	s3 =	sadd.s32 s3, s9;
	s6 =	sadd.s32 @!p0 $0x88, s6;
	s7 =	simm.s32 @p2 $0x1082  }
0x22: {  	[simem:s7], [sflag:s8] =	dma.local @!p0 [hbm:s6], $0xF7A  }
0x23: {  	s9 =	sor.u32 $0xD0000000, s2;
	s6 =	simm.s32 $0x108;
	_ =	swait.ge @!p0 [sflag:s8], $0x0  }
0x24: {  	s3 =	sadd.s32 $0x88, s3;
	s6 =	simm.s32 @!p1 $0x1082;
	[sflag:s4] =	ssyncset.s32 $0xFFFFF086  }
0x25: {  	[simem:s6], [sflag:s4] =	dma.local [hbm:s3], $0xF7A  }
0x26: {  	[smem:$0x3F85] =	sst s1;
	(tag) =	ssettag s2;
	_ =	strace s9  }
0x27: {  	s1 =	sld [smem:$0x3F95]  }
0x28: {  	s2 =	sld [smem:$0x3F96]  }
0x29: {  	s4 =	sld [smem:$0x3F98]  }
0x2a: {  	p0 =	seq.s32 s5, $0x0;
	s5 =	sld [smem:$0x3F99]  }
0x2b: {  	s6 =	sld [smem:$0x3F9A]  }
0x2c: {  	s7 =	sld [smem:$0x3F9B]  }
0x2d: {  	s3 =	simm.s32 $0x108;
	s8 =	sld [smem:$0x3F9C]  }
0x2e: {  	s3 =	simm.s32 @!p0 $0x1082;
	s9 =	sld [smem:$0x3F9D]  }
0x2f: {  	lr =	sadd.s32 s0, s3;
	s0 =	sld [smem:$0x3F94]  }
0x30: {  	s3 =	sld [smem:$0x3F97]  }
0x31: {  	[smem:$0x3FA0] =	sst s10  }
0x32: {  	s10 =	sld [smem:$0x3F9E];
	_ =	sdelay $0x3  }
0x33: {  	p0 =	seq.s32 s10, $0x1;
	s10 =	sld [smem:$0x3FA0];
	_ =	sdelay $0x3  }
0x34: {  	[smem:$0x3FA0] =	sst s10  }
0x35: {  	s10 =	sld [smem:$0x3F9F];
	_ =	sdelay $0x3  }
0x36: {  	p1 =	seq.s32 s10, $0x1;
	s10 =	sld [smem:$0x3FA0];
	_ =	sdelay $0x3  }
0x37: {  	[smem:$0x3FA0] =	sst s10  }
0x38: {  	s10 =	sld [smem:$0x3FA1]  }
0x39: {  	_ = 	snop;
	(pc) =	sbr.ind lr, $3  }
0x3a: {  	_ = 	snop  }
0x3b: {  	_ = 	snop  }
0x3c: {  	p2 =	seq.s32 s10, $0x1;
	s10 =	sld [smem:$0x3FA0]  }
0x3d: {  	_ =	shalt  }
0x3e: {  	_ =	shalt  }
0x3f: {  	_ =	shalt  }
0x40: {  	_ =	shalt  }
0x41: {  	_ =	shalt  }
0x42: {  	_ =	shalt  }
0x43: {  	_ =	shalt  }
0x44: {  	_ =	shalt  }
0x45: {  	_ =	shalt  }
0x46: {  	_ =	shalt  }
0x47: {  	_ =	shalt  }
0x48: {  	_ =	shalt  }
0x49: {  	_ =	shalt  }
0x4a: {  	_ =	shalt  }
0x4b: {  	_ =	shalt  }
0x4c: {  	_ =	shalt  }
0x4d: {  	_ =	shalt  }
0x4e: {  	_ =	shalt  }
0x4f: {  	_ =	shalt  }
0x50: {  	_ =	shalt  }
0x51: {  	_ =	shalt  }
0x52: {  	_ =	shalt  }
0x53: {  	_ =	shalt  }
0x54: {  	_ =	shalt  }
0x55: {  	_ =	shalt  }
0x56: {  	_ =	shalt  }
0x57: {  	_ =	shalt  }
0x58: {  	_ =	shalt  }
0x59: {  	_ =	shalt  }
0x5a: {  	_ =	shalt  }
0x5b: {  	_ =	shalt  }
0x5c: {  	_ =	shalt  }
0x5d: {  	_ =	shalt  }
0x5e: {  	_ =	shalt  }
0x5f: {  	_ =	shalt  }
0x60: {  	_ =	shalt  }
0x61: {  	_ =	shalt  }
0x62: {  	_ =	shalt  }
0x63: {  	_ =	shalt  }
0x64: {  	_ =	shalt  }
0x65: {  	_ =	shalt  }
0x66: {  	_ =	shalt  }
0x67: {  	_ =	shalt  }
0x68: {  	_ =	shalt  }
0x69: {  	_ =	shalt  }
0x6a: {  	_ =	shalt  }
0x6b: {  	_ =	shalt  }
0x6c: {  	_ =	shalt  }
0x6d: {  	_ =	shalt  }
0x6e: {  	_ =	shalt  }
0x6f: {  	_ =	shalt  }
0x70: {  	_ =	shalt  }
0x71: {  	_ =	shalt  }
0x72: {  	_ =	shalt  }
0x73: {  	_ =	shalt  }
0x74: {  	_ =	shalt  }
0x75: {  	_ =	shalt  }
0x76: {  	_ =	shalt  }
0x77: {  	_ =	shalt  }
0x78: {  	_ =	shalt  }
0x79: {  	_ =	shalt  }
0x7a: {  	_ =	shalt  }
0x7b: {  	_ =	shalt  }
0x7c: {  	_ =	shalt  }
0x7d: {  	_ =	shalt  }
0x7e: {  	_ =	shalt  }
0x7f: {  	_ =	shalt  }
0x80: {  	_ =	shalt  }
0x81: {  	_ =	shalt  }
0x82: {  	_ =	shalt  }
0x83: {  	_ =	shalt  }
0x84: {  	_ =	shalt  }
0x85: {  	_ =	shalt  }
0x86: {  	_ =	shalt  }
0x87: {  	_ =	shalt  }
.Lfunc_end0:
.L_simem_size_0:
called_computation.3_lowered:
.L_overlay_start_0:
0x88: {  	s2 =	sld [smem:$0x3FD9]  }
0x89: {  	s3 =	sld [smem:$0x3FFE];
	_ =	sdelay $0x1  }
0x8a: {  	s1 =	srdreg.scid  }
0x8b: {  	s0 =	sand.u32 $0x1, s1  }
0x8c: {  	s17 =	sshll.u32 s0, $0xA;
	s2 =	sadd.s32 s3, s2  }
0x8d: {  	s2 =	sadd.s32 s2, s17  }
0x8e: {  	[smem:$0x3FAC] =	sst s2  }
0x8f: {  	_ = 	snop  }
0x90: {  	(tm) =	ssettm $0x1  }
0x91: {  	s18 =	sld [smem:$0x3FFB];
	_ =	sdelay $0x3  }
0x92: {  	_ =	strace s18  }
0x93: {  	s2 =	sld [smem:$0x3FFC];
	_ =	sdelay $0x3  }
0x94: {  	_ =	strace s2  }
0x95: {  	s2 =	sld [smem:$0x3FFD];
	_ =	sdelay $0x3  }
0x96: {  	_ =	strace s2  }
0x97: {  	_ =	strace $0x8FFFFFFF  }
0x98: {  	s19 =	sld [smem:$0x3FDB];
	_ =	sdelay $0x1  }
0x99: {  	s20 =	simm.s32 $_scs_section_size  }
0x9a: {  	s4 =	simm.s32 $_size__tile_overlayer_lowered;
	s5 =	simm.s32 $_tile_overlayer_lowered  }
0x9b: {  	s6 =	simm.s32 $0x1BFF;
	s21 =	sshll.u32 s5, $0x1;
	s3 =	sadd.s32 s20, s19  }
0x9c: {  	s22 =	simm.s32 $0x0;
	s4 =	sshll.u32 s4, $0x1;
	s5 =	sadd.s32 s21, s3  }
0x9d: {  	[timem:s22], [sflag:s6] =	dma.local [hbm:s5], s4  }
0x9e: {  	_ =	swait.ge [sflag:s6], s4  }
0x9f: {  	s4 =	ssub.s32 $0x0, s4;
	[sflag:s6] =	ssyncset.done $0x0  }
0xa0: {  	[sflag:s6] =	ssyncadd.s32 s4;
	_ =	sdelay $0x1  }
0xa1: {  	s23 =	simm.s32 $0x1B8B  }
0xa2: {  	_ =	swait.ge [sflag:s23], $0x1  }
0xa3: {  	[sflag:s23] =	ssyncset.done $0x0  }
0xa4: {  	[sflag:s23] =	ssyncadd.s32 $0xFFFFFFFF  }
0xa5: {  	s4 =	sld [smem:$0x0]  }
0xa6: {  	s5 =	sand.u32 $0xFFFFFFFE, s1  }
0xa7: {  	p0 =	sne.s32 s1, s5  }
0xa8: {  	s5 =	sshll.u32 @p0 s5, $0xE  }
0xa9: {  	s5 =	sadd.s32 @p0 $0x11B8D, s5;
	s6 =	sshll.u32 @p0 s4, $0x11  }
0xaa: {  	s5 =	sor.u32 @p0 s6, s5  }
0xab: {  	[sflag:s5] =	ssyncadd.remote.s32 @p0 $0x1;
	_ =	sdelay $0x1  }
0xac: {  	s5 =	simm.s32 @p0 $0x1B8D  }
0xad: {  	_ =	swait.eq @p0 [sflag:s5], $0x1  }
0xae: {  	[sflag:s5] =	ssyncadd.s32 @p0 $0xFFFFFFFF  }
0xaf: {  	s6 =	sshll.u32 @!p0 s1, $0xE  }
0xb0: {  	s6 =	sor.u32 @!p0 $0x4000, s6;
	s5 =	simm.s32 @!p0 $0x1B8D  }
0xb1: {  	s4 =	sshll.u32 @!p0 s4, $0x11;
	s6 =	sadd.s32 @!p0 $0x11B8D, s6;
	_ =	swait.eq @!p0 [sflag:s5], $0x1  }
0xb2: {  	s4 =	sor.u32 @!p0 s4, s6;
	[sflag:s5] =	ssyncadd.s32 @!p0 $0xFFFFFFFF  }
0xb3: {  	s25 =	simm.s32 $0x1B8E;
	s24 =	sld [smem:$0x3FFE];
	[sflag:s4] =	ssyncadd.remote.s32 @!p0 $0x1  }
0xb4: {  	s26 =	simm.s32 $execute0_lowered;
	[smem:$0x3FD2] =	sst s25  }
0xb5: {  	s5 =	sshll.u32 s26, $0x1;
	_ =	strace $0x80000055;
	[dreg:$0x1] =	wrdreg $0xFFFFFFFF  }
0xb6: {  	s28 =	simm.s32 $_size_execute0_lowered;
	s3 =	sadd.s32 s3, s5;
	[dreg:$0x0] =	wrdreg $0x0  }
0xb7: {  	s5 =	sshll.u32 s28, $0x1;
	[dreg:$0x2] =	wrdreg s3  }
0xb8: {  	[dreg:$0x3] =	wrdreg s5  }
0xb9: {  	[dreg:$0x4] =	wrdreg $0xC0  }
0xba: {  	_ =	task [dreg:s22], $0x5FFFF  }
0xbb: {  	[dreg:$0x1] =	wrdreg $0xFFFFFFFF  }
0xbc: {  	[dreg:$0x0] =	wrdreg $0x60  }
0xbd: {  	[dreg:$0x2] =	wrdreg s24  }
0xbe: {  	[dreg:$0x3] =	wrdreg $0xA  }
0xbf: {  	_ =	task.clear_ibuf [dreg:s22], $0x4FFFF;
	_ =	strace $0x90000055  }
0xc0: {  	s29 =	simm.s32 $0xA;
	_ =	strace $0x80000057  }
0xc1: {  	_ =	swait.ge [sflag:s29], $0x1  }
0xc2: {  	[sflag:s29] =	ssyncadd.s32 $0xFFFFFFFF  }
0xc3: {  	_ =	strace $0x90000057  }
0xc4: {  	_ =	sfence  }
0xc5: {  	s30 =	sld [smem:$0x0];
	_ =	sdelay $0x2  }
0xc6: {  	s31 =	sshll.u32 s1, $0xD;
	s1 =	sshrl.u32 s1, $0x2  }
0xc7: {  	s4 =	sand.u32 $0x4000, s31;
	s1 =	sadd.s32 s1, s30  }
0xc8: {  	s0 =	sor.u32 s4, s0;
	s1 =	sshll.u32 s1, $0x11  }
0xc9: {  	s0 =	sor.u32 s1, s0  }
0xca: {  	s0 =	sadd.s32 $0x8F2B, s0  }
0xcb: {  	[sflag:s0] =	ssyncadd.remote.s32 $0x1  }
0xcc: {  	_ =	sfence.sel $0xFFFF  }
0xcd: {  	[dreg:$0x0] =	wrdreg $0xFFFFFFFF;
	(pc) =	sbr.abs _section_cstart, $3  }
0xce: {  	[dreg:$0x1] =	wrdreg $0xFFFFFFFF  }
0xcf: {  	_ =	task.clear_ibuf [dreg:s22], $0x2FFFF;
	_ =	strace $0x9FFFFFFF  }
0xd0: {  	(tm) =	ssettm $0x7FFFFFFF  }
0xd1: {  	_ =	shalt  }
tec
execute0_lowered:
.L_overlay_start_1:
0x0: {  	(tag) =	ssettag $0x1  }
0x1: {  	s0 =	rddreg [dreg:$0x0];
	s1 =	simm.s32 $0x0;
	s8 =	stileid.u32  }
0x2: {  	s7 =	srdreg.scid;
	s15 =	simm.s32 $0x100;
	s16 =	simm.s32 $0x2100  }
0x3: {  	s17 =	simm.s32 $0x4100;
	s18 =	simm.s32 $0x4900;
	s19 =	simm.s32 $0x5100  }
0x4: {  	s20 =	simm.s32 $0x5180;
	s21 =	simm.s32 $0x5200;
	s22 =	simm.s32 $0x7200  }
0x5: {  	s28 =	simm.s32 $0x3;
	[smem:$0x7FF] =	sst s1;
	s3 =	sadd.s32 $0x132E00, s0  }
0x6: {  	s4 =	sadd.s32 $0x1B000, s0;
	s5 =	sadd.s32 $0x163C00, s0;
	s2 =	smul.u32 $0x38000, s8  }
0x7: {  	s6 =	sadd.s32 $0xEC00, s0;
	s9 =	sadd.s32 $0x294400, s0;
	s23 =	smul.u32 $0x7000, s8  }
0x8: {  	s7 =	sand.u32 $0x1, s7;
	s10 =	sadd.s32 $0x28D400, s0;
	s13 =	smul.u32 $0x3800, s8  }
0x9: {  	_ =	strace $0x80000056;
	[dreg:$0x6] =	wrdreg s9;
	s11 =	smul.u32 $0x3800, s7  }
0xa: {  	s14 =	sadd.s32 $0x2A2400, s0;
	[dreg:$0x7] =	wrdreg s10;
	s25 =	smul.u32 $0x1C00, s7  }
0xb: {  	s24 =	ssub.s32 $0x2, s7;
	s7 =	smul.u32 $0x1C000, s7;
	s2 =	sadd.s32 s2, s0  }
0xc: {  	s12 =	sshrl.u32 s24, $0x1;
	s0 =	sadd.s32 $0x35F600, s0;
	s29 =	sadd.s32 s23, s14  }
0xd: {  	s10 =	ssub.s32 s24, s12;
	s12 =	sadd.s32 s25, s13;
	s9 =	sadd.s32 s23, s0  }
0xe: {  	s2 =	sadd.s32 s7, s2;
	s23 =	simm.s32 $0x9200;
	s26 =	smax.u32 s10, $0x1  }
0xf: {  	s24 =	simm.s32 $0x9A00;
	s10 =	sadd.s32 s11, s29;
	[dreg:$0x8] =	wrdreg s26  }
0x10: {  	s25 =	simm.s32 $0x2;
	s9 =	sadd.s32 s11, s9;
	[dreg:$0x2] =	wrdreg s10  }
0x11: {  	s13 =	sor.u32 $0x80, s12;
	s2 =	sadd.s32 $0x3CF600, s2;
	[dreg:$0x3] =	wrdreg s9  }
0x12: {  	s11 =	sshrl.u32 s12, $0x3;
	s30 =	sshll.u32 s13, $0x1;
	[dreg:$0x9] =	wrdreg s2  }
0x13: {  	s12 =	sshrl.u32 s13, $0x3;
	s13 =	simm.s32 $0x80;
	s0 =	sadd.s32 s30, s0  }
0x14: {  	s26 =	simm.s32 $0x40;
	s31 =	sadd.s32 s30, s14;
	[dreg:$0x4] =	wrdreg s0  }
0x15: {  	s2 =	simm.s32 $0x0;
	s14 =	simm.s32 $0x1;
	[dreg:$0x5] =	wrdreg s31  }
.LBB2_1:
0x16: {  	s8 =	rddreg [dreg:$0x6]  }
0x17: {  	s10 =	rddreg [dreg:$0x7];
	s0 =	sadd.s32 s8, s11  }
0x18: {  	[tilespmem:s1], [sflag:$0x1] =	stream.linear.gather [hbm4b:s0+s1], $0x80, $0x38;
	[tilespmem:$0xA200] =	vst v63  }
0x19: {  	[dreg:$0xa] =	wrdreg s2;
	s2 =	sadd.s32 s10, s11  }
0x1a: {  	[tilespmem:s13], [sflag:$0x1] =	stream.linear.gather [hbm4b:s2+s1], $0x80, $0x38;
	[tilespmem:$0xA200] =	vst v63  }
0x1b: {  	_ =	swait.ge [sflag:s14], $0x80  }
0x1c: {  	[sflag:s14] =	ssyncset.done $0x0  }
0x1d: {  	[sflag:s14] =	ssyncadd.s32 $0xFFFFFF80  }
0x1e: {  	_ =	swait.ge [sflag:s14], $0x80  }
0x1f: {  	[sflag:s14] =	ssyncset.done $0x0  }
0x20: {  	[sflag:s14] =	ssyncadd.s32 $0xFFFFFF80  }
0x21: {  	[tilespmem:s15], [sflag:$0x2] =	stream.indirect.gather [hbm4b:s3+s13], $0x40, s1, s13, $0xb8;
	[tilespmem:$0xA200] =	vst v63  }
0x22: {  	_ = 	snop  }
0x23: {  	[tilespmem:s16], [sflag:$0x2] =	stream.indirect.gather [hbm4b:s4+s13], $0x40, s13, s13, $0xb8;
	[tilespmem:$0xA200] =	vst v63  }
0x24: {  	_ = 	snop  }
0x25: {  	[tilespmem:s17], [sflag:$0x2] =	stream.indirect.gather [hbm4b:s5+s13], $0x10, s1, s13, $0xb8;
	[tilespmem:$0xA200] =	vst v63  }
0x26: {  	_ = 	snop  }
0x27: {  	[tilespmem:s18], [sflag:$0x2] =	stream.indirect.gather [hbm4b:s6+s13], $0x10, s13, s13, $0xb8;
	[tilespmem:$0xA200] =	vst v63  }
0x28: {  	s7 =	sadd.s32 s8, s12  }
0x29: {  	[tilespmem:s19], [sflag:$0x1] =	stream.linear.gather [hbm4b:s7+s1], $0x80, $0x38;
	[tilespmem:$0xA200] =	vst v63  }
0x2a: {  	s9 =	sadd.s32 s10, s12  }
0x2b: {  	[tilespmem:s20], [sflag:$0x1] =	stream.linear.gather [hbm4b:s9+s1], $0x80, $0x38;
	[tilespmem:$0xA200] =	vst v63  }
0x2c: {  	_ =	swait.ge [sflag:s14], $0x80  }
0x2d: {  	[sflag:s14] =	ssyncset.done $0x0  }
0x2e: {  	[sflag:s14] =	ssyncadd.s32 $0xFFFFFF80  }
0x2f: {  	_ =	swait.ge [sflag:s14], $0x80  }
0x30: {  	[sflag:s14] =	ssyncset.done $0x0  }
0x31: {  	[sflag:s14] =	ssyncadd.s32 $0xFFFFFF80  }
0x32: {  	[tilespmem:s21], [sflag:$0x2] =	stream.indirect.gather [hbm4b:s3+s13], $0x40, s19, s13, $0xb8;
	[tilespmem:$0xA200] =	vst v63  }
0x33: {  	_ = 	snop  }
0x34: {  	[tilespmem:s22], [sflag:$0x2] =	stream.indirect.gather [hbm4b:s4+s13], $0x40, s20, s13, $0xb8;
	[tilespmem:$0xA200] =	vst v63  }
0x35: {  	_ = 	snop  }
0x36: {  	[tilespmem:s23], [sflag:$0x2] =	stream.indirect.gather [hbm4b:s5+s13], $0x10, s19, s13, $0xb8;
	[tilespmem:$0xA200] =	vst v63  }
0x37: {  	_ = 	snop  }
0x38: {  	[tilespmem:s24], [sflag:$0x2] =	stream.indirect.gather [hbm4b:s6+s13], $0x10, s20, s13, $0xb8;
	[tilespmem:$0xA200] =	vst v63  }
0x39: {  	_ =	swait.ge [sflag:s25], $0x2000  }
0x3a: {  	[sflag:s25] =	ssyncset.done $0x0  }
0x3b: {  	[sflag:s25] =	ssyncadd.s32 $0xFFFFE000  }
0x3c: {  	_ =	swait.ge [sflag:s25], $0x2000  }
0x3d: {  	[sflag:s25] =	ssyncset.done $0x0  }
0x3e: {  	[sflag:s25] =	ssyncadd.s32 $0xFFFFE000  }
0x3f: {  	_ =	swait.ge [sflag:s25], $0x800  }
0x40: {  	[sflag:s25] =	ssyncset.done $0x0  }
0x41: {  	[sflag:s25] =	ssyncadd.s32 $0xFFFFF800  }
0x42: {  	_ =	swait.ge [sflag:s25], $0x800  }
0x43: {  	[sflag:s25] =	ssyncset.done $0x0  }
0x44: {  	s31 =	rddreg [dreg:$0x9];
	[sflag:s25] =	ssyncadd.s32 $0xFFFFF800  }
0x45: {  	[hbm4b:s31+s26] =	stream.strided.scatter [tilespmem:s15], [sflag:$0x3], $0x2000, s13, s26, $0x38;
	[tilespmem:$0xA200] =	vst v63  }
0x46: {  	s29 =	rddreg [dreg:$0x3];
	s9 =	sadd.s32 $0x8, s31  }
0x47: {  	[hbm4b:s9+s26] =	stream.strided.scatter [tilespmem:s16], [sflag:$0x3], $0x2000, s13, s26, $0x38;
	[tilespmem:$0xA200] =	vst v63  }
0x48: {  	s7 =	rddreg [dreg:$0x2];
	s0 =	sadd.s32 $0x0, s29  }
0x49: {  	[hbm4b:s0+s1] =	stream.linear.scatter [tilespmem:s17], [sflag:$0x3], $0x800, $0x38;
	[tilespmem:$0xA200] =	vst v63  }
0x4a: {  	s29 =	sadd.s32 $0x0, s7  }
0x4b: {  	[hbm4b:s29+s1] =	stream.linear.scatter [tilespmem:s18], [sflag:$0x3], $0x800, $0x38;
	[tilespmem:$0xA200] =	vst v63  }
0x4c: {  	_ =	swait.ge [sflag:s25], $0x2000  }
0x4d: {  	[sflag:s25] =	ssyncset.done $0x0  }
0x4e: {  	[sflag:s25] =	ssyncadd.s32 $0xFFFFE000  }
0x4f: {  	_ =	swait.ge [sflag:s25], $0x2000  }
0x50: {  	[sflag:s25] =	ssyncset.done $0x0  }
0x51: {  	[sflag:s25] =	ssyncadd.s32 $0xFFFFE000  }
0x52: {  	_ =	swait.ge [sflag:s25], $0x800  }
0x53: {  	[sflag:s25] =	ssyncset.done $0x0  }
0x54: {  	[sflag:s25] =	ssyncadd.s32 $0xFFFFF800  }
0x55: {  	_ =	swait.ge [sflag:s25], $0x800  }
0x56: {  	[sflag:s25] =	ssyncset.done $0x0  }
0x57: {  	s2 =	sadd.s32 $0x800, s31;
	[sflag:s25] =	ssyncadd.s32 $0xFFFFF800  }
0x58: {  	[hbm4b:s2+s26] =	stream.strided.scatter [tilespmem:s21], [sflag:$0x3], $0x2000, s13, s26, $0x38;
	[tilespmem:$0xA200] =	vst v63  }
0x59: {  	s9 =	sadd.s32 $0x808, s31;
	s7 =	rddreg [dreg:$0x4]  }
0x5a: {  	[hbm4b:s9+s26] =	stream.strided.scatter [tilespmem:s22], [sflag:$0x3], $0x2000, s13, s26, $0x38;
	[tilespmem:$0xA200] =	vst v63  }
0x5b: {  	s29 =	rddreg [dreg:$0x5];
	s9 =	sadd.s32 $0x0, s7  }
0x5c: {  	[hbm4b:s9+s1] =	stream.linear.scatter [tilespmem:s23], [sflag:$0x3], $0x800, $0x38;
	[tilespmem:$0xA200] =	vst v63  }
0x5d: {  	s29 =	sadd.s32 $0x0, s29  }
0x5e: {  	[hbm4b:s29+s1] =	stream.linear.scatter [tilespmem:s24], [sflag:$0x3], $0x800, $0x38;
	[tilespmem:$0xA200] =	vst v63  }
0x5f: {  	_ =	swait.ge [sflag:s28], $0x2000  }
0x60: {  	[sflag:s28] =	ssyncset.done $0x0  }
0x61: {  	[sflag:s28] =	ssyncadd.s32 $0xFFFFE000  }
0x62: {  	_ =	swait.ge [sflag:s28], $0x2000  }
0x63: {  	[sflag:s28] =	ssyncset.done $0x0  }
0x64: {  	[sflag:s28] =	ssyncadd.s32 $0xFFFFE000  }
0x65: {  	_ =	swait.ge [sflag:s28], $0x800  }
0x66: {  	[sflag:s28] =	ssyncset.done $0x0  }
0x67: {  	[sflag:s28] =	ssyncadd.s32 $0xFFFFF800  }
0x68: {  	_ =	swait.ge [sflag:s28], $0x800  }
0x69: {  	[sflag:s28] =	ssyncset.done $0x0  }
0x6a: {  	[sflag:s28] =	ssyncadd.s32 $0xFFFFF800  }
0x6b: {  	_ =	swait.ge [sflag:s28], $0x2000  }
0x6c: {  	[sflag:s28] =	ssyncset.done $0x0  }
0x6d: {  	[sflag:s28] =	ssyncadd.s32 $0xFFFFE000  }
0x6e: {  	_ =	swait.ge [sflag:s28], $0x2000  }
0x6f: {  	[sflag:s28] =	ssyncset.done $0x0  }
0x70: {  	[sflag:s28] =	ssyncadd.s32 $0xFFFFE000  }
0x71: {  	_ =	swait.ge [sflag:s28], $0x800  }
0x72: {  	[sflag:s28] =	ssyncset.done $0x0  }
0x73: {  	[sflag:s28] =	ssyncadd.s32 $0xFFFFF800  }
0x74: {  	s30 =	simm.s32 $0x200;
	s0 =	sadd.s32 $0x20, s10;
	_ =	swait.ge [sflag:s28], $0x800  }
0x75: {  	s2 =	sadd.s32 $0x20, s8;
	s9 =	simm.s32 $0x400;
	[sflag:s28] =	ssyncset.done $0x0  }
.LBB2_2:
0x76: {  	s8 =	sadd.s32 s2, s11;
	[sflag:s28] =	ssyncadd.s32 $0xFFFFF800  }
0x77: {  	[tilespmem:s1], [sflag:$0x1] =	stream.linear.gather [hbm4b:s8+s1], $0x80, $0x38;
	[tilespmem:$0xA200] =	vst v63  }
0x78: {  	s29 =	sadd.s32 s0, s11  }
0x79: {  	[tilespmem:s13], [sflag:$0x1] =	stream.linear.gather [hbm4b:s29+s1], $0x80, $0x38;
	[tilespmem:$0xA200] =	vst v63  }
0x7a: {  	_ =	swait.ge [sflag:s14], $0x80  }
0x7b: {  	[sflag:s14] =	ssyncset.done $0x0  }
0x7c: {  	[sflag:s14] =	ssyncadd.s32 $0xFFFFFF80  }
0x7d: {  	_ =	swait.ge [sflag:s14], $0x80  }
0x7e: {  	[sflag:s14] =	ssyncset.done $0x0  }
0x7f: {  	[sflag:s14] =	ssyncadd.s32 $0xFFFFFF80  }
0x80: {  	[tilespmem:s15], [sflag:$0x2] =	stream.indirect.gather [hbm4b:s3+s13], $0x40, s1, s13, $0xb8;
	[tilespmem:$0xA200] =	vst v63  }
0x81: {  	_ = 	snop  }
0x82: {  	[tilespmem:s16], [sflag:$0x2] =	stream.indirect.gather [hbm4b:s4+s13], $0x40, s13, s13, $0xb8;
	[tilespmem:$0xA200] =	vst v63  }
0x83: {  	_ = 	snop  }
0x84: {  	[tilespmem:s17], [sflag:$0x2] =	stream.indirect.gather [hbm4b:s5+s13], $0x10, s1, s13, $0xb8;
	[tilespmem:$0xA200] =	vst v63  }
0x85: {  	_ = 	snop  }
0x86: {  	[tilespmem:s18], [sflag:$0x2] =	stream.indirect.gather [hbm4b:s6+s13], $0x10, s13, s13, $0xb8;
	[tilespmem:$0xA200] =	vst v63  }
0x87: {  	s10 =	sadd.s32 s2, s12  }
0x88: {  	[tilespmem:s19], [sflag:$0x1] =	stream.linear.gather [hbm4b:s10+s1], $0x80, $0x38;
	[tilespmem:$0xA200] =	vst v63  }
0x89: {  	s29 =	sadd.s32 s0, s12  }
0x8a: {  	[tilespmem:s20], [sflag:$0x1] =	stream.linear.gather [hbm4b:s29+s1], $0x80, $0x38;
	[tilespmem:$0xA200] =	vst v63  }
0x8b: {  	_ =	swait.ge [sflag:s14], $0x80  }
0x8c: {  	[sflag:s14] =	ssyncset.done $0x0  }
0x8d: {  	[sflag:s14] =	ssyncadd.s32 $0xFFFFFF80  }
0x8e: {  	_ =	swait.ge [sflag:s14], $0x80  }
0x8f: {  	[sflag:s14] =	ssyncset.done $0x0  }
0x90: {  	[sflag:s14] =	ssyncadd.s32 $0xFFFFFF80  }
0x91: {  	[tilespmem:s21], [sflag:$0x2] =	stream.indirect.gather [hbm4b:s3+s13], $0x40, s19, s13, $0xb8;
	[tilespmem:$0xA200] =	vst v63  }
0x92: {  	_ = 	snop  }
0x93: {  	[tilespmem:s22], [sflag:$0x2] =	stream.indirect.gather [hbm4b:s4+s13], $0x40, s20, s13, $0xb8;
	[tilespmem:$0xA200] =	vst v63  }
0x94: {  	_ = 	snop  }
0x95: {  	[tilespmem:s23], [sflag:$0x2] =	stream.indirect.gather [hbm4b:s5+s13], $0x10, s19, s13, $0xb8;
	[tilespmem:$0xA200] =	vst v63  }
0x96: {  	_ = 	snop  }
0x97: {  	[tilespmem:s24], [sflag:$0x2] =	stream.indirect.gather [hbm4b:s6+s13], $0x10, s20, s13, $0xb8;
	[tilespmem:$0xA200] =	vst v63  }
0x98: {  	_ =	swait.ge [sflag:s25], $0x2000  }
0x99: {  	[sflag:s25] =	ssyncset.done $0x0  }
0x9a: {  	[sflag:s25] =	ssyncadd.s32 $0xFFFFE000  }
0x9b: {  	_ =	swait.ge [sflag:s25], $0x2000  }
0x9c: {  	[sflag:s25] =	ssyncset.done $0x0  }
0x9d: {  	[sflag:s25] =	ssyncadd.s32 $0xFFFFE000  }
0x9e: {  	_ =	swait.ge [sflag:s25], $0x800  }
0x9f: {  	[sflag:s25] =	ssyncset.done $0x0  }
0xa0: {  	[sflag:s25] =	ssyncadd.s32 $0xFFFFF800  }
0xa1: {  	_ =	swait.ge [sflag:s25], $0x800  }
0xa2: {  	[sflag:s25] =	ssyncset.done $0x0  }
0xa3: {  	s31 =	sadd.s32 $0x1000, s31;
	[sflag:s25] =	ssyncadd.s32 $0xFFFFF800  }
0xa4: {  	[hbm4b:s31+s26] =	stream.strided.scatter [tilespmem:s15], [sflag:$0x3], $0x2000, s13, s26, $0x38;
	[tilespmem:$0xA200] =	vst v63  }
0xa5: {  	s10 =	sadd.s32 $0x8, s31;
	s8 =	rddreg [dreg:$0x3]  }
0xa6: {  	[hbm4b:s10+s26] =	stream.strided.scatter [tilespmem:s16], [sflag:$0x3], $0x2000, s13, s26, $0x38;
	[tilespmem:$0xA200] =	vst v63  }
0xa7: {  	s29 =	rddreg [dreg:$0x2];
	s8 =	sadd.s32 s30, s8  }
0xa8: {  	[hbm4b:s8+s1] =	stream.linear.scatter [tilespmem:s17], [sflag:$0x3], $0x800, $0x38;
	[tilespmem:$0xA200] =	vst v63  }
0xa9: {  	s10 =	sadd.s32 s30, s29  }
0xaa: {  	[hbm4b:s10+s1] =	stream.linear.scatter [tilespmem:s18], [sflag:$0x3], $0x800, $0x38;
	[tilespmem:$0xA200] =	vst v63  }
0xab: {  	_ =	swait.ge [sflag:s25], $0x2000  }
0xac: {  	[sflag:s25] =	ssyncset.done $0x0  }
0xad: {  	[sflag:s25] =	ssyncadd.s32 $0xFFFFE000  }
0xae: {  	_ =	swait.ge [sflag:s25], $0x2000  }
0xaf: {  	[sflag:s25] =	ssyncset.done $0x0  }
0xb0: {  	[sflag:s25] =	ssyncadd.s32 $0xFFFFE000  }
0xb1: {  	_ =	swait.ge [sflag:s25], $0x800  }
0xb2: {  	[sflag:s25] =	ssyncset.done $0x0  }
0xb3: {  	[sflag:s25] =	ssyncadd.s32 $0xFFFFF800  }
0xb4: {  	_ =	swait.ge [sflag:s25], $0x800  }
0xb5: {  	[sflag:s25] =	ssyncset.done $0x0  }
0xb6: {  	s29 =	sadd.s32 $0x800, s31;
	[sflag:s25] =	ssyncadd.s32 $0xFFFFF800  }
0xb7: {  	[hbm4b:s29+s26] =	stream.strided.scatter [tilespmem:s21], [sflag:$0x3], $0x2000, s13, s26, $0x38;
	[tilespmem:$0xA200] =	vst v63  }
0xb8: {  	s8 =	sadd.s32 $0x808, s31;
	s10 =	rddreg [dreg:$0x4]  }
0xb9: {  	[hbm4b:s8+s26] =	stream.strided.scatter [tilespmem:s22], [sflag:$0x3], $0x2000, s13, s26, $0x38;
	[tilespmem:$0xA200] =	vst v63  }
0xba: {  	s10 =	sadd.s32 s30, s10;
	s29 =	rddreg [dreg:$0x5]  }
0xbb: {  	[hbm4b:s10+s1] =	stream.linear.scatter [tilespmem:s23], [sflag:$0x3], $0x800, $0x38;
	[tilespmem:$0xA200] =	vst v63  }
0xbc: {  	s29 =	sadd.s32 s30, s29  }
0xbd: {  	[hbm4b:s29+s1] =	stream.linear.scatter [tilespmem:s24], [sflag:$0x3], $0x800, $0x38;
	[tilespmem:$0xA200] =	vst v63  }
0xbe: {  	_ =	swait.ge [sflag:s28], $0x2000  }
0xbf: {  	[sflag:s28] =	ssyncset.done $0x0  }
0xc0: {  	[sflag:s28] =	ssyncadd.s32 $0xFFFFE000  }
0xc1: {  	_ =	swait.ge [sflag:s28], $0x2000  }
0xc2: {  	[sflag:s28] =	ssyncset.done $0x0  }
0xc3: {  	[sflag:s28] =	ssyncadd.s32 $0xFFFFE000  }
0xc4: {  	_ =	swait.ge [sflag:s28], $0x800  }
0xc5: {  	[sflag:s28] =	ssyncset.done $0x0  }
0xc6: {  	[sflag:s28] =	ssyncadd.s32 $0xFFFFF800  }
0xc7: {  	_ =	swait.ge [sflag:s28], $0x800  }
0xc8: {  	[sflag:s28] =	ssyncset.done $0x0  }
0xc9: {  	[sflag:s28] =	ssyncadd.s32 $0xFFFFF800  }
0xca: {  	_ =	swait.ge [sflag:s28], $0x2000  }
0xcb: {  	[sflag:s28] =	ssyncset.done $0x0  }
0xcc: {  	[sflag:s28] =	ssyncadd.s32 $0xFFFFE000  }
0xcd: {  	_ =	swait.ge [sflag:s28], $0x2000  }
0xce: {  	[sflag:s28] =	ssyncset.done $0x0  }
0xcf: {  	p0 =	sne.s32 s9, $0x3600;
	[sflag:s28] =	ssyncadd.s32 $0xFFFFE000  }
.Ltmp0:
0xd0: {  	_ =	swait.ge [sflag:s28], $0x800;
	(pc) =	sbr.rel @p0 .LBB2_2-.Ltmp0, $4  }
0xd1: {  	[sflag:s28] =	ssyncset.done $0x0  }
0xd2: {  	s7 =	smov.u32 s9;
	[sflag:s28] =	ssyncadd.s32 $0xFFFFF800  }
0xd3: {  	s9 =	sadd.s32 $0x200, s9;
	s2 =	sadd.s32 $0x20, s2;
	_ =	swait.ge [sflag:s28], $0x800  }
0xd4: {  	s0 =	sadd.s32 $0x20, s0;
	s30 =	smov.u32 s7;
	[sflag:s28] =	ssyncset.done $0x0  }
0xd5: {  	s7 =	sadd.s32 s2, s11;
	[sflag:s28] =	ssyncadd.s32 $0xFFFFF800  }
0xd6: {  	[tilespmem:s1], [sflag:$0x1] =	stream.linear.gather [hbm4b:s7+s1], $0x80, $0x38;
	[tilespmem:$0xA200] =	vst v63  }
0xd7: {  	s29 =	sadd.s32 s0, s11  }
0xd8: {  	[tilespmem:s13], [sflag:$0x1] =	stream.linear.gather [hbm4b:s29+s1], $0x80, $0x38;
	[tilespmem:$0xA200] =	vst v63  }
0xd9: {  	_ =	swait.ge [sflag:s14], $0x80  }
0xda: {  	[sflag:s14] =	ssyncset.done $0x0  }
0xdb: {  	[sflag:s14] =	ssyncadd.s32 $0xFFFFFF80  }
0xdc: {  	_ =	swait.ge [sflag:s14], $0x80  }
0xdd: {  	[sflag:s14] =	ssyncset.done $0x0  }
0xde: {  	[sflag:s14] =	ssyncadd.s32 $0xFFFFFF80  }
0xdf: {  	[tilespmem:s15], [sflag:$0x2] =	stream.indirect.gather [hbm4b:s3+s13], $0x40, s1, s13, $0xb8;
	[tilespmem:$0xA200] =	vst v63  }
0xe0: {  	_ = 	snop  }
0xe1: {  	[tilespmem:s16], [sflag:$0x2] =	stream.indirect.gather [hbm4b:s4+s13], $0x40, s13, s13, $0xb8;
	[tilespmem:$0xA200] =	vst v63  }
0xe2: {  	_ = 	snop  }
0xe3: {  	[tilespmem:s17], [sflag:$0x2] =	stream.indirect.gather [hbm4b:s5+s13], $0x10, s1, s13, $0xb8;
	[tilespmem:$0xA200] =	vst v63  }
0xe4: {  	_ = 	snop  }
0xe5: {  	[tilespmem:s18], [sflag:$0x2] =	stream.indirect.gather [hbm4b:s6+s13], $0x10, s13, s13, $0xb8;
	[tilespmem:$0xA200] =	vst v63  }
0xe6: {  	s8 =	sadd.s32 s2, s12  }
0xe7: {  	[tilespmem:s19], [sflag:$0x1] =	stream.linear.gather [hbm4b:s8+s1], $0x80, $0x38;
	[tilespmem:$0xA200] =	vst v63  }
0xe8: {  	s9 =	sadd.s32 s0, s12  }
0xe9: {  	[tilespmem:s20], [sflag:$0x1] =	stream.linear.gather [hbm4b:s9+s1], $0x80, $0x38;
	[tilespmem:$0xA200] =	vst v63  }
0xea: {  	_ =	swait.ge [sflag:s14], $0x80  }
0xeb: {  	[sflag:s14] =	ssyncset.done $0x0  }
0xec: {  	[sflag:s14] =	ssyncadd.s32 $0xFFFFFF80  }
0xed: {  	_ =	swait.ge [sflag:s14], $0x80  }
0xee: {  	[sflag:s14] =	ssyncset.done $0x0  }
0xef: {  	[sflag:s14] =	ssyncadd.s32 $0xFFFFFF80  }
0xf0: {  	[tilespmem:s21], [sflag:$0x2] =	stream.indirect.gather [hbm4b:s3+s13], $0x40, s19, s13, $0xb8;
	[tilespmem:$0xA200] =	vst v63  }
0xf1: {  	_ = 	snop  }
0xf2: {  	[tilespmem:s22], [sflag:$0x2] =	stream.indirect.gather [hbm4b:s4+s13], $0x40, s20, s13, $0xb8;
	[tilespmem:$0xA200] =	vst v63  }
0xf3: {  	_ = 	snop  }
0xf4: {  	[tilespmem:s23], [sflag:$0x2] =	stream.indirect.gather [hbm4b:s5+s13], $0x10, s19, s13, $0xb8;
	[tilespmem:$0xA200] =	vst v63  }
0xf5: {  	_ = 	snop  }
0xf6: {  	[tilespmem:s24], [sflag:$0x2] =	stream.indirect.gather [hbm4b:s6+s13], $0x10, s20, s13, $0xb8;
	[tilespmem:$0xA200] =	vst v63  }
0xf7: {  	_ =	swait.ge [sflag:s25], $0x2000  }
0xf8: {  	[sflag:s25] =	ssyncset.done $0x0  }
0xf9: {  	[sflag:s25] =	ssyncadd.s32 $0xFFFFE000  }
0xfa: {  	_ =	swait.ge [sflag:s25], $0x2000  }
0xfb: {  	[sflag:s25] =	ssyncset.done $0x0  }
0xfc: {  	[sflag:s25] =	ssyncadd.s32 $0xFFFFE000  }
0xfd: {  	_ =	swait.ge [sflag:s25], $0x800  }
0xfe: {  	[sflag:s25] =	ssyncset.done $0x0  }
0xff: {  	[sflag:s25] =	ssyncadd.s32 $0xFFFFF800  }
0x100: {  	_ =	swait.ge [sflag:s25], $0x800  }
0x101: {  	[sflag:s25] =	ssyncset.done $0x0  }
0x102: {  	s0 =	sadd.s32 $0x1000, s31;
	[sflag:s25] =	ssyncadd.s32 $0xFFFFF800  }
0x103: {  	[hbm4b:s0+s26] =	stream.strided.scatter [tilespmem:s15], [sflag:$0x3], $0x2000, s13, s26, $0x38;
	[tilespmem:$0xA200] =	vst v63  }
0x104: {  	s29 =	sadd.s32 $0x8, s0;
	s10 =	rddreg [dreg:$0x3]  }
0x105: {  	[hbm4b:s29+s26] =	stream.strided.scatter [tilespmem:s16], [sflag:$0x3], $0x2000, s13, s26, $0x38;
	[tilespmem:$0xA200] =	vst v63  }
0x106: {  	s31 =	rddreg [dreg:$0x2];
	s2 =	sadd.s32 s30, s10  }
0x107: {  	[hbm4b:s2+s1] =	stream.linear.scatter [tilespmem:s17], [sflag:$0x3], $0x800, $0x38;
	[tilespmem:$0xA200] =	vst v63  }
0x108: {  	s8 =	sadd.s32 s30, s31  }
0x109: {  	[hbm4b:s8+s1] =	stream.linear.scatter [tilespmem:s18], [sflag:$0x3], $0x800, $0x38;
	[tilespmem:$0xA200] =	vst v63  }
0x10a: {  	_ =	swait.ge [sflag:s25], $0x2000  }
0x10b: {  	[sflag:s25] =	ssyncset.done $0x0  }
0x10c: {  	[sflag:s25] =	ssyncadd.s32 $0xFFFFE000  }
0x10d: {  	_ =	swait.ge [sflag:s25], $0x2000  }
0x10e: {  	[sflag:s25] =	ssyncset.done $0x0  }
0x10f: {  	[sflag:s25] =	ssyncadd.s32 $0xFFFFE000  }
0x110: {  	_ =	swait.ge [sflag:s25], $0x800  }
0x111: {  	[sflag:s25] =	ssyncset.done $0x0  }
0x112: {  	[sflag:s25] =	ssyncadd.s32 $0xFFFFF800  }
0x113: {  	_ =	swait.ge [sflag:s25], $0x800  }
0x114: {  	[sflag:s25] =	ssyncset.done $0x0  }
0x115: {  	s9 =	sadd.s32 $0x800, s0;
	[sflag:s25] =	ssyncadd.s32 $0xFFFFF800  }
0x116: {  	[hbm4b:s9+s26] =	stream.strided.scatter [tilespmem:s21], [sflag:$0x3], $0x2000, s13, s26, $0x38;
	[tilespmem:$0xA200] =	vst v63  }
0x117: {  	s0 =	sadd.s32 $0x808, s0;
	s10 =	rddreg [dreg:$0x4]  }
0x118: {  	[hbm4b:s0+s26] =	stream.strided.scatter [tilespmem:s22], [sflag:$0x3], $0x2000, s13, s26, $0x38;
	[tilespmem:$0xA200] =	vst v63  }
0x119: {  	s29 =	rddreg [dreg:$0x5];
	s2 =	sadd.s32 s30, s10  }
0x11a: {  	[hbm4b:s2+s1] =	stream.linear.scatter [tilespmem:s23], [sflag:$0x3], $0x800, $0x38;
	[tilespmem:$0xA200] =	vst v63  }
0x11b: {  	s0 =	sadd.s32 s30, s29  }
0x11c: {  	[hbm4b:s0+s1] =	stream.linear.scatter [tilespmem:s24], [sflag:$0x3], $0x800, $0x38;
	[tilespmem:$0xA200] =	vst v63  }
0x11d: {  	_ =	swait.ge [sflag:s28], $0x2000  }
0x11e: {  	[sflag:s28] =	ssyncset.done $0x0  }
0x11f: {  	[sflag:s28] =	ssyncadd.s32 $0xFFFFE000  }
0x120: {  	_ =	swait.ge [sflag:s28], $0x2000  }
0x121: {  	[sflag:s28] =	ssyncset.done $0x0  }
0x122: {  	[sflag:s28] =	ssyncadd.s32 $0xFFFFE000  }
0x123: {  	_ =	swait.ge [sflag:s28], $0x800  }
0x124: {  	[sflag:s28] =	ssyncset.done $0x0  }
0x125: {  	[sflag:s28] =	ssyncadd.s32 $0xFFFFF800  }
0x126: {  	_ =	swait.ge [sflag:s28], $0x800  }
0x127: {  	[sflag:s28] =	ssyncset.done $0x0  }
0x128: {  	[sflag:s28] =	ssyncadd.s32 $0xFFFFF800  }
0x129: {  	_ =	swait.ge [sflag:s28], $0x2000  }
0x12a: {  	[sflag:s28] =	ssyncset.done $0x0  }
0x12b: {  	[sflag:s28] =	ssyncadd.s32 $0xFFFFE000  }
0x12c: {  	_ =	swait.ge [sflag:s28], $0x2000  }
0x12d: {  	[sflag:s28] =	ssyncset.done $0x0  }
0x12e: {  	[sflag:s28] =	ssyncadd.s32 $0xFFFFE000  }
0x12f: {  	_ =	swait.ge [sflag:s28], $0x800  }
0x130: {  	[sflag:s28] =	ssyncset.done $0x0  }
0x131: {  	[sflag:s28] =	ssyncadd.s32 $0xFFFFF800  }
0x132: {  	_ =	swait.ge [sflag:s28], $0x800  }
0x133: {  	s30 =	rddreg [dreg:$0xa]  }
0x134: {  	s31 =	rddreg [dreg:$0x8];
	s2 =	sadd.s32 $0x1, s30  }
0x135: {  	p0 =	sne.s32 s2, s31  }
.Ltmp1:
0x136: {  	_ = 	snop;
	(pc) =	sbr.rel @p0 .LBB2_1-.Ltmp1, $3  }
0x137: {  	_ =	sdelay $0x1  }
0x138: {  	[sflag:s28] =	ssyncset.done $0x0  }
0x139: {  	[sflag:s28] =	ssyncadd.s32 $0xFFFFF800  }
0x13a: {  	_ =	sfence.sel $0x180000  }
0x13b: {  	[bflag:$0x0] =	sbarrier.arrive $0xFFFF  }
0x13c: {  	_ =	strace $0x90000056  }
0x13d: {  	s0 =	stileid.u32;
	[bflag:$0x2] =	sbarrier.arrive $0xFFFF  }
0x13e: {  	p0 =	sne.s32 s0, $0x0;
	s0 =	rddreg [dreg:$0x1]  }
0x13f: {  	s0 =	sadd.s32 @!p0 $0x100000, s0  }
0x140: {  	[sflag:s0] =	ssyncadd.tile.s32 @!p0 $0x1;
	_ =	shalt  }
.Lfunc_end2:
_tile_overlayer_lowered:
.L_overlay_start_2:
0x141: {  	(tag) =	ssettag $0x2  }
0x142: {  	s0 =	rddreg [dreg:$0x0];
	s2 =	stileid.u32  }
0x143: {  	s1 =	rddreg [dreg:$0x1];
	p0 =	sne.s32 s2, $0x0  }
0x144: {  	s3 =	rddreg [dreg:$0x2];
	[bflag:$0x3] =	sbarrier.arrive $0xFFFF;
	s2 =	simm.s32 @!p0 $0x1C04  }
0x145: {  	[timem:s3], [sflag:s2] =	dma.local @!p0 [hbm:s0], s1  }
0x146: {  	s0 =	simm.s32 @!p0 $0x4  }
0x147: {  	_ =	swait.ge @!p0 [sflag:s0], s1  }
0x148: {  	s1 =	ssub.s32 @!p0 $0x0, s1;
	[sflag:s0] =	ssyncset.done @!p0 $0x0  }
0x149: {  	[sflag:s0] =	ssyncadd.s32 @!p0 s1  }
0x14a: {  	[bflag:$0x3] =	sbarrier.arrive $0xFFFF  }
0x14b: {  	_ =	shalt  }

// kernel: kernel.27.cloned.1.call-start
scs
__scs_entry_jumppad:
0x0: {  	(pc) =	sbr.rel $0x88, $3  }
0x1: {  	(tag) =	ssettag $0x0;
	lr =	simm.s32 $0x1  }
0x2: {  	[smem:$0x3F85] =	sst lr;
	_ =	strace $0xD0000000  }
0x3: {  	_ = 	snop  }
0x4: {  	_ = 	snop  }
0x5: {  	_ = 	snop  }
0x6: {  	_ = 	snop  }
0x7: {  	_ = 	snop  }
__scs_overlays_trampoline_lowered:
0x8: {  	[smem:$0x3F94] =	sst s0  }
0x9: {  	[smem:$0x3F95] =	sst s1  }
0xa: {  	[smem:$0x3F96] =	sst s2  }
0xb: {  	[smem:$0x3F97] =	sst s3  }
0xc: {  	[smem:$0x3F98] =	sst s4  }
0xd: {  	[smem:$0x3F99] =	sst s5  }
0xe: {  	[smem:$0x3F9A] =	sst s6  }
0xf: {  	[smem:$0x3F9B] =	sst s7  }
0x10: {  	[smem:$0x3F9C] =	sst s8  }
0x11: {  	[smem:$0x3F9D] =	sst s9;
	s0 =	simm.s32 @!p0 $0x0  }
0x12: {  	s1 =	sld [smem:$0x3F83];
	s0 =	simm.s32 @p0 $0x1  }
0x13: {  	[smem:$0x3F9E] =	sst s0;
	s0 =	simm.s32 @!p1 $0x0  }
0x14: {  	s2 =	sld [smem:$0x3F82];
	s0 =	simm.s32 @p1 $0x1  }
0x15: {  	[smem:$0x3F9F] =	sst s0;
	s0 =	simm.s32 @!p2 $0x0  }
0x16: {  	s3 =	sld [smem:$0x3FDB];
	s0 =	simm.s32 @p2 $0x1  }
0x17: {  	s4 =	simm.s32 $0x1BF5;
	[smem:$0x3FA1] =	sst s0  }
0x18: {  	s0 =	sld [smem:$0x3F84];
	_ =	swait.ge [sflag:s4], $0x0  }
0x19: {  	s7 =	sld [smem:$0x3F85]  }
0x1a: {  	s8 =	sadd.s32 $0xFFFFE003, lr  }
0x1b: {  	s9 =	sadd.s32 $0xFFFFFEF7, lr;
	s5 =	simm.s32 $0xFFFFFFFF;
	p2 =	slt.u32 s8, $0xFFFFF086  }
0x1c: {  	p1 =	slt.u32 s9, $0xF7A;
	s5 =	simm.s32 @!p2 $0x0  }
0x1d: {  	s5 =	simm.s32 @p1 $0x1;
	p0 =	seq.s32 s7, s2  }
0x1e: {  	s7 =	smul.u32 @!p0 $0xF7A, s2;
	p2 =	seq.s32 @!p0 s5, $0x0  }
0x1f: {  	s9 =	smul.u32 $0xF7A, s1;
	s8 =	simm.s32 @!p0 $0x1BF5;
	p2 =	por !p2, p0  }
0x20: {  	[sflag:s8] =	ssyncset.s32 @!p0 $0xFFFFF086;
	s6 =	sadd.s32 @!p0 s3, s7;
	s7 =	simm.s32 @!p0 $0x108  }
0x21: {  	s3 =	sadd.s32 s3, s9;
	s6 =	sadd.s32 @!p0 $0x88, s6;
	s7 =	simm.s32 @p2 $0x1082  }
0x22: {  	[simem:s7], [sflag:s8] =	dma.local @!p0 [hbm:s6], $0xF7A  }
0x23: {  	s9 =	sor.u32 $0xD0000000, s2;
	s6 =	simm.s32 $0x108;
	_ =	swait.ge @!p0 [sflag:s8], $0x0  }
0x24: {  	s3 =	sadd.s32 $0x88, s3;
	s6 =	simm.s32 @!p1 $0x1082;
	[sflag:s4] =	ssyncset.s32 $0xFFFFF086  }
0x25: {  	[simem:s6], [sflag:s4] =	dma.local [hbm:s3], $0xF7A  }
0x26: {  	[smem:$0x3F85] =	sst s1;
	(tag) =	ssettag s2;
	_ =	strace s9  }
0x27: {  	s1 =	sld [smem:$0x3F95]  }
0x28: {  	s2 =	sld [smem:$0x3F96]  }
0x29: {  	s4 =	sld [smem:$0x3F98]  }
0x2a: {  	p0 =	seq.s32 s5, $0x0;
	s5 =	sld [smem:$0x3F99]  }
0x2b: {  	s6 =	sld [smem:$0x3F9A]  }
0x2c: {  	s7 =	sld [smem:$0x3F9B]  }
0x2d: {  	s3 =	simm.s32 $0x108;
	s8 =	sld [smem:$0x3F9C]  }
0x2e: {  	s3 =	simm.s32 @!p0 $0x1082;
	s9 =	sld [smem:$0x3F9D]  }
0x2f: {  	lr =	sadd.s32 s0, s3;
	s0 =	sld [smem:$0x3F94]  }
0x30: {  	s3 =	sld [smem:$0x3F97]  }
0x31: {  	[smem:$0x3FA0] =	sst s10  }
0x32: {  	s10 =	sld [smem:$0x3F9E];
	_ =	sdelay $0x3  }
0x33: {  	p0 =	seq.s32 s10, $0x1;
	s10 =	sld [smem:$0x3FA0];
	_ =	sdelay $0x3  }
0x34: {  	[smem:$0x3FA0] =	sst s10  }
0x35: {  	s10 =	sld [smem:$0x3F9F];
	_ =	sdelay $0x3  }
0x36: {  	p1 =	seq.s32 s10, $0x1;
	s10 =	sld [smem:$0x3FA0];
	_ =	sdelay $0x3  }
0x37: {  	[smem:$0x3FA0] =	sst s10  }
0x38: {  	s10 =	sld [smem:$0x3FA1]  }
0x39: {  	_ = 	snop;
	(pc) =	sbr.ind lr, $3  }
0x3a: {  	_ = 	snop  }
0x3b: {  	_ = 	snop  }
0x3c: {  	p2 =	seq.s32 s10, $0x1;
	s10 =	sld [smem:$0x3FA0]  }
0x3d: {  	_ =	shalt  }
0x3e: {  	_ =	shalt  }
0x3f: {  	_ =	shalt  }
0x40: {  	_ =	shalt  }
0x41: {  	_ =	shalt  }
0x42: {  	_ =	shalt  }
0x43: {  	_ =	shalt  }
0x44: {  	_ =	shalt  }
0x45: {  	_ =	shalt  }
0x46: {  	_ =	shalt  }
0x47: {  	_ =	shalt  }
0x48: {  	_ =	shalt  }
0x49: {  	_ =	shalt  }
0x4a: {  	_ =	shalt  }
0x4b: {  	_ =	shalt  }
0x4c: {  	_ =	shalt  }
0x4d: {  	_ =	shalt  }
0x4e: {  	_ =	shalt  }
0x4f: {  	_ =	shalt  }
0x50: {  	_ =	shalt  }
0x51: {  	_ =	shalt  }
0x52: {  	_ =	shalt  }
0x53: {  	_ =	shalt  }
0x54: {  	_ =	shalt  }
0x55: {  	_ =	shalt  }
0x56: {  	_ =	shalt  }
0x57: {  	_ =	shalt  }
0x58: {  	_ =	shalt  }
0x59: {  	_ =	shalt  }
0x5a: {  	_ =	shalt  }
0x5b: {  	_ =	shalt  }
0x5c: {  	_ =	shalt  }
0x5d: {  	_ =	shalt  }
0x5e: {  	_ =	shalt  }
0x5f: {  	_ =	shalt  }
0x60: {  	_ =	shalt  }
0x61: {  	_ =	shalt  }
0x62: {  	_ =	shalt  }
0x63: {  	_ =	shalt  }
0x64: {  	_ =	shalt  }
0x65: {  	_ =	shalt  }
0x66: {  	_ =	shalt  }
0x67: {  	_ =	shalt  }
0x68: {  	_ =	shalt  }
0x69: {  	_ =	shalt  }
0x6a: {  	_ =	shalt  }
0x6b: {  	_ =	shalt  }
0x6c: {  	_ =	shalt  }
0x6d: {  	_ =	shalt  }
0x6e: {  	_ =	shalt  }
0x6f: {  	_ =	shalt  }
0x70: {  	_ =	shalt  }
0x71: {  	_ =	shalt  }
0x72: {  	_ =	shalt  }
0x73: {  	_ =	shalt  }
0x74: {  	_ =	shalt  }
0x75: {  	_ =	shalt  }
0x76: {  	_ =	shalt  }
0x77: {  	_ =	shalt  }
0x78: {  	_ =	shalt  }
0x79: {  	_ =	shalt  }
0x7a: {  	_ =	shalt  }
0x7b: {  	_ =	shalt  }
0x7c: {  	_ =	shalt  }
0x7d: {  	_ =	shalt  }
0x7e: {  	_ =	shalt  }
0x7f: {  	_ =	shalt  }
0x80: {  	_ =	shalt  }
0x81: {  	_ =	shalt  }
0x82: {  	_ =	shalt  }
0x83: {  	_ =	shalt  }
0x84: {  	_ =	shalt  }
0x85: {  	_ =	shalt  }
0x86: {  	_ =	shalt  }
0x87: {  	_ =	shalt  }
.Lfunc_end0:
.L_simem_size_0:
called_computation.4_lowered:
.L_overlay_start_0:
0x88: {  	s2 =	sld [smem:$0x3FD9]  }
0x89: {  	s3 =	sld [smem:$0x3FFE];
	_ =	sdelay $0x1  }
0x8a: {  	s1 =	srdreg.scid  }
0x8b: {  	s0 =	sand.u32 $0x1, s1  }
0x8c: {  	s15 =	sshll.u32 s0, $0xA;
	s2 =	sadd.s32 s3, s2  }
0x8d: {  	s2 =	sadd.s32 s2, s15  }
0x8e: {  	[smem:$0x3FAC] =	sst s2  }
0x8f: {  	_ = 	snop  }
0x90: {  	s2 =	sld [smem:$0x3FD0];
	_ =	sdelay $0x2  }
0x91: {  	s16 =	simm.s32 $0xC;
	s4 =	simm.s32 $0x10  }
0x92: {  	[smem:s4], [sflag:s16] =	dma.local [hbm:s2], $0x1  }
0x93: {  	_ =	swait.eq [sflag:s16], $0x1  }
0x94: {  	[sflag:s16] =	ssyncset.done $0x0  }
0x95: {  	[sflag:s16] =	ssyncadd.s32 $0xFFFFFFFF  }
0x96: {  	s17 =	sld [smem:$0x11];
	(tm) =	ssettm $0x1  }
0x97: {  	s18 =	sld [smem:$0x3FFB];
	_ =	sdelay $0x3  }
0x98: {  	_ =	strace s18  }
0x99: {  	s2 =	sld [smem:$0x3FFC];
	_ =	sdelay $0x3  }
0x9a: {  	_ =	strace s2  }
0x9b: {  	s2 =	sld [smem:$0x3FFD];
	_ =	sdelay $0x3  }
0x9c: {  	_ =	strace s2  }
0x9d: {  	_ =	strace $0x8FFFFFFF  }
0x9e: {  	s19 =	sld [smem:$0x3FDB];
	_ =	sdelay $0x1  }
0x9f: {  	s20 =	simm.s32 $_scs_section_size  }
0xa0: {  	s5 =	simm.s32 $_size__tile_overlayer_lowered;
	s6 =	simm.s32 $_tile_overlayer_lowered  }
0xa1: {  	s7 =	simm.s32 $0x1BFF;
	s21 =	sshll.u32 s6, $0x1;
	s4 =	sadd.s32 s20, s19  }
0xa2: {  	s22 =	simm.s32 $0x0;
	s5 =	sshll.u32 s5, $0x1;
	s6 =	sadd.s32 s21, s4  }
0xa3: {  	[timem:s22], [sflag:s7] =	dma.local [hbm:s6], s5  }
0xa4: {  	_ =	swait.ge [sflag:s7], s5  }
0xa5: {  	s5 =	ssub.s32 $0x0, s5;
	[sflag:s7] =	ssyncset.done $0x0  }
0xa6: {  	[sflag:s7] =	ssyncadd.s32 s5;
	_ =	sdelay $0x1  }
0xa7: {  	s23 =	simm.s32 $0x1B8B  }
0xa8: {  	_ =	swait.ge [sflag:s23], $0x1  }
0xa9: {  	[sflag:s23] =	ssyncset.done $0x0  }
0xaa: {  	[sflag:s23] =	ssyncadd.s32 $0xFFFFFFFF  }
0xab: {  	s5 =	sld [smem:$0x0]  }
0xac: {  	s6 =	sand.u32 $0xFFFFFFFE, s1  }
0xad: {  	p0 =	sne.s32 s1, s6  }
0xae: {  	s6 =	sshll.u32 @p0 s6, $0xE  }
0xaf: {  	s6 =	sadd.s32 @p0 $0x11B8D, s6;
	s7 =	sshll.u32 @p0 s5, $0x11  }
0xb0: {  	s6 =	sor.u32 @p0 s7, s6  }
0xb1: {  	[sflag:s6] =	ssyncadd.remote.s32 @p0 $0x1;
	_ =	sdelay $0x1  }
0xb2: {  	s6 =	simm.s32 @p0 $0x1B8D  }
0xb3: {  	_ =	swait.eq @p0 [sflag:s6], $0x1  }
0xb4: {  	[sflag:s6] =	ssyncadd.s32 @p0 $0xFFFFFFFF  }
0xb5: {  	s7 =	sshll.u32 @!p0 s1, $0xE  }
0xb6: {  	s7 =	sor.u32 @!p0 $0x4000, s7;
	s6 =	simm.s32 @!p0 $0x1B8D  }
0xb7: {  	s5 =	sshll.u32 @!p0 s5, $0x11;
	s7 =	sadd.s32 @!p0 $0x11B8D, s7;
	_ =	swait.eq @!p0 [sflag:s6], $0x1  }
0xb8: {  	s5 =	sor.u32 @!p0 s5, s7;
	[sflag:s6] =	ssyncadd.s32 @!p0 $0xFFFFFFFF  }
0xb9: {  	s25 =	simm.s32 $0x1B8E;
	s24 =	sld [smem:$0x3FFE];
	[sflag:s5] =	ssyncadd.remote.s32 @!p0 $0x1  }
0xba: {  	s26 =	simm.s32 $execute0_lowered;
	[smem:$0x3FD2] =	sst s25  }
0xbb: {  	s6 =	sshll.u32 s26, $0x1;
	_ =	strace $0x8000004C;
	[dreg:$0x1] =	wrdreg $0xFFFFFFFF  }
0xbc: {  	s28 =	simm.s32 $_size_execute0_lowered;
	s4 =	sadd.s32 s4, s6;
	[dreg:$0x0] =	wrdreg $0x0  }
0xbd: {  	s6 =	sshll.u32 s28, $0x1;
	[dreg:$0x2] =	wrdreg s4  }
0xbe: {  	[dreg:$0x3] =	wrdreg s6  }
0xbf: {  	[dreg:$0x4] =	wrdreg $0xC0  }
0xc0: {  	_ =	task [dreg:s22], $0x5FFFF  }
0xc1: {  	[dreg:$0x1] =	wrdreg $0xFFFFFFFF  }
0xc2: {  	[dreg:$0x0] =	wrdreg $0x60  }
0xc3: {  	[dreg:$0x2] =	wrdreg s24  }
0xc4: {  	[dreg:$0x3] =	wrdreg s17  }
0xc5: {  	[dreg:$0x4] =	wrdreg $0x3FE00  }
0xc6: {  	[dreg:$0x5] =	wrdreg $0x1C7E00  }
0xc7: {  	[dreg:$0x6] =	wrdreg $0xB  }
0xc8: {  	_ =	task.clear_ibuf [dreg:s22], $0x7FFFF;
	_ =	strace $0x9000004C  }
0xc9: {  	s29 =	simm.s32 $0xB;
	_ =	strace $0x8000004E  }
0xca: {  	_ =	swait.ge [sflag:s29], $0x1  }
0xcb: {  	[sflag:s29] =	ssyncadd.s32 $0xFFFFFFFF  }
0xcc: {  	_ =	strace $0x9000004E  }
0xcd: {  	_ =	sfence  }
0xce: {  	s30 =	sld [smem:$0x0];
	_ =	sdelay $0x2  }
0xcf: {  	s31 =	sshll.u32 s1, $0xD;
	s1 =	sshrl.u32 s1, $0x2  }
0xd0: {  	s4 =	sand.u32 $0x4000, s31;
	s1 =	sadd.s32 s1, s30  }
0xd1: {  	s0 =	sor.u32 s4, s0;
	s1 =	sshll.u32 s1, $0x11  }
0xd2: {  	s0 =	sor.u32 s1, s0  }
0xd3: {  	s0 =	sadd.s32 $0x8F2B, s0  }
0xd4: {  	[sflag:s0] =	ssyncadd.remote.s32 $0x1  }
0xd5: {  	_ =	sfence.sel $0xFFFF  }
0xd6: {  	[dreg:$0x0] =	wrdreg $0xFFFFFFFF;
	(pc) =	sbr.abs _section_cstart, $3  }
0xd7: {  	[dreg:$0x1] =	wrdreg $0xFFFFFFFF  }
0xd8: {  	_ =	task.clear_ibuf [dreg:s22], $0x2FFFF;
	_ =	strace $0x9FFFFFFF  }
0xd9: {  	(tm) =	ssettm $0x7FFFFFFF  }
tec
execute0_lowered:
.L_overlay_start_1:
0x0: {  	(tag) =	ssettag $0x1  }
0x1: {  	s0 =	rddreg [dreg:$0x0]  }
0x2: {  	s1 =	rddreg [dreg:$0x1]  }
0x3: {  	s2 =	rddreg [dreg:$0x2];
	s17 =	stileid.u32  }
0x4: {  	s3 =	rddreg [dreg:$0x3];
	s6 =	smul.u32 $0x31000, s17  }
0x5: {  	s5 =	srdreg.scid;
	s4 =	simm.s32 $0x0;
	s7 =	smul.u32 $0x540, s17  }
0x6: {  	s28 =	simm.s32 $0x2060;
	s29 =	simm.s32 $0x3C60;
	s8 =	smul.u32 $0xC40, s17  }
0x7: {  	s30 =	simm.s32 $0x0;
	s5 =	sand.u32 $0x1, s5;
	s9 =	smul.u32 $0x62000, s17  }
0x8: {  	[smem:$0x7FF] =	sst s4;
	s12 =	sadd.s32 $0xFA0A00, s0;
	s21 =	smul.u32 $0xC400, s17  }
0x9: {  	s23 =	sshll.u32 s17, $0x6;
	s10 =	sshll.u32 s5, $0x6;
	_ =	strace $0x8000004D  }
0xa: {  	s18 =	ssub.s32 $0x2, s5;
	s6 =	sor.u32 s10, s6;
	s13 =	sadd.s32 s7, s0  }
0xb: {  	s16 =	sor.u32 s5, s8;
	s19 =	sshrl.u32 s18, $0x1;
	s20 =	sshrl.u32 s9, $0x2  }
0xc: {  	s7 =	sshrl.u32 s21, $0x2;
	s21 =	simm.s32 $0x2;
	s6 =	sshrl.u32 s6, $0x3  }
0xd: {  	s14 =	ssub.s32 s18, s19;
	s15 =	sadd.s32 s20, s2;
	s20 =	sadd.s32 s7, s3  }
0xe: {  	s18 =	simm.s32 $0x10;
	s19 =	simm.s32 $0x3;
	s11 =	sadd.s32 s6, s0  }
0xf: {  	s0 =	sadd.s32 s16, s0;
	s6 =	sor.u32 $0x1C03, s23;
	s16 =	smul.u32 $0x150000, s17  }
0x10: {  	s17 =	smul.u32 $0x5400, s17;
	s15 =	sshrl.u32 s15, $0x3;
	s22 =	sadd.s32 $0x56600, s11  }
0x11: {  	s20 =	sshrl.u32 s20, $0x3;
	s24 =	sadd.s32 $0xB8600, s0;
	[dreg:$0x5] =	wrdreg s22  }
0x12: {  	s23 =	simm.s32 $0x80;
	s25 =	sadd.s32 $0xC4A00, s11;
	[dreg:$0x6] =	wrdreg s24  }
0x13: {  	s9 =	sadd.s32 $0x126A00, s0;
	[dreg:$0x7] =	wrdreg s25;
	s26 =	sor.u32 s10, s16  }
0x14: {  	s10 =	smax.u32 s14, $0x1;
	s1 =	sadd.s32 s17, s1;
	s16 =	simm.s32 $0x1  }
0x15: {  	s17 =	simm.s32 $0x8;
	s22 =	simm.s32 $0x40;
	s24 =	simm.s32 $0x70  }
0x16: {  	s25 =	simm.s32 $0x1C70;
	s31 =	sor.u32 $0x3800, s26;
	s11 =	sadd.s32 s5, s1  }
0x17: {  	s0 =	sshrl.u32 s26, $0x3;
	s5 =	sadd.s32 $0x51200, s13;
	s14 =	sshrl.u32 s31, $0x3  }
0x18: {  	s26 =	simm.s32 $0x1FF0;
	s1 =	sadd.s32 s0, s12;
	s14 =	sadd.s32 s14, s12  }
.LBB2_1:
0x19: {  	s0 =	rddreg [dreg:$0x5]  }
0x1a: {  	[spmem:s15@s17], [sflag:s6] =	dma.strided [hbm:s0@s18], $0x3100, s16, $0x8   }
0x1b: {  	_ =	swait.ge [sflag:s19], $0x3100  }
0x1c: {  	[sflag:s19] =	ssyncset.done $0x0  }
0x1d: {  	s12 =	rddreg [dreg:$0x6];
	[sflag:s19] =	ssyncadd.s32 $0xFFFFCF00  }
0x1e: {  	[spmem:s20@s16], [sflag:s6] =	dma.strided [hbm:s12@s21], $0x620, s16, $0x1   }
0x1f: {  	_ =	swait.ge [sflag:s19], $0x620  }
0x20: {  	[sflag:s19] =	ssyncset.done $0x0  }
0x21: {  	[sflag:s19] =	ssyncadd.s32 $0xFFFFF9E0  }
0x22: {  	[bflag:$0x0] =	sbarrier.arrive $0xFFFF  }
0x23: {  	[tilespmem:s4], [sflag:$0x1] =	stream.linear.gather [hbm4b:s5+s4], $0x70, $0x38;
	[tilespmem:$0x1F8E0] =	vst v63  }
0x24: {  	_ = 	snop  }
0x25: {  	[tilespmem:s24], [sflag:$0x1] =	stream.strided.gather [hbm4b:s1+s22], $0x1C00, s23, s22, $0x38;
	[tilespmem:$0x1F8E0] =	vst v63  }
0x26: {  	s13 =	sadd.s32 $0x0, s11  }
0x27: {  	[tilespmem:s25], [sflag:$0x1] =	stream.strided.gather [hbm4b:s13+s17], $0x380, s18, s17, $0x38;
	[tilespmem:$0x1F8E0] =	vst v63  }
0x28: {  	s12 =	sadd.s32 $0xE, s5  }
0x29: {  	[tilespmem:s26], [sflag:$0x1] =	stream.linear.gather [hbm4b:s12+s4], $0x70, $0x38;
	[tilespmem:$0x1F8E0] =	vst v63  }
0x2a: {  	_ = 	snop  }
0x2b: {  	[tilespmem:s28], [sflag:$0x1] =	stream.strided.gather [hbm4b:s14+s22], $0x1C00, s23, s22, $0x38;
	[tilespmem:$0x1F8E0] =	vst v63  }
0x2c: {  	s0 =	sadd.s32 $0xE0, s13  }
0x2d: {  	[tilespmem:s29], [sflag:$0x1] =	stream.strided.gather [hbm4b:s0+s17], $0x380, s18, s17, $0x38;
	[tilespmem:$0x1F8E0] =	vst v63  }
0x2e: {  	_ =	swait.ge [sflag:s16], $0x70  }
0x2f: {  	[sflag:s16] =	ssyncset.done $0x0  }
0x30: {  	[sflag:s16] =	ssyncadd.s32 $0xFFFFFF90  }
0x31: {  	_ =	swait.ge [sflag:s16], $0x1C00  }
0x32: {  	[sflag:s16] =	ssyncset.done $0x0  }
0x33: {  	[sflag:s16] =	ssyncadd.s32 $0xFFFFE400  }
0x34: {  	_ =	swait.ge [sflag:s16], $0x380  }
0x35: {  	[sflag:s16] =	ssyncset.done $0x0  }
0x36: {  	[sflag:s16] =	ssyncadd.s32 $0xFFFFFC80  }
0x37: {  	[spmem:s2] =	stream.indirect.scatter.add.f32 [tilespmem:s24], [sflag:$0x2], $0x40, s4, s24, $0xb8;
	[tilespmem:$0x1F8E0] =	vst v63  }
0x38: {  	_ = 	snop  }
0x39: {  	[spmem:s3] =	stream.indirect.scatter.add.f32 [tilespmem:s25], [sflag:$0x2], $0x8, s4, s24, $0xb8;
	[tilespmem:$0x1F8E0] =	vst v63  }
0x3a: {  	_ =	swait.ge [sflag:s16], $0x70  }
0x3b: {  	[sflag:s16] =	ssyncset.done $0x0  }
0x3c: {  	[sflag:s16] =	ssyncadd.s32 $0xFFFFFF90  }
0x3d: {  	_ =	swait.ge [sflag:s16], $0x1C00  }
0x3e: {  	[sflag:s16] =	ssyncset.done $0x0  }
0x3f: {  	[sflag:s16] =	ssyncadd.s32 $0xFFFFE400  }
0x40: {  	_ =	swait.ge [sflag:s16], $0x380  }
0x41: {  	[sflag:s16] =	ssyncset.done $0x0  }
0x42: {  	[sflag:s16] =	ssyncadd.s32 $0xFFFFFC80  }
0x43: {  	_ =	swait.ge [sflag:s21], $0x1C00  }
0x44: {  	[sflag:s21] =	ssyncset.done $0x0  }
0x45: {  	[sflag:s21] =	ssyncadd.s32 $0xFFFFE400  }
0x46: {  	_ =	swait.ge [sflag:s21], $0x380  }
0x47: {  	[sflag:s21] =	ssyncset.done $0x0  }
0x48: {  	[sflag:s21] =	ssyncadd.s32 $0xFFFFFC80  }
0x49: {  	[spmem:s2] =	stream.indirect.scatter.add.f32 [tilespmem:s28], [sflag:$0x2], $0x40, s26, s24, $0xb8;
	[tilespmem:$0x1F8E0] =	vst v63  }
0x4a: {  	_ = 	snop  }
0x4b: {  	[spmem:s3] =	stream.indirect.scatter.add.f32 [tilespmem:s29], [sflag:$0x2], $0x8, s26, s24, $0xb8;
	[tilespmem:$0x1F8E0] =	vst v63  }
0x4c: {  	_ =	swait.ge [sflag:s21], $0x1C00  }
0x4d: {  	[sflag:s21] =	ssyncset.done $0x0  }
0x4e: {  	[sflag:s21] =	ssyncadd.s32 $0xFFFFE400  }
0x4f: {  	s31 =	simm.s32 $0x1C0;
	s13 =	smov.u32 s5;
	_ =	swait.ge [sflag:s21], $0x380  }
0x50: {  	s12 =	smov.u32 s1;
	s0 =	sadd.s32 $0xE00, s14;
	[sflag:s21] =	ssyncset.done $0x0  }
.LBB2_2:
0x51: {  	[sflag:s21] =	ssyncadd.s32 $0xFFFFFC80;
	s12 =	sadd.s32 $0xE00, s12;
	s13 =	sadd.s32 $0x1C, s13  }
0x52: {  	[tilespmem:s4], [sflag:$0x1] =	stream.linear.gather [hbm4b:s13+s4], $0x70, $0x38;
	[tilespmem:$0x1F8E0] =	vst v63  }
0x53: {  	p0 =	sne.s32 s31, $0x5240;
	s7 =	smov.u32 s31;
	s31 =	sadd.s32 $0x1C0, s31  }
0x54: {  	[tilespmem:s24], [sflag:$0x1] =	stream.strided.gather [hbm4b:s12+s22], $0x1C00, s23, s22, $0x38;
	[tilespmem:$0x1F8E0] =	vst v63  }
0x55: {  	s7 =	sadd.s32 s7, s11  }
0x56: {  	[tilespmem:s25], [sflag:$0x1] =	stream.strided.gather [hbm4b:s7+s17], $0x380, s18, s17, $0x38;
	[tilespmem:$0x1F8E0] =	vst v63  }
0x57: {  	s8 =	sadd.s32 $0xE, s13  }
0x58: {  	[tilespmem:s26], [sflag:$0x1] =	stream.linear.gather [hbm4b:s8+s4], $0x70, $0x38;
	[tilespmem:$0x1F8E0] =	vst v63  }
0x59: {  	_ = 	snop  }
0x5a: {  	[tilespmem:s28], [sflag:$0x1] =	stream.strided.gather [hbm4b:s0+s22], $0x1C00, s23, s22, $0x38;
	[tilespmem:$0x1F8E0] =	vst v63  }
0x5b: {  	s7 =	sadd.s32 $0xE0, s7  }
0x5c: {  	[tilespmem:s29], [sflag:$0x1] =	stream.strided.gather [hbm4b:s7+s17], $0x380, s18, s17, $0x38;
	[tilespmem:$0x1F8E0] =	vst v63  }
0x5d: {  	_ =	swait.ge [sflag:s16], $0x70  }
0x5e: {  	[sflag:s16] =	ssyncset.done $0x0  }
0x5f: {  	[sflag:s16] =	ssyncadd.s32 $0xFFFFFF90  }
0x60: {  	_ =	swait.ge [sflag:s16], $0x1C00  }
0x61: {  	[sflag:s16] =	ssyncset.done $0x0  }
0x62: {  	[sflag:s16] =	ssyncadd.s32 $0xFFFFE400  }
0x63: {  	_ =	swait.ge [sflag:s16], $0x380  }
0x64: {  	[sflag:s16] =	ssyncset.done $0x0  }
0x65: {  	[sflag:s16] =	ssyncadd.s32 $0xFFFFFC80  }
0x66: {  	[spmem:s2] =	stream.indirect.scatter.add.f32 [tilespmem:s24], [sflag:$0x2], $0x40, s4, s24, $0xb8;
	[tilespmem:$0x1F8E0] =	vst v63  }
0x67: {  	_ = 	snop  }
0x68: {  	[spmem:s3] =	stream.indirect.scatter.add.f32 [tilespmem:s25], [sflag:$0x2], $0x8, s4, s24, $0xb8;
	[tilespmem:$0x1F8E0] =	vst v63  }
0x69: {  	_ =	swait.ge [sflag:s16], $0x70  }
0x6a: {  	[sflag:s16] =	ssyncset.done $0x0  }
0x6b: {  	[sflag:s16] =	ssyncadd.s32 $0xFFFFFF90  }
0x6c: {  	_ =	swait.ge [sflag:s16], $0x1C00  }
0x6d: {  	[sflag:s16] =	ssyncset.done $0x0  }
0x6e: {  	[sflag:s16] =	ssyncadd.s32 $0xFFFFE400  }
0x6f: {  	_ =	swait.ge [sflag:s16], $0x380  }
0x70: {  	[sflag:s16] =	ssyncset.done $0x0  }
0x71: {  	[sflag:s16] =	ssyncadd.s32 $0xFFFFFC80  }
0x72: {  	_ =	swait.ge [sflag:s21], $0x1C00  }
0x73: {  	[sflag:s21] =	ssyncset.done $0x0  }
0x74: {  	[sflag:s21] =	ssyncadd.s32 $0xFFFFE400  }
0x75: {  	_ =	swait.ge [sflag:s21], $0x380  }
0x76: {  	[sflag:s21] =	ssyncset.done $0x0  }
0x77: {  	[sflag:s21] =	ssyncadd.s32 $0xFFFFFC80  }
0x78: {  	[spmem:s2] =	stream.indirect.scatter.add.f32 [tilespmem:s28], [sflag:$0x2], $0x40, s26, s24, $0xb8;
	[tilespmem:$0x1F8E0] =	vst v63  }
0x79: {  	_ = 	snop  }
0x7a: {  	[spmem:s3] =	stream.indirect.scatter.add.f32 [tilespmem:s29], [sflag:$0x2], $0x8, s26, s24, $0xb8;
	[tilespmem:$0x1F8E0] =	vst v63  }
.Ltmp0:
0x7b: {  	_ =	swait.ge [sflag:s21], $0x1C00;
	(pc) =	sbr.rel @p0 .LBB2_2-.Ltmp0, $4  }
0x7c: {  	[sflag:s21] =	ssyncset.done $0x0  }
0x7d: {  	[sflag:s21] =	ssyncadd.s32 $0xFFFFE400  }
0x7e: {  	_ =	swait.ge [sflag:s21], $0x380  }
0x7f: {  	s0 =	sadd.s32 $0xE00, s0;
	[sflag:s21] =	ssyncset.done $0x0  }
0x80: {  	[sflag:s21] =	ssyncadd.s32 $0xFFFFFC80  }
0x81: {  	[bflag:$0x0] =	sbarrier.arrive $0xFFFF  }
0x82: {  	s0 =	rddreg [dreg:$0x7]  }
0x83: {  	[hbm:s0@s18], [sflag:s6] =	dma.strided [spmem:s15@s17], $0x3100, s16, $0x8   }
0x84: {  	s30 =	sadd.s32 $0x1, s30;
	_ =	swait.ge [sflag:s19], $0x3100  }
0x85: {  	p0 =	sne.s32 s30, s10;
	[sflag:s19] =	ssyncset.done $0x0  }
.Ltmp1:
0x86: {  	[sflag:s19] =	ssyncadd.s32 $0xFFFFCF00;
	(pc) =	sbr.rel @p0 .LBB2_1-.Ltmp1, $4  }
0x87: {  	[hbm:s9@s21], [sflag:s6] =	dma.strided [spmem:s20@s16], $0x620, s16, $0x1   }
0x88: {  	_ =	swait.ge [sflag:s19], $0x620  }
0x89: {  	[sflag:s19] =	ssyncset.done $0x0  }
0x8a: {  	[sflag:s19] =	ssyncadd.s32 $0xFFFFF9E0  }
0x8b: {  	_ =	sfence.sel $0x180000  }
0x8c: {  	[bflag:$0x0] =	sbarrier.arrive $0xFFFF  }
0x8d: {  	_ =	strace $0x9000004D  }
0x8e: {  	s0 =	stileid.u32;
	[bflag:$0x2] =	sbarrier.arrive $0xFFFF  }
0x8f: {  	p0 =	sne.s32 s0, $0x0;
	s0 =	rddreg [dreg:$0x4]  }
0x90: {  	s0 =	sadd.s32 @!p0 $0x100000, s0  }
0x91: {  	[sflag:s0] =	ssyncadd.tile.s32 @!p0 $0x1;
	_ =	shalt  }
.Lfunc_end2:
_tile_overlayer_lowered:
.L_overlay_start_2:
0x92: {  	(tag) =	ssettag $0x2  }
0x93: {  	s0 =	rddreg [dreg:$0x0];
	s2 =	stileid.u32  }
0x94: {  	s1 =	rddreg [dreg:$0x1];
	p0 =	sne.s32 s2, $0x0  }
0x95: {  	s3 =	rddreg [dreg:$0x2];
	[bflag:$0x3] =	sbarrier.arrive $0xFFFF;
	s2 =	simm.s32 @!p0 $0x1C03  }
0x96: {  	[timem:s3], [sflag:s2] =	dma.local @!p0 [hbm:s0], s1  }
0x97: {  	s0 =	simm.s32 @!p0 $0x3  }
0x98: {  	_ =	swait.ge @!p0 [sflag:s0], s1  }
0x99: {  	s1 =	ssub.s32 @!p0 $0x0, s1;
	[sflag:s0] =	ssyncset.done @!p0 $0x0  }
0x9a: {  	[sflag:s0] =	ssyncadd.s32 @!p0 s1  }
0x9b: {  	[bflag:$0x3] =	sbarrier.arrive $0xFFFF  }
0x9c: {  	_ =	shalt  }

// kernel: kernel.30.cloned.1.call-start
scs
__scs_entry_jumppad:
0x0: {  	(pc) =	sbr.rel $0x88, $3  }
0x1: {  	(tag) =	ssettag $0x0;
	lr =	simm.s32 $0x1  }
0x2: {  	[smem:$0x3F85] =	sst lr;
	_ =	strace $0xD0000000  }
0x3: {  	_ = 	snop  }
0x4: {  	_ = 	snop  }
0x5: {  	_ = 	snop  }
0x6: {  	_ = 	snop  }
0x7: {  	_ = 	snop  }
__scs_overlays_trampoline_lowered:
0x8: {  	[smem:$0x3F94] =	sst s0  }
0x9: {  	[smem:$0x3F95] =	sst s1  }
0xa: {  	[smem:$0x3F96] =	sst s2  }
0xb: {  	[smem:$0x3F97] =	sst s3  }
0xc: {  	[smem:$0x3F98] =	sst s4  }
0xd: {  	[smem:$0x3F99] =	sst s5  }
0xe: {  	[smem:$0x3F9A] =	sst s6  }
0xf: {  	[smem:$0x3F9B] =	sst s7  }
0x10: {  	[smem:$0x3F9C] =	sst s8  }
0x11: {  	[smem:$0x3F9D] =	sst s9;
	s0 =	simm.s32 @!p0 $0x0  }
0x12: {  	s1 =	sld [smem:$0x3F83];
	s0 =	simm.s32 @p0 $0x1  }
0x13: {  	[smem:$0x3F9E] =	sst s0;
	s0 =	simm.s32 @!p1 $0x0  }
0x14: {  	s2 =	sld [smem:$0x3F82];
	s0 =	simm.s32 @p1 $0x1  }
0x15: {  	[smem:$0x3F9F] =	sst s0;
	s0 =	simm.s32 @!p2 $0x0  }
0x16: {  	s3 =	sld [smem:$0x3FDB];
	s0 =	simm.s32 @p2 $0x1  }
0x17: {  	s4 =	simm.s32 $0x1BF5;
	[smem:$0x3FA1] =	sst s0  }
0x18: {  	s0 =	sld [smem:$0x3F84];
	_ =	swait.ge [sflag:s4], $0x0  }
0x19: {  	s7 =	sld [smem:$0x3F85]  }
0x1a: {  	s8 =	sadd.s32 $0xFFFFE003, lr  }
0x1b: {  	s9 =	sadd.s32 $0xFFFFFEF7, lr;
	s5 =	simm.s32 $0xFFFFFFFF;
	p2 =	slt.u32 s8, $0xFFFFF086  }
0x1c: {  	p1 =	slt.u32 s9, $0xF7A;
	s5 =	simm.s32 @!p2 $0x0  }
0x1d: {  	s5 =	simm.s32 @p1 $0x1;
	p0 =	seq.s32 s7, s2  }
0x1e: {  	s7 =	smul.u32 @!p0 $0xF7A, s2;
	p2 =	seq.s32 @!p0 s5, $0x0  }
0x1f: {  	s9 =	smul.u32 $0xF7A, s1;
	s8 =	simm.s32 @!p0 $0x1BF5;
	p2 =	por !p2, p0  }
0x20: {  	[sflag:s8] =	ssyncset.s32 @!p0 $0xFFFFF086;
	s6 =	sadd.s32 @!p0 s3, s7;
	s7 =	simm.s32 @!p0 $0x108  }
0x21: {  	s3 =	sadd.s32 s3, s9;
	s6 =	sadd.s32 @!p0 $0x88, s6;
	s7 =	simm.s32 @p2 $0x1082  }
0x22: {  	[simem:s7], [sflag:s8] =	dma.local @!p0 [hbm:s6], $0xF7A  }
0x23: {  	s9 =	sor.u32 $0xD0000000, s2;
	s6 =	simm.s32 $0x108;
	_ =	swait.ge @!p0 [sflag:s8], $0x0  }
0x24: {  	s3 =	sadd.s32 $0x88, s3;
	s6 =	simm.s32 @!p1 $0x1082;
	[sflag:s4] =	ssyncset.s32 $0xFFFFF086  }
0x25: {  	[simem:s6], [sflag:s4] =	dma.local [hbm:s3], $0xF7A  }
0x26: {  	[smem:$0x3F85] =	sst s1;
	(tag) =	ssettag s2;
	_ =	strace s9  }
0x27: {  	s1 =	sld [smem:$0x3F95]  }
0x28: {  	s2 =	sld [smem:$0x3F96]  }
0x29: {  	s4 =	sld [smem:$0x3F98]  }
0x2a: {  	p0 =	seq.s32 s5, $0x0;
	s5 =	sld [smem:$0x3F99]  }
0x2b: {  	s6 =	sld [smem:$0x3F9A]  }
0x2c: {  	s7 =	sld [smem:$0x3F9B]  }
0x2d: {  	s3 =	simm.s32 $0x108;
	s8 =	sld [smem:$0x3F9C]  }
0x2e: {  	s3 =	simm.s32 @!p0 $0x1082;
	s9 =	sld [smem:$0x3F9D]  }
0x2f: {  	lr =	sadd.s32 s0, s3;
	s0 =	sld [smem:$0x3F94]  }
0x30: {  	s3 =	sld [smem:$0x3F97]  }
0x31: {  	[smem:$0x3FA0] =	sst s10  }
0x32: {  	s10 =	sld [smem:$0x3F9E];
	_ =	sdelay $0x3  }
0x33: {  	p0 =	seq.s32 s10, $0x1;
	s10 =	sld [smem:$0x3FA0];
	_ =	sdelay $0x3  }
0x34: {  	[smem:$0x3FA0] =	sst s10  }
0x35: {  	s10 =	sld [smem:$0x3F9F];
	_ =	sdelay $0x3  }
0x36: {  	p1 =	seq.s32 s10, $0x1;
	s10 =	sld [smem:$0x3FA0];
	_ =	sdelay $0x3  }
0x37: {  	[smem:$0x3FA0] =	sst s10  }
0x38: {  	s10 =	sld [smem:$0x3FA1]  }
0x39: {  	_ = 	snop;
	(pc) =	sbr.ind lr, $3  }
0x3a: {  	_ = 	snop  }
0x3b: {  	_ = 	snop  }
0x3c: {  	p2 =	seq.s32 s10, $0x1;
	s10 =	sld [smem:$0x3FA0]  }
0x3d: {  	_ =	shalt  }
0x3e: {  	_ =	shalt  }
0x3f: {  	_ =	shalt  }
0x40: {  	_ =	shalt  }
0x41: {  	_ =	shalt  }
0x42: {  	_ =	shalt  }
0x43: {  	_ =	shalt  }
0x44: {  	_ =	shalt  }
0x45: {  	_ =	shalt  }
0x46: {  	_ =	shalt  }
0x47: {  	_ =	shalt  }
0x48: {  	_ =	shalt  }
0x49: {  	_ =	shalt  }
0x4a: {  	_ =	shalt  }
0x4b: {  	_ =	shalt  }
0x4c: {  	_ =	shalt  }
0x4d: {  	_ =	shalt  }
0x4e: {  	_ =	shalt  }
0x4f: {  	_ =	shalt  }
0x50: {  	_ =	shalt  }
0x51: {  	_ =	shalt  }
0x52: {  	_ =	shalt  }
0x53: {  	_ =	shalt  }
0x54: {  	_ =	shalt  }
0x55: {  	_ =	shalt  }
0x56: {  	_ =	shalt  }
0x57: {  	_ =	shalt  }
0x58: {  	_ =	shalt  }
0x59: {  	_ =	shalt  }
0x5a: {  	_ =	shalt  }
0x5b: {  	_ =	shalt  }
0x5c: {  	_ =	shalt  }
0x5d: {  	_ =	shalt  }
0x5e: {  	_ =	shalt  }
0x5f: {  	_ =	shalt  }
0x60: {  	_ =	shalt  }
0x61: {  	_ =	shalt  }
0x62: {  	_ =	shalt  }
0x63: {  	_ =	shalt  }
0x64: {  	_ =	shalt  }
0x65: {  	_ =	shalt  }
0x66: {  	_ =	shalt  }
0x67: {  	_ =	shalt  }
0x68: {  	_ =	shalt  }
0x69: {  	_ =	shalt  }
0x6a: {  	_ =	shalt  }
0x6b: {  	_ =	shalt  }
0x6c: {  	_ =	shalt  }
0x6d: {  	_ =	shalt  }
0x6e: {  	_ =	shalt  }
0x6f: {  	_ =	shalt  }
0x70: {  	_ =	shalt  }
0x71: {  	_ =	shalt  }
0x72: {  	_ =	shalt  }
0x73: {  	_ =	shalt  }
0x74: {  	_ =	shalt  }
0x75: {  	_ =	shalt  }
0x76: {  	_ =	shalt  }
0x77: {  	_ =	shalt  }
0x78: {  	_ =	shalt  }
0x79: {  	_ =	shalt  }
0x7a: {  	_ =	shalt  }
0x7b: {  	_ =	shalt  }
0x7c: {  	_ =	shalt  }
0x7d: {  	_ =	shalt  }
0x7e: {  	_ =	shalt  }
0x7f: {  	_ =	shalt  }
0x80: {  	_ =	shalt  }
0x81: {  	_ =	shalt  }
0x82: {  	_ =	shalt  }
0x83: {  	_ =	shalt  }
0x84: {  	_ =	shalt  }
0x85: {  	_ =	shalt  }
0x86: {  	_ =	shalt  }
0x87: {  	_ =	shalt  }
.Lfunc_end0:
.L_simem_size_0:
called_computation.5_lowered:
.L_overlay_start_0:
0x88: {  	s2 =	sld [smem:$0x3FD9]  }
0x89: {  	s3 =	sld [smem:$0x3FFE];
	_ =	sdelay $0x1  }
0x8a: {  	s1 =	srdreg.scid  }
0x8b: {  	s0 =	sand.u32 $0x1, s1  }
0x8c: {  	s17 =	sshll.u32 s0, $0xA;
	s2 =	sadd.s32 s3, s2  }
0x8d: {  	s2 =	sadd.s32 s2, s17  }
0x8e: {  	[smem:$0x3FAC] =	sst s2  }
0x8f: {  	_ = 	snop  }
0x90: {  	(tm) =	ssettm $0x1  }
0x91: {  	s18 =	sld [smem:$0x3FFB];
	_ =	sdelay $0x3  }
0x92: {  	_ =	strace s18  }
0x93: {  	s2 =	sld [smem:$0x3FFC];
	_ =	sdelay $0x3  }
0x94: {  	_ =	strace s2  }
0x95: {  	s2 =	sld [smem:$0x3FFD];
	_ =	sdelay $0x3  }
0x96: {  	_ =	strace s2  }
0x97: {  	_ =	strace $0x8FFFFFFF  }
0x98: {  	s19 =	sld [smem:$0x3FDB];
	_ =	sdelay $0x1  }
0x99: {  	s20 =	simm.s32 $_scs_section_size  }
0x9a: {  	s4 =	simm.s32 $_size__tile_overlayer_lowered;
	s5 =	simm.s32 $_tile_overlayer_lowered  }
0x9b: {  	s6 =	simm.s32 $0x1BFF;
	s21 =	sshll.u32 s5, $0x1;
	s3 =	sadd.s32 s20, s19  }
0x9c: {  	s22 =	simm.s32 $0x0;
	s4 =	sshll.u32 s4, $0x1;
	s5 =	sadd.s32 s21, s3  }
0x9d: {  	[timem:s22], [sflag:s6] =	dma.local [hbm:s5], s4  }
0x9e: {  	_ =	swait.ge [sflag:s6], s4  }
0x9f: {  	s4 =	ssub.s32 $0x0, s4;
	[sflag:s6] =	ssyncset.done $0x0  }
0xa0: {  	[sflag:s6] =	ssyncadd.s32 s4;
	_ =	sdelay $0x1  }
0xa1: {  	s23 =	simm.s32 $0x1B8B  }
0xa2: {  	_ =	swait.ge [sflag:s23], $0x1  }
0xa3: {  	[sflag:s23] =	ssyncset.done $0x0  }
0xa4: {  	[sflag:s23] =	ssyncadd.s32 $0xFFFFFFFF  }
0xa5: {  	s4 =	sld [smem:$0x0]  }
0xa6: {  	s5 =	sand.u32 $0xFFFFFFFE, s1  }
0xa7: {  	p0 =	sne.s32 s1, s5  }
0xa8: {  	s5 =	sshll.u32 @p0 s5, $0xE  }
0xa9: {  	s5 =	sadd.s32 @p0 $0x11B8D, s5;
	s6 =	sshll.u32 @p0 s4, $0x11  }
0xaa: {  	s5 =	sor.u32 @p0 s6, s5  }
0xab: {  	[sflag:s5] =	ssyncadd.remote.s32 @p0 $0x1;
	_ =	sdelay $0x1  }
0xac: {  	s5 =	simm.s32 @p0 $0x1B8D  }
0xad: {  	_ =	swait.eq @p0 [sflag:s5], $0x1  }
0xae: {  	[sflag:s5] =	ssyncadd.s32 @p0 $0xFFFFFFFF  }
0xaf: {  	s6 =	sshll.u32 @!p0 s1, $0xE  }
0xb0: {  	s6 =	sor.u32 @!p0 $0x4000, s6;
	s5 =	simm.s32 @!p0 $0x1B8D  }
0xb1: {  	s4 =	sshll.u32 @!p0 s4, $0x11;
	s6 =	sadd.s32 @!p0 $0x11B8D, s6;
	_ =	swait.eq @!p0 [sflag:s5], $0x1  }
0xb2: {  	s4 =	sor.u32 @!p0 s4, s6;
	[sflag:s5] =	ssyncadd.s32 @!p0 $0xFFFFFFFF  }
0xb3: {  	s25 =	simm.s32 $0x1B8E;
	s24 =	sld [smem:$0x3FFE];
	[sflag:s4] =	ssyncadd.remote.s32 @!p0 $0x1  }
0xb4: {  	s26 =	simm.s32 $execute0_lowered;
	[smem:$0x3FD2] =	sst s25  }
0xb5: {  	s5 =	sshll.u32 s26, $0x1;
	_ =	strace $0x80000052;
	[dreg:$0x1] =	wrdreg $0xFFFFFFFF  }
0xb6: {  	s28 =	simm.s32 $_size_execute0_lowered;
	s3 =	sadd.s32 s3, s5;
	[dreg:$0x0] =	wrdreg $0x0  }
0xb7: {  	s5 =	sshll.u32 s28, $0x1;
	[dreg:$0x2] =	wrdreg s3  }
0xb8: {  	[dreg:$0x3] =	wrdreg s5  }
0xb9: {  	[dreg:$0x4] =	wrdreg $0xC0  }
0xba: {  	_ =	task [dreg:s22], $0x5FFFF  }
0xbb: {  	[dreg:$0x1] =	wrdreg $0xFFFFFFFF  }
0xbc: {  	[dreg:$0x0] =	wrdreg $0x60  }
0xbd: {  	[dreg:$0x2] =	wrdreg s24  }
0xbe: {  	[dreg:$0x3] =	wrdreg $0x3FE00  }
0xbf: {  	[dreg:$0x4] =	wrdreg $0x1C7E00  }
0xc0: {  	[dreg:$0x5] =	wrdreg $0xB  }
0xc1: {  	_ =	task.clear_ibuf [dreg:s22], $0x6FFFF;
	_ =	strace $0x90000052  }
0xc2: {  	s29 =	simm.s32 $0xB;
	_ =	strace $0x80000054  }
0xc3: {  	_ =	swait.ge [sflag:s29], $0x1  }
0xc4: {  	[sflag:s29] =	ssyncadd.s32 $0xFFFFFFFF  }
0xc5: {  	_ =	strace $0x90000054  }
0xc6: {  	_ =	sfence  }
0xc7: {  	s30 =	sld [smem:$0x0];
	_ =	sdelay $0x2  }
0xc8: {  	s31 =	sshll.u32 s1, $0xD;
	s1 =	sshrl.u32 s1, $0x2  }
0xc9: {  	s4 =	sand.u32 $0x4000, s31;
	s1 =	sadd.s32 s1, s30  }
0xca: {  	s0 =	sor.u32 s4, s0;
	s1 =	sshll.u32 s1, $0x11  }
0xcb: {  	s0 =	sor.u32 s1, s0  }
0xcc: {  	s0 =	sadd.s32 $0x8F2B, s0  }
0xcd: {  	[sflag:s0] =	ssyncadd.remote.s32 $0x1  }
0xce: {  	_ =	sfence.sel $0xFFFF  }
0xcf: {  	[dreg:$0x0] =	wrdreg $0xFFFFFFFF;
	(pc) =	sbr.abs _section_cstart, $3  }
0xd0: {  	[dreg:$0x1] =	wrdreg $0xFFFFFFFF  }
0xd1: {  	_ =	task.clear_ibuf [dreg:s22], $0x2FFFF;
	_ =	strace $0x9FFFFFFF  }
0xd2: {  	(tm) =	ssettm $0x7FFFFFFF  }
0xd3: {  	_ =	shalt  }
tec
execute0_lowered:
.L_overlay_start_1:
0x0: {  	(tag) =	ssettag $0x1  }
0x1: {  	s0 =	rddreg [dreg:$0x0];
	s16 =	stileid.u32  }
0x2: {  	s2 =	rddreg [dreg:$0x1];
	s1 =	smul.u32 $0x7000, s16  }
0x3: {  	s3 =	rddreg [dreg:$0x2];
	s5 =	smul.u32 $0x700, s16  }
0x4: {  	s4 =	simm.s32 $0x0;
	s6 =	srdreg.scid;
	s18 =	smul.u32 $0x31000, s16  }
0x5: {  	s17 =	simm.s32 $0x8;
	s28 =	simm.s32 $0x2060;
	s7 =	smul.u32 $0xC40, s16  }
0x6: {  	s29 =	simm.s32 $0x3C60;
	s30 =	simm.s32 $0x0;
	s8 =	smul.u32 $0x62000, s16  }
0x7: {  	[smem:$0x7FF] =	sst s4;
	s11 =	sand.u32 $0x1, s6;
	s13 =	smul.u32 $0xC400, s16  }
0x8: {  	s12 =	sadd.s32 $0x1940A00, s0;
	s22 =	sshll.u32 s16, $0x6;
	s24 =	smul.u32 $0x1C0000, s16  }
0x9: {  	s16 =	simm.s32 $0x1;
	_ =	strace $0x80000053;
	s10 =	sshll.u32 s11, $0x6  }
0xa: {  	s19 =	ssub.s32 $0x2, s11;
	s1 =	sadd.s32 s1, s0;
	s5 =	sadd.s32 s5, s0  }
0xb: {  	s6 =	sor.u32 s10, s18;
	s7 =	sor.u32 s11, s7;
	s20 =	sshrl.u32 s19, $0x1  }
0xc: {  	s8 =	sshrl.u32 s8, $0x2;
	s23 =	sshrl.u32 s13, $0x2;
	s31 =	sor.u32 s10, s24  }
0xd: {  	s18 =	simm.s32 $0x10;
	s24 =	simm.s32 $0x70;
	s6 =	sshrl.u32 s6, $0x3  }
0xe: {  	s14 =	ssub.s32 s19, s20;
	s15 =	sadd.s32 s8, s2;
	s20 =	sadd.s32 s23, s3  }
0xf: {  	s1 =	sadd.s32 s11, s1;
	s13 =	sor.u32 $0x3800, s31;
	s5 =	sadd.s32 $0x358600, s5  }
0x10: {  	s19 =	simm.s32 $0x3;
	s23 =	simm.s32 $0x80;
	s9 =	sadd.s32 s6, s0  }
0x11: {  	s0 =	sadd.s32 s7, s0;
	s6 =	sor.u32 $0x1C03, s22;
	s10 =	smax.u32 s14, $0x1  }
0x12: {  	s11 =	sadd.s32 $0x21D400, s1;
	s13 =	sshrl.u32 s13, $0x3;
	s15 =	sshrl.u32 s15, $0x3  }
0x13: {  	s20 =	sshrl.u32 s20, $0x3;
	s22 =	simm.s32 $0x40;
	s21 =	sadd.s32 $0xC4A00, s9  }
0x14: {  	s25 =	sadd.s32 $0x126A00, s0;
	s26 =	sadd.s32 $0x51200, s9;
	[dreg:$0x4] =	wrdreg s21  }
0x15: {  	s9 =	sadd.s32 $0xB3200, s0;
	s0 =	sshrl.u32 s31, $0x3;
	[dreg:$0x5] =	wrdreg s25  }
0x16: {  	s14 =	sadd.s32 s13, s12;
	[dreg:$0x6] =	wrdreg s26;
	s1 =	sadd.s32 s0, s12  }
0x17: {  	s21 =	simm.s32 $0x2;
	s25 =	simm.s32 $0x1C70;
	s26 =	simm.s32 $0x1FF0  }
.LBB2_1:
0x18: {  	s0 =	rddreg [dreg:$0x4]  }
0x19: {  	[spmem:s15@s17], [sflag:s6] =	dma.strided [hbm:s0@s18], $0x3100, s16, $0x8   }
0x1a: {  	_ =	swait.ge [sflag:s19], $0x3100  }
0x1b: {  	[sflag:s19] =	ssyncset.done $0x0  }
0x1c: {  	s12 =	rddreg [dreg:$0x5];
	[sflag:s19] =	ssyncadd.s32 $0xFFFFCF00  }
0x1d: {  	[spmem:s20@s16], [sflag:s6] =	dma.strided [hbm:s12@s21], $0x620, s16, $0x1   }
0x1e: {  	_ =	swait.ge [sflag:s19], $0x620  }
0x1f: {  	[sflag:s19] =	ssyncset.done $0x0  }
0x20: {  	[sflag:s19] =	ssyncadd.s32 $0xFFFFF9E0  }
0x21: {  	[bflag:$0x0] =	sbarrier.arrive $0xFFFF  }
0x22: {  	[tilespmem:s4], [sflag:$0x1] =	stream.linear.gather [hbm4b:s5+s4], $0x70, $0x38;
	[tilespmem:$0x1F8E0] =	vst v63  }
0x23: {  	_ = 	snop  }
0x24: {  	[tilespmem:s24], [sflag:$0x1] =	stream.strided.gather [hbm4b:s1+s22], $0x1C00, s23, s22, $0x38;
	[tilespmem:$0x1F8E0] =	vst v63  }
0x25: {  	s13 =	sadd.s32 $0x0, s11  }
0x26: {  	[tilespmem:s25], [sflag:$0x1] =	stream.strided.gather [hbm4b:s13+s17], $0x380, s18, s17, $0x38;
	[tilespmem:$0x1F8E0] =	vst v63  }
0x27: {  	s12 =	sadd.s32 $0xE, s5  }
0x28: {  	[tilespmem:s26], [sflag:$0x1] =	stream.linear.gather [hbm4b:s12+s4], $0x70, $0x38;
	[tilespmem:$0x1F8E0] =	vst v63  }
0x29: {  	_ = 	snop  }
0x2a: {  	[tilespmem:s28], [sflag:$0x1] =	stream.strided.gather [hbm4b:s14+s22], $0x1C00, s23, s22, $0x38;
	[tilespmem:$0x1F8E0] =	vst v63  }
0x2b: {  	s0 =	sadd.s32 $0xE0, s13  }
0x2c: {  	[tilespmem:s29], [sflag:$0x1] =	stream.strided.gather [hbm4b:s0+s17], $0x380, s18, s17, $0x38;
	[tilespmem:$0x1F8E0] =	vst v63  }
0x2d: {  	_ =	swait.ge [sflag:s16], $0x70  }
0x2e: {  	[sflag:s16] =	ssyncset.done $0x0  }
0x2f: {  	[sflag:s16] =	ssyncadd.s32 $0xFFFFFF90  }
0x30: {  	_ =	swait.ge [sflag:s16], $0x1C00  }
0x31: {  	[sflag:s16] =	ssyncset.done $0x0  }
0x32: {  	[sflag:s16] =	ssyncadd.s32 $0xFFFFE400  }
0x33: {  	_ =	swait.ge [sflag:s16], $0x380  }
0x34: {  	[sflag:s16] =	ssyncset.done $0x0  }
0x35: {  	[sflag:s16] =	ssyncadd.s32 $0xFFFFFC80  }
0x36: {  	[spmem:s2] =	stream.indirect.scatter.add.f32 [tilespmem:s24], [sflag:$0x2], $0x40, s4, s24, $0xb8;
	[tilespmem:$0x1F8E0] =	vst v63  }
0x37: {  	_ = 	snop  }
0x38: {  	[spmem:s3] =	stream.indirect.scatter.add.f32 [tilespmem:s25], [sflag:$0x2], $0x8, s4, s24, $0xb8;
	[tilespmem:$0x1F8E0] =	vst v63  }
0x39: {  	_ =	swait.ge [sflag:s16], $0x70  }
0x3a: {  	[sflag:s16] =	ssyncset.done $0x0  }
0x3b: {  	[sflag:s16] =	ssyncadd.s32 $0xFFFFFF90  }
0x3c: {  	_ =	swait.ge [sflag:s16], $0x1C00  }
0x3d: {  	[sflag:s16] =	ssyncset.done $0x0  }
0x3e: {  	[sflag:s16] =	ssyncadd.s32 $0xFFFFE400  }
0x3f: {  	_ =	swait.ge [sflag:s16], $0x380  }
0x40: {  	[sflag:s16] =	ssyncset.done $0x0  }
0x41: {  	[sflag:s16] =	ssyncadd.s32 $0xFFFFFC80  }
0x42: {  	_ =	swait.ge [sflag:s21], $0x1C00  }
0x43: {  	[sflag:s21] =	ssyncset.done $0x0  }
0x44: {  	[sflag:s21] =	ssyncadd.s32 $0xFFFFE400  }
0x45: {  	_ =	swait.ge [sflag:s21], $0x380  }
0x46: {  	[sflag:s21] =	ssyncset.done $0x0  }
0x47: {  	[sflag:s21] =	ssyncadd.s32 $0xFFFFFC80  }
0x48: {  	[spmem:s2] =	stream.indirect.scatter.add.f32 [tilespmem:s28], [sflag:$0x2], $0x40, s26, s24, $0xb8;
	[tilespmem:$0x1F8E0] =	vst v63  }
0x49: {  	_ = 	snop  }
0x4a: {  	[spmem:s3] =	stream.indirect.scatter.add.f32 [tilespmem:s29], [sflag:$0x2], $0x8, s26, s24, $0xb8;
	[tilespmem:$0x1F8E0] =	vst v63  }
0x4b: {  	_ =	swait.ge [sflag:s21], $0x1C00  }
0x4c: {  	[sflag:s21] =	ssyncset.done $0x0  }
0x4d: {  	[sflag:s21] =	ssyncadd.s32 $0xFFFFE400  }
0x4e: {  	s31 =	simm.s32 $0x1C0;
	s13 =	smov.u32 s5;
	_ =	swait.ge [sflag:s21], $0x380  }
0x4f: {  	s12 =	smov.u32 s1;
	s0 =	sadd.s32 $0xE00, s14;
	[sflag:s21] =	ssyncset.done $0x0  }
.LBB2_2:
0x50: {  	[sflag:s21] =	ssyncadd.s32 $0xFFFFFC80;
	s12 =	sadd.s32 $0xE00, s12;
	s13 =	sadd.s32 $0x1C, s13  }
0x51: {  	[tilespmem:s4], [sflag:$0x1] =	stream.linear.gather [hbm4b:s13+s4], $0x70, $0x38;
	[tilespmem:$0x1F8E0] =	vst v63  }
0x52: {  	p0 =	sne.s32 s31, $0x6E40;
	s7 =	smov.u32 s31;
	s31 =	sadd.s32 $0x1C0, s31  }
0x53: {  	[tilespmem:s24], [sflag:$0x1] =	stream.strided.gather [hbm4b:s12+s22], $0x1C00, s23, s22, $0x38;
	[tilespmem:$0x1F8E0] =	vst v63  }
0x54: {  	s7 =	sadd.s32 s7, s11  }
0x55: {  	[tilespmem:s25], [sflag:$0x1] =	stream.strided.gather [hbm4b:s7+s17], $0x380, s18, s17, $0x38;
	[tilespmem:$0x1F8E0] =	vst v63  }
0x56: {  	s8 =	sadd.s32 $0xE, s13  }
0x57: {  	[tilespmem:s26], [sflag:$0x1] =	stream.linear.gather [hbm4b:s8+s4], $0x70, $0x38;
	[tilespmem:$0x1F8E0] =	vst v63  }
0x58: {  	_ = 	snop  }
0x59: {  	[tilespmem:s28], [sflag:$0x1] =	stream.strided.gather [hbm4b:s0+s22], $0x1C00, s23, s22, $0x38;
	[tilespmem:$0x1F8E0] =	vst v63  }
0x5a: {  	s7 =	sadd.s32 $0xE0, s7  }
0x5b: {  	[tilespmem:s29], [sflag:$0x1] =	stream.strided.gather [hbm4b:s7+s17], $0x380, s18, s17, $0x38;
	[tilespmem:$0x1F8E0] =	vst v63  }
0x5c: {  	_ =	swait.ge [sflag:s16], $0x70  }
0x5d: {  	[sflag:s16] =	ssyncset.done $0x0  }
0x5e: {  	[sflag:s16] =	ssyncadd.s32 $0xFFFFFF90  }
0x5f: {  	_ =	swait.ge [sflag:s16], $0x1C00  }
0x60: {  	[sflag:s16] =	ssyncset.done $0x0  }
0x61: {  	[sflag:s16] =	ssyncadd.s32 $0xFFFFE400  }
0x62: {  	_ =	swait.ge [sflag:s16], $0x380  }
0x63: {  	[sflag:s16] =	ssyncset.done $0x0  }
0x64: {  	[sflag:s16] =	ssyncadd.s32 $0xFFFFFC80  }
0x65: {  	[spmem:s2] =	stream.indirect.scatter.add.f32 [tilespmem:s24], [sflag:$0x2], $0x40, s4, s24, $0xb8;
	[tilespmem:$0x1F8E0] =	vst v63  }
0x66: {  	_ = 	snop  }
0x67: {  	[spmem:s3] =	stream.indirect.scatter.add.f32 [tilespmem:s25], [sflag:$0x2], $0x8, s4, s24, $0xb8;
	[tilespmem:$0x1F8E0] =	vst v63  }
0x68: {  	_ =	swait.ge [sflag:s16], $0x70  }
0x69: {  	[sflag:s16] =	ssyncset.done $0x0  }
0x6a: {  	[sflag:s16] =	ssyncadd.s32 $0xFFFFFF90  }
0x6b: {  	_ =	swait.ge [sflag:s16], $0x1C00  }
0x6c: {  	[sflag:s16] =	ssyncset.done $0x0  }
0x6d: {  	[sflag:s16] =	ssyncadd.s32 $0xFFFFE400  }
0x6e: {  	_ =	swait.ge [sflag:s16], $0x380  }
0x6f: {  	[sflag:s16] =	ssyncset.done $0x0  }
0x70: {  	[sflag:s16] =	ssyncadd.s32 $0xFFFFFC80  }
0x71: {  	_ =	swait.ge [sflag:s21], $0x1C00  }
0x72: {  	[sflag:s21] =	ssyncset.done $0x0  }
0x73: {  	[sflag:s21] =	ssyncadd.s32 $0xFFFFE400  }
0x74: {  	_ =	swait.ge [sflag:s21], $0x380  }
0x75: {  	[sflag:s21] =	ssyncset.done $0x0  }
0x76: {  	[sflag:s21] =	ssyncadd.s32 $0xFFFFFC80  }
0x77: {  	[spmem:s2] =	stream.indirect.scatter.add.f32 [tilespmem:s28], [sflag:$0x2], $0x40, s26, s24, $0xb8;
	[tilespmem:$0x1F8E0] =	vst v63  }
0x78: {  	_ = 	snop  }
0x79: {  	[spmem:s3] =	stream.indirect.scatter.add.f32 [tilespmem:s29], [sflag:$0x2], $0x8, s26, s24, $0xb8;
	[tilespmem:$0x1F8E0] =	vst v63  }
.Ltmp0:
0x7a: {  	_ =	swait.ge [sflag:s21], $0x1C00;
	(pc) =	sbr.rel @p0 .LBB2_2-.Ltmp0, $4  }
0x7b: {  	[sflag:s21] =	ssyncset.done $0x0  }
0x7c: {  	[sflag:s21] =	ssyncadd.s32 $0xFFFFE400  }
0x7d: {  	_ =	swait.ge [sflag:s21], $0x380  }
0x7e: {  	s0 =	sadd.s32 $0xE00, s0;
	[sflag:s21] =	ssyncset.done $0x0  }
0x7f: {  	[sflag:s21] =	ssyncadd.s32 $0xFFFFFC80  }
0x80: {  	[bflag:$0x0] =	sbarrier.arrive $0xFFFF  }
0x81: {  	s0 =	rddreg [dreg:$0x6]  }
0x82: {  	[hbm:s0@s18], [sflag:s6] =	dma.strided [spmem:s15@s17], $0x3100, s16, $0x8   }
0x83: {  	s30 =	sadd.s32 $0x1, s30;
	_ =	swait.ge [sflag:s19], $0x3100  }
0x84: {  	p0 =	sne.s32 s30, s10;
	[sflag:s19] =	ssyncset.done $0x0  }
.Ltmp1:
0x85: {  	[sflag:s19] =	ssyncadd.s32 $0xFFFFCF00;
	(pc) =	sbr.rel @p0 .LBB2_1-.Ltmp1, $4  }
0x86: {  	[hbm:s9@s21], [sflag:s6] =	dma.strided [spmem:s20@s16], $0x620, s16, $0x1   }
0x87: {  	_ =	swait.ge [sflag:s19], $0x620  }
0x88: {  	[sflag:s19] =	ssyncset.done $0x0  }
0x89: {  	[sflag:s19] =	ssyncadd.s32 $0xFFFFF9E0  }
0x8a: {  	_ =	sfence.sel $0x180000  }
0x8b: {  	[bflag:$0x0] =	sbarrier.arrive $0xFFFF  }
0x8c: {  	_ =	strace $0x90000053  }
0x8d: {  	s0 =	stileid.u32;
	[bflag:$0x2] =	sbarrier.arrive $0xFFFF  }
0x8e: {  	p0 =	sne.s32 s0, $0x0;
	s0 =	rddreg [dreg:$0x3]  }
0x8f: {  	s0 =	sadd.s32 @!p0 $0x100000, s0  }
0x90: {  	[sflag:s0] =	ssyncadd.tile.s32 @!p0 $0x1;
	_ =	shalt  }
.Lfunc_end2:
_tile_overlayer_lowered:
.L_overlay_start_2:
0x91: {  	(tag) =	ssettag $0x2  }
0x92: {  	s0 =	rddreg [dreg:$0x0];
	s2 =	stileid.u32  }
0x93: {  	s1 =	rddreg [dreg:$0x1];
	p0 =	sne.s32 s2, $0x0  }
0x94: {  	s3 =	rddreg [dreg:$0x2];
	[bflag:$0x3] =	sbarrier.arrive $0xFFFF;
	s2 =	simm.s32 @!p0 $0x1C03  }
0x95: {  	[timem:s3], [sflag:s2] =	dma.local @!p0 [hbm:s0], s1  }
0x96: {  	s0 =	simm.s32 @!p0 $0x3  }
0x97: {  	_ =	swait.ge @!p0 [sflag:s0], s1  }
0x98: {  	s1 =	ssub.s32 @!p0 $0x0, s1;
	[sflag:s0] =	ssyncset.done @!p0 $0x0  }
0x99: {  	[sflag:s0] =	ssyncadd.s32 @!p0 s1  }
0x9a: {  	[bflag:$0x3] =	sbarrier.arrive $0xFFFF  }
0x9b: {  	_ =	shalt  }

// kernel: kernel.33.cloned.1.call-start
scs
__scs_entry_jumppad:
0x0: {  	(pc) =	sbr.rel $0x88, $3  }
0x1: {  	(tag) =	ssettag $0x0;
	lr =	simm.s32 $0x1  }
0x2: {  	[smem:$0x3F85] =	sst lr;
	_ =	strace $0xD0000000  }
0x3: {  	_ = 	snop  }
0x4: {  	_ = 	snop  }
0x5: {  	_ = 	snop  }
0x6: {  	_ = 	snop  }
0x7: {  	_ = 	snop  }
__scs_overlays_trampoline_lowered:
0x8: {  	[smem:$0x3F94] =	sst s0  }
0x9: {  	[smem:$0x3F95] =	sst s1  }
0xa: {  	[smem:$0x3F96] =	sst s2  }
0xb: {  	[smem:$0x3F97] =	sst s3  }
0xc: {  	[smem:$0x3F98] =	sst s4  }
0xd: {  	[smem:$0x3F99] =	sst s5  }
0xe: {  	[smem:$0x3F9A] =	sst s6  }
0xf: {  	[smem:$0x3F9B] =	sst s7  }
0x10: {  	[smem:$0x3F9C] =	sst s8  }
0x11: {  	[smem:$0x3F9D] =	sst s9;
	s0 =	simm.s32 @!p0 $0x0  }
0x12: {  	s1 =	sld [smem:$0x3F83];
	s0 =	simm.s32 @p0 $0x1  }
0x13: {  	[smem:$0x3F9E] =	sst s0;
	s0 =	simm.s32 @!p1 $0x0  }
0x14: {  	s2 =	sld [smem:$0x3F82];
	s0 =	simm.s32 @p1 $0x1  }
0x15: {  	[smem:$0x3F9F] =	sst s0;
	s0 =	simm.s32 @!p2 $0x0  }
0x16: {  	s3 =	sld [smem:$0x3FDB];
	s0 =	simm.s32 @p2 $0x1  }
0x17: {  	s4 =	simm.s32 $0x1BF5;
	[smem:$0x3FA1] =	sst s0  }
0x18: {  	s0 =	sld [smem:$0x3F84];
	_ =	swait.ge [sflag:s4], $0x0  }
0x19: {  	s7 =	sld [smem:$0x3F85]  }
0x1a: {  	s8 =	sadd.s32 $0xFFFFE003, lr  }
0x1b: {  	s9 =	sadd.s32 $0xFFFFFEF7, lr;
	s5 =	simm.s32 $0xFFFFFFFF;
	p2 =	slt.u32 s8, $0xFFFFF086  }
0x1c: {  	p1 =	slt.u32 s9, $0xF7A;
	s5 =	simm.s32 @!p2 $0x0  }
0x1d: {  	s5 =	simm.s32 @p1 $0x1;
	p0 =	seq.s32 s7, s2  }
0x1e: {  	s7 =	smul.u32 @!p0 $0xF7A, s2;
	p2 =	seq.s32 @!p0 s5, $0x0  }
0x1f: {  	s9 =	smul.u32 $0xF7A, s1;
	s8 =	simm.s32 @!p0 $0x1BF5;
	p2 =	por !p2, p0  }
0x20: {  	[sflag:s8] =	ssyncset.s32 @!p0 $0xFFFFF086;
	s6 =	sadd.s32 @!p0 s3, s7;
	s7 =	simm.s32 @!p0 $0x108  }
0x21: {  	s3 =	sadd.s32 s3, s9;
	s6 =	sadd.s32 @!p0 $0x88, s6;
	s7 =	simm.s32 @p2 $0x1082  }
0x22: {  	[simem:s7], [sflag:s8] =	dma.local @!p0 [hbm:s6], $0xF7A  }
0x23: {  	s9 =	sor.u32 $0xD0000000, s2;
	s6 =	simm.s32 $0x108;
	_ =	swait.ge @!p0 [sflag:s8], $0x0  }
0x24: {  	s3 =	sadd.s32 $0x88, s3;
	s6 =	simm.s32 @!p1 $0x1082;
	[sflag:s4] =	ssyncset.s32 $0xFFFFF086  }
0x25: {  	[simem:s6], [sflag:s4] =	dma.local [hbm:s3], $0xF7A  }
0x26: {  	[smem:$0x3F85] =	sst s1;
	(tag) =	ssettag s2;
	_ =	strace s9  }
0x27: {  	s1 =	sld [smem:$0x3F95]  }
0x28: {  	s2 =	sld [smem:$0x3F96]  }
0x29: {  	s4 =	sld [smem:$0x3F98]  }
0x2a: {  	p0 =	seq.s32 s5, $0x0;
	s5 =	sld [smem:$0x3F99]  }
0x2b: {  	s6 =	sld [smem:$0x3F9A]  }
0x2c: {  	s7 =	sld [smem:$0x3F9B]  }
0x2d: {  	s3 =	simm.s32 $0x108;
	s8 =	sld [smem:$0x3F9C]  }
0x2e: {  	s3 =	simm.s32 @!p0 $0x1082;
	s9 =	sld [smem:$0x3F9D]  }
0x2f: {  	lr =	sadd.s32 s0, s3;
	s0 =	sld [smem:$0x3F94]  }
0x30: {  	s3 =	sld [smem:$0x3F97]  }
0x31: {  	[smem:$0x3FA0] =	sst s10  }
0x32: {  	s10 =	sld [smem:$0x3F9E];
	_ =	sdelay $0x3  }
0x33: {  	p0 =	seq.s32 s10, $0x1;
	s10 =	sld [smem:$0x3FA0];
	_ =	sdelay $0x3  }
0x34: {  	[smem:$0x3FA0] =	sst s10  }
0x35: {  	s10 =	sld [smem:$0x3F9F];
	_ =	sdelay $0x3  }
0x36: {  	p1 =	seq.s32 s10, $0x1;
	s10 =	sld [smem:$0x3FA0];
	_ =	sdelay $0x3  }
0x37: {  	[smem:$0x3FA0] =	sst s10  }
0x38: {  	s10 =	sld [smem:$0x3FA1]  }
0x39: {  	_ = 	snop;
	(pc) =	sbr.ind lr, $3  }
0x3a: {  	_ = 	snop  }
0x3b: {  	_ = 	snop  }
0x3c: {  	p2 =	seq.s32 s10, $0x1;
	s10 =	sld [smem:$0x3FA0]  }
0x3d: {  	_ =	shalt  }
0x3e: {  	_ =	shalt  }
0x3f: {  	_ =	shalt  }
0x40: {  	_ =	shalt  }
0x41: {  	_ =	shalt  }
0x42: {  	_ =	shalt  }
0x43: {  	_ =	shalt  }
0x44: {  	_ =	shalt  }
0x45: {  	_ =	shalt  }
0x46: {  	_ =	shalt  }
0x47: {  	_ =	shalt  }
0x48: {  	_ =	shalt  }
0x49: {  	_ =	shalt  }
0x4a: {  	_ =	shalt  }
0x4b: {  	_ =	shalt  }
0x4c: {  	_ =	shalt  }
0x4d: {  	_ =	shalt  }
0x4e: {  	_ =	shalt  }
0x4f: {  	_ =	shalt  }
0x50: {  	_ =	shalt  }
0x51: {  	_ =	shalt  }
0x52: {  	_ =	shalt  }
0x53: {  	_ =	shalt  }
0x54: {  	_ =	shalt  }
0x55: {  	_ =	shalt  }
0x56: {  	_ =	shalt  }
0x57: {  	_ =	shalt  }
0x58: {  	_ =	shalt  }
0x59: {  	_ =	shalt  }
0x5a: {  	_ =	shalt  }
0x5b: {  	_ =	shalt  }
0x5c: {  	_ =	shalt  }
0x5d: {  	_ =	shalt  }
0x5e: {  	_ =	shalt  }
0x5f: {  	_ =	shalt  }
0x60: {  	_ =	shalt  }
0x61: {  	_ =	shalt  }
0x62: {  	_ =	shalt  }
0x63: {  	_ =	shalt  }
0x64: {  	_ =	shalt  }
0x65: {  	_ =	shalt  }
0x66: {  	_ =	shalt  }
0x67: {  	_ =	shalt  }
0x68: {  	_ =	shalt  }
0x69: {  	_ =	shalt  }
0x6a: {  	_ =	shalt  }
0x6b: {  	_ =	shalt  }
0x6c: {  	_ =	shalt  }
0x6d: {  	_ =	shalt  }
0x6e: {  	_ =	shalt  }
0x6f: {  	_ =	shalt  }
0x70: {  	_ =	shalt  }
0x71: {  	_ =	shalt  }
0x72: {  	_ =	shalt  }
0x73: {  	_ =	shalt  }
0x74: {  	_ =	shalt  }
0x75: {  	_ =	shalt  }
0x76: {  	_ =	shalt  }
0x77: {  	_ =	shalt  }
0x78: {  	_ =	shalt  }
0x79: {  	_ =	shalt  }
0x7a: {  	_ =	shalt  }
0x7b: {  	_ =	shalt  }
0x7c: {  	_ =	shalt  }
0x7d: {  	_ =	shalt  }
0x7e: {  	_ =	shalt  }
0x7f: {  	_ =	shalt  }
0x80: {  	_ =	shalt  }
0x81: {  	_ =	shalt  }
0x82: {  	_ =	shalt  }
0x83: {  	_ =	shalt  }
0x84: {  	_ =	shalt  }
0x85: {  	_ =	shalt  }
0x86: {  	_ =	shalt  }
0x87: {  	_ =	shalt  }
.Lfunc_end0:
.L_simem_size_0:
called_computation.6_lowered:
.L_overlay_start_0:
0x88: {  	s2 =	sld [smem:$0x3FD9]  }
0x89: {  	s3 =	sld [smem:$0x3FFE];
	_ =	sdelay $0x1  }
0x8a: {  	s1 =	srdreg.scid  }
0x8b: {  	s0 =	sand.u32 $0x1, s1  }
0x8c: {  	s15 =	sshll.u32 s0, $0xA;
	s2 =	sadd.s32 s3, s2  }
0x8d: {  	s2 =	sadd.s32 s2, s15  }
0x8e: {  	[smem:$0x3FAC] =	sst s2  }
0x8f: {  	_ = 	snop  }
0x90: {  	s2 =	sld [smem:$0x3FD0];
	_ =	sdelay $0x2  }
0x91: {  	s16 =	simm.s32 $0xC;
	s4 =	simm.s32 $0x10  }
0x92: {  	[smem:s4], [sflag:s16] =	dma.local [hbm:s2], $0x1  }
0x93: {  	_ =	swait.eq [sflag:s16], $0x1  }
0x94: {  	[sflag:s16] =	ssyncset.done $0x0  }
0x95: {  	[sflag:s16] =	ssyncadd.s32 $0xFFFFFFFF  }
0x96: {  	s17 =	sld [smem:$0x11];
	(tm) =	ssettm $0x1  }
0x97: {  	s18 =	sld [smem:$0x3FFB];
	_ =	sdelay $0x3  }
0x98: {  	_ =	strace s18  }
0x99: {  	s2 =	sld [smem:$0x3FFC];
	_ =	sdelay $0x3  }
0x9a: {  	_ =	strace s2  }
0x9b: {  	s2 =	sld [smem:$0x3FFD];
	_ =	sdelay $0x3  }
0x9c: {  	_ =	strace s2  }
0x9d: {  	_ =	strace $0x8FFFFFFF  }
0x9e: {  	s19 =	sld [smem:$0x3FDB];
	_ =	sdelay $0x1  }
0x9f: {  	s20 =	simm.s32 $_scs_section_size  }
0xa0: {  	s5 =	simm.s32 $_size__tile_overlayer_lowered;
	s6 =	simm.s32 $_tile_overlayer_lowered  }
0xa1: {  	s7 =	simm.s32 $0x1BFF;
	s21 =	sshll.u32 s6, $0x1;
	s4 =	sadd.s32 s20, s19  }
0xa2: {  	s22 =	simm.s32 $0x0;
	s5 =	sshll.u32 s5, $0x1;
	s6 =	sadd.s32 s21, s4  }
0xa3: {  	[timem:s22], [sflag:s7] =	dma.local [hbm:s6], s5  }
0xa4: {  	_ =	swait.ge [sflag:s7], s5  }
0xa5: {  	s5 =	ssub.s32 $0x0, s5;
	[sflag:s7] =	ssyncset.done $0x0  }
0xa6: {  	[sflag:s7] =	ssyncadd.s32 s5;
	_ =	sdelay $0x1  }
0xa7: {  	s23 =	simm.s32 $0x1B8B  }
0xa8: {  	_ =	swait.ge [sflag:s23], $0x1  }
0xa9: {  	[sflag:s23] =	ssyncset.done $0x0  }
0xaa: {  	[sflag:s23] =	ssyncadd.s32 $0xFFFFFFFF  }
0xab: {  	s5 =	sld [smem:$0x0]  }
0xac: {  	s6 =	sand.u32 $0xFFFFFFFE, s1  }
0xad: {  	p0 =	sne.s32 s1, s6  }
0xae: {  	s6 =	sshll.u32 @p0 s6, $0xE  }
0xaf: {  	s6 =	sadd.s32 @p0 $0x11B8D, s6;
	s7 =	sshll.u32 @p0 s5, $0x11  }
0xb0: {  	s6 =	sor.u32 @p0 s7, s6  }
0xb1: {  	[sflag:s6] =	ssyncadd.remote.s32 @p0 $0x1;
	_ =	sdelay $0x1  }
0xb2: {  	s6 =	simm.s32 @p0 $0x1B8D  }
0xb3: {  	_ =	swait.eq @p0 [sflag:s6], $0x1  }
0xb4: {  	[sflag:s6] =	ssyncadd.s32 @p0 $0xFFFFFFFF  }
0xb5: {  	s7 =	sshll.u32 @!p0 s1, $0xE  }
0xb6: {  	s7 =	sor.u32 @!p0 $0x4000, s7;
	s6 =	simm.s32 @!p0 $0x1B8D  }
0xb7: {  	s5 =	sshll.u32 @!p0 s5, $0x11;
	s7 =	sadd.s32 @!p0 $0x11B8D, s7;
	_ =	swait.eq @!p0 [sflag:s6], $0x1  }
0xb8: {  	s5 =	sor.u32 @!p0 s5, s7;
	[sflag:s6] =	ssyncadd.s32 @!p0 $0xFFFFFFFF  }
0xb9: {  	s25 =	simm.s32 $0x1B8E;
	s24 =	sld [smem:$0x3FFE];
	[sflag:s5] =	ssyncadd.remote.s32 @!p0 $0x1  }
0xba: {  	s26 =	simm.s32 $execute0_lowered;
	[smem:$0x3FD2] =	sst s25  }
0xbb: {  	s6 =	sshll.u32 s26, $0x1;
	_ =	strace $0x80000058;
	[dreg:$0x1] =	wrdreg $0xFFFFFFFF  }
0xbc: {  	s28 =	simm.s32 $_size_execute0_lowered;
	s4 =	sadd.s32 s4, s6;
	[dreg:$0x0] =	wrdreg $0x0  }
0xbd: {  	s6 =	sshll.u32 s28, $0x1;
	[dreg:$0x2] =	wrdreg s4  }
0xbe: {  	[dreg:$0x3] =	wrdreg s6  }
0xbf: {  	[dreg:$0x4] =	wrdreg $0xC0  }
0xc0: {  	_ =	task [dreg:s22], $0x5FFFF  }
0xc1: {  	[dreg:$0x1] =	wrdreg $0xFFFFFFFF  }
0xc2: {  	[dreg:$0x0] =	wrdreg $0x60  }
0xc3: {  	[dreg:$0x2] =	wrdreg s24  }
0xc4: {  	[dreg:$0x3] =	wrdreg s17  }
0xc5: {  	[dreg:$0x4] =	wrdreg $0x3FE00  }
0xc6: {  	[dreg:$0x5] =	wrdreg $0x1C7E00  }
0xc7: {  	[dreg:$0x6] =	wrdreg $0x9  }
0xc8: {  	_ =	task.clear_ibuf [dreg:s22], $0x7FFFF;
	_ =	strace $0x90000058  }
0xc9: {  	s29 =	simm.s32 $0x9;
	_ =	strace $0x8000005A  }
0xca: {  	_ =	swait.ge [sflag:s29], $0x1  }
0xcb: {  	[sflag:s29] =	ssyncadd.s32 $0xFFFFFFFF  }
0xcc: {  	_ =	strace $0x9000005A  }
0xcd: {  	_ =	sfence  }
0xce: {  	s30 =	sld [smem:$0x0];
	_ =	sdelay $0x2  }
0xcf: {  	s31 =	sshll.u32 s1, $0xD;
	s1 =	sshrl.u32 s1, $0x2  }
0xd0: {  	s4 =	sand.u32 $0x4000, s31;
	s1 =	sadd.s32 s1, s30  }
0xd1: {  	s0 =	sor.u32 s4, s0;
	s1 =	sshll.u32 s1, $0x11  }
0xd2: {  	s0 =	sor.u32 s1, s0  }
0xd3: {  	s0 =	sadd.s32 $0x8F2B, s0  }
0xd4: {  	[sflag:s0] =	ssyncadd.remote.s32 $0x1  }
0xd5: {  	_ =	sfence.sel $0xFFFF  }
0xd6: {  	[dreg:$0x0] =	wrdreg $0xFFFFFFFF;
	(pc) =	sbr.abs _section_cstart, $3  }
0xd7: {  	[dreg:$0x1] =	wrdreg $0xFFFFFFFF  }
0xd8: {  	_ =	task.clear_ibuf [dreg:s22], $0x2FFFF;
	_ =	strace $0x9FFFFFFF  }
0xd9: {  	(tm) =	ssettm $0x7FFFFFFF  }
tec
execute0_lowered:
.L_overlay_start_1:
0x0: {  	(tag) =	ssettag $0x1  }
0x1: {  	s0 =	rddreg [dreg:$0x0]  }
0x2: {  	s1 =	rddreg [dreg:$0x1]  }
0x3: {  	s2 =	rddreg [dreg:$0x2];
	s17 =	stileid.u32  }
0x4: {  	s3 =	rddreg [dreg:$0x3];
	s6 =	smul.u32 $0x31000, s17  }
0x5: {  	s5 =	srdreg.scid;
	s4 =	simm.s32 $0x0;
	s7 =	smul.u32 $0x540, s17  }
0x6: {  	s28 =	simm.s32 $0x2060;
	s29 =	simm.s32 $0x3C60;
	s8 =	smul.u32 $0xC40, s17  }
0x7: {  	s30 =	simm.s32 $0x0;
	s5 =	sand.u32 $0x1, s5;
	s9 =	smul.u32 $0x62000, s17  }
0x8: {  	[smem:$0x7FF] =	sst s4;
	s12 =	sadd.s32 $0x1240A00, s0;
	s21 =	smul.u32 $0xC400, s17  }
0x9: {  	s23 =	sshll.u32 s17, $0x6;
	s10 =	sshll.u32 s5, $0x6;
	_ =	strace $0x80000059  }
0xa: {  	s18 =	ssub.s32 $0x2, s5;
	s6 =	sor.u32 s10, s6;
	s13 =	sadd.s32 s7, s0  }
0xb: {  	s16 =	sor.u32 s5, s8;
	s19 =	sshrl.u32 s18, $0x1;
	s20 =	sshrl.u32 s9, $0x2  }
0xc: {  	s7 =	sshrl.u32 s21, $0x2;
	s21 =	simm.s32 $0x2;
	s6 =	sshrl.u32 s6, $0x3  }
0xd: {  	s14 =	ssub.s32 s18, s19;
	s15 =	sadd.s32 s20, s2;
	s20 =	sadd.s32 s7, s3  }
0xe: {  	s18 =	simm.s32 $0x10;
	s19 =	simm.s32 $0x3;
	s11 =	sadd.s32 s6, s0  }
0xf: {  	s0 =	sadd.s32 s16, s0;
	s6 =	sor.u32 $0x1C03, s23;
	s16 =	smul.u32 $0x150000, s17  }
0x10: {  	s17 =	smul.u32 $0x5400, s17;
	s15 =	sshrl.u32 s15, $0x3;
	s22 =	sadd.s32 $0x51200, s11  }
0x11: {  	s20 =	sshrl.u32 s20, $0x3;
	s24 =	sadd.s32 $0xB3200, s0;
	[dreg:$0x5] =	wrdreg s22  }
0x12: {  	s23 =	simm.s32 $0x80;
	s25 =	sadd.s32 $0xC0A00, s11;
	[dreg:$0x6] =	wrdreg s24  }
0x13: {  	s9 =	sadd.s32 $0x122A00, s0;
	[dreg:$0x7] =	wrdreg s25;
	s26 =	sor.u32 s10, s16  }
0x14: {  	s10 =	smax.u32 s14, $0x1;
	s1 =	sadd.s32 s17, s1;
	s16 =	simm.s32 $0x1  }
0x15: {  	s17 =	simm.s32 $0x8;
	s22 =	simm.s32 $0x40;
	s24 =	simm.s32 $0x70  }
0x16: {  	s25 =	simm.s32 $0x1C70;
	s31 =	sor.u32 $0x3800, s26;
	s11 =	sadd.s32 s5, s1  }
0x17: {  	s0 =	sshrl.u32 s26, $0x3;
	s5 =	sadd.s32 $0x170000, s13;
	s14 =	sshrl.u32 s31, $0x3  }
0x18: {  	s26 =	simm.s32 $0x1FF0;
	s1 =	sadd.s32 s0, s12;
	s14 =	sadd.s32 s14, s12  }
.LBB2_1:
0x19: {  	s0 =	rddreg [dreg:$0x5]  }
0x1a: {  	[spmem:s15@s17], [sflag:s6] =	dma.strided [hbm:s0@s18], $0x3100, s16, $0x8   }
0x1b: {  	_ =	swait.ge [sflag:s19], $0x3100  }
0x1c: {  	[sflag:s19] =	ssyncset.done $0x0  }
0x1d: {  	s12 =	rddreg [dreg:$0x6];
	[sflag:s19] =	ssyncadd.s32 $0xFFFFCF00  }
0x1e: {  	[spmem:s20@s16], [sflag:s6] =	dma.strided [hbm:s12@s21], $0x620, s16, $0x1   }
0x1f: {  	_ =	swait.ge [sflag:s19], $0x620  }
0x20: {  	[sflag:s19] =	ssyncset.done $0x0  }
0x21: {  	[sflag:s19] =	ssyncadd.s32 $0xFFFFF9E0  }
0x22: {  	[bflag:$0x0] =	sbarrier.arrive $0xFFFF  }
0x23: {  	[tilespmem:s4], [sflag:$0x1] =	stream.linear.gather [hbm4b:s5+s4], $0x70, $0x38;
	[tilespmem:$0x1F8E0] =	vst v63  }
0x24: {  	_ = 	snop  }
0x25: {  	[tilespmem:s24], [sflag:$0x1] =	stream.strided.gather [hbm4b:s1+s22], $0x1C00, s23, s22, $0x38;
	[tilespmem:$0x1F8E0] =	vst v63  }
0x26: {  	s13 =	sadd.s32 $0x0, s11  }
0x27: {  	[tilespmem:s25], [sflag:$0x1] =	stream.strided.gather [hbm4b:s13+s17], $0x380, s18, s17, $0x38;
	[tilespmem:$0x1F8E0] =	vst v63  }
0x28: {  	s12 =	sadd.s32 $0xE, s5  }
0x29: {  	[tilespmem:s26], [sflag:$0x1] =	stream.linear.gather [hbm4b:s12+s4], $0x70, $0x38;
	[tilespmem:$0x1F8E0] =	vst v63  }
0x2a: {  	_ = 	snop  }
0x2b: {  	[tilespmem:s28], [sflag:$0x1] =	stream.strided.gather [hbm4b:s14+s22], $0x1C00, s23, s22, $0x38;
	[tilespmem:$0x1F8E0] =	vst v63  }
0x2c: {  	s0 =	sadd.s32 $0xE0, s13  }
0x2d: {  	[tilespmem:s29], [sflag:$0x1] =	stream.strided.gather [hbm4b:s0+s17], $0x380, s18, s17, $0x38;
	[tilespmem:$0x1F8E0] =	vst v63  }
0x2e: {  	_ =	swait.ge [sflag:s16], $0x70  }
0x2f: {  	[sflag:s16] =	ssyncset.done $0x0  }
0x30: {  	[sflag:s16] =	ssyncadd.s32 $0xFFFFFF90  }
0x31: {  	_ =	swait.ge [sflag:s16], $0x1C00  }
0x32: {  	[sflag:s16] =	ssyncset.done $0x0  }
0x33: {  	[sflag:s16] =	ssyncadd.s32 $0xFFFFE400  }
0x34: {  	_ =	swait.ge [sflag:s16], $0x380  }
0x35: {  	[sflag:s16] =	ssyncset.done $0x0  }
0x36: {  	[sflag:s16] =	ssyncadd.s32 $0xFFFFFC80  }
0x37: {  	[spmem:s2] =	stream.indirect.scatter.add.f32 [tilespmem:s24], [sflag:$0x2], $0x40, s4, s24, $0xb8;
	[tilespmem:$0x1F8E0] =	vst v63  }
0x38: {  	_ = 	snop  }
0x39: {  	[spmem:s3] =	stream.indirect.scatter.add.f32 [tilespmem:s25], [sflag:$0x2], $0x8, s4, s24, $0xb8;
	[tilespmem:$0x1F8E0] =	vst v63  }
0x3a: {  	_ =	swait.ge [sflag:s16], $0x70  }
0x3b: {  	[sflag:s16] =	ssyncset.done $0x0  }
0x3c: {  	[sflag:s16] =	ssyncadd.s32 $0xFFFFFF90  }
0x3d: {  	_ =	swait.ge [sflag:s16], $0x1C00  }
0x3e: {  	[sflag:s16] =	ssyncset.done $0x0  }
0x3f: {  	[sflag:s16] =	ssyncadd.s32 $0xFFFFE400  }
0x40: {  	_ =	swait.ge [sflag:s16], $0x380  }
0x41: {  	[sflag:s16] =	ssyncset.done $0x0  }
0x42: {  	[sflag:s16] =	ssyncadd.s32 $0xFFFFFC80  }
0x43: {  	_ =	swait.ge [sflag:s21], $0x1C00  }
0x44: {  	[sflag:s21] =	ssyncset.done $0x0  }
0x45: {  	[sflag:s21] =	ssyncadd.s32 $0xFFFFE400  }
0x46: {  	_ =	swait.ge [sflag:s21], $0x380  }
0x47: {  	[sflag:s21] =	ssyncset.done $0x0  }
0x48: {  	[sflag:s21] =	ssyncadd.s32 $0xFFFFFC80  }
0x49: {  	[spmem:s2] =	stream.indirect.scatter.add.f32 [tilespmem:s28], [sflag:$0x2], $0x40, s26, s24, $0xb8;
	[tilespmem:$0x1F8E0] =	vst v63  }
0x4a: {  	_ = 	snop  }
0x4b: {  	[spmem:s3] =	stream.indirect.scatter.add.f32 [tilespmem:s29], [sflag:$0x2], $0x8, s26, s24, $0xb8;
	[tilespmem:$0x1F8E0] =	vst v63  }
0x4c: {  	_ =	swait.ge [sflag:s21], $0x1C00  }
0x4d: {  	[sflag:s21] =	ssyncset.done $0x0  }
0x4e: {  	[sflag:s21] =	ssyncadd.s32 $0xFFFFE400  }
0x4f: {  	s31 =	simm.s32 $0x1C0;
	s13 =	smov.u32 s5;
	_ =	swait.ge [sflag:s21], $0x380  }
0x50: {  	s12 =	smov.u32 s1;
	s0 =	sadd.s32 $0xE00, s14;
	[sflag:s21] =	ssyncset.done $0x0  }
.LBB2_2:
0x51: {  	[sflag:s21] =	ssyncadd.s32 $0xFFFFFC80;
	s12 =	sadd.s32 $0xE00, s12;
	s13 =	sadd.s32 $0x1C, s13  }
0x52: {  	[tilespmem:s4], [sflag:$0x1] =	stream.linear.gather [hbm4b:s13+s4], $0x70, $0x38;
	[tilespmem:$0x1F8E0] =	vst v63  }
0x53: {  	p0 =	sne.s32 s31, $0x5240;
	s7 =	smov.u32 s31;
	s31 =	sadd.s32 $0x1C0, s31  }
0x54: {  	[tilespmem:s24], [sflag:$0x1] =	stream.strided.gather [hbm4b:s12+s22], $0x1C00, s23, s22, $0x38;
	[tilespmem:$0x1F8E0] =	vst v63  }
0x55: {  	s7 =	sadd.s32 s7, s11  }
0x56: {  	[tilespmem:s25], [sflag:$0x1] =	stream.strided.gather [hbm4b:s7+s17], $0x380, s18, s17, $0x38;
	[tilespmem:$0x1F8E0] =	vst v63  }
0x57: {  	s8 =	sadd.s32 $0xE, s13  }
0x58: {  	[tilespmem:s26], [sflag:$0x1] =	stream.linear.gather [hbm4b:s8+s4], $0x70, $0x38;
	[tilespmem:$0x1F8E0] =	vst v63  }
0x59: {  	_ = 	snop  }
0x5a: {  	[tilespmem:s28], [sflag:$0x1] =	stream.strided.gather [hbm4b:s0+s22], $0x1C00, s23, s22, $0x38;
	[tilespmem:$0x1F8E0] =	vst v63  }
0x5b: {  	s7 =	sadd.s32 $0xE0, s7  }
0x5c: {  	[tilespmem:s29], [sflag:$0x1] =	stream.strided.gather [hbm4b:s7+s17], $0x380, s18, s17, $0x38;
	[tilespmem:$0x1F8E0] =	vst v63  }
0x5d: {  	_ =	swait.ge [sflag:s16], $0x70  }
0x5e: {  	[sflag:s16] =	ssyncset.done $0x0  }
0x5f: {  	[sflag:s16] =	ssyncadd.s32 $0xFFFFFF90  }
0x60: {  	_ =	swait.ge [sflag:s16], $0x1C00  }
0x61: {  	[sflag:s16] =	ssyncset.done $0x0  }
0x62: {  	[sflag:s16] =	ssyncadd.s32 $0xFFFFE400  }
0x63: {  	_ =	swait.ge [sflag:s16], $0x380  }
0x64: {  	[sflag:s16] =	ssyncset.done $0x0  }
0x65: {  	[sflag:s16] =	ssyncadd.s32 $0xFFFFFC80  }
0x66: {  	[spmem:s2] =	stream.indirect.scatter.add.f32 [tilespmem:s24], [sflag:$0x2], $0x40, s4, s24, $0xb8;
	[tilespmem:$0x1F8E0] =	vst v63  }
0x67: {  	_ = 	snop  }
0x68: {  	[spmem:s3] =	stream.indirect.scatter.add.f32 [tilespmem:s25], [sflag:$0x2], $0x8, s4, s24, $0xb8;
	[tilespmem:$0x1F8E0] =	vst v63  }
0x69: {  	_ =	swait.ge [sflag:s16], $0x70  }
0x6a: {  	[sflag:s16] =	ssyncset.done $0x0  }
0x6b: {  	[sflag:s16] =	ssyncadd.s32 $0xFFFFFF90  }
0x6c: {  	_ =	swait.ge [sflag:s16], $0x1C00  }
0x6d: {  	[sflag:s16] =	ssyncset.done $0x0  }
0x6e: {  	[sflag:s16] =	ssyncadd.s32 $0xFFFFE400  }
0x6f: {  	_ =	swait.ge [sflag:s16], $0x380  }
0x70: {  	[sflag:s16] =	ssyncset.done $0x0  }
0x71: {  	[sflag:s16] =	ssyncadd.s32 $0xFFFFFC80  }
0x72: {  	_ =	swait.ge [sflag:s21], $0x1C00  }
0x73: {  	[sflag:s21] =	ssyncset.done $0x0  }
0x74: {  	[sflag:s21] =	ssyncadd.s32 $0xFFFFE400  }
0x75: {  	_ =	swait.ge [sflag:s21], $0x380  }
0x76: {  	[sflag:s21] =	ssyncset.done $0x0  }
0x77: {  	[sflag:s21] =	ssyncadd.s32 $0xFFFFFC80  }
0x78: {  	[spmem:s2] =	stream.indirect.scatter.add.f32 [tilespmem:s28], [sflag:$0x2], $0x40, s26, s24, $0xb8;
	[tilespmem:$0x1F8E0] =	vst v63  }
0x79: {  	_ = 	snop  }
0x7a: {  	[spmem:s3] =	stream.indirect.scatter.add.f32 [tilespmem:s29], [sflag:$0x2], $0x8, s26, s24, $0xb8;
	[tilespmem:$0x1F8E0] =	vst v63  }
.Ltmp0:
0x7b: {  	_ =	swait.ge [sflag:s21], $0x1C00;
	(pc) =	sbr.rel @p0 .LBB2_2-.Ltmp0, $4  }
0x7c: {  	[sflag:s21] =	ssyncset.done $0x0  }
0x7d: {  	[sflag:s21] =	ssyncadd.s32 $0xFFFFE400  }
0x7e: {  	_ =	swait.ge [sflag:s21], $0x380  }
0x7f: {  	s0 =	sadd.s32 $0xE00, s0;
	[sflag:s21] =	ssyncset.done $0x0  }
0x80: {  	[sflag:s21] =	ssyncadd.s32 $0xFFFFFC80  }
0x81: {  	[bflag:$0x0] =	sbarrier.arrive $0xFFFF  }
0x82: {  	s0 =	rddreg [dreg:$0x7]  }
0x83: {  	[hbm:s0@s18], [sflag:s6] =	dma.strided [spmem:s15@s17], $0x3100, s16, $0x8   }
0x84: {  	s30 =	sadd.s32 $0x1, s30;
	_ =	swait.ge [sflag:s19], $0x3100  }
0x85: {  	p0 =	sne.s32 s30, s10;
	[sflag:s19] =	ssyncset.done $0x0  }
.Ltmp1:
0x86: {  	[sflag:s19] =	ssyncadd.s32 $0xFFFFCF00;
	(pc) =	sbr.rel @p0 .LBB2_1-.Ltmp1, $4  }
0x87: {  	[hbm:s9@s21], [sflag:s6] =	dma.strided [spmem:s20@s16], $0x620, s16, $0x1   }
0x88: {  	_ =	swait.ge [sflag:s19], $0x620  }
0x89: {  	[sflag:s19] =	ssyncset.done $0x0  }
0x8a: {  	[sflag:s19] =	ssyncadd.s32 $0xFFFFF9E0  }
0x8b: {  	_ =	sfence.sel $0x180000  }
0x8c: {  	[bflag:$0x0] =	sbarrier.arrive $0xFFFF  }
0x8d: {  	_ =	strace $0x90000059  }
0x8e: {  	s0 =	stileid.u32;
	[bflag:$0x2] =	sbarrier.arrive $0xFFFF  }
0x8f: {  	p0 =	sne.s32 s0, $0x0;
	s0 =	rddreg [dreg:$0x4]  }
0x90: {  	s0 =	sadd.s32 @!p0 $0x100000, s0  }
0x91: {  	[sflag:s0] =	ssyncadd.tile.s32 @!p0 $0x1;
	_ =	shalt  }
.Lfunc_end2:
_tile_overlayer_lowered:
.L_overlay_start_2:
0x92: {  	(tag) =	ssettag $0x2  }
0x93: {  	s0 =	rddreg [dreg:$0x0];
	s2 =	stileid.u32  }
0x94: {  	s1 =	rddreg [dreg:$0x1];
	p0 =	sne.s32 s2, $0x0  }
0x95: {  	s3 =	rddreg [dreg:$0x2];
	[bflag:$0x3] =	sbarrier.arrive $0xFFFF;
	s2 =	simm.s32 @!p0 $0x1C03  }
0x96: {  	[timem:s3], [sflag:s2] =	dma.local @!p0 [hbm:s0], s1  }
0x97: {  	s0 =	simm.s32 @!p0 $0x3  }
0x98: {  	_ =	swait.ge @!p0 [sflag:s0], s1  }
0x99: {  	s1 =	ssub.s32 @!p0 $0x0, s1;
	[sflag:s0] =	ssyncset.done @!p0 $0x0  }
0x9a: {  	[sflag:s0] =	ssyncadd.s32 @!p0 s1  }
0x9b: {  	[bflag:$0x3] =	sbarrier.arrive $0xFFFF  }
0x9c: {  	_ =	shalt  }

// kernel: kernel.36.cloned.1.call-start
scs
__scs_entry_jumppad:
0x0: {  	(pc) =	sbr.rel $0x88, $3  }
0x1: {  	(tag) =	ssettag $0x0;
	lr =	simm.s32 $0x1  }
0x2: {  	[smem:$0x3F85] =	sst lr;
	_ =	strace $0xD0000000  }
0x3: {  	_ = 	snop  }
0x4: {  	_ = 	snop  }
0x5: {  	_ = 	snop  }
0x6: {  	_ = 	snop  }
0x7: {  	_ = 	snop  }
__scs_overlays_trampoline_lowered:
0x8: {  	[smem:$0x3F94] =	sst s0  }
0x9: {  	[smem:$0x3F95] =	sst s1  }
0xa: {  	[smem:$0x3F96] =	sst s2  }
0xb: {  	[smem:$0x3F97] =	sst s3  }
0xc: {  	[smem:$0x3F98] =	sst s4  }
0xd: {  	[smem:$0x3F99] =	sst s5  }
0xe: {  	[smem:$0x3F9A] =	sst s6  }
0xf: {  	[smem:$0x3F9B] =	sst s7  }
0x10: {  	[smem:$0x3F9C] =	sst s8  }
0x11: {  	[smem:$0x3F9D] =	sst s9;
	s0 =	simm.s32 @!p0 $0x0  }
0x12: {  	s1 =	sld [smem:$0x3F83];
	s0 =	simm.s32 @p0 $0x1  }
0x13: {  	[smem:$0x3F9E] =	sst s0;
	s0 =	simm.s32 @!p1 $0x0  }
0x14: {  	s2 =	sld [smem:$0x3F82];
	s0 =	simm.s32 @p1 $0x1  }
0x15: {  	[smem:$0x3F9F] =	sst s0;
	s0 =	simm.s32 @!p2 $0x0  }
0x16: {  	s3 =	sld [smem:$0x3FDB];
	s0 =	simm.s32 @p2 $0x1  }
0x17: {  	s4 =	simm.s32 $0x1BF5;
	[smem:$0x3FA1] =	sst s0  }
0x18: {  	s0 =	sld [smem:$0x3F84];
	_ =	swait.ge [sflag:s4], $0x0  }
0x19: {  	s7 =	sld [smem:$0x3F85]  }
0x1a: {  	s8 =	sadd.s32 $0xFFFFE003, lr  }
0x1b: {  	s9 =	sadd.s32 $0xFFFFFEF7, lr;
	s5 =	simm.s32 $0xFFFFFFFF;
	p2 =	slt.u32 s8, $0xFFFFF086  }
0x1c: {  	p1 =	slt.u32 s9, $0xF7A;
	s5 =	simm.s32 @!p2 $0x0  }
0x1d: {  	s5 =	simm.s32 @p1 $0x1;
	p0 =	seq.s32 s7, s2  }
0x1e: {  	s7 =	smul.u32 @!p0 $0xF7A, s2;
	p2 =	seq.s32 @!p0 s5, $0x0  }
0x1f: {  	s9 =	smul.u32 $0xF7A, s1;
	s8 =	simm.s32 @!p0 $0x1BF5;
	p2 =	por !p2, p0  }
0x20: {  	[sflag:s8] =	ssyncset.s32 @!p0 $0xFFFFF086;
	s6 =	sadd.s32 @!p0 s3, s7;
	s7 =	simm.s32 @!p0 $0x108  }
0x21: {  	s3 =	sadd.s32 s3, s9;
	s6 =	sadd.s32 @!p0 $0x88, s6;
	s7 =	simm.s32 @p2 $0x1082  }
0x22: {  	[simem:s7], [sflag:s8] =	dma.local @!p0 [hbm:s6], $0xF7A  }
0x23: {  	s9 =	sor.u32 $0xD0000000, s2;
	s6 =	simm.s32 $0x108;
	_ =	swait.ge @!p0 [sflag:s8], $0x0  }
0x24: {  	s3 =	sadd.s32 $0x88, s3;
	s6 =	simm.s32 @!p1 $0x1082;
	[sflag:s4] =	ssyncset.s32 $0xFFFFF086  }
0x25: {  	[simem:s6], [sflag:s4] =	dma.local [hbm:s3], $0xF7A  }
0x26: {  	[smem:$0x3F85] =	sst s1;
	(tag) =	ssettag s2;
	_ =	strace s9  }
0x27: {  	s1 =	sld [smem:$0x3F95]  }
0x28: {  	s2 =	sld [smem:$0x3F96]  }
0x29: {  	s4 =	sld [smem:$0x3F98]  }
0x2a: {  	p0 =	seq.s32 s5, $0x0;
	s5 =	sld [smem:$0x3F99]  }
0x2b: {  	s6 =	sld [smem:$0x3F9A]  }
0x2c: {  	s7 =	sld [smem:$0x3F9B]  }
0x2d: {  	s3 =	simm.s32 $0x108;
	s8 =	sld [smem:$0x3F9C]  }
0x2e: {  	s3 =	simm.s32 @!p0 $0x1082;
	s9 =	sld [smem:$0x3F9D]  }
0x2f: {  	lr =	sadd.s32 s0, s3;
	s0 =	sld [smem:$0x3F94]  }
0x30: {  	s3 =	sld [smem:$0x3F97]  }
0x31: {  	[smem:$0x3FA0] =	sst s10  }
0x32: {  	s10 =	sld [smem:$0x3F9E];
	_ =	sdelay $0x3  }
0x33: {  	p0 =	seq.s32 s10, $0x1;
	s10 =	sld [smem:$0x3FA0];
	_ =	sdelay $0x3  }
0x34: {  	[smem:$0x3FA0] =	sst s10  }
0x35: {  	s10 =	sld [smem:$0x3F9F];
	_ =	sdelay $0x3  }
0x36: {  	p1 =	seq.s32 s10, $0x1;
	s10 =	sld [smem:$0x3FA0];
	_ =	sdelay $0x3  }
0x37: {  	[smem:$0x3FA0] =	sst s10  }
0x38: {  	s10 =	sld [smem:$0x3FA1]  }
0x39: {  	_ = 	snop;
	(pc) =	sbr.ind lr, $3  }
0x3a: {  	_ = 	snop  }
0x3b: {  	_ = 	snop  }
0x3c: {  	p2 =	seq.s32 s10, $0x1;
	s10 =	sld [smem:$0x3FA0]  }
0x3d: {  	_ =	shalt  }
0x3e: {  	_ =	shalt  }
0x3f: {  	_ =	shalt  }
0x40: {  	_ =	shalt  }
0x41: {  	_ =	shalt  }
0x42: {  	_ =	shalt  }
0x43: {  	_ =	shalt  }
0x44: {  	_ =	shalt  }
0x45: {  	_ =	shalt  }
0x46: {  	_ =	shalt  }
0x47: {  	_ =	shalt  }
0x48: {  	_ =	shalt  }
0x49: {  	_ =	shalt  }
0x4a: {  	_ =	shalt  }
0x4b: {  	_ =	shalt  }
0x4c: {  	_ =	shalt  }
0x4d: {  	_ =	shalt  }
0x4e: {  	_ =	shalt  }
0x4f: {  	_ =	shalt  }
0x50: {  	_ =	shalt  }
0x51: {  	_ =	shalt  }
0x52: {  	_ =	shalt  }
0x53: {  	_ =	shalt  }
0x54: {  	_ =	shalt  }
0x55: {  	_ =	shalt  }
0x56: {  	_ =	shalt  }
0x57: {  	_ =	shalt  }
0x58: {  	_ =	shalt  }
0x59: {  	_ =	shalt  }
0x5a: {  	_ =	shalt  }
0x5b: {  	_ =	shalt  }
0x5c: {  	_ =	shalt  }
0x5d: {  	_ =	shalt  }
0x5e: {  	_ =	shalt  }
0x5f: {  	_ =	shalt  }
0x60: {  	_ =	shalt  }
0x61: {  	_ =	shalt  }
0x62: {  	_ =	shalt  }
0x63: {  	_ =	shalt  }
0x64: {  	_ =	shalt  }
0x65: {  	_ =	shalt  }
0x66: {  	_ =	shalt  }
0x67: {  	_ =	shalt  }
0x68: {  	_ =	shalt  }
0x69: {  	_ =	shalt  }
0x6a: {  	_ =	shalt  }
0x6b: {  	_ =	shalt  }
0x6c: {  	_ =	shalt  }
0x6d: {  	_ =	shalt  }
0x6e: {  	_ =	shalt  }
0x6f: {  	_ =	shalt  }
0x70: {  	_ =	shalt  }
0x71: {  	_ =	shalt  }
0x72: {  	_ =	shalt  }
0x73: {  	_ =	shalt  }
0x74: {  	_ =	shalt  }
0x75: {  	_ =	shalt  }
0x76: {  	_ =	shalt  }
0x77: {  	_ =	shalt  }
0x78: {  	_ =	shalt  }
0x79: {  	_ =	shalt  }
0x7a: {  	_ =	shalt  }
0x7b: {  	_ =	shalt  }
0x7c: {  	_ =	shalt  }
0x7d: {  	_ =	shalt  }
0x7e: {  	_ =	shalt  }
0x7f: {  	_ =	shalt  }
0x80: {  	_ =	shalt  }
0x81: {  	_ =	shalt  }
0x82: {  	_ =	shalt  }
0x83: {  	_ =	shalt  }
0x84: {  	_ =	shalt  }
0x85: {  	_ =	shalt  }
0x86: {  	_ =	shalt  }
0x87: {  	_ =	shalt  }
.Lfunc_end0:
.L_simem_size_0:
called_computation.7_lowered:
.L_overlay_start_0:
0x88: {  	s2 =	sld [smem:$0x3FD9]  }
0x89: {  	s3 =	sld [smem:$0x3FFE];
	_ =	sdelay $0x1  }
0x8a: {  	s1 =	srdreg.scid  }
0x8b: {  	s0 =	sand.u32 $0x1, s1  }
0x8c: {  	s14 =	sshll.u32 s0, $0xA;
	s2 =	sadd.s32 s3, s2  }
0x8d: {  	s2 =	sadd.s32 s2, s14  }
0x8e: {  	[smem:$0x3FAC] =	sst s2  }
0x8f: {  	_ = 	snop  }
0x90: {  	s2 =	sld [smem:$0x3FD0];
	_ =	sdelay $0x2  }
0x91: {  	s15 =	simm.s32 $0xC;
	s4 =	simm.s32 $0x10  }
0x92: {  	[smem:s4], [sflag:s15] =	dma.local [hbm:s2], $0x1  }
0x93: {  	_ =	swait.eq [sflag:s15], $0x1  }
0x94: {  	[sflag:s15] =	ssyncset.done $0x0  }
0x95: {  	[sflag:s15] =	ssyncadd.s32 $0xFFFFFFFF  }
0x96: {  	s16 =	sld [smem:$0x11];
	(tm) =	ssettm $0x1  }
0x97: {  	s17 =	sld [smem:$0x3FFB];
	_ =	sdelay $0x3  }
0x98: {  	_ =	strace s17  }
0x99: {  	s3 =	sld [smem:$0x3FFC];
	_ =	sdelay $0x3  }
0x9a: {  	_ =	strace s3  }
0x9b: {  	s3 =	sld [smem:$0x3FFD];
	_ =	sdelay $0x3  }
0x9c: {  	_ =	strace s3  }
0x9d: {  	_ =	strace $0x8FFFFFFF  }
0x9e: {  	s18 =	sld [smem:$0x3FDB];
	_ =	sdelay $0x1  }
0x9f: {  	s19 =	simm.s32 $_scs_section_size  }
0xa0: {  	s5 =	simm.s32 $_size__tile_overlayer_lowered;
	s6 =	simm.s32 $_tile_overlayer_lowered  }
0xa1: {  	s22 =	simm.s32 $0x1BFF;
	s21 =	sshll.u32 s6, $0x1;
	s3 =	sadd.s32 s19, s18  }
0xa2: {  	s7 =	simm.s32 $0x0;
	s20 =	sshll.u32 s5, $0x1;
	s5 =	sadd.s32 s21, s3  }
0xa3: {  	[timem:s7], [sflag:s22] =	dma.local [hbm:s5], s20  }
0xa4: {  	_ =	swait.ge [sflag:s22], s20  }
0xa5: {  	s4 =	ssub.s32 $0x0, s20;
	[sflag:s22] =	ssyncset.done $0x0  }
0xa6: {  	[sflag:s22] =	ssyncadd.s32 s4;
	_ =	sdelay $0x1  }
0xa7: {  	s23 =	simm.s32 $0x1B8B  }
0xa8: {  	_ =	swait.ge [sflag:s23], $0x1  }
0xa9: {  	[sflag:s23] =	ssyncset.done $0x0  }
0xaa: {  	s25 =	simm.s32 $0x1B8E;
	s24 =	sld [smem:$0x3FFE];
	[sflag:s23] =	ssyncadd.s32 $0xFFFFFFFF  }
0xab: {  	s26 =	simm.s32 $execute0_lowered;
	[smem:$0x3FD2] =	sst s25  }
0xac: {  	s5 =	sshll.u32 s26, $0x1;
	_ =	strace $0x8000005B;
	[dreg:$0x1] =	wrdreg $0xFFFFFFFF  }
0xad: {  	s28 =	simm.s32 $_size_execute0_lowered;
	s3 =	sadd.s32 s3, s5;
	[dreg:$0x0] =	wrdreg $0x0  }
0xae: {  	s5 =	sshll.u32 s28, $0x1;
	[dreg:$0x2] =	wrdreg s3  }
0xaf: {  	[dreg:$0x3] =	wrdreg s5  }
0xb0: {  	[dreg:$0x4] =	wrdreg $0xC0  }
0xb1: {  	_ =	task [dreg:s7], $0x5FFFF  }
0xb2: {  	[dreg:$0x1] =	wrdreg $0xFFFFFFFF  }
0xb3: {  	[dreg:$0x0] =	wrdreg $0x60  }
0xb4: {  	[dreg:$0x2] =	wrdreg s24  }
0xb5: {  	[dreg:$0x3] =	wrdreg s16  }
0xb6: {  	[dreg:$0x4] =	wrdreg $0x3FE00  }
0xb7: {  	[dreg:$0x5] =	wrdreg $0x1C7E00  }
0xb8: {  	[dreg:$0x6] =	wrdreg $0x9  }
0xb9: {  	_ =	task.clear_ibuf [dreg:s7], $0x7FFFF;
	_ =	strace $0x9000005B  }
0xba: {  	s29 =	simm.s32 $0x9;
	_ =	strace $0x8000005D  }
0xbb: {  	_ =	swait.ge [sflag:s29], $0x1  }
0xbc: {  	[sflag:s29] =	ssyncadd.s32 $0xFFFFFFFF  }
0xbd: {  	_ =	strace $0x9000005D  }
0xbe: {  	_ =	sfence  }
0xbf: {  	s30 =	sld [smem:$0x0];
	_ =	sdelay $0x2  }
0xc0: {  	s31 =	sshll.u32 s1, $0xD;
	s1 =	sshrl.u32 s1, $0x2  }
0xc1: {  	s3 =	sand.u32 $0x4000, s31;
	s1 =	sadd.s32 s1, s30  }
0xc2: {  	s0 =	sor.u32 s3, s0;
	s1 =	sshll.u32 s1, $0x11  }
0xc3: {  	s0 =	sor.u32 s1, s0  }
0xc4: {  	s0 =	sadd.s32 $0x8F2B, s0  }
0xc5: {  	[sflag:s0] =	ssyncadd.remote.s32 $0x1  }
0xc6: {  	_ =	sfence.sel $0xFFFF  }
0xc7: {  	[dreg:$0x0] =	wrdreg $0xFFFFFFFF;
	(pc) =	sbr.abs _section_cstart, $3  }
0xc8: {  	[dreg:$0x1] =	wrdreg $0xFFFFFFFF  }
0xc9: {  	_ =	task.clear_ibuf [dreg:s7], $0x2FFFF;
	_ =	strace $0x9FFFFFFF  }
0xca: {  	(tm) =	ssettm $0x7FFFFFFF  }
0xcb: {  	_ =	shalt  }
tec
execute0_lowered:
.L_overlay_start_1:
0x0: {  	(tag) =	ssettag $0x1  }
0x1: {  	s0 =	rddreg [dreg:$0x0]  }
0x2: {  	s1 =	rddreg [dreg:$0x1]  }
0x3: {  	s2 =	rddreg [dreg:$0x2];
	s17 =	stileid.u32  }
0x4: {  	s3 =	rddreg [dreg:$0x3];
	s4 =	simm.s32 $0x0;
	s5 =	smul.u32 $0x7000, s17  }
0x5: {  	s7 =	srdreg.scid;
	s28 =	simm.s32 $0x2060;
	s6 =	smul.u32 $0x700, s17  }
0x6: {  	s29 =	simm.s32 $0x3C60;
	s30 =	simm.s32 $0x0;
	s14 =	smul.u32 $0x31000, s17  }
0x7: {  	[smem:$0x7FF] =	sst s4;
	s11 =	sand.u32 $0x1, s7;
	s8 =	smul.u32 $0xC40, s17  }
0x8: {  	s12 =	sadd.s32 $0x14E0A00, s0;
	s16 =	smul.u32 $0x62000, s17;
	s20 =	sshll.u32 s17, $0x6  }
0x9: {  	s22 =	smul.u32 $0x1C0000, s17;
	_ =	strace $0x8000005C;
	s10 =	sshll.u32 s11, $0x6  }
0xa: {  	s18 =	ssub.s32 $0x2, s11;
	s5 =	sadd.s32 s5, s0;
	s13 =	sadd.s32 s6, s0  }
0xb: {  	s15 =	sor.u32 s10, s14;
	s9 =	sor.u32 s11, s8;
	s14 =	sshrl.u32 s18, $0x1  }
0xc: {  	s7 =	sshrl.u32 s16, $0x2;
	s24 =	sor.u32 s10, s22;
	s22 =	simm.s32 $0x40  }
0xd: {  	s6 =	sshrl.u32 s15, $0x3;
	s8 =	sadd.s32 s9, s0;
	s15 =	smul.u32 $0xC400, s17  }
0xe: {  	s14 =	ssub.s32 s18, s14;
	s16 =	sadd.s32 s7, s2;
	s9 =	sadd.s32 s1, s9  }
0xf: {  	s25 =	sadd.s32 s11, s5;
	s26 =	sor.u32 $0x3800, s24;
	s5 =	sadd.s32 $0x29B400, s13  }
0x10: {  	s17 =	simm.s32 $0x8;
	s18 =	simm.s32 $0x10;
	s0 =	sadd.s32 s6, s0  }
0x11: {  	s6 =	sor.u32 $0x1C03, s20;
	s23 =	sadd.s32 $0x122A00, s8;
	s10 =	smax.u32 s14, $0x1  }
0x12: {  	s11 =	sadd.s32 $0x11CF600, s25;
	s31 =	sshrl.u32 s26, $0x3;
	s25 =	simm.s32 $0x1C70  }
0x13: {  	s26 =	simm.s32 $0x1FF0;
	s19 =	sadd.s32 $0xC0A00, s0;
	s21 =	sshrl.u32 s15, $0x2  }
0x14: {  	[dreg:$0x6] =	wrdreg s23;
	s0 =	sadd.s32 $0xEC00, s0;
	s14 =	sadd.s32 s31, s12  }
0x15: {  	s15 =	sshrl.u32 s16, $0x3;
	s16 =	simm.s32 $0x1;
	[dreg:$0x5] =	wrdreg s19  }
0x16: {  	s23 =	simm.s32 $0x80;
	s20 =	sadd.s32 s21, s3;
	[dreg:$0x7] =	wrdreg s0  }
0x17: {  	s0 =	sshrl.u32 s24, $0x3;
	s19 =	simm.s32 $0x3;
	s21 =	simm.s32 $0x2  }
0x18: {  	s24 =	simm.s32 $0x70;
	s1 =	sadd.s32 s0, s12;
	s20 =	sshrl.u32 s20, $0x3  }
.LBB2_1:
0x19: {  	s0 =	rddreg [dreg:$0x5]  }
0x1a: {  	[spmem:s15@s17], [sflag:s6] =	dma.strided [hbm:s0@s18], $0x3100, s16, $0x8   }
0x1b: {  	_ =	swait.ge [sflag:s19], $0x3100  }
0x1c: {  	[sflag:s19] =	ssyncset.done $0x0  }
0x1d: {  	s12 =	rddreg [dreg:$0x6];
	[sflag:s19] =	ssyncadd.s32 $0xFFFFCF00  }
0x1e: {  	[spmem:s20@s16], [sflag:s6] =	dma.strided [hbm:s12@s21], $0x620, s16, $0x1   }
0x1f: {  	_ =	swait.ge [sflag:s19], $0x620  }
0x20: {  	[sflag:s19] =	ssyncset.done $0x0  }
0x21: {  	[sflag:s19] =	ssyncadd.s32 $0xFFFFF9E0  }
0x22: {  	[bflag:$0x0] =	sbarrier.arrive $0xFFFF  }
0x23: {  	[tilespmem:s4], [sflag:$0x1] =	stream.linear.gather [hbm4b:s5+s4], $0x70, $0x38;
	[tilespmem:$0x1F8E0] =	vst v63  }
0x24: {  	_ = 	snop  }
0x25: {  	[tilespmem:s24], [sflag:$0x1] =	stream.strided.gather [hbm4b:s1+s22], $0x1C00, s23, s22, $0x38;
	[tilespmem:$0x1F8E0] =	vst v63  }
0x26: {  	s13 =	sadd.s32 $0x0, s11  }
0x27: {  	[tilespmem:s25], [sflag:$0x1] =	stream.strided.gather [hbm4b:s13+s17], $0x380, s18, s17, $0x38;
	[tilespmem:$0x1F8E0] =	vst v63  }
0x28: {  	s12 =	sadd.s32 $0xE, s5  }
0x29: {  	[tilespmem:s26], [sflag:$0x1] =	stream.linear.gather [hbm4b:s12+s4], $0x70, $0x38;
	[tilespmem:$0x1F8E0] =	vst v63  }
0x2a: {  	_ = 	snop  }
0x2b: {  	[tilespmem:s28], [sflag:$0x1] =	stream.strided.gather [hbm4b:s14+s22], $0x1C00, s23, s22, $0x38;
	[tilespmem:$0x1F8E0] =	vst v63  }
0x2c: {  	s0 =	sadd.s32 $0xE0, s13  }
0x2d: {  	[tilespmem:s29], [sflag:$0x1] =	stream.strided.gather [hbm4b:s0+s17], $0x380, s18, s17, $0x38;
	[tilespmem:$0x1F8E0] =	vst v63  }
0x2e: {  	_ =	swait.ge [sflag:s16], $0x70  }
0x2f: {  	[sflag:s16] =	ssyncset.done $0x0  }
0x30: {  	[sflag:s16] =	ssyncadd.s32 $0xFFFFFF90  }
0x31: {  	_ =	swait.ge [sflag:s16], $0x1C00  }
0x32: {  	[sflag:s16] =	ssyncset.done $0x0  }
0x33: {  	[sflag:s16] =	ssyncadd.s32 $0xFFFFE400  }
0x34: {  	_ =	swait.ge [sflag:s16], $0x380  }
0x35: {  	[sflag:s16] =	ssyncset.done $0x0  }
0x36: {  	[sflag:s16] =	ssyncadd.s32 $0xFFFFFC80  }
0x37: {  	[spmem:s2] =	stream.indirect.scatter.add.f32 [tilespmem:s24], [sflag:$0x2], $0x40, s4, s24, $0xb8;
	[tilespmem:$0x1F8E0] =	vst v63  }
0x38: {  	_ = 	snop  }
0x39: {  	[spmem:s3] =	stream.indirect.scatter.add.f32 [tilespmem:s25], [sflag:$0x2], $0x8, s4, s24, $0xb8;
	[tilespmem:$0x1F8E0] =	vst v63  }
0x3a: {  	_ =	swait.ge [sflag:s16], $0x70  }
0x3b: {  	[sflag:s16] =	ssyncset.done $0x0  }
0x3c: {  	[sflag:s16] =	ssyncadd.s32 $0xFFFFFF90  }
0x3d: {  	_ =	swait.ge [sflag:s16], $0x1C00  }
0x3e: {  	[sflag:s16] =	ssyncset.done $0x0  }
0x3f: {  	[sflag:s16] =	ssyncadd.s32 $0xFFFFE400  }
0x40: {  	_ =	swait.ge [sflag:s16], $0x380  }
0x41: {  	[sflag:s16] =	ssyncset.done $0x0  }
0x42: {  	[sflag:s16] =	ssyncadd.s32 $0xFFFFFC80  }
0x43: {  	_ =	swait.ge [sflag:s21], $0x1C00  }
0x44: {  	[sflag:s21] =	ssyncset.done $0x0  }
0x45: {  	[sflag:s21] =	ssyncadd.s32 $0xFFFFE400  }
0x46: {  	_ =	swait.ge [sflag:s21], $0x380  }
0x47: {  	[sflag:s21] =	ssyncset.done $0x0  }
0x48: {  	[sflag:s21] =	ssyncadd.s32 $0xFFFFFC80  }
0x49: {  	[spmem:s2] =	stream.indirect.scatter.add.f32 [tilespmem:s28], [sflag:$0x2], $0x40, s26, s24, $0xb8;
	[tilespmem:$0x1F8E0] =	vst v63  }
0x4a: {  	_ = 	snop  }
0x4b: {  	[spmem:s3] =	stream.indirect.scatter.add.f32 [tilespmem:s29], [sflag:$0x2], $0x8, s26, s24, $0xb8;
	[tilespmem:$0x1F8E0] =	vst v63  }
0x4c: {  	_ =	swait.ge [sflag:s21], $0x1C00  }
0x4d: {  	[sflag:s21] =	ssyncset.done $0x0  }
0x4e: {  	[sflag:s21] =	ssyncadd.s32 $0xFFFFE400  }
0x4f: {  	s31 =	simm.s32 $0x1C0;
	s13 =	smov.u32 s5;
	_ =	swait.ge [sflag:s21], $0x380  }
0x50: {  	s12 =	smov.u32 s1;
	s0 =	sadd.s32 $0xE00, s14;
	[sflag:s21] =	ssyncset.done $0x0  }
.LBB2_2:
0x51: {  	[sflag:s21] =	ssyncadd.s32 $0xFFFFFC80;
	s12 =	sadd.s32 $0xE00, s12;
	s13 =	sadd.s32 $0x1C, s13  }
0x52: {  	[tilespmem:s4], [sflag:$0x1] =	stream.linear.gather [hbm4b:s13+s4], $0x70, $0x38;
	[tilespmem:$0x1F8E0] =	vst v63  }
0x53: {  	p0 =	sne.s32 s31, $0x6E40;
	s7 =	smov.u32 s31;
	s31 =	sadd.s32 $0x1C0, s31  }
0x54: {  	[tilespmem:s24], [sflag:$0x1] =	stream.strided.gather [hbm4b:s12+s22], $0x1C00, s23, s22, $0x38;
	[tilespmem:$0x1F8E0] =	vst v63  }
0x55: {  	s7 =	sadd.s32 s7, s11  }
0x56: {  	[tilespmem:s25], [sflag:$0x1] =	stream.strided.gather [hbm4b:s7+s17], $0x380, s18, s17, $0x38;
	[tilespmem:$0x1F8E0] =	vst v63  }
0x57: {  	s8 =	sadd.s32 $0xE, s13  }
0x58: {  	[tilespmem:s26], [sflag:$0x1] =	stream.linear.gather [hbm4b:s8+s4], $0x70, $0x38;
	[tilespmem:$0x1F8E0] =	vst v63  }
0x59: {  	_ = 	snop  }
0x5a: {  	[tilespmem:s28], [sflag:$0x1] =	stream.strided.gather [hbm4b:s0+s22], $0x1C00, s23, s22, $0x38;
	[tilespmem:$0x1F8E0] =	vst v63  }
0x5b: {  	s7 =	sadd.s32 $0xE0, s7  }
0x5c: {  	[tilespmem:s29], [sflag:$0x1] =	stream.strided.gather [hbm4b:s7+s17], $0x380, s18, s17, $0x38;
	[tilespmem:$0x1F8E0] =	vst v63  }
0x5d: {  	_ =	swait.ge [sflag:s16], $0x70  }
0x5e: {  	[sflag:s16] =	ssyncset.done $0x0  }
0x5f: {  	[sflag:s16] =	ssyncadd.s32 $0xFFFFFF90  }
0x60: {  	_ =	swait.ge [sflag:s16], $0x1C00  }
0x61: {  	[sflag:s16] =	ssyncset.done $0x0  }
0x62: {  	[sflag:s16] =	ssyncadd.s32 $0xFFFFE400  }
0x63: {  	_ =	swait.ge [sflag:s16], $0x380  }
0x64: {  	[sflag:s16] =	ssyncset.done $0x0  }
0x65: {  	[sflag:s16] =	ssyncadd.s32 $0xFFFFFC80  }
0x66: {  	[spmem:s2] =	stream.indirect.scatter.add.f32 [tilespmem:s24], [sflag:$0x2], $0x40, s4, s24, $0xb8;
	[tilespmem:$0x1F8E0] =	vst v63  }
0x67: {  	_ = 	snop  }
0x68: {  	[spmem:s3] =	stream.indirect.scatter.add.f32 [tilespmem:s25], [sflag:$0x2], $0x8, s4, s24, $0xb8;
	[tilespmem:$0x1F8E0] =	vst v63  }
0x69: {  	_ =	swait.ge [sflag:s16], $0x70  }
0x6a: {  	[sflag:s16] =	ssyncset.done $0x0  }
0x6b: {  	[sflag:s16] =	ssyncadd.s32 $0xFFFFFF90  }
0x6c: {  	_ =	swait.ge [sflag:s16], $0x1C00  }
0x6d: {  	[sflag:s16] =	ssyncset.done $0x0  }
0x6e: {  	[sflag:s16] =	ssyncadd.s32 $0xFFFFE400  }
0x6f: {  	_ =	swait.ge [sflag:s16], $0x380  }
0x70: {  	[sflag:s16] =	ssyncset.done $0x0  }
0x71: {  	[sflag:s16] =	ssyncadd.s32 $0xFFFFFC80  }
0x72: {  	_ =	swait.ge [sflag:s21], $0x1C00  }
0x73: {  	[sflag:s21] =	ssyncset.done $0x0  }
0x74: {  	[sflag:s21] =	ssyncadd.s32 $0xFFFFE400  }
0x75: {  	_ =	swait.ge [sflag:s21], $0x380  }
0x76: {  	[sflag:s21] =	ssyncset.done $0x0  }
0x77: {  	[sflag:s21] =	ssyncadd.s32 $0xFFFFFC80  }
0x78: {  	[spmem:s2] =	stream.indirect.scatter.add.f32 [tilespmem:s28], [sflag:$0x2], $0x40, s26, s24, $0xb8;
	[tilespmem:$0x1F8E0] =	vst v63  }
0x79: {  	_ = 	snop  }
0x7a: {  	[spmem:s3] =	stream.indirect.scatter.add.f32 [tilespmem:s29], [sflag:$0x2], $0x8, s26, s24, $0xb8;
	[tilespmem:$0x1F8E0] =	vst v63  }
.Ltmp0:
0x7b: {  	_ =	swait.ge [sflag:s21], $0x1C00;
	(pc) =	sbr.rel @p0 .LBB2_2-.Ltmp0, $4  }
0x7c: {  	[sflag:s21] =	ssyncset.done $0x0  }
0x7d: {  	[sflag:s21] =	ssyncadd.s32 $0xFFFFE400  }
0x7e: {  	_ =	swait.ge [sflag:s21], $0x380  }
0x7f: {  	s0 =	sadd.s32 $0xE00, s0;
	[sflag:s21] =	ssyncset.done $0x0  }
0x80: {  	[sflag:s21] =	ssyncadd.s32 $0xFFFFFC80  }
0x81: {  	[bflag:$0x0] =	sbarrier.arrive $0xFFFF  }
0x82: {  	s0 =	rddreg [dreg:$0x7]  }
0x83: {  	[hbm:s0@s18], [sflag:s6] =	dma.strided [spmem:s15@s17], $0x3100, s16, $0x8   }
0x84: {  	s30 =	sadd.s32 $0x1, s30;
	_ =	swait.ge [sflag:s19], $0x3100  }
0x85: {  	p0 =	sne.s32 s30, s10;
	[sflag:s19] =	ssyncset.done $0x0  }
.Ltmp1:
0x86: {  	[sflag:s19] =	ssyncadd.s32 $0xFFFFCF00;
	(pc) =	sbr.rel @p0 .LBB2_1-.Ltmp1, $4  }
0x87: {  	[hbm:s9@s21], [sflag:s6] =	dma.strided [spmem:s20@s16], $0x620, s16, $0x1   }
0x88: {  	_ =	swait.ge [sflag:s19], $0x620  }
0x89: {  	[sflag:s19] =	ssyncset.done $0x0  }
0x8a: {  	[sflag:s19] =	ssyncadd.s32 $0xFFFFF9E0  }
0x8b: {  	_ =	sfence.sel $0x180000  }
0x8c: {  	[bflag:$0x0] =	sbarrier.arrive $0xFFFF  }
0x8d: {  	_ =	strace $0x9000005C  }
0x8e: {  	s0 =	stileid.u32;
	[bflag:$0x2] =	sbarrier.arrive $0xFFFF  }
0x8f: {  	p0 =	sne.s32 s0, $0x0;
	s0 =	rddreg [dreg:$0x4]  }
0x90: {  	s0 =	sadd.s32 @!p0 $0x100000, s0  }
0x91: {  	[sflag:s0] =	ssyncadd.tile.s32 @!p0 $0x1;
	_ =	shalt  }
.Lfunc_end2:
_tile_overlayer_lowered:
.L_overlay_start_2:
0x92: {  	(tag) =	ssettag $0x2  }
0x93: {  	s0 =	rddreg [dreg:$0x0];
	s2 =	stileid.u32  }
0x94: {  	s1 =	rddreg [dreg:$0x1];
	p0 =	sne.s32 s2, $0x0  }
0x95: {  	s3 =	rddreg [dreg:$0x2];
	[bflag:$0x3] =	sbarrier.arrive $0xFFFF;
	s2 =	simm.s32 @!p0 $0x1C03  }
0x96: {  	[timem:s3], [sflag:s2] =	dma.local @!p0 [hbm:s0], s1  }
0x97: {  	s0 =	simm.s32 @!p0 $0x3  }
0x98: {  	_ =	swait.ge @!p0 [sflag:s0], s1  }
0x99: {  	s1 =	ssub.s32 @!p0 $0x0, s1;
	[sflag:s0] =	ssyncset.done @!p0 $0x0  }
0x9a: {  	[sflag:s0] =	ssyncadd.s32 @!p0 s1  }
0x9b: {  	[bflag:$0x3] =	sbarrier.arrive $0xFFFF  }
0x9c: {  	_ =	shalt  }

</sc_bundles>
